<compile_context>
chip_gen: v7x
topology: tpu7x:2x2x1
jax: 0.10.2.dev20260603
libtpu: 0.0.44.dev20260713+nightly
codegen_flags: <defaults>
</compile_context>

<pallas_src>
import jax
import jax.numpy as jnp
from jax import lax
from jax.experimental import pallas as pl
from jax.experimental.pallas import tpu as pltpu
from jax.experimental.pallas import tpu_sc as plsc

B = 16384
D = 32
V = 1000000
LANES = 16
NUM_WORKERS = 32
B_PER_W = B // NUM_WORKERS
IDX_CHUNK = 128
N_CHUNKS = B_PER_W // IDX_CHUNK
PANEL = 128
TAIL_START = (V // PANEL) * PANEL
TAIL_W = V - TAIL_START
LAST_PANEL = TAIL_START - PANEL
CHUNK8 = 8


def _sc_body(t_idx_hbm, c_idx_hbm, t_tab_hbm, c_tab_hbm, out_hbm,
             t_idx_v, c_idx_v, buf_a, buf_b0, buf_b1, pbuf,
             t_tail, c_tail, out_v, sem_a, sem_b0, sem_b1):
    nc = 2
    wid = lax.axis_index("s") * nc + lax.axis_index("c")
    blk = wid * N_CHUNKS

    pltpu.sync_copy(t_idx_hbm.at[pl.ds(blk, N_CHUNKS)], t_idx_v)
    pltpu.sync_copy(c_idx_hbm.at[pl.ds(blk, N_CHUNKS)], c_idx_v)
    pltpu.sync_copy(t_tab_hbm.at[:, pl.ds(TAIL_START, TAIL_W)], t_tail)
    pltpu.sync_copy(c_tab_hbm.at[:, pl.ds(TAIL_START, TAIL_W)], c_tail)

    d_lo = lax.iota(jnp.int32, LANES)
    d_hi = d_lo + jnp.int32(LANES)

    def column(tail_ref, buf_slot, vs):
        col = jnp.minimum(vs & jnp.int32(PANEL - 1), jnp.int32(PANEL - 1))
        tcol = jnp.minimum(
            jnp.maximum(vs - jnp.int32(TAIL_START), jnp.int32(0)),
            jnp.int32(TAIL_W - 1))
        is_tail = jnp.broadcast_to(vs >= jnp.int32(TAIL_START), (LANES,))
        colv = jnp.broadcast_to(col, (LANES,))
        tcolv = jnp.broadcast_to(tcol, (LANES,))
        lo = jnp.where(
            is_tail,
            plsc.load_gather(tail_ref, [d_lo, tcolv]),
            plsc.load_gather(buf_slot, [d_lo, colv]))
        hi = jnp.where(
            is_tail,
            plsc.load_gather(tail_ref, [d_hi, tcolv]),
            plsc.load_gather(buf_slot, [d_hi, colv]))
        return lo, hi

    def panel_start(vs):
        return jnp.minimum(
            lax.shift_right_logical(vs, jnp.int32(7)) * jnp.int32(PANEL),
            jnp.int32(LAST_PANEL))

    H = LANES // 2

    def fire(tab_ref, scalars, buf, dsem):
        return [pltpu.async_copy(
            tab_ref.at[:, pl.ds(pl.multiple_of(panel_start(s), PANEL), PANEL)],
            buf.at[u], dsem) for u, s in enumerate(scalars)]

    def drain(buf, dsem):
        for u in range(H):
            pltpu.make_async_copy(
                t_tab_hbm.at[:, pl.ds(0, PANEL)], buf.at[u], dsem).wait()

    def scal(vec, lane0):
        return [lax.squeeze(lax.slice(vec, (lane0 + u,), (lane0 + u + 1,)),
                            (0,)) for u in range(H)]

    def halfround(h, tvec, cvec, tvec_n, cvec_n):
        t_s = scal(tvec, h * H)
        c_s = scal(cvec, h * H)
        t_next = scal(tvec if h == 0 else tvec_n, H - h * H)
        c_next = scal(cvec if h == 0 else cvec_n, H - h * H)
        bufb_cur, semb_cur = (buf_b0, sem_b0) if h == 0 else (buf_b1, sem_b1)
        bufb_nxt, semb_nxt = (buf_b1, sem_b1) if h == 0 else (buf_b0, sem_b0)
        fire(c_tab_hbm, c_next, bufb_nxt, semb_nxt)
        drain(buf_a, sem_a)
        tc = [column(t_tail, buf_a.at[u], t_s[u]) for u in range(H)]
        fire(t_tab_hbm, t_next, buf_a, sem_a)
        drain(bufb_cur, semb_cur)
        for u in range(H):
            c_lo, c_hi = column(c_tail, bufb_cur.at[u], c_s[u])
            pbuf[h * H + u] = tc[u][0] * c_lo + tc[u][1] * c_hi

    def round16(g, _):
        tvec = t_idx_v[g // 8, pl.ds((g % 8) * LANES, LANES)]
        cvec = c_idx_v[g // 8, pl.ds((g % 8) * LANES, LANES)]
        gn = jnp.minimum(g + 1, jnp.int32(B_PER_W // LANES - 1))
        tvec_n = t_idx_v[gn // 8, pl.ds((gn % 8) * LANES, LANES)]
        cvec_n = c_idx_v[gn // 8, pl.ds((gn % 8) * LANES, LANES)]
        halfround(0, tvec, cvec, tvec_n, cvec_n)
        halfround(1, tvec, cvec, tvec_n, cvec_n)
        lanes16 = lax.iota(jnp.int32, LANES)
        acc0 = jnp.zeros((LANES,), jnp.float32)
        acc1 = jnp.zeros((LANES,), jnp.float32)
        for j in range(0, LANES, 2):
            acc0 = acc0 + plsc.load_gather(
                pbuf, [lanes16, jnp.full((LANES,), j, jnp.int32)])
            acc1 = acc1 + plsc.load_gather(
                pbuf, [lanes16, jnp.full((LANES,), j + 1, jnp.int32)])
        out_v[pl.ds(g * LANES, LANES)] = acc0 + acc1
        return 0

    tvec0 = t_idx_v[0, pl.ds(0, LANES)]
    cvec0 = c_idx_v[0, pl.ds(0, LANES)]
    fire(t_tab_hbm, scal(tvec0, 0), buf_a, sem_a)
    fire(c_tab_hbm, scal(cvec0, 0), buf_b0, sem_b0)
    lax.fori_loop(0, B_PER_W // LANES, round16, 0)
    drain(buf_a, sem_a)
    drain(buf_b0, sem_b0)

    pltpu.sync_copy(out_v, out_hbm.at[pl.ds(wid * B_PER_W, B_PER_W)])


@jax.jit
def _run(t_idx, c_idx, t_tab, c_tab):
    mesh = plsc.VectorSubcoreMesh(core_axis_name="c", subcore_axis_name="s")
    return pl.kernel(
        _sc_body,
        out_type=jax.ShapeDtypeStruct((B,), jnp.float32),
        mesh=mesh,
        compiler_params=pltpu.CompilerParams(needs_layout_passes=False),
        scratch_types=[
            pltpu.VMEM((N_CHUNKS, IDX_CHUNK), jnp.int32),
            pltpu.VMEM((N_CHUNKS, IDX_CHUNK), jnp.int32),
            pltpu.VMEM((LANES // 2, D, PANEL), jnp.float32),
            pltpu.VMEM((LANES // 2, D, PANEL), jnp.float32),
            pltpu.VMEM((LANES // 2, D, PANEL), jnp.float32),
            pltpu.VMEM((LANES, LANES), jnp.float32),
            pltpu.VMEM((D, TAIL_W), jnp.float32),
            pltpu.VMEM((D, TAIL_W), jnp.float32),
            pltpu.VMEM((B_PER_W,), jnp.float32),
            pltpu.SemaphoreType.DMA,
            pltpu.SemaphoreType.DMA,
            pltpu.SemaphoreType.DMA,
        ],
    )(t_idx, c_idx, t_tab, c_tab)


def kernel(t_kmer, c_kmer, label, T_weight, C_weight):
    del label
    t_idx = t_kmer.astype(jnp.int32).reshape(B // IDX_CHUNK, IDX_CHUNK)
    c_idx = c_kmer.astype(jnp.int32).reshape(B // IDX_CHUNK, IDX_CHUNK)
    return _run(t_idx, c_idx, T_weight.T, C_weight.T)

# --- scband reference (transcript-rebuilt; emitter-appended) ---
"""Pipeline reference for scband-protein-embedding-74955769249809 (READ-ONLY COPY).

The authoritative reference and input builder live on the scoring server;
editing this copy changes nothing except your own understanding.
"""

import jax, jax.numpy as jnp
import numpy as np

V = 1000000
D = 32
B = 16384

def setup_inputs(seed: int = 0) -> dict:
    key = jax.random.key(seed)
    k0, k1, k2, k3, k4 = jax.random.split(key, 5)
    t_kmer = jax.random.randint(k0, (B,), 0, V, dtype=jnp.int64) if jax.config.jax_enable_x64 else jax.random.randint(k0, (B,), 0, V).astype(jnp.int32)
    c_kmer = jax.random.randint(k1, (B,), 0, V, dtype=jnp.int64) if jax.config.jax_enable_x64 else jax.random.randint(k1, (B,), 0, V).astype(jnp.int32)
    label = jax.random.uniform(k2, (B,), dtype=jnp.float32)
    T_weight = jax.random.normal(k3, (V, D), dtype=jnp.float32)
    C_weight = jax.random.normal(k4, (V, D), dtype=jnp.float32)
    return {"t_kmer": t_kmer, "c_kmer": c_kmer, "label": label, "T_weight": T_weight, "C_weight": C_weight}

def reference(t_kmer, c_kmer, label, T_weight, C_weight):
    # t_embed = self.T(t_kmer); c_embed = self.C(c_kmer)
    t_embed = jnp.take(T_weight, t_kmer, axis=0)
    c_embed = jnp.take(C_weight, c_kmer, axis=0)
    # out = torch.sum(t_embed * c_embed, dim=1)  (label is unused in forward)
    out = jnp.sum(t_embed * c_embed, axis=1)
    return out

if __name__ == "__main__":
    import jax
    _d = setup_inputs()
    print(jax.jit(kernel)(*tuple(_d.values())))

</pallas_src>

<mosaic_0001>
#map = affine_map<(d0, d1) -> (0, 0)>
#map1 = affine_map<(d0, d1) -> (0)>
module attributes {stable_mosaic.version = 14 : i64} {
  func.func @_sc_body(%arg0: i32, %arg1: i32, %arg2: memref<128x128xi32, #tpu.memory_space<hbm>>, %arg3: memref<128x128xi32, #tpu.memory_space<hbm>>, %arg4: memref<32x1000000xf32, #tpu.memory_space<hbm>>, %arg5: memref<32x1000000xf32, #tpu.memory_space<hbm>>, %arg6: memref<16384xf32, #tpu.memory_space<hbm>>, %arg7: memref<4x128xi32, #tpu.memory_space<vmem>>, %arg8: memref<4x128xi32, #tpu.memory_space<vmem>>, %arg9: memref<8x32x128xf32, #tpu.memory_space<vmem>>, %arg10: memref<8x32x128xf32, #tpu.memory_space<vmem>>, %arg11: memref<8x32x128xf32, #tpu.memory_space<vmem>>, %arg12: memref<16x16xf32, #tpu.memory_space<vmem>>, %arg13: memref<32x64xf32, #tpu.memory_space<vmem>>, %arg14: memref<32x64xf32, #tpu.memory_space<vmem>>, %arg15: memref<512xf32, #tpu.memory_space<vmem>>, %arg16: memref<!tpu.dma_semaphore, #tpu.memory_space<semaphore_mem>>, %arg17: memref<!tpu.dma_semaphore, #tpu.memory_space<semaphore_mem>>, %arg18: memref<!tpu.dma_semaphore, #tpu.memory_space<semaphore_mem>>) attributes {dimension_semantics = [#tpu.dimension_semantics<core_parallel>, #tpu.dimension_semantics<subcore_parallel>], iteration_bounds = array<i64: 2, 16>, scalar_prefetch = 0 : i64, scratch_operands = 12 : i64, tpu.core_type = #tpu.core_type<sc_vector_subcore>, window_params = [{transform_indices = #map}, {transform_indices = #map}, {transform_indices = #map}, {transform_indices = #map}, {transform_indices = #map1}]} {
    %mul3A = arith.constant 2 : i32
    %mul3A_0 = arith.muli %arg1, %mul3A : i32
    %add3A = arith.addi %mul3A_0, %arg0 : i32
    %mul3A_1 = arith.constant 4 : i32
    %mul3A_2 = arith.muli %add3A, %mul3A_1 : i32
    "tpu.region"() ({
      %run_scoped3A = tpu.sem_alloc : memref<!tpu.dma_semaphore, #tpu.memory_space<semaphore_mem>>
      %dma_start3A_606 = arith.constant 0 : i32
      %dma_start3A_607 = tpu.memref_slice %arg2[%mul3A_2, %dma_start3A_606] : memref<128x128xi32, #tpu.memory_space<hbm>> -> memref<4x128xi32, #tpu.memory_space<hbm>>
      %dma_start3A_608 = arith.constant 0 : i32
      %dma_start3A_609 = tpu.memref_slice %arg2[%mul3A_2, %dma_start3A_608] : memref<128x128xi32, #tpu.memory_space<hbm>> -> memref<4x128xi32, #tpu.memory_space<hbm>>
      tpu.enqueue_dma source(%dma_start3A_609 : memref<4x128xi32, #tpu.memory_space<hbm>>) target(%arg7 : memref<4x128xi32, #tpu.memory_space<vmem>>) target_semaphore(%run_scoped3A : memref<!tpu.dma_semaphore, #tpu.memory_space<semaphore_mem>>)
      %dma_wait3A_610 = arith.constant 0 : i32
      %dma_wait3A_611 = tpu.memref_slice %arg2[%mul3A_2, %dma_wait3A_610] : memref<128x128xi32, #tpu.memory_space<hbm>> -> memref<4x128xi32, #tpu.memory_space<hbm>>
      %dma_wait3A_612 = arith.constant 0 : i32
      %dma_wait3A_613 = tpu.memref_slice %arg2[%mul3A_2, %dma_wait3A_612] : memref<128x128xi32, #tpu.memory_space<hbm>> -> memref<4x128xi32, #tpu.memory_space<hbm>>
      tpu.wait_dma2 semaphore(%run_scoped3A : memref<!tpu.dma_semaphore, #tpu.memory_space<semaphore_mem>>) src(%dma_wait3A_613 : memref<4x128xi32, #tpu.memory_space<hbm>>) dst(%arg7 : memref<4x128xi32, #tpu.memory_space<vmem>>)
      tpu.yield
    }) : () -> ()
    "tpu.region"() ({
      %run_scoped3A = tpu.sem_alloc : memref<!tpu.dma_semaphore, #tpu.memory_space<semaphore_mem>>
      %dma_start3A_606 = arith.constant 0 : i32
      %dma_start3A_607 = tpu.memref_slice %arg3[%mul3A_2, %dma_start3A_606] : memref<128x128xi32, #tpu.memory_space<hbm>> -> memref<4x128xi32, #tpu.memory_space<hbm>>
      %dma_start3A_608 = arith.constant 0 : i32
      %dma_start3A_609 = tpu.memref_slice %arg3[%mul3A_2, %dma_start3A_608] : memref<128x128xi32, #tpu.memory_space<hbm>> -> memref<4x128xi32, #tpu.memory_space<hbm>>
      tpu.enqueue_dma source(%dma_start3A_609 : memref<4x128xi32, #tpu.memory_space<hbm>>) target(%arg8 : memref<4x128xi32, #tpu.memory_space<vmem>>) target_semaphore(%run_scoped3A : memref<!tpu.dma_semaphore, #tpu.memory_space<semaphore_mem>>)
      %dma_wait3A_610 = arith.constant 0 : i32
      %dma_wait3A_611 = tpu.memref_slice %arg3[%mul3A_2, %dma_wait3A_610] : memref<128x128xi32, #tpu.memory_space<hbm>> -> memref<4x128xi32, #tpu.memory_space<hbm>>
      %dma_wait3A_612 = arith.constant 0 : i32
      %dma_wait3A_613 = tpu.memref_slice %arg3[%mul3A_2, %dma_wait3A_612] : memref<128x128xi32, #tpu.memory_space<hbm>> -> memref<4x128xi32, #tpu.memory_space<hbm>>
      tpu.wait_dma2 semaphore(%run_scoped3A : memref<!tpu.dma_semaphore, #tpu.memory_space<semaphore_mem>>) src(%dma_wait3A_613 : memref<4x128xi32, #tpu.memory_space<hbm>>) dst(%arg8 : memref<4x128xi32, #tpu.memory_space<vmem>>)
      tpu.yield
    }) : () -> ()
    "tpu.region"() ({
      %run_scoped3A = tpu.sem_alloc : memref<!tpu.dma_semaphore, #tpu.memory_space<semaphore_mem>>
      %dma_start3A_606 = arith.constant 0 : i32
      %dma_start3A_607 = arith.constant 999936 : i32
      %dma_start3A_608 = tpu.memref_slice %arg4[%dma_start3A_606, %dma_start3A_607] : memref<32x1000000xf32, #tpu.memory_space<hbm>> -> memref<32x64xf32, #tpu.memory_space<hbm>>
      %dma_start3A_609 = arith.constant 0 : i32
      %dma_start3A_610 = arith.constant 999936 : i32
      %dma_start3A_611 = tpu.memref_slice %arg4[%dma_start3A_609, %dma_start3A_610] : memref<32x1000000xf32, #tpu.memory_space<hbm>> -> memref<32x64xf32, #tpu.memory_space<hbm>>
      tpu.enqueue_dma source(%dma_start3A_611 : memref<32x64xf32, #tpu.memory_space<hbm>>) target(%arg13 : memref<32x64xf32, #tpu.memory_space<vmem>>) target_semaphore(%run_scoped3A : memref<!tpu.dma_semaphore, #tpu.memory_space<semaphore_mem>>)
      %dma_wait3A_612 = arith.constant 0 : i32
      %dma_wait3A_613 = arith.constant 999936 : i32
      %dma_wait3A_614 = tpu.memref_slice %arg4[%dma_wait3A_612, %dma_wait3A_613] : memref<32x1000000xf32, #tpu.memory_space<hbm>> -> memref<32x64xf32, #tpu.memory_space<hbm>>
      %dma_wait3A_615 = arith.constant 0 : i32
      %dma_wait3A_616 = arith.constant 999936 : i32
      %dma_wait3A_617 = tpu.memref_slice %arg4[%dma_wait3A_615, %dma_wait3A_616] : memref<32x1000000xf32, #tpu.memory_space<hbm>> -> memref<32x64xf32, #tpu.memory_space<hbm>>
      tpu.wait_dma2 semaphore(%run_scoped3A : memref<!tpu.dma_semaphore, #tpu.memory_space<semaphore_mem>>) src(%dma_wait3A_617 : memref<32x64xf32, #tpu.memory_space<hbm>>) dst(%arg13 : memref<32x64xf32, #tpu.memory_space<vmem>>)
      tpu.yield
    }) : () -> ()
    "tpu.region"() ({
      %run_scoped3A = tpu.sem_alloc : memref<!tpu.dma_semaphore, #tpu.memory_space<semaphore_mem>>
      %dma_start3A_606 = arith.constant 0 : i32
      %dma_start3A_607 = arith.constant 999936 : i32
      %dma_start3A_608 = tpu.memref_slice %arg5[%dma_start3A_606, %dma_start3A_607] : memref<32x1000000xf32, #tpu.memory_space<hbm>> -> memref<32x64xf32, #tpu.memory_space<hbm>>
      %dma_start3A_609 = arith.constant 0 : i32
      %dma_start3A_610 = arith.constant 999936 : i32
      %dma_start3A_611 = tpu.memref_slice %arg5[%dma_start3A_609, %dma_start3A_610] : memref<32x1000000xf32, #tpu.memory_space<hbm>> -> memref<32x64xf32, #tpu.memory_space<hbm>>
      tpu.enqueue_dma source(%dma_start3A_611 : memref<32x64xf32, #tpu.memory_space<hbm>>) target(%arg14 : memref<32x64xf32, #tpu.memory_space<vmem>>) target_semaphore(%run_scoped3A : memref<!tpu.dma_semaphore, #tpu.memory_space<semaphore_mem>>)
      %dma_wait3A_612 = arith.constant 0 : i32
      %dma_wait3A_613 = arith.constant 999936 : i32
      %dma_wait3A_614 = tpu.memref_slice %arg5[%dma_wait3A_612, %dma_wait3A_613] : memref<32x1000000xf32, #tpu.memory_space<hbm>> -> memref<32x64xf32, #tpu.memory_space<hbm>>
      %dma_wait3A_615 = arith.constant 0 : i32
      %dma_wait3A_616 = arith.constant 999936 : i32
      %dma_wait3A_617 = tpu.memref_slice %arg5[%dma_wait3A_615, %dma_wait3A_616] : memref<32x1000000xf32, #tpu.memory_space<hbm>> -> memref<32x64xf32, #tpu.memory_space<hbm>>
      tpu.wait_dma2 semaphore(%run_scoped3A : memref<!tpu.dma_semaphore, #tpu.memory_space<semaphore_mem>>) src(%dma_wait3A_617 : memref<32x64xf32, #tpu.memory_space<hbm>>) dst(%arg14 : memref<32x64xf32, #tpu.memory_space<vmem>>)
      tpu.yield
    }) : () -> ()
    %iota3A = tpu.iota {dimensions = array<i32: 0>} : vector<16xi32>
    %add3A_3 = arith.constant 16 : i32
    %add3A_4 = vector.broadcast %add3A_3 : i32 to vector<16xi32>
    %add3A_5 = arith.addi %iota3A, %add3A_4 : vector<16xi32>
    %get3A = arith.constant 0 : i32
    %get3A_6 = arith.index_cast %get3A : i32 to index
    %get3A_7 = arith.constant 0 : index
    %get3A_8 = tpu.vector_load %arg7[%get3A_6, %get3A_7] {strides = array<i32>} : memref<4x128xi32, #tpu.memory_space<vmem>>, vector<16xi32>,
    %get3A_9 = arith.constant 0 : i32
    %get3A_10 = arith.index_cast %get3A_9 : i32 to index
    %get3A_11 = arith.constant 0 : index
    %get3A_12 = tpu.vector_load %arg8[%get3A_10, %get3A_11] {strides = array<i32>} : memref<4x128xi32, #tpu.memory_space<vmem>>, vector<16xi32>,
    %slice3A = vector.extract_strided_slice %get3A_8 {offsets = [0], sizes = [1], strides = [1]} : vector<16xi32> to vector<1xi32>
    %squeeze3A = vector.extract %slice3A[0] : i32 from vector<1xi32>
    %slice3A_13 = vector.extract_strided_slice %get3A_8 {offsets = [1], sizes = [1], strides = [1]} : vector<16xi32> to vector<1xi32>
    %squeeze3A_14 = vector.extract %slice3A_13[0] : i32 from vector<1xi32>
    %slice3A_15 = vector.extract_strided_slice %get3A_8 {offsets = [2], sizes = [1], strides = [1]} : vector<16xi32> to vector<1xi32>
    %squeeze3A_16 = vector.extract %slice3A_15[0] : i32 from vector<1xi32>
    %slice3A_17 = vector.extract_strided_slice %get3A_8 {offsets = [3], sizes = [1], strides = [1]} : vector<16xi32> to vector<1xi32>
    %squeeze3A_18 = vector.extract %slice3A_17[0] : i32 from vector<1xi32>
    %slice3A_19 = vector.extract_strided_slice %get3A_8 {offsets = [4], sizes = [1], strides = [1]} : vector<16xi32> to vector<1xi32>
    %squeeze3A_20 = vector.extract %slice3A_19[0] : i32 from vector<1xi32>
    %slice3A_21 = vector.extract_strided_slice %get3A_8 {offsets = [5], sizes = [1], strides = [1]} : vector<16xi32> to vector<1xi32>
    %squeeze3A_22 = vector.extract %slice3A_21[0] : i32 from vector<1xi32>
    %slice3A_23 = vector.extract_strided_slice %get3A_8 {offsets = [6], sizes = [1], strides = [1]} : vector<16xi32> to vector<1xi32>
    %squeeze3A_24 = vector.extract %slice3A_23[0] : i32 from vector<1xi32>
    %slice3A_25 = vector.extract_strided_slice %get3A_8 {offsets = [7], sizes = [1], strides = [1]} : vector<16xi32> to vector<1xi32>
    %squeeze3A_26 = vector.extract %slice3A_25[0] : i32 from vector<1xi32>
    %shift_right_logical3A = arith.constant 7 : i32
    %shift_right_logical3A_27 = arith.shrui %squeeze3A, %shift_right_logical3A : i32
    %mul3A_28 = arith.constant 128 : i32
    %mul3A_29 = arith.muli %shift_right_logical3A_27, %mul3A_28 : i32
    %min3A = arith.constant 999808 : i32
    %min3A_30 = arith.minsi %mul3A_29, %min3A : i32
    %multiple_of3A = tpu.assume_multiple %min3A_30, 128 : i32
    %dma_start3A = arith.constant 0 : i32
    %dma_start3A_31 = arith.constant 0 : i32
    %dma_start3A_32 = arith.constant 0 : i32
    %dma_start3A_33 = tpu.memref_slice %arg9[%dma_start3A, %dma_start3A_31, %dma_start3A_32] : memref<8x32x128xf32, #tpu.memory_space<vmem>> -> memref<1x32x128xf32, #tpu.memory_space<vmem>>
    %dma_start3A_34 = tpu.memref_squeeze %dma_start3A_33 : memref<1x32x128xf32, #tpu.memory_space<vmem>> -> memref<32x128xf32, #tpu.memory_space<vmem>>
    %dma_start3A_35 = arith.constant 0 : i32
    %dma_start3A_36 = tpu.memref_slice %arg4[%dma_start3A_35, %multiple_of3A] : memref<32x1000000xf32, #tpu.memory_space<hbm>> -> memref<32x128xf32, #tpu.memory_space<hbm>>
    %dma_start3A_37 = arith.constant 0 : i32
    %dma_start3A_38 = arith.constant 0 : i32
    %dma_start3A_39 = tpu.memref_slice %arg9[%dma_start3A, %dma_start3A_37, %dma_start3A_38] : memref<8x32x128xf32, #tpu.memory_space<vmem>> -> memref<1x32x128xf32, #tpu.memory_space<vmem>>
    %dma_start3A_40 = tpu.memref_squeeze %dma_start3A_39 : memref<1x32x128xf32, #tpu.memory_space<vmem>> -> memref<32x128xf32, #tpu.memory_space<vmem>>
    %dma_start3A_41 = arith.constant 0 : i32
    %dma_start3A_42 = tpu.memref_slice %arg4[%dma_start3A_41, %multiple_of3A] : memref<32x1000000xf32, #tpu.memory_space<hbm>> -> memref<32x128xf32, #tpu.memory_space<hbm>>
    tpu.enqueue_dma source(%dma_start3A_42 : memref<32x128xf32, #tpu.memory_space<hbm>>) target(%dma_start3A_40 : memref<32x128xf32, #tpu.memory_space<vmem>>) target_semaphore(%arg16 : memref<!tpu.dma_semaphore, #tpu.memory_space<semaphore_mem>>)
    %shift_right_logical3A_43 = arith.constant 7 : i32
    %shift_right_logical3A_44 = arith.shrui %squeeze3A_14, %shift_right_logical3A_43 : i32
    %mul3A_45 = arith.constant 128 : i32
    %mul3A_46 = arith.muli %shift_right_logical3A_44, %mul3A_45 : i32
    %min3A_47 = arith.constant 999808 : i32
    %min3A_48 = arith.minsi %mul3A_46, %min3A_47 : i32
    %multiple_of3A_49 = tpu.assume_multiple %min3A_48, 128 : i32
    %dma_start3A_50 = arith.constant 1 : i32
    %dma_start3A_51 = arith.constant 0 : i32
    %dma_start3A_52 = arith.constant 0 : i32
    %dma_start3A_53 = tpu.memref_slice %arg9[%dma_start3A_50, %dma_start3A_51, %dma_start3A_52] : memref<8x32x128xf32, #tpu.memory_space<vmem>> -> memref<1x32x128xf32, #tpu.memory_space<vmem>>
    %dma_start3A_54 = tpu.memref_squeeze %dma_start3A_53 : memref<1x32x128xf32, #tpu.memory_space<vmem>> -> memref<32x128xf32, #tpu.memory_space<vmem>>
    %dma_start3A_55 = arith.constant 0 : i32
    %dma_start3A_56 = tpu.memref_slice %arg4[%dma_start3A_55, %multiple_of3A_49] : memref<32x1000000xf32, #tpu.memory_space<hbm>> -> memref<32x128xf32, #tpu.memory_space<hbm>>
    %dma_start3A_57 = arith.constant 0 : i32
    %dma_start3A_58 = arith.constant 0 : i32
    %dma_start3A_59 = tpu.memref_slice %arg9[%dma_start3A_50, %dma_start3A_57, %dma_start3A_58] : memref<8x32x128xf32, #tpu.memory_space<vmem>> -> memref<1x32x128xf32, #tpu.memory_space<vmem>>
    %dma_start3A_60 = tpu.memref_squeeze %dma_start3A_59 : memref<1x32x128xf32, #tpu.memory_space<vmem>> -> memref<32x128xf32, #tpu.memory_space<vmem>>
    %dma_start3A_61 = arith.constant 0 : i32
    %dma_start3A_62 = tpu.memref_slice %arg4[%dma_start3A_61, %multiple_of3A_49] : memref<32x1000000xf32, #tpu.memory_space<hbm>> -> memref<32x128xf32, #tpu.memory_space<hbm>>
    tpu.enqueue_dma source(%dma_start3A_62 : memref<32x128xf32, #tpu.memory_space<hbm>>) target(%dma_start3A_60 : memref<32x128xf32, #tpu.memory_space<vmem>>) target_semaphore(%arg16 : memref<!tpu.dma_semaphore, #tpu.memory_space<semaphore_mem>>)
    %shift_right_logical3A_63 = arith.constant 7 : i32
    %shift_right_logical3A_64 = arith.shrui %squeeze3A_16, %shift_right_logical3A_63 : i32
    %mul3A_65 = arith.constant 128 : i32
    %mul3A_66 = arith.muli %shift_right_logical3A_64, %mul3A_65 : i32
    %min3A_67 = arith.constant 999808 : i32
    %min3A_68 = arith.minsi %mul3A_66, %min3A_67 : i32
    %multiple_of3A_69 = tpu.assume_multiple %min3A_68, 128 : i32
    %dma_start3A_70 = arith.constant 2 : i32
    %dma_start3A_71 = arith.constant 0 : i32
    %dma_start3A_72 = arith.constant 0 : i32
    %dma_start3A_73 = tpu.memref_slice %arg9[%dma_start3A_70, %dma_start3A_71, %dma_start3A_72] : memref<8x32x128xf32, #tpu.memory_space<vmem>> -> memref<1x32x128xf32, #tpu.memory_space<vmem>>
    %dma_start3A_74 = tpu.memref_squeeze %dma_start3A_73 : memref<1x32x128xf32, #tpu.memory_space<vmem>> -> memref<32x128xf32, #tpu.memory_space<vmem>>
    %dma_start3A_75 = arith.constant 0 : i32
    %dma_start3A_76 = tpu.memref_slice %arg4[%dma_start3A_75, %multiple_of3A_69] : memref<32x1000000xf32, #tpu.memory_space<hbm>> -> memref<32x128xf32, #tpu.memory_space<hbm>>
    %dma_start3A_77 = arith.constant 0 : i32
    %dma_start3A_78 = arith.constant 0 : i32
    %dma_start3A_79 = tpu.memref_slice %arg9[%dma_start3A_70, %dma_start3A_77, %dma_start3A_78] : memref<8x32x128xf32, #tpu.memory_space<vmem>> -> memref<1x32x128xf32, #tpu.memory_space<vmem>>
    %dma_start3A_80 = tpu.memref_squeeze %dma_start3A_79 : memref<1x32x128xf32, #tpu.memory_space<vmem>> -> memref<32x128xf32, #tpu.memory_space<vmem>>
    %dma_start3A_81 = arith.constant 0 : i32
    %dma_start3A_82 = tpu.memref_slice %arg4[%dma_start3A_81, %multiple_of3A_69] : memref<32x1000000xf32, #tpu.memory_space<hbm>> -> memref<32x128xf32, #tpu.memory_space<hbm>>
    tpu.enqueue_dma source(%dma_start3A_82 : memref<32x128xf32, #tpu.memory_space<hbm>>) target(%dma_start3A_80 : memref<32x128xf32, #tpu.memory_space<vmem>>) target_semaphore(%arg16 : memref<!tpu.dma_semaphore, #tpu.memory_space<semaphore_mem>>)
    %shift_right_logical3A_83 = arith.constant 7 : i32
    %shift_right_logical3A_84 = arith.shrui %squeeze3A_18, %shift_right_logical3A_83 : i32
    %mul3A_85 = arith.constant 128 : i32
    %mul3A_86 = arith.muli %shift_right_logical3A_84, %mul3A_85 : i32
    %min3A_87 = arith.constant 999808 : i32
    %min3A_88 = arith.minsi %mul3A_86, %min3A_87 : i32
    %multiple_of3A_89 = tpu.assume_multiple %min3A_88, 128 : i32
    %dma_start3A_90 = arith.constant 3 : i32
    %dma_start3A_91 = arith.constant 0 : i32
    %dma_start3A_92 = arith.constant 0 : i32
    %dma_start3A_93 = tpu.memref_slice %arg9[%dma_start3A_90, %dma_start3A_91, %dma_start3A_92] : memref<8x32x128xf32, #tpu.memory_space<vmem>> -> memref<1x32x128xf32, #tpu.memory_space<vmem>>
    %dma_start3A_94 = tpu.memref_squeeze %dma_start3A_93 : memref<1x32x128xf32, #tpu.memory_space<vmem>> -> memref<32x128xf32, #tpu.memory_space<vmem>>
    %dma_start3A_95 = arith.constant 0 : i32
    %dma_start3A_96 = tpu.memref_slice %arg4[%dma_start3A_95, %multiple_of3A_89] : memref<32x1000000xf32, #tpu.memory_space<hbm>> -> memref<32x128xf32, #tpu.memory_space<hbm>>
    %dma_start3A_97 = arith.constant 0 : i32
    %dma_start3A_98 = arith.constant 0 : i32
    %dma_start3A_99 = tpu.memref_slice %arg9[%dma_start3A_90, %dma_start3A_97, %dma_start3A_98] : memref<8x32x128xf32, #tpu.memory_space<vmem>> -> memref<1x32x128xf32, #tpu.memory_space<vmem>>
    %dma_start3A_100 = tpu.memref_squeeze %dma_start3A_99 : memref<1x32x128xf32, #tpu.memory_space<vmem>> -> memref<32x128xf32, #tpu.memory_space<vmem>>
    %dma_start3A_101 = arith.constant 0 : i32
    %dma_start3A_102 = tpu.memref_slice %arg4[%dma_start3A_101, %multiple_of3A_89] : memref<32x1000000xf32, #tpu.memory_space<hbm>> -> memref<32x128xf32, #tpu.memory_space<hbm>>
    tpu.enqueue_dma source(%dma_start3A_102 : memref<32x128xf32, #tpu.memory_space<hbm>>) target(%dma_start3A_100 : memref<32x128xf32, #tpu.memory_space<vmem>>) target_semaphore(%arg16 : memref<!tpu.dma_semaphore, #tpu.memory_space<semaphore_mem>>)
    %shift_right_logical3A_103 = arith.constant 7 : i32
    %shift_right_logical3A_104 = arith.shrui %squeeze3A_20, %shift_right_logical3A_103 : i32
    %mul3A_105 = arith.constant 128 : i32
    %mul3A_106 = arith.muli %shift_right_logical3A_104, %mul3A_105 : i32
    %min3A_107 = arith.constant 999808 : i32
    %min3A_108 = arith.minsi %mul3A_106, %min3A_107 : i32
    %multiple_of3A_109 = tpu.assume_multiple %min3A_108, 128 : i32
    %dma_start3A_110 = arith.constant 4 : i32
    %dma_start3A_111 = arith.constant 0 : i32
    %dma_start3A_112 = arith.constant 0 : i32
    %dma_start3A_113 = tpu.memref_slice %arg9[%dma_start3A_110, %dma_start3A_111, %dma_start3A_112] : memref<8x32x128xf32, #tpu.memory_space<vmem>> -> memref<1x32x128xf32, #tpu.memory_space<vmem>>
    %dma_start3A_114 = tpu.memref_squeeze %dma_start3A_113 : memref<1x32x128xf32, #tpu.memory_space<vmem>> -> memref<32x128xf32, #tpu.memory_space<vmem>>
    %dma_start3A_115 = arith.constant 0 : i32
    %dma_start3A_116 = tpu.memref_slice %arg4[%dma_start3A_115, %multiple_of3A_109] : memref<32x1000000xf32, #tpu.memory_space<hbm>> -> memref<32x128xf32, #tpu.memory_space<hbm>>
    %dma_start3A_117 = arith.constant 0 : i32
    %dma_start3A_118 = arith.constant 0 : i32
    %dma_start3A_119 = tpu.memref_slice %arg9[%dma_start3A_110, %dma_start3A_117, %dma_start3A_118] : memref<8x32x128xf32, #tpu.memory_space<vmem>> -> memref<1x32x128xf32, #tpu.memory_space<vmem>>
    %dma_start3A_120 = tpu.memref_squeeze %dma_start3A_119 : memref<1x32x128xf32, #tpu.memory_space<vmem>> -> memref<32x128xf32, #tpu.memory_space<vmem>>
    %dma_start3A_121 = arith.constant 0 : i32
    %dma_start3A_122 = tpu.memref_slice %arg4[%dma_start3A_121, %multiple_of3A_109] : memref<32x1000000xf32, #tpu.memory_space<hbm>> -> memref<32x128xf32, #tpu.memory_space<hbm>>
    tpu.enqueue_dma source(%dma_start3A_122 : memref<32x128xf32, #tpu.memory_space<hbm>>) target(%dma_start3A_120 : memref<32x128xf32, #tpu.memory_space<vmem>>) target_semaphore(%arg16 : memref<!tpu.dma_semaphore, #tpu.memory_space<semaphore_mem>>)
    %shift_right_logical3A_123 = arith.constant 7 : i32
    %shift_right_logical3A_124 = arith.shrui %squeeze3A_22, %shift_right_logical3A_123 : i32
    %mul3A_125 = arith.constant 128 : i32
    %mul3A_126 = arith.muli %shift_right_logical3A_124, %mul3A_125 : i32
    %min3A_127 = arith.constant 999808 : i32
    %min3A_128 = arith.minsi %mul3A_126, %min3A_127 : i32
    %multiple_of3A_129 = tpu.assume_multiple %min3A_128, 128 : i32
    %dma_start3A_130 = arith.constant 5 : i32
    %dma_start3A_131 = arith.constant 0 : i32
    %dma_start3A_132 = arith.constant 0 : i32
    %dma_start3A_133 = tpu.memref_slice %arg9[%dma_start3A_130, %dma_start3A_131, %dma_start3A_132] : memref<8x32x128xf32, #tpu.memory_space<vmem>> -> memref<1x32x128xf32, #tpu.memory_space<vmem>>
    %dma_start3A_134 = tpu.memref_squeeze %dma_start3A_133 : memref<1x32x128xf32, #tpu.memory_space<vmem>> -> memref<32x128xf32, #tpu.memory_space<vmem>>
    %dma_start3A_135 = arith.constant 0 : i32
    %dma_start3A_136 = tpu.memref_slice %arg4[%dma_start3A_135, %multiple_of3A_129] : memref<32x1000000xf32, #tpu.memory_space<hbm>> -> memref<32x128xf32, #tpu.memory_space<hbm>>
    %dma_start3A_137 = arith.constant 0 : i32
    %dma_start3A_138 = arith.constant 0 : i32
    %dma_start3A_139 = tpu.memref_slice %arg9[%dma_start3A_130, %dma_start3A_137, %dma_start3A_138] : memref<8x32x128xf32, #tpu.memory_space<vmem>> -> memref<1x32x128xf32, #tpu.memory_space<vmem>>
    %dma_start3A_140 = tpu.memref_squeeze %dma_start3A_139 : memref<1x32x128xf32, #tpu.memory_space<vmem>> -> memref<32x128xf32, #tpu.memory_space<vmem>>
    %dma_start3A_141 = arith.constant 0 : i32
    %dma_start3A_142 = tpu.memref_slice %arg4[%dma_start3A_141, %multiple_of3A_129] : memref<32x1000000xf32, #tpu.memory_space<hbm>> -> memref<32x128xf32, #tpu.memory_space<hbm>>
    tpu.enqueue_dma source(%dma_start3A_142 : memref<32x128xf32, #tpu.memory_space<hbm>>) target(%dma_start3A_140 : memref<32x128xf32, #tpu.memory_space<vmem>>) target_semaphore(%arg16 : memref<!tpu.dma_semaphore, #tpu.memory_space<semaphore_mem>>)
    %shift_right_logical3A_143 = arith.constant 7 : i32
    %shift_right_logical3A_144 = arith.shrui %squeeze3A_24, %shift_right_logical3A_143 : i32
    %mul3A_145 = arith.constant 128 : i32
    %mul3A_146 = arith.muli %shift_right_logical3A_144, %mul3A_145 : i32
    %min3A_147 = arith.constant 999808 : i32
    %min3A_148 = arith.minsi %mul3A_146, %min3A_147 : i32
    %multiple_of3A_149 = tpu.assume_multiple %min3A_148, 128 : i32
    %dma_start3A_150 = arith.constant 6 : i32
    %dma_start3A_151 = arith.constant 0 : i32
    %dma_start3A_152 = arith.constant 0 : i32
    %dma_start3A_153 = tpu.memref_slice %arg9[%dma_start3A_150, %dma_start3A_151, %dma_start3A_152] : memref<8x32x128xf32, #tpu.memory_space<vmem>> -> memref<1x32x128xf32, #tpu.memory_space<vmem>>
    %dma_start3A_154 = tpu.memref_squeeze %dma_start3A_153 : memref<1x32x128xf32, #tpu.memory_space<vmem>> -> memref<32x128xf32, #tpu.memory_space<vmem>>
    %dma_start3A_155 = arith.constant 0 : i32
    %dma_start3A_156 = tpu.memref_slice %arg4[%dma_start3A_155, %multiple_of3A_149] : memref<32x1000000xf32, #tpu.memory_space<hbm>> -> memref<32x128xf32, #tpu.memory_space<hbm>>
    %dma_start3A_157 = arith.constant 0 : i32
    %dma_start3A_158 = arith.constant 0 : i32
    %dma_start3A_159 = tpu.memref_slice %arg9[%dma_start3A_150, %dma_start3A_157, %dma_start3A_158] : memref<8x32x128xf32, #tpu.memory_space<vmem>> -> memref<1x32x128xf32, #tpu.memory_space<vmem>>
    %dma_start3A_160 = tpu.memref_squeeze %dma_start3A_159 : memref<1x32x128xf32, #tpu.memory_space<vmem>> -> memref<32x128xf32, #tpu.memory_space<vmem>>
    %dma_start3A_161 = arith.constant 0 : i32
    %dma_start3A_162 = tpu.memref_slice %arg4[%dma_start3A_161, %multiple_of3A_149] : memref<32x1000000xf32, #tpu.memory_space<hbm>> -> memref<32x128xf32, #tpu.memory_space<hbm>>
    tpu.enqueue_dma source(%dma_start3A_162 : memref<32x128xf32, #tpu.memory_space<hbm>>) target(%dma_start3A_160 : memref<32x128xf32, #tpu.memory_space<vmem>>) target_semaphore(%arg16 : memref<!tpu.dma_semaphore, #tpu.memory_space<semaphore_mem>>)
    %shift_right_logical3A_163 = arith.constant 7 : i32
    %shift_right_logical3A_164 = arith.shrui %squeeze3A_26, %shift_right_logical3A_163 : i32
    %mul3A_165 = arith.constant 128 : i32
    %mul3A_166 = arith.muli %shift_right_logical3A_164, %mul3A_165 : i32
    %min3A_167 = arith.constant 999808 : i32
    %min3A_168 = arith.minsi %mul3A_166, %min3A_167 : i32
    %multiple_of3A_169 = tpu.assume_multiple %min3A_168, 128 : i32
    %dma_start3A_170 = arith.constant 7 : i32
    %dma_start3A_171 = arith.constant 0 : i32
    %dma_start3A_172 = arith.constant 0 : i32
    %dma_start3A_173 = tpu.memref_slice %arg9[%dma_start3A_170, %dma_start3A_171, %dma_start3A_172] : memref<8x32x128xf32, #tpu.memory_space<vmem>> -> memref<1x32x128xf32, #tpu.memory_space<vmem>>
    %dma_start3A_174 = tpu.memref_squeeze %dma_start3A_173 : memref<1x32x128xf32, #tpu.memory_space<vmem>> -> memref<32x128xf32, #tpu.memory_space<vmem>>
    %dma_start3A_175 = arith.constant 0 : i32
    %dma_start3A_176 = tpu.memref_slice %arg4[%dma_start3A_175, %multiple_of3A_169] : memref<32x1000000xf32, #tpu.memory_space<hbm>> -> memref<32x128xf32, #tpu.memory_space<hbm>>
    %dma_start3A_177 = arith.constant 0 : i32
    %dma_start3A_178 = arith.constant 0 : i32
    %dma_start3A_179 = tpu.memref_slice %arg9[%dma_start3A_170, %dma_start3A_177, %dma_start3A_178] : memref<8x32x128xf32, #tpu.memory_space<vmem>> -> memref<1x32x128xf32, #tpu.memory_space<vmem>>
    %dma_start3A_180 = tpu.memref_squeeze %dma_start3A_179 : memref<1x32x128xf32, #tpu.memory_space<vmem>> -> memref<32x128xf32, #tpu.memory_space<vmem>>
    %dma_start3A_181 = arith.constant 0 : i32
    %dma_start3A_182 = tpu.memref_slice %arg4[%dma_start3A_181, %multiple_of3A_169] : memref<32x1000000xf32, #tpu.memory_space<hbm>> -> memref<32x128xf32, #tpu.memory_space<hbm>>
    tpu.enqueue_dma source(%dma_start3A_182 : memref<32x128xf32, #tpu.memory_space<hbm>>) target(%dma_start3A_180 : memref<32x128xf32, #tpu.memory_space<vmem>>) target_semaphore(%arg16 : memref<!tpu.dma_semaphore, #tpu.memory_space<semaphore_mem>>)
    %slice3A_183 = vector.extract_strided_slice %get3A_12 {offsets = [0], sizes = [1], strides = [1]} : vector<16xi32> to vector<1xi32>
    %squeeze3A_184 = vector.extract %slice3A_183[0] : i32 from vector<1xi32>
    %slice3A_185 = vector.extract_strided_slice %get3A_12 {offsets = [1], sizes = [1], strides = [1]} : vector<16xi32> to vector<1xi32>
    %squeeze3A_186 = vector.extract %slice3A_185[0] : i32 from vector<1xi32>
    %slice3A_187 = vector.extract_strided_slice %get3A_12 {offsets = [2], sizes = [1], strides = [1]} : vector<16xi32> to vector<1xi32>
    %squeeze3A_188 = vector.extract %slice3A_187[0] : i32 from vector<1xi32>
    %slice3A_189 = vector.extract_strided_slice %get3A_12 {offsets = [3], sizes = [1], strides = [1]} : vector<16xi32> to vector<1xi32>
    %squeeze3A_190 = vector.extract %slice3A_189[0] : i32 from vector<1xi32>
    %slice3A_191 = vector.extract_strided_slice %get3A_12 {offsets = [4], sizes = [1], strides = [1]} : vector<16xi32> to vector<1xi32>
    %squeeze3A_192 = vector.extract %slice3A_191[0] : i32 from vector<1xi32>
    %slice3A_193 = vector.extract_strided_slice %get3A_12 {offsets = [5], sizes = [1], strides = [1]} : vector<16xi32> to vector<1xi32>
    %squeeze3A_194 = vector.extract %slice3A_193[0] : i32 from vector<1xi32>
    %slice3A_195 = vector.extract_strided_slice %get3A_12 {offsets = [6], sizes = [1], strides = [1]} : vector<16xi32> to vector<1xi32>
    %squeeze3A_196 = vector.extract %slice3A_195[0] : i32 from vector<1xi32>
    %slice3A_197 = vector.extract_strided_slice %get3A_12 {offsets = [7], sizes = [1], strides = [1]} : vector<16xi32> to vector<1xi32>
    %squeeze3A_198 = vector.extract %slice3A_197[0] : i32 from vector<1xi32>
    %shift_right_logical3A_199 = arith.constant 7 : i32
    %shift_right_logical3A_200 = arith.shrui %squeeze3A_184, %shift_right_logical3A_199 : i32
    %mul3A_201 = arith.constant 128 : i32
    %mul3A_202 = arith.muli %shift_right_logical3A_200, %mul3A_201 : i32
    %min3A_203 = arith.constant 999808 : i32
    %min3A_204 = arith.minsi %mul3A_202, %min3A_203 : i32
    %multiple_of3A_205 = tpu.assume_multiple %min3A_204, 128 : i32
    %dma_start3A_206 = arith.constant 0 : i32
    %dma_start3A_207 = arith.constant 0 : i32
    %dma_start3A_208 = arith.constant 0 : i32
    %dma_start3A_209 = tpu.memref_slice %arg10[%dma_start3A_206, %dma_start3A_207, %dma_start3A_208] : memref<8x32x128xf32, #tpu.memory_space<vmem>> -> memref<1x32x128xf32, #tpu.memory_space<vmem>>
    %dma_start3A_210 = tpu.memref_squeeze %dma_start3A_209 : memref<1x32x128xf32, #tpu.memory_space<vmem>> -> memref<32x128xf32, #tpu.memory_space<vmem>>
    %dma_start3A_211 = arith.constant 0 : i32
    %dma_start3A_212 = tpu.memref_slice %arg5[%dma_start3A_211, %multiple_of3A_205] : memref<32x1000000xf32, #tpu.memory_space<hbm>> -> memref<32x128xf32, #tpu.memory_space<hbm>>
    %dma_start3A_213 = arith.constant 0 : i32
    %dma_start3A_214 = arith.constant 0 : i32
    %dma_start3A_215 = tpu.memref_slice %arg10[%dma_start3A_206, %dma_start3A_213, %dma_start3A_214] : memref<8x32x128xf32, #tpu.memory_space<vmem>> -> memref<1x32x128xf32, #tpu.memory_space<vmem>>
    %dma_start3A_216 = tpu.memref_squeeze %dma_start3A_215 : memref<1x32x128xf32, #tpu.memory_space<vmem>> -> memref<32x128xf32, #tpu.memory_space<vmem>>
    %dma_start3A_217 = arith.constant 0 : i32
    %dma_start3A_218 = tpu.memref_slice %arg5[%dma_start3A_217, %multiple_of3A_205] : memref<32x1000000xf32, #tpu.memory_space<hbm>> -> memref<32x128xf32, #tpu.memory_space<hbm>>
    tpu.enqueue_dma source(%dma_start3A_218 : memref<32x128xf32, #tpu.memory_space<hbm>>) target(%dma_start3A_216 : memref<32x128xf32, #tpu.memory_space<vmem>>) target_semaphore(%arg17 : memref<!tpu.dma_semaphore, #tpu.memory_space<semaphore_mem>>)
    %shift_right_logical3A_219 = arith.constant 7 : i32
    %shift_right_logical3A_220 = arith.shrui %squeeze3A_186, %shift_right_logical3A_219 : i32
    %mul3A_221 = arith.constant 128 : i32
    %mul3A_222 = arith.muli %shift_right_logical3A_220, %mul3A_221 : i32
    %min3A_223 = arith.constant 999808 : i32
    %min3A_224 = arith.minsi %mul3A_222, %min3A_223 : i32
    %multiple_of3A_225 = tpu.assume_multiple %min3A_224, 128 : i32
    %dma_start3A_226 = arith.constant 1 : i32
    %dma_start3A_227 = arith.constant 0 : i32
    %dma_start3A_228 = arith.constant 0 : i32
    %dma_start3A_229 = tpu.memref_slice %arg10[%dma_start3A_226, %dma_start3A_227, %dma_start3A_228] : memref<8x32x128xf32, #tpu.memory_space<vmem>> -> memref<1x32x128xf32, #tpu.memory_space<vmem>>
    %dma_start3A_230 = tpu.memref_squeeze %dma_start3A_229 : memref<1x32x128xf32, #tpu.memory_space<vmem>> -> memref<32x128xf32, #tpu.memory_space<vmem>>
    %dma_start3A_231 = arith.constant 0 : i32
    %dma_start3A_232 = tpu.memref_slice %arg5[%dma_start3A_231, %multiple_of3A_225] : memref<32x1000000xf32, #tpu.memory_space<hbm>> -> memref<32x128xf32, #tpu.memory_space<hbm>>
    %dma_start3A_233 = arith.constant 0 : i32
    %dma_start3A_234 = arith.constant 0 : i32
    %dma_start3A_235 = tpu.memref_slice %arg10[%dma_start3A_226, %dma_start3A_233, %dma_start3A_234] : memref<8x32x128xf32, #tpu.memory_space<vmem>> -> memref<1x32x128xf32, #tpu.memory_space<vmem>>
    %dma_start3A_236 = tpu.memref_squeeze %dma_start3A_235 : memref<1x32x128xf32, #tpu.memory_space<vmem>> -> memref<32x128xf32, #tpu.memory_space<vmem>>
    %dma_start3A_237 = arith.constant 0 : i32
    %dma_start3A_238 = tpu.memref_slice %arg5[%dma_start3A_237, %multiple_of3A_225] : memref<32x1000000xf32, #tpu.memory_space<hbm>> -> memref<32x128xf32, #tpu.memory_space<hbm>>
    tpu.enqueue_dma source(%dma_start3A_238 : memref<32x128xf32, #tpu.memory_space<hbm>>) target(%dma_start3A_236 : memref<32x128xf32, #tpu.memory_space<vmem>>) target_semaphore(%arg17 : memref<!tpu.dma_semaphore, #tpu.memory_space<semaphore_mem>>)
    %shift_right_logical3A_239 = arith.constant 7 : i32
    %shift_right_logical3A_240 = arith.shrui %squeeze3A_188, %shift_right_logical3A_239 : i32
    %mul3A_241 = arith.constant 128 : i32
    %mul3A_242 = arith.muli %shift_right_logical3A_240, %mul3A_241 : i32
    %min3A_243 = arith.constant 999808 : i32
    %min3A_244 = arith.minsi %mul3A_242, %min3A_243 : i32
    %multiple_of3A_245 = tpu.assume_multiple %min3A_244, 128 : i32
    %dma_start3A_246 = arith.constant 2 : i32
    %dma_start3A_247 = arith.constant 0 : i32
    %dma_start3A_248 = arith.constant 0 : i32
    %dma_start3A_249 = tpu.memref_slice %arg10[%dma_start3A_246, %dma_start3A_247, %dma_start3A_248] : memref<8x32x128xf32, #tpu.memory_space<vmem>> -> memref<1x32x128xf32, #tpu.memory_space<vmem>>
    %dma_start3A_250 = tpu.memref_squeeze %dma_start3A_249 : memref<1x32x128xf32, #tpu.memory_space<vmem>> -> memref<32x128xf32, #tpu.memory_space<vmem>>
    %dma_start3A_251 = arith.constant 0 : i32
    %dma_start3A_252 = tpu.memref_slice %arg5[%dma_start3A_251, %multiple_of3A_245] : memref<32x1000000xf32, #tpu.memory_space<hbm>> -> memref<32x128xf32, #tpu.memory_space<hbm>>
    %dma_start3A_253 = arith.constant 0 : i32
    %dma_start3A_254 = arith.constant 0 : i32
    %dma_start3A_255 = tpu.memref_slice %arg10[%dma_start3A_246, %dma_start3A_253, %dma_start3A_254] : memref<8x32x128xf32, #tpu.memory_space<vmem>> -> memref<1x32x128xf32, #tpu.memory_space<vmem>>
    %dma_start3A_256 = tpu.memref_squeeze %dma_start3A_255 : memref<1x32x128xf32, #tpu.memory_space<vmem>> -> memref<32x128xf32, #tpu.memory_space<vmem>>
    %dma_start3A_257 = arith.constant 0 : i32
    %dma_start3A_258 = tpu.memref_slice %arg5[%dma_start3A_257, %multiple_of3A_245] : memref<32x1000000xf32, #tpu.memory_space<hbm>> -> memref<32x128xf32, #tpu.memory_space<hbm>>
    tpu.enqueue_dma source(%dma_start3A_258 : memref<32x128xf32, #tpu.memory_space<hbm>>) target(%dma_start3A_256 : memref<32x128xf32, #tpu.memory_space<vmem>>) target_semaphore(%arg17 : memref<!tpu.dma_semaphore, #tpu.memory_space<semaphore_mem>>)
    %shift_right_logical3A_259 = arith.constant 7 : i32
    %shift_right_logical3A_260 = arith.shrui %squeeze3A_190, %shift_right_logical3A_259 : i32
    %mul3A_261 = arith.constant 128 : i32
    %mul3A_262 = arith.muli %shift_right_logical3A_260, %mul3A_261 : i32
    %min3A_263 = arith.constant 999808 : i32
    %min3A_264 = arith.minsi %mul3A_262, %min3A_263 : i32
    %multiple_of3A_265 = tpu.assume_multiple %min3A_264, 128 : i32
    %dma_start3A_266 = arith.constant 3 : i32
    %dma_start3A_267 = arith.constant 0 : i32
    %dma_start3A_268 = arith.constant 0 : i32
    %dma_start3A_269 = tpu.memref_slice %arg10[%dma_start3A_266, %dma_start3A_267, %dma_start3A_268] : memref<8x32x128xf32, #tpu.memory_space<vmem>> -> memref<1x32x128xf32, #tpu.memory_space<vmem>>
    %dma_start3A_270 = tpu.memref_squeeze %dma_start3A_269 : memref<1x32x128xf32, #tpu.memory_space<vmem>> -> memref<32x128xf32, #tpu.memory_space<vmem>>
    %dma_start3A_271 = arith.constant 0 : i32
    %dma_start3A_272 = tpu.memref_slice %arg5[%dma_start3A_271, %multiple_of3A_265] : memref<32x1000000xf32, #tpu.memory_space<hbm>> -> memref<32x128xf32, #tpu.memory_space<hbm>>
    %dma_start3A_273 = arith.constant 0 : i32
    %dma_start3A_274 = arith.constant 0 : i32
    %dma_start3A_275 = tpu.memref_slice %arg10[%dma_start3A_266, %dma_start3A_273, %dma_start3A_274] : memref<8x32x128xf32, #tpu.memory_space<vmem>> -> memref<1x32x128xf32, #tpu.memory_space<vmem>>
    %dma_start3A_276 = tpu.memref_squeeze %dma_start3A_275 : memref<1x32x128xf32, #tpu.memory_space<vmem>> -> memref<32x128xf32, #tpu.memory_space<vmem>>
    %dma_start3A_277 = arith.constant 0 : i32
    %dma_start3A_278 = tpu.memref_slice %arg5[%dma_start3A_277, %multiple_of3A_265] : memref<32x1000000xf32, #tpu.memory_space<hbm>> -> memref<32x128xf32, #tpu.memory_space<hbm>>
    tpu.enqueue_dma source(%dma_start3A_278 : memref<32x128xf32, #tpu.memory_space<hbm>>) target(%dma_start3A_276 : memref<32x128xf32, #tpu.memory_space<vmem>>) target_semaphore(%arg17 : memref<!tpu.dma_semaphore, #tpu.memory_space<semaphore_mem>>)
    %shift_right_logical3A_279 = arith.constant 7 : i32
    %shift_right_logical3A_280 = arith.shrui %squeeze3A_192, %shift_right_logical3A_279 : i32
    %mul3A_281 = arith.constant 128 : i32
    %mul3A_282 = arith.muli %shift_right_logical3A_280, %mul3A_281 : i32
    %min3A_283 = arith.constant 999808 : i32
    %min3A_284 = arith.minsi %mul3A_282, %min3A_283 : i32
    %multiple_of3A_285 = tpu.assume_multiple %min3A_284, 128 : i32
    %dma_start3A_286 = arith.constant 4 : i32
    %dma_start3A_287 = arith.constant 0 : i32
    %dma_start3A_288 = arith.constant 0 : i32
    %dma_start3A_289 = tpu.memref_slice %arg10[%dma_start3A_286, %dma_start3A_287, %dma_start3A_288] : memref<8x32x128xf32, #tpu.memory_space<vmem>> -> memref<1x32x128xf32, #tpu.memory_space<vmem>>
    %dma_start3A_290 = tpu.memref_squeeze %dma_start3A_289 : memref<1x32x128xf32, #tpu.memory_space<vmem>> -> memref<32x128xf32, #tpu.memory_space<vmem>>
    %dma_start3A_291 = arith.constant 0 : i32
    %dma_start3A_292 = tpu.memref_slice %arg5[%dma_start3A_291, %multiple_of3A_285] : memref<32x1000000xf32, #tpu.memory_space<hbm>> -> memref<32x128xf32, #tpu.memory_space<hbm>>
    %dma_start3A_293 = arith.constant 0 : i32
    %dma_start3A_294 = arith.constant 0 : i32
    %dma_start3A_295 = tpu.memref_slice %arg10[%dma_start3A_286, %dma_start3A_293, %dma_start3A_294] : memref<8x32x128xf32, #tpu.memory_space<vmem>> -> memref<1x32x128xf32, #tpu.memory_space<vmem>>
    %dma_start3A_296 = tpu.memref_squeeze %dma_start3A_295 : memref<1x32x128xf32, #tpu.memory_space<vmem>> -> memref<32x128xf32, #tpu.memory_space<vmem>>
    %dma_start3A_297 = arith.constant 0 : i32
    %dma_start3A_298 = tpu.memref_slice %arg5[%dma_start3A_297, %multiple_of3A_285] : memref<32x1000000xf32, #tpu.memory_space<hbm>> -> memref<32x128xf32, #tpu.memory_space<hbm>>
    tpu.enqueue_dma source(%dma_start3A_298 : memref<32x128xf32, #tpu.memory_space<hbm>>) target(%dma_start3A_296 : memref<32x128xf32, #tpu.memory_space<vmem>>) target_semaphore(%arg17 : memref<!tpu.dma_semaphore, #tpu.memory_space<semaphore_mem>>)
    %shift_right_logical3A_299 = arith.constant 7 : i32
    %shift_right_logical3A_300 = arith.shrui %squeeze3A_194, %shift_right_logical3A_299 : i32
    %mul3A_301 = arith.constant 128 : i32
    %mul3A_302 = arith.muli %shift_right_logical3A_300, %mul3A_301 : i32
    %min3A_303 = arith.constant 999808 : i32
    %min3A_304 = arith.minsi %mul3A_302, %min3A_303 : i32
    %multiple_of3A_305 = tpu.assume_multiple %min3A_304, 128 : i32
    %dma_start3A_306 = arith.constant 5 : i32
    %dma_start3A_307 = arith.constant 0 : i32
    %dma_start3A_308 = arith.constant 0 : i32
    %dma_start3A_309 = tpu.memref_slice %arg10[%dma_start3A_306, %dma_start3A_307, %dma_start3A_308] : memref<8x32x128xf32, #tpu.memory_space<vmem>> -> memref<1x32x128xf32, #tpu.memory_space<vmem>>
    %dma_start3A_310 = tpu.memref_squeeze %dma_start3A_309 : memref<1x32x128xf32, #tpu.memory_space<vmem>> -> memref<32x128xf32, #tpu.memory_space<vmem>>
    %dma_start3A_311 = arith.constant 0 : i32
    %dma_start3A_312 = tpu.memref_slice %arg5[%dma_start3A_311, %multiple_of3A_305] : memref<32x1000000xf32, #tpu.memory_space<hbm>> -> memref<32x128xf32, #tpu.memory_space<hbm>>
    %dma_start3A_313 = arith.constant 0 : i32
    %dma_start3A_314 = arith.constant 0 : i32
    %dma_start3A_315 = tpu.memref_slice %arg10[%dma_start3A_306, %dma_start3A_313, %dma_start3A_314] : memref<8x32x128xf32, #tpu.memory_space<vmem>> -> memref<1x32x128xf32, #tpu.memory_space<vmem>>
    %dma_start3A_316 = tpu.memref_squeeze %dma_start3A_315 : memref<1x32x128xf32, #tpu.memory_space<vmem>> -> memref<32x128xf32, #tpu.memory_space<vmem>>
    %dma_start3A_317 = arith.constant 0 : i32
    %dma_start3A_318 = tpu.memref_slice %arg5[%dma_start3A_317, %multiple_of3A_305] : memref<32x1000000xf32, #tpu.memory_space<hbm>> -> memref<32x128xf32, #tpu.memory_space<hbm>>
    tpu.enqueue_dma source(%dma_start3A_318 : memref<32x128xf32, #tpu.memory_space<hbm>>) target(%dma_start3A_316 : memref<32x128xf32, #tpu.memory_space<vmem>>) target_semaphore(%arg17 : memref<!tpu.dma_semaphore, #tpu.memory_space<semaphore_mem>>)
    %shift_right_logical3A_319 = arith.constant 7 : i32
    %shift_right_logical3A_320 = arith.shrui %squeeze3A_196, %shift_right_logical3A_319 : i32
    %mul3A_321 = arith.constant 128 : i32
    %mul3A_322 = arith.muli %shift_right_logical3A_320, %mul3A_321 : i32
    %min3A_323 = arith.constant 999808 : i32
    %min3A_324 = arith.minsi %mul3A_322, %min3A_323 : i32
    %multiple_of3A_325 = tpu.assume_multiple %min3A_324, 128 : i32
    %dma_start3A_326 = arith.constant 6 : i32
    %dma_start3A_327 = arith.constant 0 : i32
    %dma_start3A_328 = arith.constant 0 : i32
    %dma_start3A_329 = tpu.memref_slice %arg10[%dma_start3A_326, %dma_start3A_327, %dma_start3A_328] : memref<8x32x128xf32, #tpu.memory_space<vmem>> -> memref<1x32x128xf32, #tpu.memory_space<vmem>>
    %dma_start3A_330 = tpu.memref_squeeze %dma_start3A_329 : memref<1x32x128xf32, #tpu.memory_space<vmem>> -> memref<32x128xf32, #tpu.memory_space<vmem>>
    %dma_start3A_331 = arith.constant 0 : i32
    %dma_start3A_332 = tpu.memref_slice %arg5[%dma_start3A_331, %multiple_of3A_325] : memref<32x1000000xf32, #tpu.memory_space<hbm>> -> memref<32x128xf32, #tpu.memory_space<hbm>>
    %dma_start3A_333 = arith.constant 0 : i32
    %dma_start3A_334 = arith.constant 0 : i32
    %dma_start3A_335 = tpu.memref_slice %arg10[%dma_start3A_326, %dma_start3A_333, %dma_start3A_334] : memref<8x32x128xf32, #tpu.memory_space<vmem>> -> memref<1x32x128xf32, #tpu.memory_space<vmem>>
    %dma_start3A_336 = tpu.memref_squeeze %dma_start3A_335 : memref<1x32x128xf32, #tpu.memory_space<vmem>> -> memref<32x128xf32, #tpu.memory_space<vmem>>
    %dma_start3A_337 = arith.constant 0 : i32
    %dma_start3A_338 = tpu.memref_slice %arg5[%dma_start3A_337, %multiple_of3A_325] : memref<32x1000000xf32, #tpu.memory_space<hbm>> -> memref<32x128xf32, #tpu.memory_space<hbm>>
    tpu.enqueue_dma source(%dma_start3A_338 : memref<32x128xf32, #tpu.memory_space<hbm>>) target(%dma_start3A_336 : memref<32x128xf32, #tpu.memory_space<vmem>>) target_semaphore(%arg17 : memref<!tpu.dma_semaphore, #tpu.memory_space<semaphore_mem>>)
    %shift_right_logical3A_339 = arith.constant 7 : i32
    %shift_right_logical3A_340 = arith.shrui %squeeze3A_198, %shift_right_logical3A_339 : i32
    %mul3A_341 = arith.constant 128 : i32
    %mul3A_342 = arith.muli %shift_right_logical3A_340, %mul3A_341 : i32
    %min3A_343 = arith.constant 999808 : i32
    %min3A_344 = arith.minsi %mul3A_342, %min3A_343 : i32
    %multiple_of3A_345 = tpu.assume_multiple %min3A_344, 128 : i32
    %dma_start3A_346 = arith.constant 7 : i32
    %dma_start3A_347 = arith.constant 0 : i32
    %dma_start3A_348 = arith.constant 0 : i32
    %dma_start3A_349 = tpu.memref_slice %arg10[%dma_start3A_346, %dma_start3A_347, %dma_start3A_348] : memref<8x32x128xf32, #tpu.memory_space<vmem>> -> memref<1x32x128xf32, #tpu.memory_space<vmem>>
    %dma_start3A_350 = tpu.memref_squeeze %dma_start3A_349 : memref<1x32x128xf32, #tpu.memory_space<vmem>> -> memref<32x128xf32, #tpu.memory_space<vmem>>
    %dma_start3A_351 = arith.constant 0 : i32
    %dma_start3A_352 = tpu.memref_slice %arg5[%dma_start3A_351, %multiple_of3A_345] : memref<32x1000000xf32, #tpu.memory_space<hbm>> -> memref<32x128xf32, #tpu.memory_space<hbm>>
    %dma_start3A_353 = arith.constant 0 : i32
    %dma_start3A_354 = arith.constant 0 : i32
    %dma_start3A_355 = tpu.memref_slice %arg10[%dma_start3A_346, %dma_start3A_353, %dma_start3A_354] : memref<8x32x128xf32, #tpu.memory_space<vmem>> -> memref<1x32x128xf32, #tpu.memory_space<vmem>>
    %dma_start3A_356 = tpu.memref_squeeze %dma_start3A_355 : memref<1x32x128xf32, #tpu.memory_space<vmem>> -> memref<32x128xf32, #tpu.memory_space<vmem>>
    %dma_start3A_357 = arith.constant 0 : i32
    %dma_start3A_358 = tpu.memref_slice %arg5[%dma_start3A_357, %multiple_of3A_345] : memref<32x1000000xf32, #tpu.memory_space<hbm>> -> memref<32x128xf32, #tpu.memory_space<hbm>>
    tpu.enqueue_dma source(%dma_start3A_358 : memref<32x128xf32, #tpu.memory_space<hbm>>) target(%dma_start3A_356 : memref<32x128xf32, #tpu.memory_space<vmem>>) target_semaphore(%arg17 : memref<!tpu.dma_semaphore, #tpu.memory_space<semaphore_mem>>)
    %scan3A = arith.constant 0 : i32
    %scan3A_359 = arith.constant 0 : i32
    %scan3A_360 = arith.constant 32 : i32
    %scan3A_361 = arith.addi %scan3A_359, %scan3A_360 : i32
    %scan3A_362 = arith.constant 1 : i32
    %scan3A_363 = scf.for %scan3A_606 = %scan3A_359 to %scan3A_361 step %scan3A_362 iter_args(%scan3A_607 = %scan3A) -> (i32)  : i32 {
      %jit3A = arith.constant 8 : i32
      %div3A = arith.divsi %scan3A_606, %jit3A : i32
      %sign3A = arith.constant 0 : i32
      %sign3A_608 = arith.cmpi sgt, %scan3A_606, %sign3A : i32
      %sign3A_609 = arith.extui %sign3A_608 : i1 to i32
      %sign3A_610 = arith.constant 0 : i32
      %sign3A_611 = arith.cmpi slt, %scan3A_606, %sign3A_610 : i32
      %sign3A_612 = arith.extui %sign3A_611 : i1 to i32
      %sign3A_613 = arith.subi %sign3A_609, %sign3A_612 : i32
      %sign3A_614 = arith.constant 0 : i32
      %sign3A_615 = arith.cmpi sgt, %jit3A, %sign3A_614 : i32
      %sign3A_616 = arith.extui %sign3A_615 : i1 to i32
      %sign3A_617 = arith.constant 0 : i32
      %sign3A_618 = arith.cmpi slt, %jit3A, %sign3A_617 : i32
      %sign3A_619 = arith.extui %sign3A_618 : i1 to i32
      %sign3A_620 = arith.subi %sign3A_616, %sign3A_619 : i32
      %ne3A = arith.cmpi ne, %sign3A_613, %sign3A_620 : i32
      %rem3A = arith.remsi %scan3A_606, %jit3A : i32
      %ne3A_621 = arith.constant 0 : i32
      %ne3A_622 = arith.cmpi ne, %rem3A, %ne3A_621 : i32
      %and3A = arith.andi %ne3A, %ne3A_622 : i1
      %sub3A = arith.constant 1 : i32
      %sub3A_623 = arith.subi %div3A, %sub3A : i32
      %select_n3A = arith.select %and3A, %sub3A_623, %div3A : i32
      %jit3A_624 = arith.constant 8 : i32
      %eq3A = arith.constant 0 : i32
      %eq3A_625 = arith.cmpi eq, %jit3A_624, %eq3A : i32
      %jit3A_626 = arith.constant 1 : i32
      %select_n3A_627 = arith.select %eq3A_625, %jit3A_626, %jit3A_624 : i32
      %rem3A_628 = arith.remsi %scan3A_606, %select_n3A_627 : i32
      %ne3A_629 = arith.constant 0 : i32
      %ne3A_630 = arith.cmpi ne, %rem3A_628, %ne3A_629 : i32
      %lt3A = arith.constant 0 : i32
      %lt3A_631 = arith.cmpi slt, %rem3A_628, %lt3A : i32
      %lt3A_632 = arith.constant 0 : i32
      %lt3A_633 = arith.cmpi slt, %select_n3A_627, %lt3A_632 : i32
      %ne3A_634 = arith.xori %lt3A_631, %lt3A_633 : i1
      %and3A_635 = arith.andi %ne3A_634, %ne3A_630 : i1
      %add3A_636 = arith.addi %rem3A_628, %select_n3A_627 : i32
      %select_n3A_637 = arith.select %and3A_635, %add3A_636, %rem3A_628 : i32
      %mul3A_638 = arith.constant 16 : i32
      %mul3A_639 = arith.muli %select_n3A_637, %mul3A_638 : i32
      %get3A_640 = arith.index_cast %select_n3A : i32 to index
      %get3A_641 = arith.index_cast %mul3A_639 : i32 to index
      %get3A_642 = tpu.vector_load %arg7[%get3A_640, %get3A_641] {strides = array<i32>} : memref<4x128xi32, #tpu.memory_space<vmem>>, vector<16xi32>,
      %jit3A_643 = arith.constant 8 : i32
      %div3A_644 = arith.divsi %scan3A_606, %jit3A_643 : i32
      %sign3A_645 = arith.constant 0 : i32
      %sign3A_646 = arith.cmpi sgt, %scan3A_606, %sign3A_645 : i32
      %sign3A_647 = arith.extui %sign3A_646 : i1 to i32
      %sign3A_648 = arith.constant 0 : i32
      %sign3A_649 = arith.cmpi slt, %scan3A_606, %sign3A_648 : i32
      %sign3A_650 = arith.extui %sign3A_649 : i1 to i32
      %sign3A_651 = arith.subi %sign3A_647, %sign3A_650 : i32
      %sign3A_652 = arith.constant 0 : i32
      %sign3A_653 = arith.cmpi sgt, %jit3A_643, %sign3A_652 : i32
      %sign3A_654 = arith.extui %sign3A_653 : i1 to i32
      %sign3A_655 = arith.constant 0 : i32
      %sign3A_656 = arith.cmpi slt, %jit3A_643, %sign3A_655 : i32
      %sign3A_657 = arith.extui %sign3A_656 : i1 to i32
      %sign3A_658 = arith.subi %sign3A_654, %sign3A_657 : i32
      %ne3A_659 = arith.cmpi ne, %sign3A_651, %sign3A_658 : i32
      %rem3A_660 = arith.remsi %scan3A_606, %jit3A_643 : i32
      %ne3A_661 = arith.constant 0 : i32
      %ne3A_662 = arith.cmpi ne, %rem3A_660, %ne3A_661 : i32
      %and3A_663 = arith.andi %ne3A_659, %ne3A_662 : i1
      %sub3A_664 = arith.constant 1 : i32
      %sub3A_665 = arith.subi %div3A_644, %sub3A_664 : i32
      %select_n3A_666 = arith.select %and3A_663, %sub3A_665, %div3A_644 : i32
      %jit3A_667 = arith.constant 8 : i32
      %eq3A_668 = arith.constant 0 : i32
      %eq3A_669 = arith.cmpi eq, %jit3A_667, %eq3A_668 : i32
      %jit3A_670 = arith.constant 1 : i32
      %select_n3A_671 = arith.select %eq3A_669, %jit3A_670, %jit3A_667 : i32
      %rem3A_672 = arith.remsi %scan3A_606, %select_n3A_671 : i32
      %ne3A_673 = arith.constant 0 : i32
      %ne3A_674 = arith.cmpi ne, %rem3A_672, %ne3A_673 : i32
      %lt3A_675 = arith.constant 0 : i32
      %lt3A_676 = arith.cmpi slt, %rem3A_672, %lt3A_675 : i32
      %lt3A_677 = arith.constant 0 : i32
      %lt3A_678 = arith.cmpi slt, %select_n3A_671, %lt3A_677 : i32
      %ne3A_679 = arith.xori %lt3A_676, %lt3A_678 : i1
      %and3A_680 = arith.andi %ne3A_679, %ne3A_674 : i1
      %add3A_681 = arith.addi %rem3A_672, %select_n3A_671 : i32
      %select_n3A_682 = arith.select %and3A_680, %add3A_681, %rem3A_672 : i32
      %mul3A_683 = arith.constant 16 : i32
      %mul3A_684 = arith.muli %select_n3A_682, %mul3A_683 : i32
      %get3A_685 = arith.index_cast %select_n3A_666 : i32 to index
      %get3A_686 = arith.index_cast %mul3A_684 : i32 to index
      %get3A_687 = tpu.vector_load %arg8[%get3A_685, %get3A_686] {strides = array<i32>} : memref<4x128xi32, #tpu.memory_space<vmem>>, vector<16xi32>,
      %add3A_688 = arith.constant 1 : i32
      %add3A_689 = arith.addi %scan3A_606, %add3A_688 : i32
      %min3A_690 = arith.constant 31 : i32
      %min3A_691 = arith.minsi %add3A_689, %min3A_690 : i32
      %jit3A_692 = arith.constant 8 : i32
      %div3A_693 = arith.divsi %min3A_691, %jit3A_692 : i32
      %sign3A_694 = arith.constant 0 : i32
      %sign3A_695 = arith.cmpi sgt, %min3A_691, %sign3A_694 : i32
      %sign3A_696 = arith.extui %sign3A_695 : i1 to i32
      %sign3A_697 = arith.constant 0 : i32
      %sign3A_698 = arith.cmpi slt, %min3A_691, %sign3A_697 : i32
      %sign3A_699 = arith.extui %sign3A_698 : i1 to i32
      %sign3A_700 = arith.subi %sign3A_696, %sign3A_699 : i32
      %sign3A_701 = arith.constant 0 : i32
      %sign3A_702 = arith.cmpi sgt, %jit3A_692, %sign3A_701 : i32
      %sign3A_703 = arith.extui %sign3A_702 : i1 to i32
      %sign3A_704 = arith.constant 0 : i32
      %sign3A_705 = arith.cmpi slt, %jit3A_692, %sign3A_704 : i32
      %sign3A_706 = arith.extui %sign3A_705 : i1 to i32
      %sign3A_707 = arith.subi %sign3A_703, %sign3A_706 : i32
      %ne3A_708 = arith.cmpi ne, %sign3A_700, %sign3A_707 : i32
      %rem3A_709 = arith.remsi %min3A_691, %jit3A_692 : i32
      %ne3A_710 = arith.constant 0 : i32
      %ne3A_711 = arith.cmpi ne, %rem3A_709, %ne3A_710 : i32
      %and3A_712 = arith.andi %ne3A_708, %ne3A_711 : i1
      %sub3A_713 = arith.constant 1 : i32
      %sub3A_714 = arith.subi %div3A_693, %sub3A_713 : i32
      %select_n3A_715 = arith.select %and3A_712, %sub3A_714, %div3A_693 : i32
      %jit3A_716 = arith.constant 8 : i32
      %eq3A_717 = arith.constant 0 : i32
      %eq3A_718 = arith.cmpi eq, %jit3A_716, %eq3A_717 : i32
      %jit3A_719 = arith.constant 1 : i32
      %select_n3A_720 = arith.select %eq3A_718, %jit3A_719, %jit3A_716 : i32
      %rem3A_721 = arith.remsi %min3A_691, %select_n3A_720 : i32
      %ne3A_722 = arith.constant 0 : i32
      %ne3A_723 = arith.cmpi ne, %rem3A_721, %ne3A_722 : i32
      %lt3A_724 = arith.constant 0 : i32
      %lt3A_725 = arith.cmpi slt, %rem3A_721, %lt3A_724 : i32
      %lt3A_726 = arith.constant 0 : i32
      %lt3A_727 = arith.cmpi slt, %select_n3A_720, %lt3A_726 : i32
      %ne3A_728 = arith.xori %lt3A_725, %lt3A_727 : i1
      %and3A_729 = arith.andi %ne3A_728, %ne3A_723 : i1
      %add3A_730 = arith.addi %rem3A_721, %select_n3A_720 : i32
      %select_n3A_731 = arith.select %and3A_729, %add3A_730, %rem3A_721 : i32
      %mul3A_732 = arith.constant 16 : i32
      %mul3A_733 = arith.muli %select_n3A_731, %mul3A_732 : i32
      %get3A_734 = arith.index_cast %select_n3A_715 : i32 to index
      %get3A_735 = arith.index_cast %mul3A_733 : i32 to index
      %get3A_736 = tpu.vector_load %arg7[%get3A_734, %get3A_735] {strides = array<i32>} : memref<4x128xi32, #tpu.memory_space<vmem>>, vector<16xi32>,
      %jit3A_737 = arith.constant 8 : i32
      %div3A_738 = arith.divsi %min3A_691, %jit3A_737 : i32
      %sign3A_739 = arith.constant 0 : i32
      %sign3A_740 = arith.cmpi sgt, %min3A_691, %sign3A_739 : i32
      %sign3A_741 = arith.extui %sign3A_740 : i1 to i32
      %sign3A_742 = arith.constant 0 : i32
      %sign3A_743 = arith.cmpi slt, %min3A_691, %sign3A_742 : i32
      %sign3A_744 = arith.extui %sign3A_743 : i1 to i32
      %sign3A_745 = arith.subi %sign3A_741, %sign3A_744 : i32
      %sign3A_746 = arith.constant 0 : i32
      %sign3A_747 = arith.cmpi sgt, %jit3A_737, %sign3A_746 : i32
      %sign3A_748 = arith.extui %sign3A_747 : i1 to i32
      %sign3A_749 = arith.constant 0 : i32
      %sign3A_750 = arith.cmpi slt, %jit3A_737, %sign3A_749 : i32
      %sign3A_751 = arith.extui %sign3A_750 : i1 to i32
      %sign3A_752 = arith.subi %sign3A_748, %sign3A_751 : i32
      %ne3A_753 = arith.cmpi ne, %sign3A_745, %sign3A_752 : i32
      %rem3A_754 = arith.remsi %min3A_691, %jit3A_737 : i32
      %ne3A_755 = arith.constant 0 : i32
      %ne3A_756 = arith.cmpi ne, %rem3A_754, %ne3A_755 : i32
      %and3A_757 = arith.andi %ne3A_753, %ne3A_756 : i1
      %sub3A_758 = arith.constant 1 : i32
      %sub3A_759 = arith.subi %div3A_738, %sub3A_758 : i32
      %select_n3A_760 = arith.select %and3A_757, %sub3A_759, %div3A_738 : i32
      %jit3A_761 = arith.constant 8 : i32
      %eq3A_762 = arith.constant 0 : i32
      %eq3A_763 = arith.cmpi eq, %jit3A_761, %eq3A_762 : i32
      %jit3A_764 = arith.constant 1 : i32
      %select_n3A_765 = arith.select %eq3A_763, %jit3A_764, %jit3A_761 : i32
      %rem3A_766 = arith.remsi %min3A_691, %select_n3A_765 : i32
      %ne3A_767 = arith.constant 0 : i32
      %ne3A_768 = arith.cmpi ne, %rem3A_766, %ne3A_767 : i32
      %lt3A_769 = arith.constant 0 : i32
      %lt3A_770 = arith.cmpi slt, %rem3A_766, %lt3A_769 : i32
      %lt3A_771 = arith.constant 0 : i32
      %lt3A_772 = arith.cmpi slt, %select_n3A_765, %lt3A_771 : i32
      %ne3A_773 = arith.xori %lt3A_770, %lt3A_772 : i1
      %and3A_774 = arith.andi %ne3A_773, %ne3A_768 : i1
      %add3A_775 = arith.addi %rem3A_766, %select_n3A_765 : i32
      %select_n3A_776 = arith.select %and3A_774, %add3A_775, %rem3A_766 : i32
      %mul3A_777 = arith.constant 16 : i32
      %mul3A_778 = arith.muli %select_n3A_776, %mul3A_777 : i32
      %get3A_779 = arith.index_cast %select_n3A_760 : i32 to index
      %get3A_780 = arith.index_cast %mul3A_778 : i32 to index
      %get3A_781 = tpu.vector_load %arg8[%get3A_779, %get3A_780] {strides = array<i32>} : memref<4x128xi32, #tpu.memory_space<vmem>>, vector<16xi32>,
      %slice3A_782 = vector.extract_strided_slice %get3A_642 {offsets = [0], sizes = [1], strides = [1]} : vector<16xi32> to vector<1xi32>
      %squeeze3A_783 = vector.extract %slice3A_782[0] : i32 from vector<1xi32>
      %slice3A_784 = vector.extract_strided_slice %get3A_642 {offsets = [1], sizes = [1], strides = [1]} : vector<16xi32> to vector<1xi32>
      %squeeze3A_785 = vector.extract %slice3A_784[0] : i32 from vector<1xi32>
      %slice3A_786 = vector.extract_strided_slice %get3A_642 {offsets = [2], sizes = [1], strides = [1]} : vector<16xi32> to vector<1xi32>
      %squeeze3A_787 = vector.extract %slice3A_786[0] : i32 from vector<1xi32>
      %slice3A_788 = vector.extract_strided_slice %get3A_642 {offsets = [3], sizes = [1], strides = [1]} : vector<16xi32> to vector<1xi32>
      %squeeze3A_789 = vector.extract %slice3A_788[0] : i32 from vector<1xi32>
      %slice3A_790 = vector.extract_strided_slice %get3A_642 {offsets = [4], sizes = [1], strides = [1]} : vector<16xi32> to vector<1xi32>
      %squeeze3A_791 = vector.extract %slice3A_790[0] : i32 from vector<1xi32>
      %slice3A_792 = vector.extract_strided_slice %get3A_642 {offsets = [5], sizes = [1], strides = [1]} : vector<16xi32> to vector<1xi32>
      %squeeze3A_793 = vector.extract %slice3A_792[0] : i32 from vector<1xi32>
      %slice3A_794 = vector.extract_strided_slice %get3A_642 {offsets = [6], sizes = [1], strides = [1]} : vector<16xi32> to vector<1xi32>
      %squeeze3A_795 = vector.extract %slice3A_794[0] : i32 from vector<1xi32>
      %slice3A_796 = vector.extract_strided_slice %get3A_642 {offsets = [7], sizes = [1], strides = [1]} : vector<16xi32> to vector<1xi32>
      %squeeze3A_797 = vector.extract %slice3A_796[0] : i32 from vector<1xi32>
      %slice3A_798 = vector.extract_strided_slice %get3A_687 {offsets = [0], sizes = [1], strides = [1]} : vector<16xi32> to vector<1xi32>
      %squeeze3A_799 = vector.extract %slice3A_798[0] : i32 from vector<1xi32>
      %slice3A_800 = vector.extract_strided_slice %get3A_687 {offsets = [1], sizes = [1], strides = [1]} : vector<16xi32> to vector<1xi32>
      %squeeze3A_801 = vector.extract %slice3A_800[0] : i32 from vector<1xi32>
      %slice3A_802 = vector.extract_strided_slice %get3A_687 {offsets = [2], sizes = [1], strides = [1]} : vector<16xi32> to vector<1xi32>
      %squeeze3A_803 = vector.extract %slice3A_802[0] : i32 from vector<1xi32>
      %slice3A_804 = vector.extract_strided_slice %get3A_687 {offsets = [3], sizes = [1], strides = [1]} : vector<16xi32> to vector<1xi32>
      %squeeze3A_805 = vector.extract %slice3A_804[0] : i32 from vector<1xi32>
      %slice3A_806 = vector.extract_strided_slice %get3A_687 {offsets = [4], sizes = [1], strides = [1]} : vector<16xi32> to vector<1xi32>
      %squeeze3A_807 = vector.extract %slice3A_806[0] : i32 from vector<1xi32>
      %slice3A_808 = vector.extract_strided_slice %get3A_687 {offsets = [5], sizes = [1], strides = [1]} : vector<16xi32> to vector<1xi32>
      %squeeze3A_809 = vector.extract %slice3A_808[0] : i32 from vector<1xi32>
      %slice3A_810 = vector.extract_strided_slice %get3A_687 {offsets = [6], sizes = [1], strides = [1]} : vector<16xi32> to vector<1xi32>
      %squeeze3A_811 = vector.extract %slice3A_810[0] : i32 from vector<1xi32>
      %slice3A_812 = vector.extract_strided_slice %get3A_687 {offsets = [7], sizes = [1], strides = [1]} : vector<16xi32> to vector<1xi32>
      %squeeze3A_813 = vector.extract %slice3A_812[0] : i32 from vector<1xi32>
      %slice3A_814 = vector.extract_strided_slice %get3A_642 {offsets = [8], sizes = [1], strides = [1]} : vector<16xi32> to vector<1xi32>
      %squeeze3A_815 = vector.extract %slice3A_814[0] : i32 from vector<1xi32>
      %slice3A_816 = vector.extract_strided_slice %get3A_642 {offsets = [9], sizes = [1], strides = [1]} : vector<16xi32> to vector<1xi32>
      %squeeze3A_817 = vector.extract %slice3A_816[0] : i32 from vector<1xi32>
      %slice3A_818 = vector.extract_strided_slice %get3A_642 {offsets = [10], sizes = [1], strides = [1]} : vector<16xi32> to vector<1xi32>
      %squeeze3A_819 = vector.extract %slice3A_818[0] : i32 from vector<1xi32>
      %slice3A_820 = vector.extract_strided_slice %get3A_642 {offsets = [11], sizes = [1], strides = [1]} : vector<16xi32> to vector<1xi32>
      %squeeze3A_821 = vector.extract %slice3A_820[0] : i32 from vector<1xi32>
      %slice3A_822 = vector.extract_strided_slice %get3A_642 {offsets = [12], sizes = [1], strides = [1]} : vector<16xi32> to vector<1xi32>
      %squeeze3A_823 = vector.extract %slice3A_822[0] : i32 from vector<1xi32>
      %slice3A_824 = vector.extract_strided_slice %get3A_642 {offsets = [13], sizes = [1], strides = [1]} : vector<16xi32> to vector<1xi32>
      %squeeze3A_825 = vector.extract %slice3A_824[0] : i32 from vector<1xi32>
      %slice3A_826 = vector.extract_strided_slice %get3A_642 {offsets = [14], sizes = [1], strides = [1]} : vector<16xi32> to vector<1xi32>
      %squeeze3A_827 = vector.extract %slice3A_826[0] : i32 from vector<1xi32>
      %slice3A_828 = vector.extract_strided_slice %get3A_642 {offsets = [15], sizes = [1], strides = [1]} : vector<16xi32> to vector<1xi32>
      %squeeze3A_829 = vector.extract %slice3A_828[0] : i32 from vector<1xi32>
      %slice3A_830 = vector.extract_strided_slice %get3A_687 {offsets = [8], sizes = [1], strides = [1]} : vector<16xi32> to vector<1xi32>
      %squeeze3A_831 = vector.extract %slice3A_830[0] : i32 from vector<1xi32>
      %slice3A_832 = vector.extract_strided_slice %get3A_687 {offsets = [9], sizes = [1], strides = [1]} : vector<16xi32> to vector<1xi32>
      %squeeze3A_833 = vector.extract %slice3A_832[0] : i32 from vector<1xi32>
      %slice3A_834 = vector.extract_strided_slice %get3A_687 {offsets = [10], sizes = [1], strides = [1]} : vector<16xi32> to vector<1xi32>
      %squeeze3A_835 = vector.extract %slice3A_834[0] : i32 from vector<1xi32>
      %slice3A_836 = vector.extract_strided_slice %get3A_687 {offsets = [11], sizes = [1], strides = [1]} : vector<16xi32> to vector<1xi32>
      %squeeze3A_837 = vector.extract %slice3A_836[0] : i32 from vector<1xi32>
      %slice3A_838 = vector.extract_strided_slice %get3A_687 {offsets = [12], sizes = [1], strides = [1]} : vector<16xi32> to vector<1xi32>
      %squeeze3A_839 = vector.extract %slice3A_838[0] : i32 from vector<1xi32>
      %slice3A_840 = vector.extract_strided_slice %get3A_687 {offsets = [13], sizes = [1], strides = [1]} : vector<16xi32> to vector<1xi32>
      %squeeze3A_841 = vector.extract %slice3A_840[0] : i32 from vector<1xi32>
      %slice3A_842 = vector.extract_strided_slice %get3A_687 {offsets = [14], sizes = [1], strides = [1]} : vector<16xi32> to vector<1xi32>
      %squeeze3A_843 = vector.extract %slice3A_842[0] : i32 from vector<1xi32>
      %slice3A_844 = vector.extract_strided_slice %get3A_687 {offsets = [15], sizes = [1], strides = [1]} : vector<16xi32> to vector<1xi32>
      %squeeze3A_845 = vector.extract %slice3A_844[0] : i32 from vector<1xi32>
      %shift_right_logical3A_846 = arith.constant 7 : i32
      %shift_right_logical3A_847 = arith.shrui %squeeze3A_831, %shift_right_logical3A_846 : i32
      %mul3A_848 = arith.constant 128 : i32
      %mul3A_849 = arith.muli %shift_right_logical3A_847, %mul3A_848 : i32
      %min3A_850 = arith.constant 999808 : i32
      %min3A_851 = arith.minsi %mul3A_849, %min3A_850 : i32
      %multiple_of3A_852 = tpu.assume_multiple %min3A_851, 128 : i32
      %dma_start3A_853 = arith.constant 0 : i32
      %dma_start3A_854 = arith.constant 0 : i32
      %dma_start3A_855 = arith.constant 0 : i32
      %dma_start3A_856 = tpu.memref_slice %arg11[%dma_start3A_853, %dma_start3A_854, %dma_start3A_855] : memref<8x32x128xf32, #tpu.memory_space<vmem>> -> memref<1x32x128xf32, #tpu.memory_space<vmem>>
      %dma_start3A_857 = tpu.memref_squeeze %dma_start3A_856 : memref<1x32x128xf32, #tpu.memory_space<vmem>> -> memref<32x128xf32, #tpu.memory_space<vmem>>
      %dma_start3A_858 = arith.constant 0 : i32
      %dma_start3A_859 = tpu.memref_slice %arg5[%dma_start3A_858, %multiple_of3A_852] : memref<32x1000000xf32, #tpu.memory_space<hbm>> -> memref<32x128xf32, #tpu.memory_space<hbm>>
      %dma_start3A_860 = arith.constant 0 : i32
      %dma_start3A_861 = arith.constant 0 : i32
      %dma_start3A_862 = tpu.memref_slice %arg11[%dma_start3A_853, %dma_start3A_860, %dma_start3A_861] : memref<8x32x128xf32, #tpu.memory_space<vmem>> -> memref<1x32x128xf32, #tpu.memory_space<vmem>>
      %dma_start3A_863 = tpu.memref_squeeze %dma_start3A_862 : memref<1x32x128xf32, #tpu.memory_space<vmem>> -> memref<32x128xf32, #tpu.memory_space<vmem>>
      %dma_start3A_864 = arith.constant 0 : i32
      %dma_start3A_865 = tpu.memref_slice %arg5[%dma_start3A_864, %multiple_of3A_852] : memref<32x1000000xf32, #tpu.memory_space<hbm>> -> memref<32x128xf32, #tpu.memory_space<hbm>>
      tpu.enqueue_dma source(%dma_start3A_865 : memref<32x128xf32, #tpu.memory_space<hbm>>) target(%dma_start3A_863 : memref<32x128xf32, #tpu.memory_space<vmem>>) target_semaphore(%arg18 : memref<!tpu.dma_semaphore, #tpu.memory_space<semaphore_mem>>)
      %shift_right_logical3A_866 = arith.constant 7 : i32
      %shift_right_logical3A_867 = arith.shrui %squeeze3A_833, %shift_right_logical3A_866 : i32
      %mul3A_868 = arith.constant 128 : i32
      %mul3A_869 = arith.muli %shift_right_logical3A_867, %mul3A_868 : i32
      %min3A_870 = arith.constant 999808 : i32
      %min3A_871 = arith.minsi %mul3A_869, %min3A_870 : i32
      %multiple_of3A_872 = tpu.assume_multiple %min3A_871, 128 : i32
      %dma_start3A_873 = arith.constant 1 : i32
      %dma_start3A_874 = arith.constant 0 : i32
      %dma_start3A_875 = arith.constant 0 : i32
      %dma_start3A_876 = tpu.memref_slice %arg11[%dma_start3A_873, %dma_start3A_874, %dma_start3A_875] : memref<8x32x128xf32, #tpu.memory_space<vmem>> -> memref<1x32x128xf32, #tpu.memory_space<vmem>>
      %dma_start3A_877 = tpu.memref_squeeze %dma_start3A_876 : memref<1x32x128xf32, #tpu.memory_space<vmem>> -> memref<32x128xf32, #tpu.memory_space<vmem>>
      %dma_start3A_878 = arith.constant 0 : i32
      %dma_start3A_879 = tpu.memref_slice %arg5[%dma_start3A_878, %multiple_of3A_872] : memref<32x1000000xf32, #tpu.memory_space<hbm>> -> memref<32x128xf32, #tpu.memory_space<hbm>>
      %dma_start3A_880 = arith.constant 0 : i32
      %dma_start3A_881 = arith.constant 0 : i32
      %dma_start3A_882 = tpu.memref_slice %arg11[%dma_start3A_873, %dma_start3A_880, %dma_start3A_881] : memref<8x32x128xf32, #tpu.memory_space<vmem>> -> memref<1x32x128xf32, #tpu.memory_space<vmem>>
      %dma_start3A_883 = tpu.memref_squeeze %dma_start3A_882 : memref<1x32x128xf32, #tpu.memory_space<vmem>> -> memref<32x128xf32, #tpu.memory_space<vmem>>
      %dma_start3A_884 = arith.constant 0 : i32
      %dma_start3A_885 = tpu.memref_slice %arg5[%dma_start3A_884, %multiple_of3A_872] : memref<32x1000000xf32, #tpu.memory_space<hbm>> -> memref<32x128xf32, #tpu.memory_space<hbm>>
      tpu.enqueue_dma source(%dma_start3A_885 : memref<32x128xf32, #tpu.memory_space<hbm>>) target(%dma_start3A_883 : memref<32x128xf32, #tpu.memory_space<vmem>>) target_semaphore(%arg18 : memref<!tpu.dma_semaphore, #tpu.memory_space<semaphore_mem>>)
      %shift_right_logical3A_886 = arith.constant 7 : i32
      %shift_right_logical3A_887 = arith.shrui %squeeze3A_835, %shift_right_logical3A_886 : i32
      %mul3A_888 = arith.constant 128 : i32
      %mul3A_889 = arith.muli %shift_right_logical3A_887, %mul3A_888 : i32
      %min3A_890 = arith.constant 999808 : i32
      %min3A_891 = arith.minsi %mul3A_889, %min3A_890 : i32
      %multiple_of3A_892 = tpu.assume_multiple %min3A_891, 128 : i32
      %dma_start3A_893 = arith.constant 2 : i32
      %dma_start3A_894 = arith.constant 0 : i32
      %dma_start3A_895 = arith.constant 0 : i32
      %dma_start3A_896 = tpu.memref_slice %arg11[%dma_start3A_893, %dma_start3A_894, %dma_start3A_895] : memref<8x32x128xf32, #tpu.memory_space<vmem>> -> memref<1x32x128xf32, #tpu.memory_space<vmem>>
      %dma_start3A_897 = tpu.memref_squeeze %dma_start3A_896 : memref<1x32x128xf32, #tpu.memory_space<vmem>> -> memref<32x128xf32, #tpu.memory_space<vmem>>
      %dma_start3A_898 = arith.constant 0 : i32
      %dma_start3A_899 = tpu.memref_slice %arg5[%dma_start3A_898, %multiple_of3A_892] : memref<32x1000000xf32, #tpu.memory_space<hbm>> -> memref<32x128xf32, #tpu.memory_space<hbm>>
      %dma_start3A_900 = arith.constant 0 : i32
      %dma_start3A_901 = arith.constant 0 : i32
      %dma_start3A_902 = tpu.memref_slice %arg11[%dma_start3A_893, %dma_start3A_900, %dma_start3A_901] : memref<8x32x128xf32, #tpu.memory_space<vmem>> -> memref<1x32x128xf32, #tpu.memory_space<vmem>>
      %dma_start3A_903 = tpu.memref_squeeze %dma_start3A_902 : memref<1x32x128xf32, #tpu.memory_space<vmem>> -> memref<32x128xf32, #tpu.memory_space<vmem>>
      %dma_start3A_904 = arith.constant 0 : i32
      %dma_start3A_905 = tpu.memref_slice %arg5[%dma_start3A_904, %multiple_of3A_892] : memref<32x1000000xf32, #tpu.memory_space<hbm>> -> memref<32x128xf32, #tpu.memory_space<hbm>>
      tpu.enqueue_dma source(%dma_start3A_905 : memref<32x128xf32, #tpu.memory_space<hbm>>) target(%dma_start3A_903 : memref<32x128xf32, #tpu.memory_space<vmem>>) target_semaphore(%arg18 : memref<!tpu.dma_semaphore, #tpu.memory_space<semaphore_mem>>)
      %shift_right_logical3A_906 = arith.constant 7 : i32
      %shift_right_logical3A_907 = arith.shrui %squeeze3A_837, %shift_right_logical3A_906 : i32
      %mul3A_908 = arith.constant 128 : i32
      %mul3A_909 = arith.muli %shift_right_logical3A_907, %mul3A_908 : i32
      %min3A_910 = arith.constant 999808 : i32
      %min3A_911 = arith.minsi %mul3A_909, %min3A_910 : i32
      %multiple_of3A_912 = tpu.assume_multiple %min3A_911, 128 : i32
      %dma_start3A_913 = arith.constant 3 : i32
      %dma_start3A_914 = arith.constant 0 : i32
      %dma_start3A_915 = arith.constant 0 : i32
      %dma_start3A_916 = tpu.memref_slice %arg11[%dma_start3A_913, %dma_start3A_914, %dma_start3A_915] : memref<8x32x128xf32, #tpu.memory_space<vmem>> -> memref<1x32x128xf32, #tpu.memory_space<vmem>>
      %dma_start3A_917 = tpu.memref_squeeze %dma_start3A_916 : memref<1x32x128xf32, #tpu.memory_space<vmem>> -> memref<32x128xf32, #tpu.memory_space<vmem>>
      %dma_start3A_918 = arith.constant 0 : i32
      %dma_start3A_919 = tpu.memref_slice %arg5[%dma_start3A_918, %multiple_of3A_912] : memref<32x1000000xf32, #tpu.memory_space<hbm>> -> memref<32x128xf32, #tpu.memory_space<hbm>>
      %dma_start3A_920 = arith.constant 0 : i32
      %dma_start3A_921 = arith.constant 0 : i32
      %dma_start3A_922 = tpu.memref_slice %arg11[%dma_start3A_913, %dma_start3A_920, %dma_start3A_921] : memref<8x32x128xf32, #tpu.memory_space<vmem>> -> memref<1x32x128xf32, #tpu.memory_space<vmem>>
      %dma_start3A_923 = tpu.memref_squeeze %dma_start3A_922 : memref<1x32x128xf32, #tpu.memory_space<vmem>> -> memref<32x128xf32, #tpu.memory_space<vmem>>
      %dma_start3A_924 = arith.constant 0 : i32
      %dma_start3A_925 = tpu.memref_slice %arg5[%dma_start3A_924, %multiple_of3A_912] : memref<32x1000000xf32, #tpu.memory_space<hbm>> -> memref<32x128xf32, #tpu.memory_space<hbm>>
      tpu.enqueue_dma source(%dma_start3A_925 : memref<32x128xf32, #tpu.memory_space<hbm>>) target(%dma_start3A_923 : memref<32x128xf32, #tpu.memory_space<vmem>>) target_semaphore(%arg18 : memref<!tpu.dma_semaphore, #tpu.memory_space<semaphore_mem>>)
      %shift_right_logical3A_926 = arith.constant 7 : i32
      %shift_right_logical3A_927 = arith.shrui %squeeze3A_839, %shift_right_logical3A_926 : i32
      %mul3A_928 = arith.constant 128 : i32
      %mul3A_929 = arith.muli %shift_right_logical3A_927, %mul3A_928 : i32
      %min3A_930 = arith.constant 999808 : i32
      %min3A_931 = arith.minsi %mul3A_929, %min3A_930 : i32
      %multiple_of3A_932 = tpu.assume_multiple %min3A_931, 128 : i32
      %dma_start3A_933 = arith.constant 4 : i32
      %dma_start3A_934 = arith.constant 0 : i32
      %dma_start3A_935 = arith.constant 0 : i32
      %dma_start3A_936 = tpu.memref_slice %arg11[%dma_start3A_933, %dma_start3A_934, %dma_start3A_935] : memref<8x32x128xf32, #tpu.memory_space<vmem>> -> memref<1x32x128xf32, #tpu.memory_space<vmem>>
      %dma_start3A_937 = tpu.memref_squeeze %dma_start3A_936 : memref<1x32x128xf32, #tpu.memory_space<vmem>> -> memref<32x128xf32, #tpu.memory_space<vmem>>
      %dma_start3A_938 = arith.constant 0 : i32
      %dma_start3A_939 = tpu.memref_slice %arg5[%dma_start3A_938, %multiple_of3A_932] : memref<32x1000000xf32, #tpu.memory_space<hbm>> -> memref<32x128xf32, #tpu.memory_space<hbm>>
      %dma_start3A_940 = arith.constant 0 : i32
      %dma_start3A_941 = arith.constant 0 : i32
      %dma_start3A_942 = tpu.memref_slice %arg11[%dma_start3A_933, %dma_start3A_940, %dma_start3A_941] : memref<8x32x128xf32, #tpu.memory_space<vmem>> -> memref<1x32x128xf32, #tpu.memory_space<vmem>>
      %dma_start3A_943 = tpu.memref_squeeze %dma_start3A_942 : memref<1x32x128xf32, #tpu.memory_space<vmem>> -> memref<32x128xf32, #tpu.memory_space<vmem>>
      %dma_start3A_944 = arith.constant 0 : i32
      %dma_start3A_945 = tpu.memref_slice %arg5[%dma_start3A_944, %multiple_of3A_932] : memref<32x1000000xf32, #tpu.memory_space<hbm>> -> memref<32x128xf32, #tpu.memory_space<hbm>>
      tpu.enqueue_dma source(%dma_start3A_945 : memref<32x128xf32, #tpu.memory_space<hbm>>) target(%dma_start3A_943 : memref<32x128xf32, #tpu.memory_space<vmem>>) target_semaphore(%arg18 : memref<!tpu.dma_semaphore, #tpu.memory_space<semaphore_mem>>)
      %shift_right_logical3A_946 = arith.constant 7 : i32
      %shift_right_logical3A_947 = arith.shrui %squeeze3A_841, %shift_right_logical3A_946 : i32
      %mul3A_948 = arith.constant 128 : i32
      %mul3A_949 = arith.muli %shift_right_logical3A_947, %mul3A_948 : i32
      %min3A_950 = arith.constant 999808 : i32
      %min3A_951 = arith.minsi %mul3A_949, %min3A_950 : i32
      %multiple_of3A_952 = tpu.assume_multiple %min3A_951, 128 : i32
      %dma_start3A_953 = arith.constant 5 : i32
      %dma_start3A_954 = arith.constant 0 : i32
      %dma_start3A_955 = arith.constant 0 : i32
      %dma_start3A_956 = tpu.memref_slice %arg11[%dma_start3A_953, %dma_start3A_954, %dma_start3A_955] : memref<8x32x128xf32, #tpu.memory_space<vmem>> -> memref<1x32x128xf32, #tpu.memory_space<vmem>>
      %dma_start3A_957 = tpu.memref_squeeze %dma_start3A_956 : memref<1x32x128xf32, #tpu.memory_space<vmem>> -> memref<32x128xf32, #tpu.memory_space<vmem>>
      %dma_start3A_958 = arith.constant 0 : i32
      %dma_start3A_959 = tpu.memref_slice %arg5[%dma_start3A_958, %multiple_of3A_952] : memref<32x1000000xf32, #tpu.memory_space<hbm>> -> memref<32x128xf32, #tpu.memory_space<hbm>>
      %dma_start3A_960 = arith.constant 0 : i32
      %dma_start3A_961 = arith.constant 0 : i32
      %dma_start3A_962 = tpu.memref_slice %arg11[%dma_start3A_953, %dma_start3A_960, %dma_start3A_961] : memref<8x32x128xf32, #tpu.memory_space<vmem>> -> memref<1x32x128xf32, #tpu.memory_space<vmem>>
      %dma_start3A_963 = tpu.memref_squeeze %dma_start3A_962 : memref<1x32x128xf32, #tpu.memory_space<vmem>> -> memref<32x128xf32, #tpu.memory_space<vmem>>
      %dma_start3A_964 = arith.constant 0 : i32
      %dma_start3A_965 = tpu.memref_slice %arg5[%dma_start3A_964, %multiple_of3A_952] : memref<32x1000000xf32, #tpu.memory_space<hbm>> -> memref<32x128xf32, #tpu.memory_space<hbm>>
      tpu.enqueue_dma source(%dma_start3A_965 : memref<32x128xf32, #tpu.memory_space<hbm>>) target(%dma_start3A_963 : memref<32x128xf32, #tpu.memory_space<vmem>>) target_semaphore(%arg18 : memref<!tpu.dma_semaphore, #tpu.memory_space<semaphore_mem>>)
      %shift_right_logical3A_966 = arith.constant 7 : i32
      %shift_right_logical3A_967 = arith.shrui %squeeze3A_843, %shift_right_logical3A_966 : i32
      %mul3A_968 = arith.constant 128 : i32
      %mul3A_969 = arith.muli %shift_right_logical3A_967, %mul3A_968 : i32
      %min3A_970 = arith.constant 999808 : i32
      %min3A_971 = arith.minsi %mul3A_969, %min3A_970 : i32
      %multiple_of3A_972 = tpu.assume_multiple %min3A_971, 128 : i32
      %dma_start3A_973 = arith.constant 6 : i32
      %dma_start3A_974 = arith.constant 0 : i32
      %dma_start3A_975 = arith.constant 0 : i32
      %dma_start3A_976 = tpu.memref_slice %arg11[%dma_start3A_973, %dma_start3A_974, %dma_start3A_975] : memref<8x32x128xf32, #tpu.memory_space<vmem>> -> memref<1x32x128xf32, #tpu.memory_space<vmem>>
      %dma_start3A_977 = tpu.memref_squeeze %dma_start3A_976 : memref<1x32x128xf32, #tpu.memory_space<vmem>> -> memref<32x128xf32, #tpu.memory_space<vmem>>
      %dma_start3A_978 = arith.constant 0 : i32
      %dma_start3A_979 = tpu.memref_slice %arg5[%dma_start3A_978, %multiple_of3A_972] : memref<32x1000000xf32, #tpu.memory_space<hbm>> -> memref<32x128xf32, #tpu.memory_space<hbm>>
      %dma_start3A_980 = arith.constant 0 : i32
      %dma_start3A_981 = arith.constant 0 : i32
      %dma_start3A_982 = tpu.memref_slice %arg11[%dma_start3A_973, %dma_start3A_980, %dma_start3A_981] : memref<8x32x128xf32, #tpu.memory_space<vmem>> -> memref<1x32x128xf32, #tpu.memory_space<vmem>>
      %dma_start3A_983 = tpu.memref_squeeze %dma_start3A_982 : memref<1x32x128xf32, #tpu.memory_space<vmem>> -> memref<32x128xf32, #tpu.memory_space<vmem>>
      %dma_start3A_984 = arith.constant 0 : i32
      %dma_start3A_985 = tpu.memref_slice %arg5[%dma_start3A_984, %multiple_of3A_972] : memref<32x1000000xf32, #tpu.memory_space<hbm>> -> memref<32x128xf32, #tpu.memory_space<hbm>>
      tpu.enqueue_dma source(%dma_start3A_985 : memref<32x128xf32, #tpu.memory_space<hbm>>) target(%dma_start3A_983 : memref<32x128xf32, #tpu.memory_space<vmem>>) target_semaphore(%arg18 : memref<!tpu.dma_semaphore, #tpu.memory_space<semaphore_mem>>)
      %shift_right_logical3A_986 = arith.constant 7 : i32
      %shift_right_logical3A_987 = arith.shrui %squeeze3A_845, %shift_right_logical3A_986 : i32
      %mul3A_988 = arith.constant 128 : i32
      %mul3A_989 = arith.muli %shift_right_logical3A_987, %mul3A_988 : i32
      %min3A_990 = arith.constant 999808 : i32
      %min3A_991 = arith.minsi %mul3A_989, %min3A_990 : i32
      %multiple_of3A_992 = tpu.assume_multiple %min3A_991, 128 : i32
      %dma_start3A_993 = arith.constant 7 : i32
      %dma_start3A_994 = arith.constant 0 : i32
      %dma_start3A_995 = arith.constant 0 : i32
      %dma_start3A_996 = tpu.memref_slice %arg11[%dma_start3A_993, %dma_start3A_994, %dma_start3A_995] : memref<8x32x128xf32, #tpu.memory_space<vmem>> -> memref<1x32x128xf32, #tpu.memory_space<vmem>>
      %dma_start3A_997 = tpu.memref_squeeze %dma_start3A_996 : memref<1x32x128xf32, #tpu.memory_space<vmem>> -> memref<32x128xf32, #tpu.memory_space<vmem>>
      %dma_start3A_998 = arith.constant 0 : i32
      %dma_start3A_999 = tpu.memref_slice %arg5[%dma_start3A_998, %multiple_of3A_992] : memref<32x1000000xf32, #tpu.memory_space<hbm>> -> memref<32x128xf32, #tpu.memory_space<hbm>>
      %dma_start3A_1000 = arith.constant 0 : i32
      %dma_start3A_1001 = arith.constant 0 : i32
      %dma_start3A_1002 = tpu.memref_slice %arg11[%dma_start3A_993, %dma_start3A_1000, %dma_start3A_1001] : memref<8x32x128xf32, #tpu.memory_space<vmem>> -> memref<1x32x128xf32, #tpu.memory_space<vmem>>
      %dma_start3A_1003 = tpu.memref_squeeze %dma_start3A_1002 : memref<1x32x128xf32, #tpu.memory_space<vmem>> -> memref<32x128xf32, #tpu.memory_space<vmem>>
      %dma_start3A_1004 = arith.constant 0 : i32
      %dma_start3A_1005 = tpu.memref_slice %arg5[%dma_start3A_1004, %multiple_of3A_992] : memref<32x1000000xf32, #tpu.memory_space<hbm>> -> memref<32x128xf32, #tpu.memory_space<hbm>>
      tpu.enqueue_dma source(%dma_start3A_1005 : memref<32x128xf32, #tpu.memory_space<hbm>>) target(%dma_start3A_1003 : memref<32x128xf32, #tpu.memory_space<vmem>>) target_semaphore(%arg18 : memref<!tpu.dma_semaphore, #tpu.memory_space<semaphore_mem>>)
      %dma_wait3A_1006 = arith.constant 0 : i32
      %dma_wait3A_1007 = arith.constant 0 : i32
      %dma_wait3A_1008 = arith.constant 0 : i32
      %dma_wait3A_1009 = tpu.memref_slice %arg9[%dma_wait3A_1006, %dma_wait3A_1007, %dma_wait3A_1008] : memref<8x32x128xf32, #tpu.memory_space<vmem>> -> memref<1x32x128xf32, #tpu.memory_space<vmem>>
      %dma_wait3A_1010 = tpu.memref_squeeze %dma_wait3A_1009 : memref<1x32x128xf32, #tpu.memory_space<vmem>> -> memref<32x128xf32, #tpu.memory_space<vmem>>
      %dma_wait3A_1011 = arith.constant 0 : i32
      %dma_wait3A_1012 = arith.constant 0 : i32
      %dma_wait3A_1013 = tpu.memref_slice %arg4[%dma_wait3A_1011, %dma_wait3A_1012] : memref<32x1000000xf32, #tpu.memory_space<hbm>> -> memref<32x128xf32, #tpu.memory_space<hbm>>
      %dma_wait3A_1014 = arith.constant 0 : i32
      %dma_wait3A_1015 = arith.constant 0 : i32
      %dma_wait3A_1016 = tpu.memref_slice %arg9[%dma_wait3A_1006, %dma_wait3A_1014, %dma_wait3A_1015] : memref<8x32x128xf32, #tpu.memory_space<vmem>> -> memref<1x32x128xf32, #tpu.memory_space<vmem>>
      %dma_wait3A_1017 = tpu.memref_squeeze %dma_wait3A_1016 : memref<1x32x128xf32, #tpu.memory_space<vmem>> -> memref<32x128xf32, #tpu.memory_space<vmem>>
      %dma_wait3A_1018 = arith.constant 0 : i32
      %dma_wait3A_1019 = arith.constant 0 : i32
      %dma_wait3A_1020 = tpu.memref_slice %arg4[%dma_wait3A_1018, %dma_wait3A_1019] : memref<32x1000000xf32, #tpu.memory_space<hbm>> -> memref<32x128xf32, #tpu.memory_space<hbm>>
      tpu.wait_dma2 semaphore(%arg16 : memref<!tpu.dma_semaphore, #tpu.memory_space<semaphore_mem>>) src(%dma_wait3A_1020 : memref<32x128xf32, #tpu.memory_space<hbm>>) dst(%dma_wait3A_1017 : memref<32x128xf32, #tpu.memory_space<vmem>>)
      %dma_wait3A_1021 = arith.constant 1 : i32
      %dma_wait3A_1022 = arith.constant 0 : i32
      %dma_wait3A_1023 = arith.constant 0 : i32
      %dma_wait3A_1024 = tpu.memref_slice %arg9[%dma_wait3A_1021, %dma_wait3A_1022, %dma_wait3A_1023] : memref<8x32x128xf32, #tpu.memory_space<vmem>> -> memref<1x32x128xf32, #tpu.memory_space<vmem>>
      %dma_wait3A_1025 = tpu.memref_squeeze %dma_wait3A_1024 : memref<1x32x128xf32, #tpu.memory_space<vmem>> -> memref<32x128xf32, #tpu.memory_space<vmem>>
      %dma_wait3A_1026 = arith.constant 0 : i32
      %dma_wait3A_1027 = arith.constant 0 : i32
      %dma_wait3A_1028 = tpu.memref_slice %arg4[%dma_wait3A_1026, %dma_wait3A_1027] : memref<32x1000000xf32, #tpu.memory_space<hbm>> -> memref<32x128xf32, #tpu.memory_space<hbm>>
      %dma_wait3A_1029 = arith.constant 0 : i32
      %dma_wait3A_1030 = arith.constant 0 : i32
      %dma_wait3A_1031 = tpu.memref_slice %arg9[%dma_wait3A_1021, %dma_wait3A_1029, %dma_wait3A_1030] : memref<8x32x128xf32, #tpu.memory_space<vmem>> -> memref<1x32x128xf32, #tpu.memory_space<vmem>>
      %dma_wait3A_1032 = tpu.memref_squeeze %dma_wait3A_1031 : memref<1x32x128xf32, #tpu.memory_space<vmem>> -> memref<32x128xf32, #tpu.memory_space<vmem>>
      %dma_wait3A_1033 = arith.constant 0 : i32
      %dma_wait3A_1034 = arith.constant 0 : i32
      %dma_wait3A_1035 = tpu.memref_slice %arg4[%dma_wait3A_1033, %dma_wait3A_1034] : memref<32x1000000xf32, #tpu.memory_space<hbm>> -> memref<32x128xf32, #tpu.memory_space<hbm>>
      tpu.wait_dma2 semaphore(%arg16 : memref<!tpu.dma_semaphore, #tpu.memory_space<semaphore_mem>>) src(%dma_wait3A_1035 : memref<32x128xf32, #tpu.memory_space<hbm>>) dst(%dma_wait3A_1032 : memref<32x128xf32, #tpu.memory_space<vmem>>)
      %dma_wait3A_1036 = arith.constant 2 : i32
      %dma_wait3A_1037 = arith.constant 0 : i32
      %dma_wait3A_1038 = arith.constant 0 : i32
      %dma_wait3A_1039 = tpu.memref_slice %arg9[%dma_wait3A_1036, %dma_wait3A_1037, %dma_wait3A_1038] : memref<8x32x128xf32, #tpu.memory_space<vmem>> -> memref<1x32x128xf32, #tpu.memory_space<vmem>>
      %dma_wait3A_1040 = tpu.memref_squeeze %dma_wait3A_1039 : memref<1x32x128xf32, #tpu.memory_space<vmem>> -> memref<32x128xf32, #tpu.memory_space<vmem>>
      %dma_wait3A_1041 = arith.constant 0 : i32
      %dma_wait3A_1042 = arith.constant 0 : i32
      %dma_wait3A_1043 = tpu.memref_slice %arg4[%dma_wait3A_1041, %dma_wait3A_1042] : memref<32x1000000xf32, #tpu.memory_space<hbm>> -> memref<32x128xf32, #tpu.memory_space<hbm>>
      %dma_wait3A_1044 = arith.constant 0 : i32
      %dma_wait3A_1045 = arith.constant 0 : i32
      %dma_wait3A_1046 = tpu.memref_slice %arg9[%dma_wait3A_1036, %dma_wait3A_1044, %dma_wait3A_1045] : memref<8x32x128xf32, #tpu.memory_space<vmem>> -> memref<1x32x128xf32, #tpu.memory_space<vmem>>
      %dma_wait3A_1047 = tpu.memref_squeeze %dma_wait3A_1046 : memref<1x32x128xf32, #tpu.memory_space<vmem>> -> memref<32x128xf32, #tpu.memory_space<vmem>>
      %dma_wait3A_1048 = arith.constant 0 : i32
      %dma_wait3A_1049 = arith.constant 0 : i32
      %dma_wait3A_1050 = tpu.memref_slice %arg4[%dma_wait3A_1048, %dma_wait3A_1049] : memref<32x1000000xf32, #tpu.memory_space<hbm>> -> memref<32x128xf32, #tpu.memory_space<hbm>>
      tpu.wait_dma2 semaphore(%arg16 : memref<!tpu.dma_semaphore, #tpu.memory_space<semaphore_mem>>) src(%dma_wait3A_1050 : memref<32x128xf32, #tpu.memory_space<hbm>>) dst(%dma_wait3A_1047 : memref<32x128xf32, #tpu.memory_space<vmem>>)
      %dma_wait3A_1051 = arith.constant 3 : i32
      %dma_wait3A_1052 = arith.constant 0 : i32
      %dma_wait3A_1053 = arith.constant 0 : i32
      %dma_wait3A_1054 = tpu.memref_slice %arg9[%dma_wait3A_1051, %dma_wait3A_1052, %dma_wait3A_1053] : memref<8x32x128xf32, #tpu.memory_space<vmem>> -> memref<1x32x128xf32, #tpu.memory_space<vmem>>
      %dma_wait3A_1055 = tpu.memref_squeeze %dma_wait3A_1054 : memref<1x32x128xf32, #tpu.memory_space<vmem>> -> memref<32x128xf32, #tpu.memory_space<vmem>>
      %dma_wait3A_1056 = arith.constant 0 : i32
      %dma_wait3A_1057 = arith.constant 0 : i32
      %dma_wait3A_1058 = tpu.memref_slice %arg4[%dma_wait3A_1056, %dma_wait3A_1057] : memref<32x1000000xf32, #tpu.memory_space<hbm>> -> memref<32x128xf32, #tpu.memory_space<hbm>>
      %dma_wait3A_1059 = arith.constant 0 : i32
      %dma_wait3A_1060 = arith.constant 0 : i32
      %dma_wait3A_1061 = tpu.memref_slice %arg9[%dma_wait3A_1051, %dma_wait3A_1059, %dma_wait3A_1060] : memref<8x32x128xf32, #tpu.memory_space<vmem>> -> memref<1x32x128xf32, #tpu.memory_space<vmem>>
      %dma_wait3A_1062 = tpu.memref_squeeze %dma_wait3A_1061 : memref<1x32x128xf32, #tpu.memory_space<vmem>> -> memref<32x128xf32, #tpu.memory_space<vmem>>
      %dma_wait3A_1063 = arith.constant 0 : i32
      %dma_wait3A_1064 = arith.constant 0 : i32
      %dma_wait3A_1065 = tpu.memref_slice %arg4[%dma_wait3A_1063, %dma_wait3A_1064] : memref<32x1000000xf32, #tpu.memory_space<hbm>> -> memref<32x128xf32, #tpu.memory_space<hbm>>
      tpu.wait_dma2 semaphore(%arg16 : memref<!tpu.dma_semaphore, #tpu.memory_space<semaphore_mem>>) src(%dma_wait3A_1065 : memref<32x128xf32, #tpu.memory_space<hbm>>) dst(%dma_wait3A_1062 : memref<32x128xf32, #tpu.memory_space<vmem>>)
      %dma_wait3A_1066 = arith.constant 4 : i32
      %dma_wait3A_1067 = arith.constant 0 : i32
      %dma_wait3A_1068 = arith.constant 0 : i32
      %dma_wait3A_1069 = tpu.memref_slice %arg9[%dma_wait3A_1066, %dma_wait3A_1067, %dma_wait3A_1068] : memref<8x32x128xf32, #tpu.memory_space<vmem>> -> memref<1x32x128xf32, #tpu.memory_space<vmem>>
      %dma_wait3A_1070 = tpu.memref_squeeze %dma_wait3A_1069 : memref<1x32x128xf32, #tpu.memory_space<vmem>> -> memref<32x128xf32, #tpu.memory_space<vmem>>
      %dma_wait3A_1071 = arith.constant 0 : i32
      %dma_wait3A_1072 = arith.constant 0 : i32
      %dma_wait3A_1073 = tpu.memref_slice %arg4[%dma_wait3A_1071, %dma_wait3A_1072] : memref<32x1000000xf32, #tpu.memory_space<hbm>> -> memref<32x128xf32, #tpu.memory_space<hbm>>
      %dma_wait3A_1074 = arith.constant 0 : i32
      %dma_wait3A_1075 = arith.constant 0 : i32
      %dma_wait3A_1076 = tpu.memref_slice %arg9[%dma_wait3A_1066, %dma_wait3A_1074, %dma_wait3A_1075] : memref<8x32x128xf32, #tpu.memory_space<vmem>> -> memref<1x32x128xf32, #tpu.memory_space<vmem>>
      %dma_wait3A_1077 = tpu.memref_squeeze %dma_wait3A_1076 : memref<1x32x128xf32, #tpu.memory_space<vmem>> -> memref<32x128xf32, #tpu.memory_space<vmem>>
      %dma_wait3A_1078 = arith.constant 0 : i32
      %dma_wait3A_1079 = arith.constant 0 : i32
      %dma_wait3A_1080 = tpu.memref_slice %arg4[%dma_wait3A_1078, %dma_wait3A_1079] : memref<32x1000000xf32, #tpu.memory_space<hbm>> -> memref<32x128xf32, #tpu.memory_space<hbm>>
      tpu.wait_dma2 semaphore(%arg16 : memref<!tpu.dma_semaphore, #tpu.memory_space<semaphore_mem>>) src(%dma_wait3A_1080 : memref<32x128xf32, #tpu.memory_space<hbm>>) dst(%dma_wait3A_1077 : memref<32x128xf32, #tpu.memory_space<vmem>>)
      %dma_wait3A_1081 = arith.constant 5 : i32
      %dma_wait3A_1082 = arith.constant 0 : i32
      %dma_wait3A_1083 = arith.constant 0 : i32
      %dma_wait3A_1084 = tpu.memref_slice %arg9[%dma_wait3A_1081, %dma_wait3A_1082, %dma_wait3A_1083] : memref<8x32x128xf32, #tpu.memory_space<vmem>> -> memref<1x32x128xf32, #tpu.memory_space<vmem>>
      %dma_wait3A_1085 = tpu.memref_squeeze %dma_wait3A_1084 : memref<1x32x128xf32, #tpu.memory_space<vmem>> -> memref<32x128xf32, #tpu.memory_space<vmem>>
      %dma_wait3A_1086 = arith.constant 0 : i32
      %dma_wait3A_1087 = arith.constant 0 : i32
      %dma_wait3A_1088 = tpu.memref_slice %arg4[%dma_wait3A_1086, %dma_wait3A_1087] : memref<32x1000000xf32, #tpu.memory_space<hbm>> -> memref<32x128xf32, #tpu.memory_space<hbm>>
      %dma_wait3A_1089 = arith.constant 0 : i32
      %dma_wait3A_1090 = arith.constant 0 : i32
      %dma_wait3A_1091 = tpu.memref_slice %arg9[%dma_wait3A_1081, %dma_wait3A_1089, %dma_wait3A_1090] : memref<8x32x128xf32, #tpu.memory_space<vmem>> -> memref<1x32x128xf32, #tpu.memory_space<vmem>>
      %dma_wait3A_1092 = tpu.memref_squeeze %dma_wait3A_1091 : memref<1x32x128xf32, #tpu.memory_space<vmem>> -> memref<32x128xf32, #tpu.memory_space<vmem>>
      %dma_wait3A_1093 = arith.constant 0 : i32
      %dma_wait3A_1094 = arith.constant 0 : i32
      %dma_wait3A_1095 = tpu.memref_slice %arg4[%dma_wait3A_1093, %dma_wait3A_1094] : memref<32x1000000xf32, #tpu.memory_space<hbm>> -> memref<32x128xf32, #tpu.memory_space<hbm>>
      tpu.wait_dma2 semaphore(%arg16 : memref<!tpu.dma_semaphore, #tpu.memory_space<semaphore_mem>>) src(%dma_wait3A_1095 : memref<32x128xf32, #tpu.memory_space<hbm>>) dst(%dma_wait3A_1092 : memref<32x128xf32, #tpu.memory_space<vmem>>)
      %dma_wait3A_1096 = arith.constant 6 : i32
      %dma_wait3A_1097 = arith.constant 0 : i32
      %dma_wait3A_1098 = arith.constant 0 : i32
      %dma_wait3A_1099 = tpu.memref_slice %arg9[%dma_wait3A_1096, %dma_wait3A_1097, %dma_wait3A_1098] : memref<8x32x128xf32, #tpu.memory_space<vmem>> -> memref<1x32x128xf32, #tpu.memory_space<vmem>>
      %dma_wait3A_1100 = tpu.memref_squeeze %dma_wait3A_1099 : memref<1x32x128xf32, #tpu.memory_space<vmem>> -> memref<32x128xf32, #tpu.memory_space<vmem>>
      %dma_wait3A_1101 = arith.constant 0 : i32
      %dma_wait3A_1102 = arith.constant 0 : i32
      %dma_wait3A_1103 = tpu.memref_slice %arg4[%dma_wait3A_1101, %dma_wait3A_1102] : memref<32x1000000xf32, #tpu.memory_space<hbm>> -> memref<32x128xf32, #tpu.memory_space<hbm>>
      %dma_wait3A_1104 = arith.constant 0 : i32
      %dma_wait3A_1105 = arith.constant 0 : i32
      %dma_wait3A_1106 = tpu.memref_slice %arg9[%dma_wait3A_1096, %dma_wait3A_1104, %dma_wait3A_1105] : memref<8x32x128xf32, #tpu.memory_space<vmem>> -> memref<1x32x128xf32, #tpu.memory_space<vmem>>
      %dma_wait3A_1107 = tpu.memref_squeeze %dma_wait3A_1106 : memref<1x32x128xf32, #tpu.memory_space<vmem>> -> memref<32x128xf32, #tpu.memory_space<vmem>>
      %dma_wait3A_1108 = arith.constant 0 : i32
      %dma_wait3A_1109 = arith.constant 0 : i32
      %dma_wait3A_1110 = tpu.memref_slice %arg4[%dma_wait3A_1108, %dma_wait3A_1109] : memref<32x1000000xf32, #tpu.memory_space<hbm>> -> memref<32x128xf32, #tpu.memory_space<hbm>>
      tpu.wait_dma2 semaphore(%arg16 : memref<!tpu.dma_semaphore, #tpu.memory_space<semaphore_mem>>) src(%dma_wait3A_1110 : memref<32x128xf32, #tpu.memory_space<hbm>>) dst(%dma_wait3A_1107 : memref<32x128xf32, #tpu.memory_space<vmem>>)
      %dma_wait3A_1111 = arith.constant 7 : i32
      %dma_wait3A_1112 = arith.constant 0 : i32
      %dma_wait3A_1113 = arith.constant 0 : i32
      %dma_wait3A_1114 = tpu.memref_slice %arg9[%dma_wait3A_1111, %dma_wait3A_1112, %dma_wait3A_1113] : memref<8x32x128xf32, #tpu.memory_space<vmem>> -> memref<1x32x128xf32, #tpu.memory_space<vmem>>
      %dma_wait3A_1115 = tpu.memref_squeeze %dma_wait3A_1114 : memref<1x32x128xf32, #tpu.memory_space<vmem>> -> memref<32x128xf32, #tpu.memory_space<vmem>>
      %dma_wait3A_1116 = arith.constant 0 : i32
      %dma_wait3A_1117 = arith.constant 0 : i32
      %dma_wait3A_1118 = tpu.memref_slice %arg4[%dma_wait3A_1116, %dma_wait3A_1117] : memref<32x1000000xf32, #tpu.memory_space<hbm>> -> memref<32x128xf32, #tpu.memory_space<hbm>>
      %dma_wait3A_1119 = arith.constant 0 : i32
      %dma_wait3A_1120 = arith.constant 0 : i32
      %dma_wait3A_1121 = tpu.memref_slice %arg9[%dma_wait3A_1111, %dma_wait3A_1119, %dma_wait3A_1120] : memref<8x32x128xf32, #tpu.memory_space<vmem>> -> memref<1x32x128xf32, #tpu.memory_space<vmem>>
      %dma_wait3A_1122 = tpu.memref_squeeze %dma_wait3A_1121 : memref<1x32x128xf32, #tpu.memory_space<vmem>> -> memref<32x128xf32, #tpu.memory_space<vmem>>
      %dma_wait3A_1123 = arith.constant 0 : i32
      %dma_wait3A_1124 = arith.constant 0 : i32
      %dma_wait3A_1125 = tpu.memref_slice %arg4[%dma_wait3A_1123, %dma_wait3A_1124] : memref<32x1000000xf32, #tpu.memory_space<hbm>> -> memref<32x128xf32, #tpu.memory_space<hbm>>
      tpu.wait_dma2 semaphore(%arg16 : memref<!tpu.dma_semaphore, #tpu.memory_space<semaphore_mem>>) src(%dma_wait3A_1125 : memref<32x128xf32, #tpu.memory_space<hbm>>) dst(%dma_wait3A_1122 : memref<32x128xf32, #tpu.memory_space<vmem>>)
      %and3A_1126 = arith.constant 127 : i32
      %and3A_1127 = arith.andi %squeeze3A_783, %and3A_1126 : i32
      %min3A_1128 = arith.constant 127 : i32
      %min3A_1129 = arith.minsi %and3A_1127, %min3A_1128 : i32
      %sub3A_1130 = arith.constant 999936 : i32
      %sub3A_1131 = arith.subi %squeeze3A_783, %sub3A_1130 : i32
      %max3A = arith.constant 0 : i32
      %max3A_1132 = arith.maxsi %sub3A_1131, %max3A : i32
      %min3A_1133 = arith.constant 63 : i32
      %min3A_1134 = arith.minsi %max3A_1132, %min3A_1133 : i32
      %ge3A = arith.constant 999936 : i32
      %ge3A_1135 = arith.cmpi sge, %squeeze3A_783, %ge3A : i32
      %broadcast_in_dim3A = vector.broadcast %ge3A_1135 : i1 to vector<16xi1>
      %broadcast_in_dim3A_1136 = vector.broadcast %min3A_1129 : i32 to vector<16xi32>
      %broadcast_in_dim3A_1137 = vector.broadcast %min3A_1134 : i32 to vector<16xi32>
      %gather3A = tpu.vector_load_idx %arg13[%iota3A, %broadcast_in_dim3A_1137] : memref<32x64xf32, #tpu.memory_space<vmem>>[vector<16xi32>, vector<16xi32>], vector<16xf32>,
      %gather3A_1138 = arith.constant 0 : i32
      %gather3A_1139 = arith.constant 0 : i32
      %gather3A_1140 = arith.constant 0 : i32
      %gather3A_1141 = tpu.memref_slice %arg9[%gather3A_1138, %gather3A_1139, %gather3A_1140] : memref<8x32x128xf32, #tpu.memory_space<vmem>> -> memref<1x32x128xf32, #tpu.memory_space<vmem>>
      %gather3A_1142 = tpu.memref_squeeze %gather3A_1141 : memref<1x32x128xf32, #tpu.memory_space<vmem>> -> memref<32x128xf32, #tpu.memory_space<vmem>>
      %gather3A_1143 = tpu.vector_load_idx %gather3A_1142[%iota3A, %broadcast_in_dim3A_1136] : memref<32x128xf32, #tpu.memory_space<vmem>>[vector<16xi32>, vector<16xi32>], vector<16xf32>,
      %select_n3A_1144 = arith.select %broadcast_in_dim3A, %gather3A, %gather3A_1143 : vector<16xi1>, vector<16xf32>
      %gather3A_1145 = tpu.vector_load_idx %arg13[%add3A_5, %broadcast_in_dim3A_1137] : memref<32x64xf32, #tpu.memory_space<vmem>>[vector<16xi32>, vector<16xi32>], vector<16xf32>,
      %gather3A_1146 = arith.constant 0 : i32
      %gather3A_1147 = arith.constant 0 : i32
      %gather3A_1148 = arith.constant 0 : i32
      %gather3A_1149 = tpu.memref_slice %arg9[%gather3A_1146, %gather3A_1147, %gather3A_1148] : memref<8x32x128xf32, #tpu.memory_space<vmem>> -> memref<1x32x128xf32, #tpu.memory_space<vmem>>
      %gather3A_1150 = tpu.memref_squeeze %gather3A_1149 : memref<1x32x128xf32, #tpu.memory_space<vmem>> -> memref<32x128xf32, #tpu.memory_space<vmem>>
      %gather3A_1151 = tpu.vector_load_idx %gather3A_1150[%add3A_5, %broadcast_in_dim3A_1136] : memref<32x128xf32, #tpu.memory_space<vmem>>[vector<16xi32>, vector<16xi32>], vector<16xf32>,
      %select_n3A_1152 = arith.select %broadcast_in_dim3A, %gather3A_1145, %gather3A_1151 : vector<16xi1>, vector<16xf32>
      %and3A_1153 = arith.constant 127 : i32
      %and3A_1154 = arith.andi %squeeze3A_785, %and3A_1153 : i32
      %min3A_1155 = arith.constant 127 : i32
      %min3A_1156 = arith.minsi %and3A_1154, %min3A_1155 : i32
      %sub3A_1157 = arith.constant 999936 : i32
      %sub3A_1158 = arith.subi %squeeze3A_785, %sub3A_1157 : i32
      %max3A_1159 = arith.constant 0 : i32
      %max3A_1160 = arith.maxsi %sub3A_1158, %max3A_1159 : i32
      %min3A_1161 = arith.constant 63 : i32
      %min3A_1162 = arith.minsi %max3A_1160, %min3A_1161 : i32
      %ge3A_1163 = arith.constant 999936 : i32
      %ge3A_1164 = arith.cmpi sge, %squeeze3A_785, %ge3A_1163 : i32
      %broadcast_in_dim3A_1165 = vector.broadcast %ge3A_1164 : i1 to vector<16xi1>
      %broadcast_in_dim3A_1166 = vector.broadcast %min3A_1156 : i32 to vector<16xi32>
      %broadcast_in_dim3A_1167 = vector.broadcast %min3A_1162 : i32 to vector<16xi32>
      %gather3A_1168 = tpu.vector_load_idx %arg13[%iota3A, %broadcast_in_dim3A_1167] : memref<32x64xf32, #tpu.memory_space<vmem>>[vector<16xi32>, vector<16xi32>], vector<16xf32>,
      %gather3A_1169 = arith.constant 1 : i32
      %gather3A_1170 = arith.constant 0 : i32
      %gather3A_1171 = arith.constant 0 : i32
      %gather3A_1172 = tpu.memref_slice %arg9[%gather3A_1169, %gather3A_1170, %gather3A_1171] : memref<8x32x128xf32, #tpu.memory_space<vmem>> -> memref<1x32x128xf32, #tpu.memory_space<vmem>>
      %gather3A_1173 = tpu.memref_squeeze %gather3A_1172 : memref<1x32x128xf32, #tpu.memory_space<vmem>> -> memref<32x128xf32, #tpu.memory_space<vmem>>
      %gather3A_1174 = tpu.vector_load_idx %gather3A_1173[%iota3A, %broadcast_in_dim3A_1166] : memref<32x128xf32, #tpu.memory_space<vmem>>[vector<16xi32>, vector<16xi32>], vector<16xf32>,
      %select_n3A_1175 = arith.select %broadcast_in_dim3A_1165, %gather3A_1168, %gather3A_1174 : vector<16xi1>, vector<16xf32>
      %gather3A_1176 = tpu.vector_load_idx %arg13[%add3A_5, %broadcast_in_dim3A_1167] : memref<32x64xf32, #tpu.memory_space<vmem>>[vector<16xi32>, vector<16xi32>], vector<16xf32>,
      %gather3A_1177 = arith.constant 1 : i32
      %gather3A_1178 = arith.constant 0 : i32
      %gather3A_1179 = arith.constant 0 : i32
      %gather3A_1180 = tpu.memref_slice %arg9[%gather3A_1177, %gather3A_1178, %gather3A_1179] : memref<8x32x128xf32, #tpu.memory_space<vmem>> -> memref<1x32x128xf32, #tpu.memory_space<vmem>>
      %gather3A_1181 = tpu.memref_squeeze %gather3A_1180 : memref<1x32x128xf32, #tpu.memory_space<vmem>> -> memref<32x128xf32, #tpu.memory_space<vmem>>
      %gather3A_1182 = tpu.vector_load_idx %gather3A_1181[%add3A_5, %broadcast_in_dim3A_1166] : memref<32x128xf32, #tpu.memory_space<vmem>>[vector<16xi32>, vector<16xi32>], vector<16xf32>,
      %select_n3A_1183 = arith.select %broadcast_in_dim3A_1165, %gather3A_1176, %gather3A_1182 : vector<16xi1>, vector<16xf32>
      %and3A_1184 = arith.constant 127 : i32
      %and3A_1185 = arith.andi %squeeze3A_787, %and3A_1184 : i32
      %min3A_1186 = arith.constant 127 : i32
      %min3A_1187 = arith.minsi %and3A_1185, %min3A_1186 : i32
      %sub3A_1188 = arith.constant 999936 : i32
      %sub3A_1189 = arith.subi %squeeze3A_787, %sub3A_1188 : i32
      %max3A_1190 = arith.constant 0 : i32
      %max3A_1191 = arith.maxsi %sub3A_1189, %max3A_1190 : i32
      %min3A_1192 = arith.constant 63 : i32
      %min3A_1193 = arith.minsi %max3A_1191, %min3A_1192 : i32
      %ge3A_1194 = arith.constant 999936 : i32
      %ge3A_1195 = arith.cmpi sge, %squeeze3A_787, %ge3A_1194 : i32
      %broadcast_in_dim3A_1196 = vector.broadcast %ge3A_1195 : i1 to vector<16xi1>
      %broadcast_in_dim3A_1197 = vector.broadcast %min3A_1187 : i32 to vector<16xi32>
      %broadcast_in_dim3A_1198 = vector.broadcast %min3A_1193 : i32 to vector<16xi32>
      %gather3A_1199 = tpu.vector_load_idx %arg13[%iota3A, %broadcast_in_dim3A_1198] : memref<32x64xf32, #tpu.memory_space<vmem>>[vector<16xi32>, vector<16xi32>], vector<16xf32>,
      %gather3A_1200 = arith.constant 2 : i32
      %gather3A_1201 = arith.constant 0 : i32
      %gather3A_1202 = arith.constant 0 : i32
      %gather3A_1203 = tpu.memref_slice %arg9[%gather3A_1200, %gather3A_1201, %gather3A_1202] : memref<8x32x128xf32, #tpu.memory_space<vmem>> -> memref<1x32x128xf32, #tpu.memory_space<vmem>>
      %gather3A_1204 = tpu.memref_squeeze %gather3A_1203 : memref<1x32x128xf32, #tpu.memory_space<vmem>> -> memref<32x128xf32, #tpu.memory_space<vmem>>
      %gather3A_1205 = tpu.vector_load_idx %gather3A_1204[%iota3A, %broadcast_in_dim3A_1197] : memref<32x128xf32, #tpu.memory_space<vmem>>[vector<16xi32>, vector<16xi32>], vector<16xf32>,
      %select_n3A_1206 = arith.select %broadcast_in_dim3A_1196, %gather3A_1199, %gather3A_1205 : vector<16xi1>, vector<16xf32>
      %gather3A_1207 = tpu.vector_load_idx %arg13[%add3A_5, %broadcast_in_dim3A_1198] : memref<32x64xf32, #tpu.memory_space<vmem>>[vector<16xi32>, vector<16xi32>], vector<16xf32>,
      %gather3A_1208 = arith.constant 2 : i32
      %gather3A_1209 = arith.constant 0 : i32
      %gather3A_1210 = arith.constant 0 : i32
      %gather3A_1211 = tpu.memref_slice %arg9[%gather3A_1208, %gather3A_1209, %gather3A_1210] : memref<8x32x128xf32, #tpu.memory_space<vmem>> -> memref<1x32x128xf32, #tpu.memory_space<vmem>>
      %gather3A_1212 = tpu.memref_squeeze %gather3A_1211 : memref<1x32x128xf32, #tpu.memory_space<vmem>> -> memref<32x128xf32, #tpu.memory_space<vmem>>
      %gather3A_1213 = tpu.vector_load_idx %gather3A_1212[%add3A_5, %broadcast_in_dim3A_1197] : memref<32x128xf32, #tpu.memory_space<vmem>>[vector<16xi32>, vector<16xi32>], vector<16xf32>,
      %select_n3A_1214 = arith.select %broadcast_in_dim3A_1196, %gather3A_1207, %gather3A_1213 : vector<16xi1>, vector<16xf32>
      %and3A_1215 = arith.constant 127 : i32
      %and3A_1216 = arith.andi %squeeze3A_789, %and3A_1215 : i32
      %min3A_1217 = arith.constant 127 : i32
      %min3A_1218 = arith.minsi %and3A_1216, %min3A_1217 : i32
      %sub3A_1219 = arith.constant 999936 : i32
      %sub3A_1220 = arith.subi %squeeze3A_789, %sub3A_1219 : i32
      %max3A_1221 = arith.constant 0 : i32
      %max3A_1222 = arith.maxsi %sub3A_1220, %max3A_1221 : i32
      %min3A_1223 = arith.constant 63 : i32
      %min3A_1224 = arith.minsi %max3A_1222, %min3A_1223 : i32
      %ge3A_1225 = arith.constant 999936 : i32
      %ge3A_1226 = arith.cmpi sge, %squeeze3A_789, %ge3A_1225 : i32
      %broadcast_in_dim3A_1227 = vector.broadcast %ge3A_1226 : i1 to vector<16xi1>
      %broadcast_in_dim3A_1228 = vector.broadcast %min3A_1218 : i32 to vector<16xi32>
      %broadcast_in_dim3A_1229 = vector.broadcast %min3A_1224 : i32 to vector<16xi32>
      %gather3A_1230 = tpu.vector_load_idx %arg13[%iota3A, %broadcast_in_dim3A_1229] : memref<32x64xf32, #tpu.memory_space<vmem>>[vector<16xi32>, vector<16xi32>], vector<16xf32>,
      %gather3A_1231 = arith.constant 3 : i32
      %gather3A_1232 = arith.constant 0 : i32
      %gather3A_1233 = arith.constant 0 : i32
      %gather3A_1234 = tpu.memref_slice %arg9[%gather3A_1231, %gather3A_1232, %gather3A_1233] : memref<8x32x128xf32, #tpu.memory_space<vmem>> -> memref<1x32x128xf32, #tpu.memory_space<vmem>>
      %gather3A_1235 = tpu.memref_squeeze %gather3A_1234 : memref<1x32x128xf32, #tpu.memory_space<vmem>> -> memref<32x128xf32, #tpu.memory_space<vmem>>
      %gather3A_1236 = tpu.vector_load_idx %gather3A_1235[%iota3A, %broadcast_in_dim3A_1228] : memref<32x128xf32, #tpu.memory_space<vmem>>[vector<16xi32>, vector<16xi32>], vector<16xf32>,
      %select_n3A_1237 = arith.select %broadcast_in_dim3A_1227, %gather3A_1230, %gather3A_1236 : vector<16xi1>, vector<16xf32>
      %gather3A_1238 = tpu.vector_load_idx %arg13[%add3A_5, %broadcast_in_dim3A_1229] : memref<32x64xf32, #tpu.memory_space<vmem>>[vector<16xi32>, vector<16xi32>], vector<16xf32>,
      %gather3A_1239 = arith.constant 3 : i32
      %gather3A_1240 = arith.constant 0 : i32
      %gather3A_1241 = arith.constant 0 : i32
      %gather3A_1242 = tpu.memref_slice %arg9[%gather3A_1239, %gather3A_1240, %gather3A_1241] : memref<8x32x128xf32, #tpu.memory_space<vmem>> -> memref<1x32x128xf32, #tpu.memory_space<vmem>>
      %gather3A_1243 = tpu.memref_squeeze %gather3A_1242 : memref<1x32x128xf32, #tpu.memory_space<vmem>> -> memref<32x128xf32, #tpu.memory_space<vmem>>
      %gather3A_1244 = tpu.vector_load_idx %gather3A_1243[%add3A_5, %broadcast_in_dim3A_1228] : memref<32x128xf32, #tpu.memory_space<vmem>>[vector<16xi32>, vector<16xi32>], vector<16xf32>,
      %select_n3A_1245 = arith.select %broadcast_in_dim3A_1227, %gather3A_1238, %gather3A_1244 : vector<16xi1>, vector<16xf32>
      %and3A_1246 = arith.constant 127 : i32
      %and3A_1247 = arith.andi %squeeze3A_791, %and3A_1246 : i32
      %min3A_1248 = arith.constant 127 : i32
      %min3A_1249 = arith.minsi %and3A_1247, %min3A_1248 : i32
      %sub3A_1250 = arith.constant 999936 : i32
      %sub3A_1251 = arith.subi %squeeze3A_791, %sub3A_1250 : i32
      %max3A_1252 = arith.constant 0 : i32
      %max3A_1253 = arith.maxsi %sub3A_1251, %max3A_1252 : i32
      %min3A_1254 = arith.constant 63 : i32
      %min3A_1255 = arith.minsi %max3A_1253, %min3A_1254 : i32
      %ge3A_1256 = arith.constant 999936 : i32
      %ge3A_1257 = arith.cmpi sge, %squeeze3A_791, %ge3A_1256 : i32
      %broadcast_in_dim3A_1258 = vector.broadcast %ge3A_1257 : i1 to vector<16xi1>
      %broadcast_in_dim3A_1259 = vector.broadcast %min3A_1249 : i32 to vector<16xi32>
      %broadcast_in_dim3A_1260 = vector.broadcast %min3A_1255 : i32 to vector<16xi32>
      %gather3A_1261 = tpu.vector_load_idx %arg13[%iota3A, %broadcast_in_dim3A_1260] : memref<32x64xf32, #tpu.memory_space<vmem>>[vector<16xi32>, vector<16xi32>], vector<16xf32>,
      %gather3A_1262 = arith.constant 4 : i32
      %gather3A_1263 = arith.constant 0 : i32
      %gather3A_1264 = arith.constant 0 : i32
      %gather3A_1265 = tpu.memref_slice %arg9[%gather3A_1262, %gather3A_1263, %gather3A_1264] : memref<8x32x128xf32, #tpu.memory_space<vmem>> -> memref<1x32x128xf32, #tpu.memory_space<vmem>>
      %gather3A_1266 = tpu.memref_squeeze %gather3A_1265 : memref<1x32x128xf32, #tpu.memory_space<vmem>> -> memref<32x128xf32, #tpu.memory_space<vmem>>
      %gather3A_1267 = tpu.vector_load_idx %gather3A_1266[%iota3A, %broadcast_in_dim3A_1259] : memref<32x128xf32, #tpu.memory_space<vmem>>[vector<16xi32>, vector<16xi32>], vector<16xf32>,
      %select_n3A_1268 = arith.select %broadcast_in_dim3A_1258, %gather3A_1261, %gather3A_1267 : vector<16xi1>, vector<16xf32>
      %gather3A_1269 = tpu.vector_load_idx %arg13[%add3A_5, %broadcast_in_dim3A_1260] : memref<32x64xf32, #tpu.memory_space<vmem>>[vector<16xi32>, vector<16xi32>], vector<16xf32>,
      %gather3A_1270 = arith.constant 4 : i32
      %gather3A_1271 = arith.constant 0 : i32
      %gather3A_1272 = arith.constant 0 : i32
      %gather3A_1273 = tpu.memref_slice %arg9[%gather3A_1270, %gather3A_1271, %gather3A_1272] : memref<8x32x128xf32, #tpu.memory_space<vmem>> -> memref<1x32x128xf32, #tpu.memory_space<vmem>>
      %gather3A_1274 = tpu.memref_squeeze %gather3A_1273 : memref<1x32x128xf32, #tpu.memory_space<vmem>> -> memref<32x128xf32, #tpu.memory_space<vmem>>
      %gather3A_1275 = tpu.vector_load_idx %gather3A_1274[%add3A_5, %broadcast_in_dim3A_1259] : memref<32x128xf32, #tpu.memory_space<vmem>>[vector<16xi32>, vector<16xi32>], vector<16xf32>,
      %select_n3A_1276 = arith.select %broadcast_in_dim3A_1258, %gather3A_1269, %gather3A_1275 : vector<16xi1>, vector<16xf32>
      %and3A_1277 = arith.constant 127 : i32
      %and3A_1278 = arith.andi %squeeze3A_793, %and3A_1277 : i32
      %min3A_1279 = arith.constant 127 : i32
      %min3A_1280 = arith.minsi %and3A_1278, %min3A_1279 : i32
      %sub3A_1281 = arith.constant 999936 : i32
      %sub3A_1282 = arith.subi %squeeze3A_793, %sub3A_1281 : i32
      %max3A_1283 = arith.constant 0 : i32
      %max3A_1284 = arith.maxsi %sub3A_1282, %max3A_1283 : i32
      %min3A_1285 = arith.constant 63 : i32
      %min3A_1286 = arith.minsi %max3A_1284, %min3A_1285 : i32
      %ge3A_1287 = arith.constant 999936 : i32
      %ge3A_1288 = arith.cmpi sge, %squeeze3A_793, %ge3A_1287 : i32
      %broadcast_in_dim3A_1289 = vector.broadcast %ge3A_1288 : i1 to vector<16xi1>
      %broadcast_in_dim3A_1290 = vector.broadcast %min3A_1280 : i32 to vector<16xi32>
      %broadcast_in_dim3A_1291 = vector.broadcast %min3A_1286 : i32 to vector<16xi32>
      %gather3A_1292 = tpu.vector_load_idx %arg13[%iota3A, %broadcast_in_dim3A_1291] : memref<32x64xf32, #tpu.memory_space<vmem>>[vector<16xi32>, vector<16xi32>], vector<16xf32>,
      %gather3A_1293 = arith.constant 5 : i32
      %gather3A_1294 = arith.constant 0 : i32
      %gather3A_1295 = arith.constant 0 : i32
      %gather3A_1296 = tpu.memref_slice %arg9[%gather3A_1293, %gather3A_1294, %gather3A_1295] : memref<8x32x128xf32, #tpu.memory_space<vmem>> -> memref<1x32x128xf32, #tpu.memory_space<vmem>>
      %gather3A_1297 = tpu.memref_squeeze %gather3A_1296 : memref<1x32x128xf32, #tpu.memory_space<vmem>> -> memref<32x128xf32, #tpu.memory_space<vmem>>
      %gather3A_1298 = tpu.vector_load_idx %gather3A_1297[%iota3A, %broadcast_in_dim3A_1290] : memref<32x128xf32, #tpu.memory_space<vmem>>[vector<16xi32>, vector<16xi32>], vector<16xf32>,
      %select_n3A_1299 = arith.select %broadcast_in_dim3A_1289, %gather3A_1292, %gather3A_1298 : vector<16xi1>, vector<16xf32>
      %gather3A_1300 = tpu.vector_load_idx %arg13[%add3A_5, %broadcast_in_dim3A_1291] : memref<32x64xf32, #tpu.memory_space<vmem>>[vector<16xi32>, vector<16xi32>], vector<16xf32>,
      %gather3A_1301 = arith.constant 5 : i32
      %gather3A_1302 = arith.constant 0 : i32
      %gather3A_1303 = arith.constant 0 : i32
      %gather3A_1304 = tpu.memref_slice %arg9[%gather3A_1301, %gather3A_1302, %gather3A_1303] : memref<8x32x128xf32, #tpu.memory_space<vmem>> -> memref<1x32x128xf32, #tpu.memory_space<vmem>>
      %gather3A_1305 = tpu.memref_squeeze %gather3A_1304 : memref<1x32x128xf32, #tpu.memory_space<vmem>> -> memref<32x128xf32, #tpu.memory_space<vmem>>
      %gather3A_1306 = tpu.vector_load_idx %gather3A_1305[%add3A_5, %broadcast_in_dim3A_1290] : memref<32x128xf32, #tpu.memory_space<vmem>>[vector<16xi32>, vector<16xi32>], vector<16xf32>,
      %select_n3A_1307 = arith.select %broadcast_in_dim3A_1289, %gather3A_1300, %gather3A_1306 : vector<16xi1>, vector<16xf32>
      %and3A_1308 = arith.constant 127 : i32
      %and3A_1309 = arith.andi %squeeze3A_795, %and3A_1308 : i32
      %min3A_1310 = arith.constant 127 : i32
      %min3A_1311 = arith.minsi %and3A_1309, %min3A_1310 : i32
      %sub3A_1312 = arith.constant 999936 : i32
      %sub3A_1313 = arith.subi %squeeze3A_795, %sub3A_1312 : i32
      %max3A_1314 = arith.constant 0 : i32
      %max3A_1315 = arith.maxsi %sub3A_1313, %max3A_1314 : i32
      %min3A_1316 = arith.constant 63 : i32
      %min3A_1317 = arith.minsi %max3A_1315, %min3A_1316 : i32
      %ge3A_1318 = arith.constant 999936 : i32
      %ge3A_1319 = arith.cmpi sge, %squeeze3A_795, %ge3A_1318 : i32
      %broadcast_in_dim3A_1320 = vector.broadcast %ge3A_1319 : i1 to vector<16xi1>
      %broadcast_in_dim3A_1321 = vector.broadcast %min3A_1311 : i32 to vector<16xi32>
      %broadcast_in_dim3A_1322 = vector.broadcast %min3A_1317 : i32 to vector<16xi32>
      %gather3A_1323 = tpu.vector_load_idx %arg13[%iota3A, %broadcast_in_dim3A_1322] : memref<32x64xf32, #tpu.memory_space<vmem>>[vector<16xi32>, vector<16xi32>], vector<16xf32>,
      %gather3A_1324 = arith.constant 6 : i32
      %gather3A_1325 = arith.constant 0 : i32
      %gather3A_1326 = arith.constant 0 : i32
      %gather3A_1327 = tpu.memref_slice %arg9[%gather3A_1324, %gather3A_1325, %gather3A_1326] : memref<8x32x128xf32, #tpu.memory_space<vmem>> -> memref<1x32x128xf32, #tpu.memory_space<vmem>>
      %gather3A_1328 = tpu.memref_squeeze %gather3A_1327 : memref<1x32x128xf32, #tpu.memory_space<vmem>> -> memref<32x128xf32, #tpu.memory_space<vmem>>
      %gather3A_1329 = tpu.vector_load_idx %gather3A_1328[%iota3A, %broadcast_in_dim3A_1321] : memref<32x128xf32, #tpu.memory_space<vmem>>[vector<16xi32>, vector<16xi32>], vector<16xf32>,
      %select_n3A_1330 = arith.select %broadcast_in_dim3A_1320, %gather3A_1323, %gather3A_1329 : vector<16xi1>, vector<16xf32>
      %gather3A_1331 = tpu.vector_load_idx %arg13[%add3A_5, %broadcast_in_dim3A_1322] : memref<32x64xf32, #tpu.memory_space<vmem>>[vector<16xi32>, vector<16xi32>], vector<16xf32>,
      %gather3A_1332 = arith.constant 6 : i32
      %gather3A_1333 = arith.constant 0 : i32
      %gather3A_1334 = arith.constant 0 : i32
      %gather3A_1335 = tpu.memref_slice %arg9[%gather3A_1332, %gather3A_1333, %gather3A_1334] : memref<8x32x128xf32, #tpu.memory_space<vmem>> -> memref<1x32x128xf32, #tpu.memory_space<vmem>>
      %gather3A_1336 = tpu.memref_squeeze %gather3A_1335 : memref<1x32x128xf32, #tpu.memory_space<vmem>> -> memref<32x128xf32, #tpu.memory_space<vmem>>
      %gather3A_1337 = tpu.vector_load_idx %gather3A_1336[%add3A_5, %broadcast_in_dim3A_1321] : memref<32x128xf32, #tpu.memory_space<vmem>>[vector<16xi32>, vector<16xi32>], vector<16xf32>,
      %select_n3A_1338 = arith.select %broadcast_in_dim3A_1320, %gather3A_1331, %gather3A_1337 : vector<16xi1>, vector<16xf32>
      %and3A_1339 = arith.constant 127 : i32
      %and3A_1340 = arith.andi %squeeze3A_797, %and3A_1339 : i32
      %min3A_1341 = arith.constant 127 : i32
      %min3A_1342 = arith.minsi %and3A_1340, %min3A_1341 : i32
      %sub3A_1343 = arith.constant 999936 : i32
      %sub3A_1344 = arith.subi %squeeze3A_797, %sub3A_1343 : i32
      %max3A_1345 = arith.constant 0 : i32
      %max3A_1346 = arith.maxsi %sub3A_1344, %max3A_1345 : i32
      %min3A_1347 = arith.constant 63 : i32
      %min3A_1348 = arith.minsi %max3A_1346, %min3A_1347 : i32
      %ge3A_1349 = arith.constant 999936 : i32
      %ge3A_1350 = arith.cmpi sge, %squeeze3A_797, %ge3A_1349 : i32
      %broadcast_in_dim3A_1351 = vector.broadcast %ge3A_1350 : i1 to vector<16xi1>
      %broadcast_in_dim3A_1352 = vector.broadcast %min3A_1342 : i32 to vector<16xi32>
      %broadcast_in_dim3A_1353 = vector.broadcast %min3A_1348 : i32 to vector<16xi32>
      %gather3A_1354 = tpu.vector_load_idx %arg13[%iota3A, %broadcast_in_dim3A_1353] : memref<32x64xf32, #tpu.memory_space<vmem>>[vector<16xi32>, vector<16xi32>], vector<16xf32>,
      %gather3A_1355 = arith.constant 7 : i32
      %gather3A_1356 = arith.constant 0 : i32
      %gather3A_1357 = arith.constant 0 : i32
      %gather3A_1358 = tpu.memref_slice %arg9[%gather3A_1355, %gather3A_1356, %gather3A_1357] : memref<8x32x128xf32, #tpu.memory_space<vmem>> -> memref<1x32x128xf32, #tpu.memory_space<vmem>>
      %gather3A_1359 = tpu.memref_squeeze %gather3A_1358 : memref<1x32x128xf32, #tpu.memory_space<vmem>> -> memref<32x128xf32, #tpu.memory_space<vmem>>
      %gather3A_1360 = tpu.vector_load_idx %gather3A_1359[%iota3A, %broadcast_in_dim3A_1352] : memref<32x128xf32, #tpu.memory_space<vmem>>[vector<16xi32>, vector<16xi32>], vector<16xf32>,
      %select_n3A_1361 = arith.select %broadcast_in_dim3A_1351, %gather3A_1354, %gather3A_1360 : vector<16xi1>, vector<16xf32>
      %gather3A_1362 = tpu.vector_load_idx %arg13[%add3A_5, %broadcast_in_dim3A_1353] : memref<32x64xf32, #tpu.memory_space<vmem>>[vector<16xi32>, vector<16xi32>], vector<16xf32>,
      %gather3A_1363 = arith.constant 7 : i32
      %gather3A_1364 = arith.constant 0 : i32
      %gather3A_1365 = arith.constant 0 : i32
      %gather3A_1366 = tpu.memref_slice %arg9[%gather3A_1363, %gather3A_1364, %gather3A_1365] : memref<8x32x128xf32, #tpu.memory_space<vmem>> -> memref<1x32x128xf32, #tpu.memory_space<vmem>>
      %gather3A_1367 = tpu.memref_squeeze %gather3A_1366 : memref<1x32x128xf32, #tpu.memory_space<vmem>> -> memref<32x128xf32, #tpu.memory_space<vmem>>
      %gather3A_1368 = tpu.vector_load_idx %gather3A_1367[%add3A_5, %broadcast_in_dim3A_1352] : memref<32x128xf32, #tpu.memory_space<vmem>>[vector<16xi32>, vector<16xi32>], vector<16xf32>,
      %select_n3A_1369 = arith.select %broadcast_in_dim3A_1351, %gather3A_1362, %gather3A_1368 : vector<16xi1>, vector<16xf32>
      %shift_right_logical3A_1370 = arith.constant 7 : i32
      %shift_right_logical3A_1371 = arith.shrui %squeeze3A_815, %shift_right_logical3A_1370 : i32
      %mul3A_1372 = arith.constant 128 : i32
      %mul3A_1373 = arith.muli %shift_right_logical3A_1371, %mul3A_1372 : i32
      %min3A_1374 = arith.constant 999808 : i32
      %min3A_1375 = arith.minsi %mul3A_1373, %min3A_1374 : i32
      %multiple_of3A_1376 = tpu.assume_multiple %min3A_1375, 128 : i32
      %dma_start3A_1377 = arith.constant 0 : i32
      %dma_start3A_1378 = arith.constant 0 : i32
      %dma_start3A_1379 = arith.constant 0 : i32
      %dma_start3A_1380 = tpu.memref_slice %arg9[%dma_start3A_1377, %dma_start3A_1378, %dma_start3A_1379] : memref<8x32x128xf32, #tpu.memory_space<vmem>> -> memref<1x32x128xf32, #tpu.memory_space<vmem>>
      %dma_start3A_1381 = tpu.memref_squeeze %dma_start3A_1380 : memref<1x32x128xf32, #tpu.memory_space<vmem>> -> memref<32x128xf32, #tpu.memory_space<vmem>>
      %dma_start3A_1382 = arith.constant 0 : i32
      %dma_start3A_1383 = tpu.memref_slice %arg4[%dma_start3A_1382, %multiple_of3A_1376] : memref<32x1000000xf32, #tpu.memory_space<hbm>> -> memref<32x128xf32, #tpu.memory_space<hbm>>
      %dma_start3A_1384 = arith.constant 0 : i32
      %dma_start3A_1385 = arith.constant 0 : i32
      %dma_start3A_1386 = tpu.memref_slice %arg9[%dma_start3A_1377, %dma_start3A_1384, %dma_start3A_1385] : memref<8x32x128xf32, #tpu.memory_space<vmem>> -> memref<1x32x128xf32, #tpu.memory_space<vmem>>
      %dma_start3A_1387 = tpu.memref_squeeze %dma_start3A_1386 : memref<1x32x128xf32, #tpu.memory_space<vmem>> -> memref<32x128xf32, #tpu.memory_space<vmem>>
      %dma_start3A_1388 = arith.constant 0 : i32
      %dma_start3A_1389 = tpu.memref_slice %arg4[%dma_start3A_1388, %multiple_of3A_1376] : memref<32x1000000xf32, #tpu.memory_space<hbm>> -> memref<32x128xf32, #tpu.memory_space<hbm>>
      tpu.enqueue_dma source(%dma_start3A_1389 : memref<32x128xf32, #tpu.memory_space<hbm>>) target(%dma_start3A_1387 : memref<32x128xf32, #tpu.memory_space<vmem>>) target_semaphore(%arg16 : memref<!tpu.dma_semaphore, #tpu.memory_space<semaphore_mem>>)
      %shift_right_logical3A_1390 = arith.constant 7 : i32
      %shift_right_logical3A_1391 = arith.shrui %squeeze3A_817, %shift_right_logical3A_1390 : i32
      %mul3A_1392 = arith.constant 128 : i32
      %mul3A_1393 = arith.muli %shift_right_logical3A_1391, %mul3A_1392 : i32
      %min3A_1394 = arith.constant 999808 : i32
      %min3A_1395 = arith.minsi %mul3A_1393, %min3A_1394 : i32
      %multiple_of3A_1396 = tpu.assume_multiple %min3A_1395, 128 : i32
      %dma_start3A_1397 = arith.constant 1 : i32
      %dma_start3A_1398 = arith.constant 0 : i32
      %dma_start3A_1399 = arith.constant 0 : i32
      %dma_start3A_1400 = tpu.memref_slice %arg9[%dma_start3A_1397, %dma_start3A_1398, %dma_start3A_1399] : memref<8x32x128xf32, #tpu.memory_space<vmem>> -> memref<1x32x128xf32, #tpu.memory_space<vmem>>
      %dma_start3A_1401 = tpu.memref_squeeze %dma_start3A_1400 : memref<1x32x128xf32, #tpu.memory_space<vmem>> -> memref<32x128xf32, #tpu.memory_space<vmem>>
      %dma_start3A_1402 = arith.constant 0 : i32
      %dma_start3A_1403 = tpu.memref_slice %arg4[%dma_start3A_1402, %multiple_of3A_1396] : memref<32x1000000xf32, #tpu.memory_space<hbm>> -> memref<32x128xf32, #tpu.memory_space<hbm>>
      %dma_start3A_1404 = arith.constant 0 : i32
      %dma_start3A_1405 = arith.constant 0 : i32
      %dma_start3A_1406 = tpu.memref_slice %arg9[%dma_start3A_1397, %dma_start3A_1404, %dma_start3A_1405] : memref<8x32x128xf32, #tpu.memory_space<vmem>> -> memref<1x32x128xf32, #tpu.memory_space<vmem>>
      %dma_start3A_1407 = tpu.memref_squeeze %dma_start3A_1406 : memref<1x32x128xf32, #tpu.memory_space<vmem>> -> memref<32x128xf32, #tpu.memory_space<vmem>>
      %dma_start3A_1408 = arith.constant 0 : i32
      %dma_start3A_1409 = tpu.memref_slice %arg4[%dma_start3A_1408, %multiple_of3A_1396] : memref<32x1000000xf32, #tpu.memory_space<hbm>> -> memref<32x128xf32, #tpu.memory_space<hbm>>
      tpu.enqueue_dma source(%dma_start3A_1409 : memref<32x128xf32, #tpu.memory_space<hbm>>) target(%dma_start3A_1407 : memref<32x128xf32, #tpu.memory_space<vmem>>) target_semaphore(%arg16 : memref<!tpu.dma_semaphore, #tpu.memory_space<semaphore_mem>>)
      %shift_right_logical3A_1410 = arith.constant 7 : i32
      %shift_right_logical3A_1411 = arith.shrui %squeeze3A_819, %shift_right_logical3A_1410 : i32
      %mul3A_1412 = arith.constant 128 : i32
      %mul3A_1413 = arith.muli %shift_right_logical3A_1411, %mul3A_1412 : i32
      %min3A_1414 = arith.constant 999808 : i32
      %min3A_1415 = arith.minsi %mul3A_1413, %min3A_1414 : i32
      %multiple_of3A_1416 = tpu.assume_multiple %min3A_1415, 128 : i32
      %dma_start3A_1417 = arith.constant 2 : i32
      %dma_start3A_1418 = arith.constant 0 : i32
      %dma_start3A_1419 = arith.constant 0 : i32
      %dma_start3A_1420 = tpu.memref_slice %arg9[%dma_start3A_1417, %dma_start3A_1418, %dma_start3A_1419] : memref<8x32x128xf32, #tpu.memory_space<vmem>> -> memref<1x32x128xf32, #tpu.memory_space<vmem>>
      %dma_start3A_1421 = tpu.memref_squeeze %dma_start3A_1420 : memref<1x32x128xf32, #tpu.memory_space<vmem>> -> memref<32x128xf32, #tpu.memory_space<vmem>>
      %dma_start3A_1422 = arith.constant 0 : i32
      %dma_start3A_1423 = tpu.memref_slice %arg4[%dma_start3A_1422, %multiple_of3A_1416] : memref<32x1000000xf32, #tpu.memory_space<hbm>> -> memref<32x128xf32, #tpu.memory_space<hbm>>
      %dma_start3A_1424 = arith.constant 0 : i32
      %dma_start3A_1425 = arith.constant 0 : i32
      %dma_start3A_1426 = tpu.memref_slice %arg9[%dma_start3A_1417, %dma_start3A_1424, %dma_start3A_1425] : memref<8x32x128xf32, #tpu.memory_space<vmem>> -> memref<1x32x128xf32, #tpu.memory_space<vmem>>
      %dma_start3A_1427 = tpu.memref_squeeze %dma_start3A_1426 : memref<1x32x128xf32, #tpu.memory_space<vmem>> -> memref<32x128xf32, #tpu.memory_space<vmem>>
      %dma_start3A_1428 = arith.constant 0 : i32
      %dma_start3A_1429 = tpu.memref_slice %arg4[%dma_start3A_1428, %multiple_of3A_1416] : memref<32x1000000xf32, #tpu.memory_space<hbm>> -> memref<32x128xf32, #tpu.memory_space<hbm>>
      tpu.enqueue_dma source(%dma_start3A_1429 : memref<32x128xf32, #tpu.memory_space<hbm>>) target(%dma_start3A_1427 : memref<32x128xf32, #tpu.memory_space<vmem>>) target_semaphore(%arg16 : memref<!tpu.dma_semaphore, #tpu.memory_space<semaphore_mem>>)
      %shift_right_logical3A_1430 = arith.constant 7 : i32
      %shift_right_logical3A_1431 = arith.shrui %squeeze3A_821, %shift_right_logical3A_1430 : i32
      %mul3A_1432 = arith.constant 128 : i32
      %mul3A_1433 = arith.muli %shift_right_logical3A_1431, %mul3A_1432 : i32
      %min3A_1434 = arith.constant 999808 : i32
      %min3A_1435 = arith.minsi %mul3A_1433, %min3A_1434 : i32
      %multiple_of3A_1436 = tpu.assume_multiple %min3A_1435, 128 : i32
      %dma_start3A_1437 = arith.constant 3 : i32
      %dma_start3A_1438 = arith.constant 0 : i32
      %dma_start3A_1439 = arith.constant 0 : i32
      %dma_start3A_1440 = tpu.memref_slice %arg9[%dma_start3A_1437, %dma_start3A_1438, %dma_start3A_1439] : memref<8x32x128xf32, #tpu.memory_space<vmem>> -> memref<1x32x128xf32, #tpu.memory_space<vmem>>
      %dma_start3A_1441 = tpu.memref_squeeze %dma_start3A_1440 : memref<1x32x128xf32, #tpu.memory_space<vmem>> -> memref<32x128xf32, #tpu.memory_space<vmem>>
      %dma_start3A_1442 = arith.constant 0 : i32
      %dma_start3A_1443 = tpu.memref_slice %arg4[%dma_start3A_1442, %multiple_of3A_1436] : memref<32x1000000xf32, #tpu.memory_space<hbm>> -> memref<32x128xf32, #tpu.memory_space<hbm>>
      %dma_start3A_1444 = arith.constant 0 : i32
      %dma_start3A_1445 = arith.constant 0 : i32
      %dma_start3A_1446 = tpu.memref_slice %arg9[%dma_start3A_1437, %dma_start3A_1444, %dma_start3A_1445] : memref<8x32x128xf32, #tpu.memory_space<vmem>> -> memref<1x32x128xf32, #tpu.memory_space<vmem>>
      %dma_start3A_1447 = tpu.memref_squeeze %dma_start3A_1446 : memref<1x32x128xf32, #tpu.memory_space<vmem>> -> memref<32x128xf32, #tpu.memory_space<vmem>>
      %dma_start3A_1448 = arith.constant 0 : i32
      %dma_start3A_1449 = tpu.memref_slice %arg4[%dma_start3A_1448, %multiple_of3A_1436] : memref<32x1000000xf32, #tpu.memory_space<hbm>> -> memref<32x128xf32, #tpu.memory_space<hbm>>
      tpu.enqueue_dma source(%dma_start3A_1449 : memref<32x128xf32, #tpu.memory_space<hbm>>) target(%dma_start3A_1447 : memref<32x128xf32, #tpu.memory_space<vmem>>) target_semaphore(%arg16 : memref<!tpu.dma_semaphore, #tpu.memory_space<semaphore_mem>>)
      %shift_right_logical3A_1450 = arith.constant 7 : i32
      %shift_right_logical3A_1451 = arith.shrui %squeeze3A_823, %shift_right_logical3A_1450 : i32
      %mul3A_1452 = arith.constant 128 : i32
      %mul3A_1453 = arith.muli %shift_right_logical3A_1451, %mul3A_1452 : i32
      %min3A_1454 = arith.constant 999808 : i32
      %min3A_1455 = arith.minsi %mul3A_1453, %min3A_1454 : i32
      %multiple_of3A_1456 = tpu.assume_multiple %min3A_1455, 128 : i32
      %dma_start3A_1457 = arith.constant 4 : i32
      %dma_start3A_1458 = arith.constant 0 : i32
      %dma_start3A_1459 = arith.constant 0 : i32
      %dma_start3A_1460 = tpu.memref_slice %arg9[%dma_start3A_1457, %dma_start3A_1458, %dma_start3A_1459] : memref<8x32x128xf32, #tpu.memory_space<vmem>> -> memref<1x32x128xf32, #tpu.memory_space<vmem>>
      %dma_start3A_1461 = tpu.memref_squeeze %dma_start3A_1460 : memref<1x32x128xf32, #tpu.memory_space<vmem>> -> memref<32x128xf32, #tpu.memory_space<vmem>>
      %dma_start3A_1462 = arith.constant 0 : i32
      %dma_start3A_1463 = tpu.memref_slice %arg4[%dma_start3A_1462, %multiple_of3A_1456] : memref<32x1000000xf32, #tpu.memory_space<hbm>> -> memref<32x128xf32, #tpu.memory_space<hbm>>
      %dma_start3A_1464 = arith.constant 0 : i32
      %dma_start3A_1465 = arith.constant 0 : i32
      %dma_start3A_1466 = tpu.memref_slice %arg9[%dma_start3A_1457, %dma_start3A_1464, %dma_start3A_1465] : memref<8x32x128xf32, #tpu.memory_space<vmem>> -> memref<1x32x128xf32, #tpu.memory_space<vmem>>
      %dma_start3A_1467 = tpu.memref_squeeze %dma_start3A_1466 : memref<1x32x128xf32, #tpu.memory_space<vmem>> -> memref<32x128xf32, #tpu.memory_space<vmem>>
      %dma_start3A_1468 = arith.constant 0 : i32
      %dma_start3A_1469 = tpu.memref_slice %arg4[%dma_start3A_1468, %multiple_of3A_1456] : memref<32x1000000xf32, #tpu.memory_space<hbm>> -> memref<32x128xf32, #tpu.memory_space<hbm>>
      tpu.enqueue_dma source(%dma_start3A_1469 : memref<32x128xf32, #tpu.memory_space<hbm>>) target(%dma_start3A_1467 : memref<32x128xf32, #tpu.memory_space<vmem>>) target_semaphore(%arg16 : memref<!tpu.dma_semaphore, #tpu.memory_space<semaphore_mem>>)
      %shift_right_logical3A_1470 = arith.constant 7 : i32
      %shift_right_logical3A_1471 = arith.shrui %squeeze3A_825, %shift_right_logical3A_1470 : i32
      %mul3A_1472 = arith.constant 128 : i32
      %mul3A_1473 = arith.muli %shift_right_logical3A_1471, %mul3A_1472 : i32
      %min3A_1474 = arith.constant 999808 : i32
      %min3A_1475 = arith.minsi %mul3A_1473, %min3A_1474 : i32
      %multiple_of3A_1476 = tpu.assume_multiple %min3A_1475, 128 : i32
      %dma_start3A_1477 = arith.constant 5 : i32
      %dma_start3A_1478 = arith.constant 0 : i32
      %dma_start3A_1479 = arith.constant 0 : i32
      %dma_start3A_1480 = tpu.memref_slice %arg9[%dma_start3A_1477, %dma_start3A_1478, %dma_start3A_1479] : memref<8x32x128xf32, #tpu.memory_space<vmem>> -> memref<1x32x128xf32, #tpu.memory_space<vmem>>
      %dma_start3A_1481 = tpu.memref_squeeze %dma_start3A_1480 : memref<1x32x128xf32, #tpu.memory_space<vmem>> -> memref<32x128xf32, #tpu.memory_space<vmem>>
      %dma_start3A_1482 = arith.constant 0 : i32
      %dma_start3A_1483 = tpu.memref_slice %arg4[%dma_start3A_1482, %multiple_of3A_1476] : memref<32x1000000xf32, #tpu.memory_space<hbm>> -> memref<32x128xf32, #tpu.memory_space<hbm>>
      %dma_start3A_1484 = arith.constant 0 : i32
      %dma_start3A_1485 = arith.constant 0 : i32
      %dma_start3A_1486 = tpu.memref_slice %arg9[%dma_start3A_1477, %dma_start3A_1484, %dma_start3A_1485] : memref<8x32x128xf32, #tpu.memory_space<vmem>> -> memref<1x32x128xf32, #tpu.memory_space<vmem>>
      %dma_start3A_1487 = tpu.memref_squeeze %dma_start3A_1486 : memref<1x32x128xf32, #tpu.memory_space<vmem>> -> memref<32x128xf32, #tpu.memory_space<vmem>>
      %dma_start3A_1488 = arith.constant 0 : i32
      %dma_start3A_1489 = tpu.memref_slice %arg4[%dma_start3A_1488, %multiple_of3A_1476] : memref<32x1000000xf32, #tpu.memory_space<hbm>> -> memref<32x128xf32, #tpu.memory_space<hbm>>
      tpu.enqueue_dma source(%dma_start3A_1489 : memref<32x128xf32, #tpu.memory_space<hbm>>) target(%dma_start3A_1487 : memref<32x128xf32, #tpu.memory_space<vmem>>) target_semaphore(%arg16 : memref<!tpu.dma_semaphore, #tpu.memory_space<semaphore_mem>>)
      %shift_right_logical3A_1490 = arith.constant 7 : i32
      %shift_right_logical3A_1491 = arith.shrui %squeeze3A_827, %shift_right_logical3A_1490 : i32
      %mul3A_1492 = arith.constant 128 : i32
      %mul3A_1493 = arith.muli %shift_right_logical3A_1491, %mul3A_1492 : i32
      %min3A_1494 = arith.constant 999808 : i32
      %min3A_1495 = arith.minsi %mul3A_1493, %min3A_1494 : i32
      %multiple_of3A_1496 = tpu.assume_multiple %min3A_1495, 128 : i32
      %dma_start3A_1497 = arith.constant 6 : i32
      %dma_start3A_1498 = arith.constant 0 : i32
      %dma_start3A_1499 = arith.constant 0 : i32
      %dma_start3A_1500 = tpu.memref_slice %arg9[%dma_start3A_1497, %dma_start3A_1498, %dma_start3A_1499] : memref<8x32x128xf32, #tpu.memory_space<vmem>> -> memref<1x32x128xf32, #tpu.memory_space<vmem>>
      %dma_start3A_1501 = tpu.memref_squeeze %dma_start3A_1500 : memref<1x32x128xf32, #tpu.memory_space<vmem>> -> memref<32x128xf32, #tpu.memory_space<vmem>>
      %dma_start3A_1502 = arith.constant 0 : i32
      %dma_start3A_1503 = tpu.memref_slice %arg4[%dma_start3A_1502, %multiple_of3A_1496] : memref<32x1000000xf32, #tpu.memory_space<hbm>> -> memref<32x128xf32, #tpu.memory_space<hbm>>
      %dma_start3A_1504 = arith.constant 0 : i32
      %dma_start3A_1505 = arith.constant 0 : i32
      %dma_start3A_1506 = tpu.memref_slice %arg9[%dma_start3A_1497, %dma_start3A_1504, %dma_start3A_1505] : memref<8x32x128xf32, #tpu.memory_space<vmem>> -> memref<1x32x128xf32, #tpu.memory_space<vmem>>
      %dma_start3A_1507 = tpu.memref_squeeze %dma_start3A_1506 : memref<1x32x128xf32, #tpu.memory_space<vmem>> -> memref<32x128xf32, #tpu.memory_space<vmem>>
      %dma_start3A_1508 = arith.constant 0 : i32
      %dma_start3A_1509 = tpu.memref_slice %arg4[%dma_start3A_1508, %multiple_of3A_1496] : memref<32x1000000xf32, #tpu.memory_space<hbm>> -> memref<32x128xf32, #tpu.memory_space<hbm>>
      tpu.enqueue_dma source(%dma_start3A_1509 : memref<32x128xf32, #tpu.memory_space<hbm>>) target(%dma_start3A_1507 : memref<32x128xf32, #tpu.memory_space<vmem>>) target_semaphore(%arg16 : memref<!tpu.dma_semaphore, #tpu.memory_space<semaphore_mem>>)
      %shift_right_logical3A_1510 = arith.constant 7 : i32
      %shift_right_logical3A_1511 = arith.shrui %squeeze3A_829, %shift_right_logical3A_1510 : i32
      %mul3A_1512 = arith.constant 128 : i32
      %mul3A_1513 = arith.muli %shift_right_logical3A_1511, %mul3A_1512 : i32
      %min3A_1514 = arith.constant 999808 : i32
      %min3A_1515 = arith.minsi %mul3A_1513, %min3A_1514 : i32
      %multiple_of3A_1516 = tpu.assume_multiple %min3A_1515, 128 : i32
      %dma_start3A_1517 = arith.constant 7 : i32
      %dma_start3A_1518 = arith.constant 0 : i32
      %dma_start3A_1519 = arith.constant 0 : i32
      %dma_start3A_1520 = tpu.memref_slice %arg9[%dma_start3A_1517, %dma_start3A_1518, %dma_start3A_1519] : memref<8x32x128xf32, #tpu.memory_space<vmem>> -> memref<1x32x128xf32, #tpu.memory_space<vmem>>
      %dma_start3A_1521 = tpu.memref_squeeze %dma_start3A_1520 : memref<1x32x128xf32, #tpu.memory_space<vmem>> -> memref<32x128xf32, #tpu.memory_space<vmem>>
      %dma_start3A_1522 = arith.constant 0 : i32
      %dma_start3A_1523 = tpu.memref_slice %arg4[%dma_start3A_1522, %multiple_of3A_1516] : memref<32x1000000xf32, #tpu.memory_space<hbm>> -> memref<32x128xf32, #tpu.memory_space<hbm>>
      %dma_start3A_1524 = arith.constant 0 : i32
      %dma_start3A_1525 = arith.constant 0 : i32
      %dma_start3A_1526 = tpu.memref_slice %arg9[%dma_start3A_1517, %dma_start3A_1524, %dma_start3A_1525] : memref<8x32x128xf32, #tpu.memory_space<vmem>> -> memref<1x32x128xf32, #tpu.memory_space<vmem>>
      %dma_start3A_1527 = tpu.memref_squeeze %dma_start3A_1526 : memref<1x32x128xf32, #tpu.memory_space<vmem>> -> memref<32x128xf32, #tpu.memory_space<vmem>>
      %dma_start3A_1528 = arith.constant 0 : i32
      %dma_start3A_1529 = tpu.memref_slice %arg4[%dma_start3A_1528, %multiple_of3A_1516] : memref<32x1000000xf32, #tpu.memory_space<hbm>> -> memref<32x128xf32, #tpu.memory_space<hbm>>
      tpu.enqueue_dma source(%dma_start3A_1529 : memref<32x128xf32, #tpu.memory_space<hbm>>) target(%dma_start3A_1527 : memref<32x128xf32, #tpu.memory_space<vmem>>) target_semaphore(%arg16 : memref<!tpu.dma_semaphore, #tpu.memory_space<semaphore_mem>>)
      %dma_wait3A_1530 = arith.constant 0 : i32
      %dma_wait3A_1531 = arith.constant 0 : i32
      %dma_wait3A_1532 = arith.constant 0 : i32
      %dma_wait3A_1533 = tpu.memref_slice %arg10[%dma_wait3A_1530, %dma_wait3A_1531, %dma_wait3A_1532] : memref<8x32x128xf32, #tpu.memory_space<vmem>> -> memref<1x32x128xf32, #tpu.memory_space<vmem>>
      %dma_wait3A_1534 = tpu.memref_squeeze %dma_wait3A_1533 : memref<1x32x128xf32, #tpu.memory_space<vmem>> -> memref<32x128xf32, #tpu.memory_space<vmem>>
      %dma_wait3A_1535 = arith.constant 0 : i32
      %dma_wait3A_1536 = arith.constant 0 : i32
      %dma_wait3A_1537 = tpu.memref_slice %arg4[%dma_wait3A_1535, %dma_wait3A_1536] : memref<32x1000000xf32, #tpu.memory_space<hbm>> -> memref<32x128xf32, #tpu.memory_space<hbm>>
      %dma_wait3A_1538 = arith.constant 0 : i32
      %dma_wait3A_1539 = arith.constant 0 : i32
      %dma_wait3A_1540 = tpu.memref_slice %arg10[%dma_wait3A_1530, %dma_wait3A_1538, %dma_wait3A_1539] : memref<8x32x128xf32, #tpu.memory_space<vmem>> -> memref<1x32x128xf32, #tpu.memory_space<vmem>>
      %dma_wait3A_1541 = tpu.memref_squeeze %dma_wait3A_1540 : memref<1x32x128xf32, #tpu.memory_space<vmem>> -> memref<32x128xf32, #tpu.memory_space<vmem>>
      %dma_wait3A_1542 = arith.constant 0 : i32
      %dma_wait3A_1543 = arith.constant 0 : i32
      %dma_wait3A_1544 = tpu.memref_slice %arg4[%dma_wait3A_1542, %dma_wait3A_1543] : memref<32x1000000xf32, #tpu.memory_space<hbm>> -> memref<32x128xf32, #tpu.memory_space<hbm>>
      tpu.wait_dma2 semaphore(%arg17 : memref<!tpu.dma_semaphore, #tpu.memory_space<semaphore_mem>>) src(%dma_wait3A_1544 : memref<32x128xf32, #tpu.memory_space<hbm>>) dst(%dma_wait3A_1541 : memref<32x128xf32, #tpu.memory_space<vmem>>)
      %dma_wait3A_1545 = arith.constant 1 : i32
      %dma_wait3A_1546 = arith.constant 0 : i32
      %dma_wait3A_1547 = arith.constant 0 : i32
      %dma_wait3A_1548 = tpu.memref_slice %arg10[%dma_wait3A_1545, %dma_wait3A_1546, %dma_wait3A_1547] : memref<8x32x128xf32, #tpu.memory_space<vmem>> -> memref<1x32x128xf32, #tpu.memory_space<vmem>>
      %dma_wait3A_1549 = tpu.memref_squeeze %dma_wait3A_1548 : memref<1x32x128xf32, #tpu.memory_space<vmem>> -> memref<32x128xf32, #tpu.memory_space<vmem>>
      %dma_wait3A_1550 = arith.constant 0 : i32
      %dma_wait3A_1551 = arith.constant 0 : i32
      %dma_wait3A_1552 = tpu.memref_slice %arg4[%dma_wait3A_1550, %dma_wait3A_1551] : memref<32x1000000xf32, #tpu.memory_space<hbm>> -> memref<32x128xf32, #tpu.memory_space<hbm>>
      %dma_wait3A_1553 = arith.constant 0 : i32
      %dma_wait3A_1554 = arith.constant 0 : i32
      %dma_wait3A_1555 = tpu.memref_slice %arg10[%dma_wait3A_1545, %dma_wait3A_1553, %dma_wait3A_1554] : memref<8x32x128xf32, #tpu.memory_space<vmem>> -> memref<1x32x128xf32, #tpu.memory_space<vmem>>
      %dma_wait3A_1556 = tpu.memref_squeeze %dma_wait3A_1555 : memref<1x32x128xf32, #tpu.memory_space<vmem>> -> memref<32x128xf32, #tpu.memory_space<vmem>>
      %dma_wait3A_1557 = arith.constant 0 : i32
      %dma_wait3A_1558 = arith.constant 0 : i32
      %dma_wait3A_1559 = tpu.memref_slice %arg4[%dma_wait3A_1557, %dma_wait3A_1558] : memref<32x1000000xf32, #tpu.memory_space<hbm>> -> memref<32x128xf32, #tpu.memory_space<hbm>>
      tpu.wait_dma2 semaphore(%arg17 : memref<!tpu.dma_semaphore, #tpu.memory_space<semaphore_mem>>) src(%dma_wait3A_1559 : memref<32x128xf32, #tpu.memory_space<hbm>>) dst(%dma_wait3A_1556 : memref<32x128xf32, #tpu.memory_space<vmem>>)
      %dma_wait3A_1560 = arith.constant 2 : i32
      %dma_wait3A_1561 = arith.constant 0 : i32
      %dma_wait3A_1562 = arith.constant 0 : i32
      %dma_wait3A_1563 = tpu.memref_slice %arg10[%dma_wait3A_1560, %dma_wait3A_1561, %dma_wait3A_1562] : memref<8x32x128xf32, #tpu.memory_space<vmem>> -> memref<1x32x128xf32, #tpu.memory_space<vmem>>
      %dma_wait3A_1564 = tpu.memref_squeeze %dma_wait3A_1563 : memref<1x32x128xf32, #tpu.memory_space<vmem>> -> memref<32x128xf32, #tpu.memory_space<vmem>>
      %dma_wait3A_1565 = arith.constant 0 : i32
      %dma_wait3A_1566 = arith.constant 0 : i32
      %dma_wait3A_1567 = tpu.memref_slice %arg4[%dma_wait3A_1565, %dma_wait3A_1566] : memref<32x1000000xf32, #tpu.memory_space<hbm>> -> memref<32x128xf32, #tpu.memory_space<hbm>>
      %dma_wait3A_1568 = arith.constant 0 : i32
      %dma_wait3A_1569 = arith.constant 0 : i32
      %dma_wait3A_1570 = tpu.memref_slice %arg10[%dma_wait3A_1560, %dma_wait3A_1568, %dma_wait3A_1569] : memref<8x32x128xf32, #tpu.memory_space<vmem>> -> memref<1x32x128xf32, #tpu.memory_space<vmem>>
      %dma_wait3A_1571 = tpu.memref_squeeze %dma_wait3A_1570 : memref<1x32x128xf32, #tpu.memory_space<vmem>> -> memref<32x128xf32, #tpu.memory_space<vmem>>
      %dma_wait3A_1572 = arith.constant 0 : i32
      %dma_wait3A_1573 = arith.constant 0 : i32
      %dma_wait3A_1574 = tpu.memref_slice %arg4[%dma_wait3A_1572, %dma_wait3A_1573] : memref<32x1000000xf32, #tpu.memory_space<hbm>> -> memref<32x128xf32, #tpu.memory_space<hbm>>
      tpu.wait_dma2 semaphore(%arg17 : memref<!tpu.dma_semaphore, #tpu.memory_space<semaphore_mem>>) src(%dma_wait3A_1574 : memref<32x128xf32, #tpu.memory_space<hbm>>) dst(%dma_wait3A_1571 : memref<32x128xf32, #tpu.memory_space<vmem>>)
      %dma_wait3A_1575 = arith.constant 3 : i32
      %dma_wait3A_1576 = arith.constant 0 : i32
      %dma_wait3A_1577 = arith.constant 0 : i32
      %dma_wait3A_1578 = tpu.memref_slice %arg10[%dma_wait3A_1575, %dma_wait3A_1576, %dma_wait3A_1577] : memref<8x32x128xf32, #tpu.memory_space<vmem>> -> memref<1x32x128xf32, #tpu.memory_space<vmem>>
      %dma_wait3A_1579 = tpu.memref_squeeze %dma_wait3A_1578 : memref<1x32x128xf32, #tpu.memory_space<vmem>> -> memref<32x128xf32, #tpu.memory_space<vmem>>
      %dma_wait3A_1580 = arith.constant 0 : i32
      %dma_wait3A_1581 = arith.constant 0 : i32
      %dma_wait3A_1582 = tpu.memref_slice %arg4[%dma_wait3A_1580, %dma_wait3A_1581] : memref<32x1000000xf32, #tpu.memory_space<hbm>> -> memref<32x128xf32, #tpu.memory_space<hbm>>
      %dma_wait3A_1583 = arith.constant 0 : i32
      %dma_wait3A_1584 = arith.constant 0 : i32
      %dma_wait3A_1585 = tpu.memref_slice %arg10[%dma_wait3A_1575, %dma_wait3A_1583, %dma_wait3A_1584] : memref<8x32x128xf32, #tpu.memory_space<vmem>> -> memref<1x32x128xf32, #tpu.memory_space<vmem>>
      %dma_wait3A_1586 = tpu.memref_squeeze %dma_wait3A_1585 : memref<1x32x128xf32, #tpu.memory_space<vmem>> -> memref<32x128xf32, #tpu.memory_space<vmem>>
      %dma_wait3A_1587 = arith.constant 0 : i32
      %dma_wait3A_1588 = arith.constant 0 : i32
      %dma_wait3A_1589 = tpu.memref_slice %arg4[%dma_wait3A_1587, %dma_wait3A_1588] : memref<32x1000000xf32, #tpu.memory_space<hbm>> -> memref<32x128xf32, #tpu.memory_space<hbm>>
      tpu.wait_dma2 semaphore(%arg17 : memref<!tpu.dma_semaphore, #tpu.memory_space<semaphore_mem>>) src(%dma_wait3A_1589 : memref<32x128xf32, #tpu.memory_space<hbm>>) dst(%dma_wait3A_1586 : memref<32x128xf32, #tpu.memory_space<vmem>>)
      %dma_wait3A_1590 = arith.constant 4 : i32
      %dma_wait3A_1591 = arith.constant 0 : i32
      %dma_wait3A_1592 = arith.constant 0 : i32
      %dma_wait3A_1593 = tpu.memref_slice %arg10[%dma_wait3A_1590, %dma_wait3A_1591, %dma_wait3A_1592] : memref<8x32x128xf32, #tpu.memory_space<vmem>> -> memref<1x32x128xf32, #tpu.memory_space<vmem>>
      %dma_wait3A_1594 = tpu.memref_squeeze %dma_wait3A_1593 : memref<1x32x128xf32, #tpu.memory_space<vmem>> -> memref<32x128xf32, #tpu.memory_space<vmem>>
      %dma_wait3A_1595 = arith.constant 0 : i32
      %dma_wait3A_1596 = arith.constant 0 : i32
      %dma_wait3A_1597 = tpu.memref_slice %arg4[%dma_wait3A_1595, %dma_wait3A_1596] : memref<32x1000000xf32, #tpu.memory_space<hbm>> -> memref<32x128xf32, #tpu.memory_space<hbm>>
      %dma_wait3A_1598 = arith.constant 0 : i32
      %dma_wait3A_1599 = arith.constant 0 : i32
      %dma_wait3A_1600 = tpu.memref_slice %arg10[%dma_wait3A_1590, %dma_wait3A_1598, %dma_wait3A_1599] : memref<8x32x128xf32, #tpu.memory_space<vmem>> -> memref<1x32x128xf32, #tpu.memory_space<vmem>>
      %dma_wait3A_1601 = tpu.memref_squeeze %dma_wait3A_1600 : memref<1x32x128xf32, #tpu.memory_space<vmem>> -> memref<32x128xf32, #tpu.memory_space<vmem>>
      %dma_wait3A_1602 = arith.constant 0 : i32
      %dma_wait3A_1603 = arith.constant 0 : i32
      %dma_wait3A_1604 = tpu.memref_slice %arg4[%dma_wait3A_1602, %dma_wait3A_1603] : memref<32x1000000xf32, #tpu.memory_space<hbm>> -> memref<32x128xf32, #tpu.memory_space<hbm>>
      tpu.wait_dma2 semaphore(%arg17 : memref<!tpu.dma_semaphore, #tpu.memory_space<semaphore_mem>>) src(%dma_wait3A_1604 : memref<32x128xf32, #tpu.memory_space<hbm>>) dst(%dma_wait3A_1601 : memref<32x128xf32, #tpu.memory_space<vmem>>)
      %dma_wait3A_1605 = arith.constant 5 : i32
      %dma_wait3A_1606 = arith.constant 0 : i32
      %dma_wait3A_1607 = arith.constant 0 : i32
      %dma_wait3A_1608 = tpu.memref_slice %arg10[%dma_wait3A_1605, %dma_wait3A_1606, %dma_wait3A_1607] : memref<8x32x128xf32, #tpu.memory_space<vmem>> -> memref<1x32x128xf32, #tpu.memory_space<vmem>>
      %dma_wait3A_1609 = tpu.memref_squeeze %dma_wait3A_1608 : memref<1x32x128xf32, #tpu.memory_space<vmem>> -> memref<32x128xf32, #tpu.memory_space<vmem>>
      %dma_wait3A_1610 = arith.constant 0 : i32
      %dma_wait3A_1611 = arith.constant 0 : i32
      %dma_wait3A_1612 = tpu.memref_slice %arg4[%dma_wait3A_1610, %dma_wait3A_1611] : memref<32x1000000xf32, #tpu.memory_space<hbm>> -> memref<32x128xf32, #tpu.memory_space<hbm>>
      %dma_wait3A_1613 = arith.constant 0 : i32
      %dma_wait3A_1614 = arith.constant 0 : i32
      %dma_wait3A_1615 = tpu.memref_slice %arg10[%dma_wait3A_1605, %dma_wait3A_1613, %dma_wait3A_1614] : memref<8x32x128xf32, #tpu.memory_space<vmem>> -> memref<1x32x128xf32, #tpu.memory_space<vmem>>
      %dma_wait3A_1616 = tpu.memref_squeeze %dma_wait3A_1615 : memref<1x32x128xf32, #tpu.memory_space<vmem>> -> memref<32x128xf32, #tpu.memory_space<vmem>>
      %dma_wait3A_1617 = arith.constant 0 : i32
      %dma_wait3A_1618 = arith.constant 0 : i32
      %dma_wait3A_1619 = tpu.memref_slice %arg4[%dma_wait3A_1617, %dma_wait3A_1618] : memref<32x1000000xf32, #tpu.memory_space<hbm>> -> memref<32x128xf32, #tpu.memory_space<hbm>>
      tpu.wait_dma2 semaphore(%arg17 : memref<!tpu.dma_semaphore, #tpu.memory_space<semaphore_mem>>) src(%dma_wait3A_1619 : memref<32x128xf32, #tpu.memory_space<hbm>>) dst(%dma_wait3A_1616 : memref<32x128xf32, #tpu.memory_space<vmem>>)
      %dma_wait3A_1620 = arith.constant 6 : i32
      %dma_wait3A_1621 = arith.constant 0 : i32
      %dma_wait3A_1622 = arith.constant 0 : i32
      %dma_wait3A_1623 = tpu.memref_slice %arg10[%dma_wait3A_1620, %dma_wait3A_1621, %dma_wait3A_1622] : memref<8x32x128xf32, #tpu.memory_space<vmem>> -> memref<1x32x128xf32, #tpu.memory_space<vmem>>
      %dma_wait3A_1624 = tpu.memref_squeeze %dma_wait3A_1623 : memref<1x32x128xf32, #tpu.memory_space<vmem>> -> memref<32x128xf32, #tpu.memory_space<vmem>>
      %dma_wait3A_1625 = arith.constant 0 : i32
      %dma_wait3A_1626 = arith.constant 0 : i32
      %dma_wait3A_1627 = tpu.memref_slice %arg4[%dma_wait3A_1625, %dma_wait3A_1626] : memref<32x1000000xf32, #tpu.memory_space<hbm>> -> memref<32x128xf32, #tpu.memory_space<hbm>>
      %dma_wait3A_1628 = arith.constant 0 : i32
      %dma_wait3A_1629 = arith.constant 0 : i32
      %dma_wait3A_1630 = tpu.memref_slice %arg10[%dma_wait3A_1620, %dma_wait3A_1628, %dma_wait3A_1629] : memref<8x32x128xf32, #tpu.memory_space<vmem>> -> memref<1x32x128xf32, #tpu.memory_space<vmem>>
      %dma_wait3A_1631 = tpu.memref_squeeze %dma_wait3A_1630 : memref<1x32x128xf32, #tpu.memory_space<vmem>> -> memref<32x128xf32, #tpu.memory_space<vmem>>
      %dma_wait3A_1632 = arith.constant 0 : i32
      %dma_wait3A_1633 = arith.constant 0 : i32
      %dma_wait3A_1634 = tpu.memref_slice %arg4[%dma_wait3A_1632, %dma_wait3A_1633] : memref<32x1000000xf32, #tpu.memory_space<hbm>> -> memref<32x128xf32, #tpu.memory_space<hbm>>
      tpu.wait_dma2 semaphore(%arg17 : memref<!tpu.dma_semaphore, #tpu.memory_space<semaphore_mem>>) src(%dma_wait3A_1634 : memref<32x128xf32, #tpu.memory_space<hbm>>) dst(%dma_wait3A_1631 : memref<32x128xf32, #tpu.memory_space<vmem>>)
      %dma_wait3A_1635 = arith.constant 7 : i32
      %dma_wait3A_1636 = arith.constant 0 : i32
      %dma_wait3A_1637 = arith.constant 0 : i32
      %dma_wait3A_1638 = tpu.memref_slice %arg10[%dma_wait3A_1635, %dma_wait3A_1636, %dma_wait3A_1637] : memref<8x32x128xf32, #tpu.memory_space<vmem>> -> memref<1x32x128xf32, #tpu.memory_space<vmem>>
      %dma_wait3A_1639 = tpu.memref_squeeze %dma_wait3A_1638 : memref<1x32x128xf32, #tpu.memory_space<vmem>> -> memref<32x128xf32, #tpu.memory_space<vmem>>
      %dma_wait3A_1640 = arith.constant 0 : i32
      %dma_wait3A_1641 = arith.constant 0 : i32
      %dma_wait3A_1642 = tpu.memref_slice %arg4[%dma_wait3A_1640, %dma_wait3A_1641] : memref<32x1000000xf32, #tpu.memory_space<hbm>> -> memref<32x128xf32, #tpu.memory_space<hbm>>
      %dma_wait3A_1643 = arith.constant 0 : i32
      %dma_wait3A_1644 = arith.constant 0 : i32
      %dma_wait3A_1645 = tpu.memref_slice %arg10[%dma_wait3A_1635, %dma_wait3A_1643, %dma_wait3A_1644] : memref<8x32x128xf32, #tpu.memory_space<vmem>> -> memref<1x32x128xf32, #tpu.memory_space<vmem>>
      %dma_wait3A_1646 = tpu.memref_squeeze %dma_wait3A_1645 : memref<1x32x128xf32, #tpu.memory_space<vmem>> -> memref<32x128xf32, #tpu.memory_space<vmem>>
      %dma_wait3A_1647 = arith.constant 0 : i32
      %dma_wait3A_1648 = arith.constant 0 : i32
      %dma_wait3A_1649 = tpu.memref_slice %arg4[%dma_wait3A_1647, %dma_wait3A_1648] : memref<32x1000000xf32, #tpu.memory_space<hbm>> -> memref<32x128xf32, #tpu.memory_space<hbm>>
      tpu.wait_dma2 semaphore(%arg17 : memref<!tpu.dma_semaphore, #tpu.memory_space<semaphore_mem>>) src(%dma_wait3A_1649 : memref<32x128xf32, #tpu.memory_space<hbm>>) dst(%dma_wait3A_1646 : memref<32x128xf32, #tpu.memory_space<vmem>>)
      %and3A_1650 = arith.constant 127 : i32
      %and3A_1651 = arith.andi %squeeze3A_799, %and3A_1650 : i32
      %min3A_1652 = arith.constant 127 : i32
      %min3A_1653 = arith.minsi %and3A_1651, %min3A_1652 : i32
      %sub3A_1654 = arith.constant 999936 : i32
      %sub3A_1655 = arith.subi %squeeze3A_799, %sub3A_1654 : i32
      %max3A_1656 = arith.constant 0 : i32
      %max3A_1657 = arith.maxsi %sub3A_1655, %max3A_1656 : i32
      %min3A_1658 = arith.constant 63 : i32
      %min3A_1659 = arith.minsi %max3A_1657, %min3A_1658 : i32
      %ge3A_1660 = arith.constant 999936 : i32
      %ge3A_1661 = arith.cmpi sge, %squeeze3A_799, %ge3A_1660 : i32
      %broadcast_in_dim3A_1662 = vector.broadcast %ge3A_1661 : i1 to vector<16xi1>
      %broadcast_in_dim3A_1663 = vector.broadcast %min3A_1653 : i32 to vector<16xi32>
      %broadcast_in_dim3A_1664 = vector.broadcast %min3A_1659 : i32 to vector<16xi32>
      %gather3A_1665 = tpu.vector_load_idx %arg14[%iota3A, %broadcast_in_dim3A_1664] : memref<32x64xf32, #tpu.memory_space<vmem>>[vector<16xi32>, vector<16xi32>], vector<16xf32>,
      %gather3A_1666 = arith.constant 0 : i32
      %gather3A_1667 = arith.constant 0 : i32
      %gather3A_1668 = arith.constant 0 : i32
      %gather3A_1669 = tpu.memref_slice %arg10[%gather3A_1666, %gather3A_1667, %gather3A_1668] : memref<8x32x128xf32, #tpu.memory_space<vmem>> -> memref<1x32x128xf32, #tpu.memory_space<vmem>>
      %gather3A_1670 = tpu.memref_squeeze %gather3A_1669 : memref<1x32x128xf32, #tpu.memory_space<vmem>> -> memref<32x128xf32, #tpu.memory_space<vmem>>
      %gather3A_1671 = tpu.vector_load_idx %gather3A_1670[%iota3A, %broadcast_in_dim3A_1663] : memref<32x128xf32, #tpu.memory_space<vmem>>[vector<16xi32>, vector<16xi32>], vector<16xf32>,
      %select_n3A_1672 = arith.select %broadcast_in_dim3A_1662, %gather3A_1665, %gather3A_1671 : vector<16xi1>, vector<16xf32>
      %gather3A_1673 = tpu.vector_load_idx %arg14[%add3A_5, %broadcast_in_dim3A_1664] : memref<32x64xf32, #tpu.memory_space<vmem>>[vector<16xi32>, vector<16xi32>], vector<16xf32>,
      %gather3A_1674 = arith.constant 0 : i32
      %gather3A_1675 = arith.constant 0 : i32
      %gather3A_1676 = arith.constant 0 : i32
      %gather3A_1677 = tpu.memref_slice %arg10[%gather3A_1674, %gather3A_1675, %gather3A_1676] : memref<8x32x128xf32, #tpu.memory_space<vmem>> -> memref<1x32x128xf32, #tpu.memory_space<vmem>>
      %gather3A_1678 = tpu.memref_squeeze %gather3A_1677 : memref<1x32x128xf32, #tpu.memory_space<vmem>> -> memref<32x128xf32, #tpu.memory_space<vmem>>
      %gather3A_1679 = tpu.vector_load_idx %gather3A_1678[%add3A_5, %broadcast_in_dim3A_1663] : memref<32x128xf32, #tpu.memory_space<vmem>>[vector<16xi32>, vector<16xi32>], vector<16xf32>,
      %select_n3A_1680 = arith.select %broadcast_in_dim3A_1662, %gather3A_1673, %gather3A_1679 : vector<16xi1>, vector<16xf32>
      %mul3A_1681 = arith.mulf %select_n3A_1144, %select_n3A_1672 : vector<16xf32>
      %mul3A_1682 = arith.mulf %select_n3A_1152, %select_n3A_1680 : vector<16xf32>
      %add3A_1683 = arith.addf %mul3A_1681, %mul3A_1682 : vector<16xf32>
      %swap3A = arith.constant 0 : i32
      %swap3A_1684 = arith.index_cast %swap3A : i32 to index
      %swap3A_1685 = arith.constant 0 : index
      %swap3A_1686 = tpu.vector_load %arg12[%swap3A_1684, %swap3A_1685] {strides = array<i32>} : memref<16x16xf32, #tpu.memory_space<vmem>>, vector<16xf32>,
      tpu.vector_store %arg12[%swap3A_1684, %swap3A_1685], %add3A_1683 {strides = array<i32>} : memref<16x16xf32, #tpu.memory_space<vmem>>, vector<16xf32>,
      %and3A_1687 = arith.constant 127 : i32
      %and3A_1688 = arith.andi %squeeze3A_801, %and3A_1687 : i32
      %min3A_1689 = arith.constant 127 : i32
      %min3A_1690 = arith.minsi %and3A_1688, %min3A_1689 : i32
      %sub3A_1691 = arith.constant 999936 : i32
      %sub3A_1692 = arith.subi %squeeze3A_801, %sub3A_1691 : i32
      %max3A_1693 = arith.constant 0 : i32
      %max3A_1694 = arith.maxsi %sub3A_1692, %max3A_1693 : i32
      %min3A_1695 = arith.constant 63 : i32
      %min3A_1696 = arith.minsi %max3A_1694, %min3A_1695 : i32
      %ge3A_1697 = arith.constant 999936 : i32
      %ge3A_1698 = arith.cmpi sge, %squeeze3A_801, %ge3A_1697 : i32
      %broadcast_in_dim3A_1699 = vector.broadcast %ge3A_1698 : i1 to vector<16xi1>
      %broadcast_in_dim3A_1700 = vector.broadcast %min3A_1690 : i32 to vector<16xi32>
      %broadcast_in_dim3A_1701 = vector.broadcast %min3A_1696 : i32 to vector<16xi32>
      %gather3A_1702 = tpu.vector_load_idx %arg14[%iota3A, %broadcast_in_dim3A_1701] : memref<32x64xf32, #tpu.memory_space<vmem>>[vector<16xi32>, vector<16xi32>], vector<16xf32>,
      %gather3A_1703 = arith.constant 1 : i32
      %gather3A_1704 = arith.constant 0 : i32
      %gather3A_1705 = arith.constant 0 : i32
      %gather3A_1706 = tpu.memref_slice %arg10[%gather3A_1703, %gather3A_1704, %gather3A_1705] : memref<8x32x128xf32, #tpu.memory_space<vmem>> -> memref<1x32x128xf32, #tpu.memory_space<vmem>>
      %gather3A_1707 = tpu.memref_squeeze %gather3A_1706 : memref<1x32x128xf32, #tpu.memory_space<vmem>> -> memref<32x128xf32, #tpu.memory_space<vmem>>
      %gather3A_1708 = tpu.vector_load_idx %gather3A_1707[%iota3A, %broadcast_in_dim3A_1700] : memref<32x128xf32, #tpu.memory_space<vmem>>[vector<16xi32>, vector<16xi32>], vector<16xf32>,
      %select_n3A_1709 = arith.select %broadcast_in_dim3A_1699, %gather3A_1702, %gather3A_1708 : vector<16xi1>, vector<16xf32>
      %gather3A_1710 = tpu.vector_load_idx %arg14[%add3A_5, %broadcast_in_dim3A_1701] : memref<32x64xf32, #tpu.memory_space<vmem>>[vector<16xi32>, vector<16xi32>], vector<16xf32>,
      %gather3A_1711 = arith.constant 1 : i32
      %gather3A_1712 = arith.constant 0 : i32
      %gather3A_1713 = arith.constant 0 : i32
      %gather3A_1714 = tpu.memref_slice %arg10[%gather3A_1711, %gather3A_1712, %gather3A_1713] : memref<8x32x128xf32, #tpu.memory_space<vmem>> -> memref<1x32x128xf32, #tpu.memory_space<vmem>>
      %gather3A_1715 = tpu.memref_squeeze %gather3A_1714 : memref<1x32x128xf32, #tpu.memory_space<vmem>> -> memref<32x128xf32, #tpu.memory_space<vmem>>
      %gather3A_1716 = tpu.vector_load_idx %gather3A_1715[%add3A_5, %broadcast_in_dim3A_1700] : memref<32x128xf32, #tpu.memory_space<vmem>>[vector<16xi32>, vector<16xi32>], vector<16xf32>,
      %select_n3A_1717 = arith.select %broadcast_in_dim3A_1699, %gather3A_1710, %gather3A_1716 : vector<16xi1>, vector<16xf32>
      %mul3A_1718 = arith.mulf %select_n3A_1175, %select_n3A_1709 : vector<16xf32>
      %mul3A_1719 = arith.mulf %select_n3A_1183, %select_n3A_1717 : vector<16xf32>
      %add3A_1720 = arith.addf %mul3A_1718, %mul3A_1719 : vector<16xf32>
      %swap3A_1721 = arith.constant 1 : i32
      %swap3A_1722 = arith.index_cast %swap3A_1721 : i32 to index
      %swap3A_1723 = arith.constant 0 : index
      %swap3A_1724 = tpu.vector_load %arg12[%swap3A_1722, %swap3A_1723] {strides = array<i32>} : memref<16x16xf32, #tpu.memory_space<vmem>>, vector<16xf32>,
      tpu.vector_store %arg12[%swap3A_1722, %swap3A_1723], %add3A_1720 {strides = array<i32>} : memref<16x16xf32, #tpu.memory_space<vmem>>, vector<16xf32>,
      %and3A_1725 = arith.constant 127 : i32
      %and3A_1726 = arith.andi %squeeze3A_803, %and3A_1725 : i32
      %min3A_1727 = arith.constant 127 : i32
      %min3A_1728 = arith.minsi %and3A_1726, %min3A_1727 : i32
      %sub3A_1729 = arith.constant 999936 : i32
      %sub3A_1730 = arith.subi %squeeze3A_803, %sub3A_1729 : i32
      %max3A_1731 = arith.constant 0 : i32
      %max3A_1732 = arith.maxsi %sub3A_1730, %max3A_1731 : i32
      %min3A_1733 = arith.constant 63 : i32
      %min3A_1734 = arith.minsi %max3A_1732, %min3A_1733 : i32
      %ge3A_1735 = arith.constant 999936 : i32
      %ge3A_1736 = arith.cmpi sge, %squeeze3A_803, %ge3A_1735 : i32
      %broadcast_in_dim3A_1737 = vector.broadcast %ge3A_1736 : i1 to vector<16xi1>
      %broadcast_in_dim3A_1738 = vector.broadcast %min3A_1728 : i32 to vector<16xi32>
      %broadcast_in_dim3A_1739 = vector.broadcast %min3A_1734 : i32 to vector<16xi32>
      %gather3A_1740 = tpu.vector_load_idx %arg14[%iota3A, %broadcast_in_dim3A_1739] : memref<32x64xf32, #tpu.memory_space<vmem>>[vector<16xi32>, vector<16xi32>], vector<16xf32>,
      %gather3A_1741 = arith.constant 2 : i32
      %gather3A_1742 = arith.constant 0 : i32
      %gather3A_1743 = arith.constant 0 : i32
      %gather3A_1744 = tpu.memref_slice %arg10[%gather3A_1741, %gather3A_1742, %gather3A_1743] : memref<8x32x128xf32, #tpu.memory_space<vmem>> -> memref<1x32x128xf32, #tpu.memory_space<vmem>>
      %gather3A_1745 = tpu.memref_squeeze %gather3A_1744 : memref<1x32x128xf32, #tpu.memory_space<vmem>> -> memref<32x128xf32, #tpu.memory_space<vmem>>
      %gather3A_1746 = tpu.vector_load_idx %gather3A_1745[%iota3A, %broadcast_in_dim3A_1738] : memref<32x128xf32, #tpu.memory_space<vmem>>[vector<16xi32>, vector<16xi32>], vector<16xf32>,
      %select_n3A_1747 = arith.select %broadcast_in_dim3A_1737, %gather3A_1740, %gather3A_1746 : vector<16xi1>, vector<16xf32>
      %gather3A_1748 = tpu.vector_load_idx %arg14[%add3A_5, %broadcast_in_dim3A_1739] : memref<32x64xf32, #tpu.memory_space<vmem>>[vector<16xi32>, vector<16xi32>], vector<16xf32>,
      %gather3A_1749 = arith.constant 2 : i32
      %gather3A_1750 = arith.constant 0 : i32
      %gather3A_1751 = arith.constant 0 : i32
      %gather3A_1752 = tpu.memref_slice %arg10[%gather3A_1749, %gather3A_1750, %gather3A_1751] : memref<8x32x128xf32, #tpu.memory_space<vmem>> -> memref<1x32x128xf32, #tpu.memory_space<vmem>>
      %gather3A_1753 = tpu.memref_squeeze %gather3A_1752 : memref<1x32x128xf32, #tpu.memory_space<vmem>> -> memref<32x128xf32, #tpu.memory_space<vmem>>
      %gather3A_1754 = tpu.vector_load_idx %gather3A_1753[%add3A_5, %broadcast_in_dim3A_1738] : memref<32x128xf32, #tpu.memory_space<vmem>>[vector<16xi32>, vector<16xi32>], vector<16xf32>,
      %select_n3A_1755 = arith.select %broadcast_in_dim3A_1737, %gather3A_1748, %gather3A_1754 : vector<16xi1>, vector<16xf32>
      %mul3A_1756 = arith.mulf %select_n3A_1206, %select_n3A_1747 : vector<16xf32>
      %mul3A_1757 = arith.mulf %select_n3A_1214, %select_n3A_1755 : vector<16xf32>
      %add3A_1758 = arith.addf %mul3A_1756, %mul3A_1757 : vector<16xf32>
      %swap3A_1759 = arith.constant 2 : i32
      %swap3A_1760 = arith.index_cast %swap3A_1759 : i32 to index
      %swap3A_1761 = arith.constant 0 : index
      %swap3A_1762 = tpu.vector_load %arg12[%swap3A_1760, %swap3A_1761] {strides = array<i32>} : memref<16x16xf32, #tpu.memory_space<vmem>>, vector<16xf32>,
      tpu.vector_store %arg12[%swap3A_1760, %swap3A_1761], %add3A_1758 {strides = array<i32>} : memref<16x16xf32, #tpu.memory_space<vmem>>, vector<16xf32>,
      %and3A_1763 = arith.constant 127 : i32
      %and3A_1764 = arith.andi %squeeze3A_805, %and3A_1763 : i32
      %min3A_1765 = arith.constant 127 : i32
      %min3A_1766 = arith.minsi %and3A_1764, %min3A_1765 : i32
      %sub3A_1767 = arith.constant 999936 : i32
      %sub3A_1768 = arith.subi %squeeze3A_805, %sub3A_1767 : i32
      %max3A_1769 = arith.constant 0 : i32
      %max3A_1770 = arith.maxsi %sub3A_1768, %max3A_1769 : i32
      %min3A_1771 = arith.constant 63 : i32
      %min3A_1772 = arith.minsi %max3A_1770, %min3A_1771 : i32
      %ge3A_1773 = arith.constant 999936 : i32
      %ge3A_1774 = arith.cmpi sge, %squeeze3A_805, %ge3A_1773 : i32
      %broadcast_in_dim3A_1775 = vector.broadcast %ge3A_1774 : i1 to vector<16xi1>
      %broadcast_in_dim3A_1776 = vector.broadcast %min3A_1766 : i32 to vector<16xi32>
      %broadcast_in_dim3A_1777 = vector.broadcast %min3A_1772 : i32 to vector<16xi32>
      %gather3A_1778 = tpu.vector_load_idx %arg14[%iota3A, %broadcast_in_dim3A_1777] : memref<32x64xf32, #tpu.memory_space<vmem>>[vector<16xi32>, vector<16xi32>], vector<16xf32>,
      %gather3A_1779 = arith.constant 3 : i32
      %gather3A_1780 = arith.constant 0 : i32
      %gather3A_1781 = arith.constant 0 : i32
      %gather3A_1782 = tpu.memref_slice %arg10[%gather3A_1779, %gather3A_1780, %gather3A_1781] : memref<8x32x128xf32, #tpu.memory_space<vmem>> -> memref<1x32x128xf32, #tpu.memory_space<vmem>>
      %gather3A_1783 = tpu.memref_squeeze %gather3A_1782 : memref<1x32x128xf32, #tpu.memory_space<vmem>> -> memref<32x128xf32, #tpu.memory_space<vmem>>
      %gather3A_1784 = tpu.vector_load_idx %gather3A_1783[%iota3A, %broadcast_in_dim3A_1776] : memref<32x128xf32, #tpu.memory_space<vmem>>[vector<16xi32>, vector<16xi32>], vector<16xf32>,
      %select_n3A_1785 = arith.select %broadcast_in_dim3A_1775, %gather3A_1778, %gather3A_1784 : vector<16xi1>, vector<16xf32>
      %gather3A_1786 = tpu.vector_load_idx %arg14[%add3A_5, %broadcast_in_dim3A_1777] : memref<32x64xf32, #tpu.memory_space<vmem>>[vector<16xi32>, vector<16xi32>], vector<16xf32>,
      %gather3A_1787 = arith.constant 3 : i32
      %gather3A_1788 = arith.constant 0 : i32
      %gather3A_1789 = arith.constant 0 : i32
      %gather3A_1790 = tpu.memref_slice %arg10[%gather3A_1787, %gather3A_1788, %gather3A_1789] : memref<8x32x128xf32, #tpu.memory_space<vmem>> -> memref<1x32x128xf32, #tpu.memory_space<vmem>>
      %gather3A_1791 = tpu.memref_squeeze %gather3A_1790 : memref<1x32x128xf32, #tpu.memory_space<vmem>> -> memref<32x128xf32, #tpu.memory_space<vmem>>
      %gather3A_1792 = tpu.vector_load_idx %gather3A_1791[%add3A_5, %broadcast_in_dim3A_1776] : memref<32x128xf32, #tpu.memory_space<vmem>>[vector<16xi32>, vector<16xi32>], vector<16xf32>,
      %select_n3A_1793 = arith.select %broadcast_in_dim3A_1775, %gather3A_1786, %gather3A_1792 : vector<16xi1>, vector<16xf32>
      %mul3A_1794 = arith.mulf %select_n3A_1237, %select_n3A_1785 : vector<16xf32>
      %mul3A_1795 = arith.mulf %select_n3A_1245, %select_n3A_1793 : vector<16xf32>
      %add3A_1796 = arith.addf %mul3A_1794, %mul3A_1795 : vector<16xf32>
      %swap3A_1797 = arith.constant 3 : i32
      %swap3A_1798 = arith.index_cast %swap3A_1797 : i32 to index
      %swap3A_1799 = arith.constant 0 : index
      %swap3A_1800 = tpu.vector_load %arg12[%swap3A_1798, %swap3A_1799] {strides = array<i32>} : memref<16x16xf32, #tpu.memory_space<vmem>>, vector<16xf32>,
      tpu.vector_store %arg12[%swap3A_1798, %swap3A_1799], %add3A_1796 {strides = array<i32>} : memref<16x16xf32, #tpu.memory_space<vmem>>, vector<16xf32>,
      %and3A_1801 = arith.constant 127 : i32
      %and3A_1802 = arith.andi %squeeze3A_807, %and3A_1801 : i32
      %min3A_1803 = arith.constant 127 : i32
      %min3A_1804 = arith.minsi %and3A_1802, %min3A_1803 : i32
      %sub3A_1805 = arith.constant 999936 : i32
      %sub3A_1806 = arith.subi %squeeze3A_807, %sub3A_1805 : i32
      %max3A_1807 = arith.constant 0 : i32
      %max3A_1808 = arith.maxsi %sub3A_1806, %max3A_1807 : i32
      %min3A_1809 = arith.constant 63 : i32
      %min3A_1810 = arith.minsi %max3A_1808, %min3A_1809 : i32
      %ge3A_1811 = arith.constant 999936 : i32
      %ge3A_1812 = arith.cmpi sge, %squeeze3A_807, %ge3A_1811 : i32
      %broadcast_in_dim3A_1813 = vector.broadcast %ge3A_1812 : i1 to vector<16xi1>
      %broadcast_in_dim3A_1814 = vector.broadcast %min3A_1804 : i32 to vector<16xi32>
      %broadcast_in_dim3A_1815 = vector.broadcast %min3A_1810 : i32 to vector<16xi32>
      %gather3A_1816 = tpu.vector_load_idx %arg14[%iota3A, %broadcast_in_dim3A_1815] : memref<32x64xf32, #tpu.memory_space<vmem>>[vector<16xi32>, vector<16xi32>], vector<16xf32>,
      %gather3A_1817 = arith.constant 4 : i32
      %gather3A_1818 = arith.constant 0 : i32
      %gather3A_1819 = arith.constant 0 : i32
      %gather3A_1820 = tpu.memref_slice %arg10[%gather3A_1817, %gather3A_1818, %gather3A_1819] : memref<8x32x128xf32, #tpu.memory_space<vmem>> -> memref<1x32x128xf32, #tpu.memory_space<vmem>>
      %gather3A_1821 = tpu.memref_squeeze %gather3A_1820 : memref<1x32x128xf32, #tpu.memory_space<vmem>> -> memref<32x128xf32, #tpu.memory_space<vmem>>
      %gather3A_1822 = tpu.vector_load_idx %gather3A_1821[%iota3A, %broadcast_in_dim3A_1814] : memref<32x128xf32, #tpu.memory_space<vmem>>[vector<16xi32>, vector<16xi32>], vector<16xf32>,
      %select_n3A_1823 = arith.select %broadcast_in_dim3A_1813, %gather3A_1816, %gather3A_1822 : vector<16xi1>, vector<16xf32>
      %gather3A_1824 = tpu.vector_load_idx %arg14[%add3A_5, %broadcast_in_dim3A_1815] : memref<32x64xf32, #tpu.memory_space<vmem>>[vector<16xi32>, vector<16xi32>], vector<16xf32>,
      %gather3A_1825 = arith.constant 4 : i32
      %gather3A_1826 = arith.constant 0 : i32
      %gather3A_1827 = arith.constant 0 : i32
      %gather3A_1828 = tpu.memref_slice %arg10[%gather3A_1825, %gather3A_1826, %gather3A_1827] : memref<8x32x128xf32, #tpu.memory_space<vmem>> -> memref<1x32x128xf32, #tpu.memory_space<vmem>>
      %gather3A_1829 = tpu.memref_squeeze %gather3A_1828 : memref<1x32x128xf32, #tpu.memory_space<vmem>> -> memref<32x128xf32, #tpu.memory_space<vmem>>
      %gather3A_1830 = tpu.vector_load_idx %gather3A_1829[%add3A_5, %broadcast_in_dim3A_1814] : memref<32x128xf32, #tpu.memory_space<vmem>>[vector<16xi32>, vector<16xi32>], vector<16xf32>,
      %select_n3A_1831 = arith.select %broadcast_in_dim3A_1813, %gather3A_1824, %gather3A_1830 : vector<16xi1>, vector<16xf32>
      %mul3A_1832 = arith.mulf %select_n3A_1268, %select_n3A_1823 : vector<16xf32>
      %mul3A_1833 = arith.mulf %select_n3A_1276, %select_n3A_1831 : vector<16xf32>
      %add3A_1834 = arith.addf %mul3A_1832, %mul3A_1833 : vector<16xf32>
      %swap3A_1835 = arith.constant 4 : i32
      %swap3A_1836 = arith.index_cast %swap3A_1835 : i32 to index
      %swap3A_1837 = arith.constant 0 : index
      %swap3A_1838 = tpu.vector_load %arg12[%swap3A_1836, %swap3A_1837] {strides = array<i32>} : memref<16x16xf32, #tpu.memory_space<vmem>>, vector<16xf32>,
      tpu.vector_store %arg12[%swap3A_1836, %swap3A_1837], %add3A_1834 {strides = array<i32>} : memref<16x16xf32, #tpu.memory_space<vmem>>, vector<16xf32>,
      %and3A_1839 = arith.constant 127 : i32
      %and3A_1840 = arith.andi %squeeze3A_809, %and3A_1839 : i32
      %min3A_1841 = arith.constant 127 : i32
      %min3A_1842 = arith.minsi %and3A_1840, %min3A_1841 : i32
      %sub3A_1843 = arith.constant 999936 : i32
      %sub3A_1844 = arith.subi %squeeze3A_809, %sub3A_1843 : i32
      %max3A_1845 = arith.constant 0 : i32
      %max3A_1846 = arith.maxsi %sub3A_1844, %max3A_1845 : i32
      %min3A_1847 = arith.constant 63 : i32
      %min3A_1848 = arith.minsi %max3A_1846, %min3A_1847 : i32
      %ge3A_1849 = arith.constant 999936 : i32
      %ge3A_1850 = arith.cmpi sge, %squeeze3A_809, %ge3A_1849 : i32
      %broadcast_in_dim3A_1851 = vector.broadcast %ge3A_1850 : i1 to vector<16xi1>
      %broadcast_in_dim3A_1852 = vector.broadcast %min3A_1842 : i32 to vector<16xi32>
      %broadcast_in_dim3A_1853 = vector.broadcast %min3A_1848 : i32 to vector<16xi32>
      %gather3A_1854 = tpu.vector_load_idx %arg14[%iota3A, %broadcast_in_dim3A_1853] : memref<32x64xf32, #tpu.memory_space<vmem>>[vector<16xi32>, vector<16xi32>], vector<16xf32>,
      %gather3A_1855 = arith.constant 5 : i32
      %gather3A_1856 = arith.constant 0 : i32
      %gather3A_1857 = arith.constant 0 : i32
      %gather3A_1858 = tpu.memref_slice %arg10[%gather3A_1855, %gather3A_1856, %gather3A_1857] : memref<8x32x128xf32, #tpu.memory_space<vmem>> -> memref<1x32x128xf32, #tpu.memory_space<vmem>>
      %gather3A_1859 = tpu.memref_squeeze %gather3A_1858 : memref<1x32x128xf32, #tpu.memory_space<vmem>> -> memref<32x128xf32, #tpu.memory_space<vmem>>
      %gather3A_1860 = tpu.vector_load_idx %gather3A_1859[%iota3A, %broadcast_in_dim3A_1852] : memref<32x128xf32, #tpu.memory_space<vmem>>[vector<16xi32>, vector<16xi32>], vector<16xf32>,
      %select_n3A_1861 = arith.select %broadcast_in_dim3A_1851, %gather3A_1854, %gather3A_1860 : vector<16xi1>, vector<16xf32>
      %gather3A_1862 = tpu.vector_load_idx %arg14[%add3A_5, %broadcast_in_dim3A_1853] : memref<32x64xf32, #tpu.memory_space<vmem>>[vector<16xi32>, vector<16xi32>], vector<16xf32>,
      %gather3A_1863 = arith.constant 5 : i32
      %gather3A_1864 = arith.constant 0 : i32
      %gather3A_1865 = arith.constant 0 : i32
      %gather3A_1866 = tpu.memref_slice %arg10[%gather3A_1863, %gather3A_1864, %gather3A_1865] : memref<8x32x128xf32, #tpu.memory_space<vmem>> -> memref<1x32x128xf32, #tpu.memory_space<vmem>>
      %gather3A_1867 = tpu.memref_squeeze %gather3A_1866 : memref<1x32x128xf32, #tpu.memory_space<vmem>> -> memref<32x128xf32, #tpu.memory_space<vmem>>
      %gather3A_1868 = tpu.vector_load_idx %gather3A_1867[%add3A_5, %broadcast_in_dim3A_1852] : memref<32x128xf32, #tpu.memory_space<vmem>>[vector<16xi32>, vector<16xi32>], vector<16xf32>,
      %select_n3A_1869 = arith.select %broadcast_in_dim3A_1851, %gather3A_1862, %gather3A_1868 : vector<16xi1>, vector<16xf32>
      %mul3A_1870 = arith.mulf %select_n3A_1299, %select_n3A_1861 : vector<16xf32>
      %mul3A_1871 = arith.mulf %select_n3A_1307, %select_n3A_1869 : vector<16xf32>
      %add3A_1872 = arith.addf %mul3A_1870, %mul3A_1871 : vector<16xf32>
      %swap3A_1873 = arith.constant 5 : i32
      %swap3A_1874 = arith.index_cast %swap3A_1873 : i32 to index
      %swap3A_1875 = arith.constant 0 : index
      %swap3A_1876 = tpu.vector_load %arg12[%swap3A_1874, %swap3A_1875] {strides = array<i32>} : memref<16x16xf32, #tpu.memory_space<vmem>>, vector<16xf32>,
      tpu.vector_store %arg12[%swap3A_1874, %swap3A_1875], %add3A_1872 {strides = array<i32>} : memref<16x16xf32, #tpu.memory_space<vmem>>, vector<16xf32>,
      %and3A_1877 = arith.constant 127 : i32
      %and3A_1878 = arith.andi %squeeze3A_811, %and3A_1877 : i32
      %min3A_1879 = arith.constant 127 : i32
      %min3A_1880 = arith.minsi %and3A_1878, %min3A_1879 : i32
      %sub3A_1881 = arith.constant 999936 : i32
      %sub3A_1882 = arith.subi %squeeze3A_811, %sub3A_1881 : i32
      %max3A_1883 = arith.constant 0 : i32
      %max3A_1884 = arith.maxsi %sub3A_1882, %max3A_1883 : i32
      %min3A_1885 = arith.constant 63 : i32
      %min3A_1886 = arith.minsi %max3A_1884, %min3A_1885 : i32
      %ge3A_1887 = arith.constant 999936 : i32
      %ge3A_1888 = arith.cmpi sge, %squeeze3A_811, %ge3A_1887 : i32
      %broadcast_in_dim3A_1889 = vector.broadcast %ge3A_1888 : i1 to vector<16xi1>
      %broadcast_in_dim3A_1890 = vector.broadcast %min3A_1880 : i32 to vector<16xi32>
      %broadcast_in_dim3A_1891 = vector.broadcast %min3A_1886 : i32 to vector<16xi32>
      %gather3A_1892 = tpu.vector_load_idx %arg14[%iota3A, %broadcast_in_dim3A_1891] : memref<32x64xf32, #tpu.memory_space<vmem>>[vector<16xi32>, vector<16xi32>], vector<16xf32>,
      %gather3A_1893 = arith.constant 6 : i32
      %gather3A_1894 = arith.constant 0 : i32
      %gather3A_1895 = arith.constant 0 : i32
      %gather3A_1896 = tpu.memref_slice %arg10[%gather3A_1893, %gather3A_1894, %gather3A_1895] : memref<8x32x128xf32, #tpu.memory_space<vmem>> -> memref<1x32x128xf32, #tpu.memory_space<vmem>>
      %gather3A_1897 = tpu.memref_squeeze %gather3A_1896 : memref<1x32x128xf32, #tpu.memory_space<vmem>> -> memref<32x128xf32, #tpu.memory_space<vmem>>
      %gather3A_1898 = tpu.vector_load_idx %gather3A_1897[%iota3A, %broadcast_in_dim3A_1890] : memref<32x128xf32, #tpu.memory_space<vmem>>[vector<16xi32>, vector<16xi32>], vector<16xf32>,
      %select_n3A_1899 = arith.select %broadcast_in_dim3A_1889, %gather3A_1892, %gather3A_1898 : vector<16xi1>, vector<16xf32>
      %gather3A_1900 = tpu.vector_load_idx %arg14[%add3A_5, %broadcast_in_dim3A_1891] : memref<32x64xf32, #tpu.memory_space<vmem>>[vector<16xi32>, vector<16xi32>], vector<16xf32>,
      %gather3A_1901 = arith.constant 6 : i32
      %gather3A_1902 = arith.constant 0 : i32
      %gather3A_1903 = arith.constant 0 : i32
      %gather3A_1904 = tpu.memref_slice %arg10[%gather3A_1901, %gather3A_1902, %gather3A_1903] : memref<8x32x128xf32, #tpu.memory_space<vmem>> -> memref<1x32x128xf32, #tpu.memory_space<vmem>>
      %gather3A_1905 = tpu.memref_squeeze %gather3A_1904 : memref<1x32x128xf32, #tpu.memory_space<vmem>> -> memref<32x128xf32, #tpu.memory_space<vmem>>
      %gather3A_1906 = tpu.vector_load_idx %gather3A_1905[%add3A_5, %broadcast_in_dim3A_1890] : memref<32x128xf32, #tpu.memory_space<vmem>>[vector<16xi32>, vector<16xi32>], vector<16xf32>,
      %select_n3A_1907 = arith.select %broadcast_in_dim3A_1889, %gather3A_1900, %gather3A_1906 : vector<16xi1>, vector<16xf32>
      %mul3A_1908 = arith.mulf %select_n3A_1330, %select_n3A_1899 : vector<16xf32>
      %mul3A_1909 = arith.mulf %select_n3A_1338, %select_n3A_1907 : vector<16xf32>
      %add3A_1910 = arith.addf %mul3A_1908, %mul3A_1909 : vector<16xf32>
      %swap3A_1911 = arith.constant 6 : i32
      %swap3A_1912 = arith.index_cast %swap3A_1911 : i32 to index
      %swap3A_1913 = arith.constant 0 : index
      %swap3A_1914 = tpu.vector_load %arg12[%swap3A_1912, %swap3A_1913] {strides = array<i32>} : memref<16x16xf32, #tpu.memory_space<vmem>>, vector<16xf32>,
      tpu.vector_store %arg12[%swap3A_1912, %swap3A_1913], %add3A_1910 {strides = array<i32>} : memref<16x16xf32, #tpu.memory_space<vmem>>, vector<16xf32>,
      %and3A_1915 = arith.constant 127 : i32
      %and3A_1916 = arith.andi %squeeze3A_813, %and3A_1915 : i32
      %min3A_1917 = arith.constant 127 : i32
      %min3A_1918 = arith.minsi %and3A_1916, %min3A_1917 : i32
      %sub3A_1919 = arith.constant 999936 : i32
      %sub3A_1920 = arith.subi %squeeze3A_813, %sub3A_1919 : i32
      %max3A_1921 = arith.constant 0 : i32
      %max3A_1922 = arith.maxsi %sub3A_1920, %max3A_1921 : i32
      %min3A_1923 = arith.constant 63 : i32
      %min3A_1924 = arith.minsi %max3A_1922, %min3A_1923 : i32
      %ge3A_1925 = arith.constant 999936 : i32
      %ge3A_1926 = arith.cmpi sge, %squeeze3A_813, %ge3A_1925 : i32
      %broadcast_in_dim3A_1927 = vector.broadcast %ge3A_1926 : i1 to vector<16xi1>
      %broadcast_in_dim3A_1928 = vector.broadcast %min3A_1918 : i32 to vector<16xi32>
      %broadcast_in_dim3A_1929 = vector.broadcast %min3A_1924 : i32 to vector<16xi32>
      %gather3A_1930 = tpu.vector_load_idx %arg14[%iota3A, %broadcast_in_dim3A_1929] : memref<32x64xf32, #tpu.memory_space<vmem>>[vector<16xi32>, vector<16xi32>], vector<16xf32>,
      %gather3A_1931 = arith.constant 7 : i32
      %gather3A_1932 = arith.constant 0 : i32
      %gather3A_1933 = arith.constant 0 : i32
      %gather3A_1934 = tpu.memref_slice %arg10[%gather3A_1931, %gather3A_1932, %gather3A_1933] : memref<8x32x128xf32, #tpu.memory_space<vmem>> -> memref<1x32x128xf32, #tpu.memory_space<vmem>>
      %gather3A_1935 = tpu.memref_squeeze %gather3A_1934 : memref<1x32x128xf32, #tpu.memory_space<vmem>> -> memref<32x128xf32, #tpu.memory_space<vmem>>
      %gather3A_1936 = tpu.vector_load_idx %gather3A_1935[%iota3A, %broadcast_in_dim3A_1928] : memref<32x128xf32, #tpu.memory_space<vmem>>[vector<16xi32>, vector<16xi32>], vector<16xf32>,
      %select_n3A_1937 = arith.select %broadcast_in_dim3A_1927, %gather3A_1930, %gather3A_1936 : vector<16xi1>, vector<16xf32>
      %gather3A_1938 = tpu.vector_load_idx %arg14[%add3A_5, %broadcast_in_dim3A_1929] : memref<32x64xf32, #tpu.memory_space<vmem>>[vector<16xi32>, vector<16xi32>], vector<16xf32>,
      %gather3A_1939 = arith.constant 7 : i32
      %gather3A_1940 = arith.constant 0 : i32
      %gather3A_1941 = arith.constant 0 : i32
      %gather3A_1942 = tpu.memref_slice %arg10[%gather3A_1939, %gather3A_1940, %gather3A_1941] : memref<8x32x128xf32, #tpu.memory_space<vmem>> -> memref<1x32x128xf32, #tpu.memory_space<vmem>>
      %gather3A_1943 = tpu.memref_squeeze %gather3A_1942 : memref<1x32x128xf32, #tpu.memory_space<vmem>> -> memref<32x128xf32, #tpu.memory_space<vmem>>
      %gather3A_1944 = tpu.vector_load_idx %gather3A_1943[%add3A_5, %broadcast_in_dim3A_1928] : memref<32x128xf32, #tpu.memory_space<vmem>>[vector<16xi32>, vector<16xi32>], vector<16xf32>,
      %select_n3A_1945 = arith.select %broadcast_in_dim3A_1927, %gather3A_1938, %gather3A_1944 : vector<16xi1>, vector<16xf32>
      %mul3A_1946 = arith.mulf %select_n3A_1361, %select_n3A_1937 : vector<16xf32>
      %mul3A_1947 = arith.mulf %select_n3A_1369, %select_n3A_1945 : vector<16xf32>
      %add3A_1948 = arith.addf %mul3A_1946, %mul3A_1947 : vector<16xf32>
      %swap3A_1949 = arith.constant 7 : i32
      %swap3A_1950 = arith.index_cast %swap3A_1949 : i32 to index
      %swap3A_1951 = arith.constant 0 : index
      %swap3A_1952 = tpu.vector_load %arg12[%swap3A_1950, %swap3A_1951] {strides = array<i32>} : memref<16x16xf32, #tpu.memory_space<vmem>>, vector<16xf32>,
      tpu.vector_store %arg12[%swap3A_1950, %swap3A_1951], %add3A_1948 {strides = array<i32>} : memref<16x16xf32, #tpu.memory_space<vmem>>, vector<16xf32>,
      %slice3A_1953 = vector.extract_strided_slice %get3A_642 {offsets = [8], sizes = [1], strides = [1]} : vector<16xi32> to vector<1xi32>
      %squeeze3A_1954 = vector.extract %slice3A_1953[0] : i32 from vector<1xi32>
      %slice3A_1955 = vector.extract_strided_slice %get3A_642 {offsets = [9], sizes = [1], strides = [1]} : vector<16xi32> to vector<1xi32>
      %squeeze3A_1956 = vector.extract %slice3A_1955[0] : i32 from vector<1xi32>
      %slice3A_1957 = vector.extract_strided_slice %get3A_642 {offsets = [10], sizes = [1], strides = [1]} : vector<16xi32> to vector<1xi32>
      %squeeze3A_1958 = vector.extract %slice3A_1957[0] : i32 from vector<1xi32>
      %slice3A_1959 = vector.extract_strided_slice %get3A_642 {offsets = [11], sizes = [1], strides = [1]} : vector<16xi32> to vector<1xi32>
      %squeeze3A_1960 = vector.extract %slice3A_1959[0] : i32 from vector<1xi32>
      %slice3A_1961 = vector.extract_strided_slice %get3A_642 {offsets = [12], sizes = [1], strides = [1]} : vector<16xi32> to vector<1xi32>
      %squeeze3A_1962 = vector.extract %slice3A_1961[0] : i32 from vector<1xi32>
      %slice3A_1963 = vector.extract_strided_slice %get3A_642 {offsets = [13], sizes = [1], strides = [1]} : vector<16xi32> to vector<1xi32>
      %squeeze3A_1964 = vector.extract %slice3A_1963[0] : i32 from vector<1xi32>
      %slice3A_1965 = vector.extract_strided_slice %get3A_642 {offsets = [14], sizes = [1], strides = [1]} : vector<16xi32> to vector<1xi32>
      %squeeze3A_1966 = vector.extract %slice3A_1965[0] : i32 from vector<1xi32>
      %slice3A_1967 = vector.extract_strided_slice %get3A_642 {offsets = [15], sizes = [1], strides = [1]} : vector<16xi32> to vector<1xi32>
      %squeeze3A_1968 = vector.extract %slice3A_1967[0] : i32 from vector<1xi32>
      %slice3A_1969 = vector.extract_strided_slice %get3A_687 {offsets = [8], sizes = [1], strides = [1]} : vector<16xi32> to vector<1xi32>
      %squeeze3A_1970 = vector.extract %slice3A_1969[0] : i32 from vector<1xi32>
      %slice3A_1971 = vector.extract_strided_slice %get3A_687 {offsets = [9], sizes = [1], strides = [1]} : vector<16xi32> to vector<1xi32>
      %squeeze3A_1972 = vector.extract %slice3A_1971[0] : i32 from vector<1xi32>
      %slice3A_1973 = vector.extract_strided_slice %get3A_687 {offsets = [10], sizes = [1], strides = [1]} : vector<16xi32> to vector<1xi32>
      %squeeze3A_1974 = vector.extract %slice3A_1973[0] : i32 from vector<1xi32>
      %slice3A_1975 = vector.extract_strided_slice %get3A_687 {offsets = [11], sizes = [1], strides = [1]} : vector<16xi32> to vector<1xi32>
      %squeeze3A_1976 = vector.extract %slice3A_1975[0] : i32 from vector<1xi32>
      %slice3A_1977 = vector.extract_strided_slice %get3A_687 {offsets = [12], sizes = [1], strides = [1]} : vector<16xi32> to vector<1xi32>
      %squeeze3A_1978 = vector.extract %slice3A_1977[0] : i32 from vector<1xi32>
      %slice3A_1979 = vector.extract_strided_slice %get3A_687 {offsets = [13], sizes = [1], strides = [1]} : vector<16xi32> to vector<1xi32>
      %squeeze3A_1980 = vector.extract %slice3A_1979[0] : i32 from vector<1xi32>
      %slice3A_1981 = vector.extract_strided_slice %get3A_687 {offsets = [14], sizes = [1], strides = [1]} : vector<16xi32> to vector<1xi32>
      %squeeze3A_1982 = vector.extract %slice3A_1981[0] : i32 from vector<1xi32>
      %slice3A_1983 = vector.extract_strided_slice %get3A_687 {offsets = [15], sizes = [1], strides = [1]} : vector<16xi32> to vector<1xi32>
      %squeeze3A_1984 = vector.extract %slice3A_1983[0] : i32 from vector<1xi32>
      %slice3A_1985 = vector.extract_strided_slice %get3A_736 {offsets = [0], sizes = [1], strides = [1]} : vector<16xi32> to vector<1xi32>
      %squeeze3A_1986 = vector.extract %slice3A_1985[0] : i32 from vector<1xi32>
      %slice3A_1987 = vector.extract_strided_slice %get3A_736 {offsets = [1], sizes = [1], strides = [1]} : vector<16xi32> to vector<1xi32>
      %squeeze3A_1988 = vector.extract %slice3A_1987[0] : i32 from vector<1xi32>
      %slice3A_1989 = vector.extract_strided_slice %get3A_736 {offsets = [2], sizes = [1], strides = [1]} : vector<16xi32> to vector<1xi32>
      %squeeze3A_1990 = vector.extract %slice3A_1989[0] : i32 from vector<1xi32>
      %slice3A_1991 = vector.extract_strided_slice %get3A_736 {offsets = [3], sizes = [1], strides = [1]} : vector<16xi32> to vector<1xi32>
      %squeeze3A_1992 = vector.extract %slice3A_1991[0] : i32 from vector<1xi32>
      %slice3A_1993 = vector.extract_strided_slice %get3A_736 {offsets = [4], sizes = [1], strides = [1]} : vector<16xi32> to vector<1xi32>
      %squeeze3A_1994 = vector.extract %slice3A_1993[0] : i32 from vector<1xi32>
      %slice3A_1995 = vector.extract_strided_slice %get3A_736 {offsets = [5], sizes = [1], strides = [1]} : vector<16xi32> to vector<1xi32>
      %squeeze3A_1996 = vector.extract %slice3A_1995[0] : i32 from vector<1xi32>
      %slice3A_1997 = vector.extract_strided_slice %get3A_736 {offsets = [6], sizes = [1], strides = [1]} : vector<16xi32> to vector<1xi32>
      %squeeze3A_1998 = vector.extract %slice3A_1997[0] : i32 from vector<1xi32>
      %slice3A_1999 = vector.extract_strided_slice %get3A_736 {offsets = [7], sizes = [1], strides = [1]} : vector<16xi32> to vector<1xi32>
      %squeeze3A_2000 = vector.extract %slice3A_1999[0] : i32 from vector<1xi32>
      %slice3A_2001 = vector.extract_strided_slice %get3A_781 {offsets = [0], sizes = [1], strides = [1]} : vector<16xi32> to vector<1xi32>
      %squeeze3A_2002 = vector.extract %slice3A_2001[0] : i32 from vector<1xi32>
      %slice3A_2003 = vector.extract_strided_slice %get3A_781 {offsets = [1], sizes = [1], strides = [1]} : vector<16xi32> to vector<1xi32>
      %squeeze3A_2004 = vector.extract %slice3A_2003[0] : i32 from vector<1xi32>
      %slice3A_2005 = vector.extract_strided_slice %get3A_781 {offsets = [2], sizes = [1], strides = [1]} : vector<16xi32> to vector<1xi32>
      %squeeze3A_2006 = vector.extract %slice3A_2005[0] : i32 from vector<1xi32>
      %slice3A_2007 = vector.extract_strided_slice %get3A_781 {offsets = [3], sizes = [1], strides = [1]} : vector<16xi32> to vector<1xi32>
      %squeeze3A_2008 = vector.extract %slice3A_2007[0] : i32 from vector<1xi32>
      %slice3A_2009 = vector.extract_strided_slice %get3A_781 {offsets = [4], sizes = [1], strides = [1]} : vector<16xi32> to vector<1xi32>
      %squeeze3A_2010 = vector.extract %slice3A_2009[0] : i32 from vector<1xi32>
      %slice3A_2011 = vector.extract_strided_slice %get3A_781 {offsets = [5], sizes = [1], strides = [1]} : vector<16xi32> to vector<1xi32>
      %squeeze3A_2012 = vector.extract %slice3A_2011[0] : i32 from vector<1xi32>
      %slice3A_2013 = vector.extract_strided_slice %get3A_781 {offsets = [6], sizes = [1], strides = [1]} : vector<16xi32> to vector<1xi32>
      %squeeze3A_2014 = vector.extract %slice3A_2013[0] : i32 from vector<1xi32>
      %slice3A_2015 = vector.extract_strided_slice %get3A_781 {offsets = [7], sizes = [1], strides = [1]} : vector<16xi32> to vector<1xi32>
      %squeeze3A_2016 = vector.extract %slice3A_2015[0] : i32 from vector<1xi32>
      %shift_right_logical3A_2017 = arith.constant 7 : i32
      %shift_right_logical3A_2018 = arith.shrui %squeeze3A_2002, %shift_right_logical3A_2017 : i32
      %mul3A_2019 = arith.constant 128 : i32
      %mul3A_2020 = arith.muli %shift_right_logical3A_2018, %mul3A_2019 : i32
      %min3A_2021 = arith.constant 999808 : i32
      %min3A_2022 = arith.minsi %mul3A_2020, %min3A_2021 : i32
      %multiple_of3A_2023 = tpu.assume_multiple %min3A_2022, 128 : i32
      %dma_start3A_2024 = arith.constant 0 : i32
      %dma_start3A_2025 = arith.constant 0 : i32
      %dma_start3A_2026 = arith.constant 0 : i32
      %dma_start3A_2027 = tpu.memref_slice %arg10[%dma_start3A_2024, %dma_start3A_2025, %dma_start3A_2026] : memref<8x32x128xf32, #tpu.memory_space<vmem>> -> memref<1x32x128xf32, #tpu.memory_space<vmem>>
      %dma_start3A_2028 = tpu.memref_squeeze %dma_start3A_2027 : memref<1x32x128xf32, #tpu.memory_space<vmem>> -> memref<32x128xf32, #tpu.memory_space<vmem>>
      %dma_start3A_2029 = arith.constant 0 : i32
      %dma_start3A_2030 = tpu.memref_slice %arg5[%dma_start3A_2029, %multiple_of3A_2023] : memref<32x1000000xf32, #tpu.memory_space<hbm>> -> memref<32x128xf32, #tpu.memory_space<hbm>>
      %dma_start3A_2031 = arith.constant 0 : i32
      %dma_start3A_2032 = arith.constant 0 : i32
      %dma_start3A_2033 = tpu.memref_slice %arg10[%dma_start3A_2024, %dma_start3A_2031, %dma_start3A_2032] : memref<8x32x128xf32, #tpu.memory_space<vmem>> -> memref<1x32x128xf32, #tpu.memory_space<vmem>>
      %dma_start3A_2034 = tpu.memref_squeeze %dma_start3A_2033 : memref<1x32x128xf32, #tpu.memory_space<vmem>> -> memref<32x128xf32, #tpu.memory_space<vmem>>
      %dma_start3A_2035 = arith.constant 0 : i32
      %dma_start3A_2036 = tpu.memref_slice %arg5[%dma_start3A_2035, %multiple_of3A_2023] : memref<32x1000000xf32, #tpu.memory_space<hbm>> -> memref<32x128xf32, #tpu.memory_space<hbm>>
      tpu.enqueue_dma source(%dma_start3A_2036 : memref<32x128xf32, #tpu.memory_space<hbm>>) target(%dma_start3A_2034 : memref<32x128xf32, #tpu.memory_space<vmem>>) target_semaphore(%arg17 : memref<!tpu.dma_semaphore, #tpu.memory_space<semaphore_mem>>)
      %shift_right_logical3A_2037 = arith.constant 7 : i32
      %shift_right_logical3A_2038 = arith.shrui %squeeze3A_2004, %shift_right_logical3A_2037 : i32
      %mul3A_2039 = arith.constant 128 : i32
      %mul3A_2040 = arith.muli %shift_right_logical3A_2038, %mul3A_2039 : i32
      %min3A_2041 = arith.constant 999808 : i32
      %min3A_2042 = arith.minsi %mul3A_2040, %min3A_2041 : i32
      %multiple_of3A_2043 = tpu.assume_multiple %min3A_2042, 128 : i32
      %dma_start3A_2044 = arith.constant 1 : i32
      %dma_start3A_2045 = arith.constant 0 : i32
      %dma_start3A_2046 = arith.constant 0 : i32
      %dma_start3A_2047 = tpu.memref_slice %arg10[%dma_start3A_2044, %dma_start3A_2045, %dma_start3A_2046] : memref<8x32x128xf32, #tpu.memory_space<vmem>> -> memref<1x32x128xf32, #tpu.memory_space<vmem>>
      %dma_start3A_2048 = tpu.memref_squeeze %dma_start3A_2047 : memref<1x32x128xf32, #tpu.memory_space<vmem>> -> memref<32x128xf32, #tpu.memory_space<vmem>>
      %dma_start3A_2049 = arith.constant 0 : i32
      %dma_start3A_2050 = tpu.memref_slice %arg5[%dma_start3A_2049, %multiple_of3A_2043] : memref<32x1000000xf32, #tpu.memory_space<hbm>> -> memref<32x128xf32, #tpu.memory_space<hbm>>
      %dma_start3A_2051 = arith.constant 0 : i32
      %dma_start3A_2052 = arith.constant 0 : i32
      %dma_start3A_2053 = tpu.memref_slice %arg10[%dma_start3A_2044, %dma_start3A_2051, %dma_start3A_2052] : memref<8x32x128xf32, #tpu.memory_space<vmem>> -> memref<1x32x128xf32, #tpu.memory_space<vmem>>
      %dma_start3A_2054 = tpu.memref_squeeze %dma_start3A_2053 : memref<1x32x128xf32, #tpu.memory_space<vmem>> -> memref<32x128xf32, #tpu.memory_space<vmem>>
      %dma_start3A_2055 = arith.constant 0 : i32
      %dma_start3A_2056 = tpu.memref_slice %arg5[%dma_start3A_2055, %multiple_of3A_2043] : memref<32x1000000xf32, #tpu.memory_space<hbm>> -> memref<32x128xf32, #tpu.memory_space<hbm>>
      tpu.enqueue_dma source(%dma_start3A_2056 : memref<32x128xf32, #tpu.memory_space<hbm>>) target(%dma_start3A_2054 : memref<32x128xf32, #tpu.memory_space<vmem>>) target_semaphore(%arg17 : memref<!tpu.dma_semaphore, #tpu.memory_space<semaphore_mem>>)
      %shift_right_logical3A_2057 = arith.constant 7 : i32
      %shift_right_logical3A_2058 = arith.shrui %squeeze3A_2006, %shift_right_logical3A_2057 : i32
      %mul3A_2059 = arith.constant 128 : i32
      %mul3A_2060 = arith.muli %shift_right_logical3A_2058, %mul3A_2059 : i32
      %min3A_2061 = arith.constant 999808 : i32
      %min3A_2062 = arith.minsi %mul3A_2060, %min3A_2061 : i32
      %multiple_of3A_2063 = tpu.assume_multiple %min3A_2062, 128 : i32
      %dma_start3A_2064 = arith.constant 2 : i32
      %dma_start3A_2065 = arith.constant 0 : i32
      %dma_start3A_2066 = arith.constant 0 : i32
      %dma_start3A_2067 = tpu.memref_slice %arg10[%dma_start3A_2064, %dma_start3A_2065, %dma_start3A_2066] : memref<8x32x128xf32, #tpu.memory_space<vmem>> -> memref<1x32x128xf32, #tpu.memory_space<vmem>>
      %dma_start3A_2068 = tpu.memref_squeeze %dma_start3A_2067 : memref<1x32x128xf32, #tpu.memory_space<vmem>> -> memref<32x128xf32, #tpu.memory_space<vmem>>
      %dma_start3A_2069 = arith.constant 0 : i32
      %dma_start3A_2070 = tpu.memref_slice %arg5[%dma_start3A_2069, %multiple_of3A_2063] : memref<32x1000000xf32, #tpu.memory_space<hbm>> -> memref<32x128xf32, #tpu.memory_space<hbm>>
      %dma_start3A_2071 = arith.constant 0 : i32
      %dma_start3A_2072 = arith.constant 0 : i32
      %dma_start3A_2073 = tpu.memref_slice %arg10[%dma_start3A_2064, %dma_start3A_2071, %dma_start3A_2072] : memref<8x32x128xf32, #tpu.memory_space<vmem>> -> memref<1x32x128xf32, #tpu.memory_space<vmem>>
      %dma_start3A_2074 = tpu.memref_squeeze %dma_start3A_2073 : memref<1x32x128xf32, #tpu.memory_space<vmem>> -> memref<32x128xf32, #tpu.memory_space<vmem>>
      %dma_start3A_2075 = arith.constant 0 : i32
      %dma_start3A_2076 = tpu.memref_slice %arg5[%dma_start3A_2075, %multiple_of3A_2063] : memref<32x1000000xf32, #tpu.memory_space<hbm>> -> memref<32x128xf32, #tpu.memory_space<hbm>>
      tpu.enqueue_dma source(%dma_start3A_2076 : memref<32x128xf32, #tpu.memory_space<hbm>>) target(%dma_start3A_2074 : memref<32x128xf32, #tpu.memory_space<vmem>>) target_semaphore(%arg17 : memref<!tpu.dma_semaphore, #tpu.memory_space<semaphore_mem>>)
      %shift_right_logical3A_2077 = arith.constant 7 : i32
      %shift_right_logical3A_2078 = arith.shrui %squeeze3A_2008, %shift_right_logical3A_2077 : i32
      %mul3A_2079 = arith.constant 128 : i32
      %mul3A_2080 = arith.muli %shift_right_logical3A_2078, %mul3A_2079 : i32
      %min3A_2081 = arith.constant 999808 : i32
      %min3A_2082 = arith.minsi %mul3A_2080, %min3A_2081 : i32
      %multiple_of3A_2083 = tpu.assume_multiple %min3A_2082, 128 : i32
      %dma_start3A_2084 = arith.constant 3 : i32
      %dma_start3A_2085 = arith.constant 0 : i32
      %dma_start3A_2086 = arith.constant 0 : i32
      %dma_start3A_2087 = tpu.memref_slice %arg10[%dma_start3A_2084, %dma_start3A_2085, %dma_start3A_2086] : memref<8x32x128xf32, #tpu.memory_space<vmem>> -> memref<1x32x128xf32, #tpu.memory_space<vmem>>
      %dma_start3A_2088 = tpu.memref_squeeze %dma_start3A_2087 : memref<1x32x128xf32, #tpu.memory_space<vmem>> -> memref<32x128xf32, #tpu.memory_space<vmem>>
      %dma_start3A_2089 = arith.constant 0 : i32
      %dma_start3A_2090 = tpu.memref_slice %arg5[%dma_start3A_2089, %multiple_of3A_2083] : memref<32x1000000xf32, #tpu.memory_space<hbm>> -> memref<32x128xf32, #tpu.memory_space<hbm>>
      %dma_start3A_2091 = arith.constant 0 : i32
      %dma_start3A_2092 = arith.constant 0 : i32
      %dma_start3A_2093 = tpu.memref_slice %arg10[%dma_start3A_2084, %dma_start3A_2091, %dma_start3A_2092] : memref<8x32x128xf32, #tpu.memory_space<vmem>> -> memref<1x32x128xf32, #tpu.memory_space<vmem>>
      %dma_start3A_2094 = tpu.memref_squeeze %dma_start3A_2093 : memref<1x32x128xf32, #tpu.memory_space<vmem>> -> memref<32x128xf32, #tpu.memory_space<vmem>>
      %dma_start3A_2095 = arith.constant 0 : i32
      %dma_start3A_2096 = tpu.memref_slice %arg5[%dma_start3A_2095, %multiple_of3A_2083] : memref<32x1000000xf32, #tpu.memory_space<hbm>> -> memref<32x128xf32, #tpu.memory_space<hbm>>
      tpu.enqueue_dma source(%dma_start3A_2096 : memref<32x128xf32, #tpu.memory_space<hbm>>) target(%dma_start3A_2094 : memref<32x128xf32, #tpu.memory_space<vmem>>) target_semaphore(%arg17 : memref<!tpu.dma_semaphore, #tpu.memory_space<semaphore_mem>>)
      %shift_right_logical3A_2097 = arith.constant 7 : i32
      %shift_right_logical3A_2098 = arith.shrui %squeeze3A_2010, %shift_right_logical3A_2097 : i32
      %mul3A_2099 = arith.constant 128 : i32
      %mul3A_2100 = arith.muli %shift_right_logical3A_2098, %mul3A_2099 : i32
      %min3A_2101 = arith.constant 999808 : i32
      %min3A_2102 = arith.minsi %mul3A_2100, %min3A_2101 : i32
      %multiple_of3A_2103 = tpu.assume_multiple %min3A_2102, 128 : i32
      %dma_start3A_2104 = arith.constant 4 : i32
      %dma_start3A_2105 = arith.constant 0 : i32
      %dma_start3A_2106 = arith.constant 0 : i32
      %dma_start3A_2107 = tpu.memref_slice %arg10[%dma_start3A_2104, %dma_start3A_2105, %dma_start3A_2106] : memref<8x32x128xf32, #tpu.memory_space<vmem>> -> memref<1x32x128xf32, #tpu.memory_space<vmem>>
      %dma_start3A_2108 = tpu.memref_squeeze %dma_start3A_2107 : memref<1x32x128xf32, #tpu.memory_space<vmem>> -> memref<32x128xf32, #tpu.memory_space<vmem>>
      %dma_start3A_2109 = arith.constant 0 : i32
      %dma_start3A_2110 = tpu.memref_slice %arg5[%dma_start3A_2109, %multiple_of3A_2103] : memref<32x1000000xf32, #tpu.memory_space<hbm>> -> memref<32x128xf32, #tpu.memory_space<hbm>>
      %dma_start3A_2111 = arith.constant 0 : i32
      %dma_start3A_2112 = arith.constant 0 : i32
      %dma_start3A_2113 = tpu.memref_slice %arg10[%dma_start3A_2104, %dma_start3A_2111, %dma_start3A_2112] : memref<8x32x128xf32, #tpu.memory_space<vmem>> -> memref<1x32x128xf32, #tpu.memory_space<vmem>>
      %dma_start3A_2114 = tpu.memref_squeeze %dma_start3A_2113 : memref<1x32x128xf32, #tpu.memory_space<vmem>> -> memref<32x128xf32, #tpu.memory_space<vmem>>
      %dma_start3A_2115 = arith.constant 0 : i32
      %dma_start3A_2116 = tpu.memref_slice %arg5[%dma_start3A_2115, %multiple_of3A_2103] : memref<32x1000000xf32, #tpu.memory_space<hbm>> -> memref<32x128xf32, #tpu.memory_space<hbm>>
      tpu.enqueue_dma source(%dma_start3A_2116 : memref<32x128xf32, #tpu.memory_space<hbm>>) target(%dma_start3A_2114 : memref<32x128xf32, #tpu.memory_space<vmem>>) target_semaphore(%arg17 : memref<!tpu.dma_semaphore, #tpu.memory_space<semaphore_mem>>)
      %shift_right_logical3A_2117 = arith.constant 7 : i32
      %shift_right_logical3A_2118 = arith.shrui %squeeze3A_2012, %shift_right_logical3A_2117 : i32
      %mul3A_2119 = arith.constant 128 : i32
      %mul3A_2120 = arith.muli %shift_right_logical3A_2118, %mul3A_2119 : i32
      %min3A_2121 = arith.constant 999808 : i32
      %min3A_2122 = arith.minsi %mul3A_2120, %min3A_2121 : i32
      %multiple_of3A_2123 = tpu.assume_multiple %min3A_2122, 128 : i32
      %dma_start3A_2124 = arith.constant 5 : i32
      %dma_start3A_2125 = arith.constant 0 : i32
      %dma_start3A_2126 = arith.constant 0 : i32
      %dma_start3A_2127 = tpu.memref_slice %arg10[%dma_start3A_2124, %dma_start3A_2125, %dma_start3A_2126] : memref<8x32x128xf32, #tpu.memory_space<vmem>> -> memref<1x32x128xf32, #tpu.memory_space<vmem>>
      %dma_start3A_2128 = tpu.memref_squeeze %dma_start3A_2127 : memref<1x32x128xf32, #tpu.memory_space<vmem>> -> memref<32x128xf32, #tpu.memory_space<vmem>>
      %dma_start3A_2129 = arith.constant 0 : i32
      %dma_start3A_2130 = tpu.memref_slice %arg5[%dma_start3A_2129, %multiple_of3A_2123] : memref<32x1000000xf32, #tpu.memory_space<hbm>> -> memref<32x128xf32, #tpu.memory_space<hbm>>
      %dma_start3A_2131 = arith.constant 0 : i32
      %dma_start3A_2132 = arith.constant 0 : i32
      %dma_start3A_2133 = tpu.memref_slice %arg10[%dma_start3A_2124, %dma_start3A_2131, %dma_start3A_2132] : memref<8x32x128xf32, #tpu.memory_space<vmem>> -> memref<1x32x128xf32, #tpu.memory_space<vmem>>
      %dma_start3A_2134 = tpu.memref_squeeze %dma_start3A_2133 : memref<1x32x128xf32, #tpu.memory_space<vmem>> -> memref<32x128xf32, #tpu.memory_space<vmem>>
      %dma_start3A_2135 = arith.constant 0 : i32
      %dma_start3A_2136 = tpu.memref_slice %arg5[%dma_start3A_2135, %multiple_of3A_2123] : memref<32x1000000xf32, #tpu.memory_space<hbm>> -> memref<32x128xf32, #tpu.memory_space<hbm>>
      tpu.enqueue_dma source(%dma_start3A_2136 : memref<32x128xf32, #tpu.memory_space<hbm>>) target(%dma_start3A_2134 : memref<32x128xf32, #tpu.memory_space<vmem>>) target_semaphore(%arg17 : memref<!tpu.dma_semaphore, #tpu.memory_space<semaphore_mem>>)
      %shift_right_logical3A_2137 = arith.constant 7 : i32
      %shift_right_logical3A_2138 = arith.shrui %squeeze3A_2014, %shift_right_logical3A_2137 : i32
      %mul3A_2139 = arith.constant 128 : i32
      %mul3A_2140 = arith.muli %shift_right_logical3A_2138, %mul3A_2139 : i32
      %min3A_2141 = arith.constant 999808 : i32
      %min3A_2142 = arith.minsi %mul3A_2140, %min3A_2141 : i32
      %multiple_of3A_2143 = tpu.assume_multiple %min3A_2142, 128 : i32
      %dma_start3A_2144 = arith.constant 6 : i32
      %dma_start3A_2145 = arith.constant 0 : i32
      %dma_start3A_2146 = arith.constant 0 : i32
      %dma_start3A_2147 = tpu.memref_slice %arg10[%dma_start3A_2144, %dma_start3A_2145, %dma_start3A_2146] : memref<8x32x128xf32, #tpu.memory_space<vmem>> -> memref<1x32x128xf32, #tpu.memory_space<vmem>>
      %dma_start3A_2148 = tpu.memref_squeeze %dma_start3A_2147 : memref<1x32x128xf32, #tpu.memory_space<vmem>> -> memref<32x128xf32, #tpu.memory_space<vmem>>
      %dma_start3A_2149 = arith.constant 0 : i32
      %dma_start3A_2150 = tpu.memref_slice %arg5[%dma_start3A_2149, %multiple_of3A_2143] : memref<32x1000000xf32, #tpu.memory_space<hbm>> -> memref<32x128xf32, #tpu.memory_space<hbm>>
      %dma_start3A_2151 = arith.constant 0 : i32
      %dma_start3A_2152 = arith.constant 0 : i32
      %dma_start3A_2153 = tpu.memref_slice %arg10[%dma_start3A_2144, %dma_start3A_2151, %dma_start3A_2152] : memref<8x32x128xf32, #tpu.memory_space<vmem>> -> memref<1x32x128xf32, #tpu.memory_space<vmem>>
      %dma_start3A_2154 = tpu.memref_squeeze %dma_start3A_2153 : memref<1x32x128xf32, #tpu.memory_space<vmem>> -> memref<32x128xf32, #tpu.memory_space<vmem>>
      %dma_start3A_2155 = arith.constant 0 : i32
      %dma_start3A_2156 = tpu.memref_slice %arg5[%dma_start3A_2155, %multiple_of3A_2143] : memref<32x1000000xf32, #tpu.memory_space<hbm>> -> memref<32x128xf32, #tpu.memory_space<hbm>>
      tpu.enqueue_dma source(%dma_start3A_2156 : memref<32x128xf32, #tpu.memory_space<hbm>>) target(%dma_start3A_2154 : memref<32x128xf32, #tpu.memory_space<vmem>>) target_semaphore(%arg17 : memref<!tpu.dma_semaphore, #tpu.memory_space<semaphore_mem>>)
      %shift_right_logical3A_2157 = arith.constant 7 : i32
      %shift_right_logical3A_2158 = arith.shrui %squeeze3A_2016, %shift_right_logical3A_2157 : i32
      %mul3A_2159 = arith.constant 128 : i32
      %mul3A_2160 = arith.muli %shift_right_logical3A_2158, %mul3A_2159 : i32
      %min3A_2161 = arith.constant 999808 : i32
      %min3A_2162 = arith.minsi %mul3A_2160, %min3A_2161 : i32
      %multiple_of3A_2163 = tpu.assume_multiple %min3A_2162, 128 : i32
      %dma_start3A_2164 = arith.constant 7 : i32
      %dma_start3A_2165 = arith.constant 0 : i32
      %dma_start3A_2166 = arith.constant 0 : i32
      %dma_start3A_2167 = tpu.memref_slice %arg10[%dma_start3A_2164, %dma_start3A_2165, %dma_start3A_2166] : memref<8x32x128xf32, #tpu.memory_space<vmem>> -> memref<1x32x128xf32, #tpu.memory_space<vmem>>
      %dma_start3A_2168 = tpu.memref_squeeze %dma_start3A_2167 : memref<1x32x128xf32, #tpu.memory_space<vmem>> -> memref<32x128xf32, #tpu.memory_space<vmem>>
      %dma_start3A_2169 = arith.constant 0 : i32
      %dma_start3A_2170 = tpu.memref_slice %arg5[%dma_start3A_2169, %multiple_of3A_2163] : memref<32x1000000xf32, #tpu.memory_space<hbm>> -> memref<32x128xf32, #tpu.memory_space<hbm>>
      %dma_start3A_2171 = arith.constant 0 : i32
      %dma_start3A_2172 = arith.constant 0 : i32
      %dma_start3A_2173 = tpu.memref_slice %arg10[%dma_start3A_2164, %dma_start3A_2171, %dma_start3A_2172] : memref<8x32x128xf32, #tpu.memory_space<vmem>> -> memref<1x32x128xf32, #tpu.memory_space<vmem>>
      %dma_start3A_2174 = tpu.memref_squeeze %dma_start3A_2173 : memref<1x32x128xf32, #tpu.memory_space<vmem>> -> memref<32x128xf32, #tpu.memory_space<vmem>>
      %dma_start3A_2175 = arith.constant 0 : i32
      %dma_start3A_2176 = tpu.memref_slice %arg5[%dma_start3A_2175, %multiple_of3A_2163] : memref<32x1000000xf32, #tpu.memory_space<hbm>> -> memref<32x128xf32, #tpu.memory_space<hbm>>
      tpu.enqueue_dma source(%dma_start3A_2176 : memref<32x128xf32, #tpu.memory_space<hbm>>) target(%dma_start3A_2174 : memref<32x128xf32, #tpu.memory_space<vmem>>) target_semaphore(%arg17 : memref<!tpu.dma_semaphore, #tpu.memory_space<semaphore_mem>>)
      %dma_wait3A_2177 = arith.constant 0 : i32
      %dma_wait3A_2178 = arith.constant 0 : i32
      %dma_wait3A_2179 = arith.constant 0 : i32
      %dma_wait3A_2180 = tpu.memref_slice %arg9[%dma_wait3A_2177, %dma_wait3A_2178, %dma_wait3A_2179] : memref<8x32x128xf32, #tpu.memory_space<vmem>> -> memref<1x32x128xf32, #tpu.memory_space<vmem>>
      %dma_wait3A_2181 = tpu.memref_squeeze %dma_wait3A_2180 : memref<1x32x128xf32, #tpu.memory_space<vmem>> -> memref<32x128xf32, #tpu.memory_space<vmem>>
      %dma_wait3A_2182 = arith.constant 0 : i32
      %dma_wait3A_2183 = arith.constant 0 : i32
      %dma_wait3A_2184 = tpu.memref_slice %arg4[%dma_wait3A_2182, %dma_wait3A_2183] : memref<32x1000000xf32, #tpu.memory_space<hbm>> -> memref<32x128xf32, #tpu.memory_space<hbm>>
      %dma_wait3A_2185 = arith.constant 0 : i32
      %dma_wait3A_2186 = arith.constant 0 : i32
      %dma_wait3A_2187 = tpu.memref_slice %arg9[%dma_wait3A_2177, %dma_wait3A_2185, %dma_wait3A_2186] : memref<8x32x128xf32, #tpu.memory_space<vmem>> -> memref<1x32x128xf32, #tpu.memory_space<vmem>>
      %dma_wait3A_2188 = tpu.memref_squeeze %dma_wait3A_2187 : memref<1x32x128xf32, #tpu.memory_space<vmem>> -> memref<32x128xf32, #tpu.memory_space<vmem>>
      %dma_wait3A_2189 = arith.constant 0 : i32
      %dma_wait3A_2190 = arith.constant 0 : i32
      %dma_wait3A_2191 = tpu.memref_slice %arg4[%dma_wait3A_2189, %dma_wait3A_2190] : memref<32x1000000xf32, #tpu.memory_space<hbm>> -> memref<32x128xf32, #tpu.memory_space<hbm>>
      tpu.wait_dma2 semaphore(%arg16 : memref<!tpu.dma_semaphore, #tpu.memory_space<semaphore_mem>>) src(%dma_wait3A_2191 : memref<32x128xf32, #tpu.memory_space<hbm>>) dst(%dma_wait3A_2188 : memref<32x128xf32, #tpu.memory_space<vmem>>)
      %dma_wait3A_2192 = arith.constant 1 : i32
      %dma_wait3A_2193 = arith.constant 0 : i32
      %dma_wait3A_2194 = arith.constant 0 : i32
      %dma_wait3A_2195 = tpu.memref_slice %arg9[%dma_wait3A_2192, %dma_wait3A_2193, %dma_wait3A_2194] : memref<8x32x128xf32, #tpu.memory_space<vmem>> -> memref<1x32x128xf32, #tpu.memory_space<vmem>>
      %dma_wait3A_2196 = tpu.memref_squeeze %dma_wait3A_2195 : memref<1x32x128xf32, #tpu.memory_space<vmem>> -> memref<32x128xf32, #tpu.memory_space<vmem>>
      %dma_wait3A_2197 = arith.constant 0 : i32
      %dma_wait3A_2198 = arith.constant 0 : i32
      %dma_wait3A_2199 = tpu.memref_slice %arg4[%dma_wait3A_2197, %dma_wait3A_2198] : memref<32x1000000xf32, #tpu.memory_space<hbm>> -> memref<32x128xf32, #tpu.memory_space<hbm>>
      %dma_wait3A_2200 = arith.constant 0 : i32
      %dma_wait3A_2201 = arith.constant 0 : i32
      %dma_wait3A_2202 = tpu.memref_slice %arg9[%dma_wait3A_2192, %dma_wait3A_2200, %dma_wait3A_2201] : memref<8x32x128xf32, #tpu.memory_space<vmem>> -> memref<1x32x128xf32, #tpu.memory_space<vmem>>
      %dma_wait3A_2203 = tpu.memref_squeeze %dma_wait3A_2202 : memref<1x32x128xf32, #tpu.memory_space<vmem>> -> memref<32x128xf32, #tpu.memory_space<vmem>>
      %dma_wait3A_2204 = arith.constant 0 : i32
      %dma_wait3A_2205 = arith.constant 0 : i32
      %dma_wait3A_2206 = tpu.memref_slice %arg4[%dma_wait3A_2204, %dma_wait3A_2205] : memref<32x1000000xf32, #tpu.memory_space<hbm>> -> memref<32x128xf32, #tpu.memory_space<hbm>>
      tpu.wait_dma2 semaphore(%arg16 : memref<!tpu.dma_semaphore, #tpu.memory_space<semaphore_mem>>) src(%dma_wait3A_2206 : memref<32x128xf32, #tpu.memory_space<hbm>>) dst(%dma_wait3A_2203 : memref<32x128xf32, #tpu.memory_space<vmem>>)
      %dma_wait3A_2207 = arith.constant 2 : i32
      %dma_wait3A_2208 = arith.constant 0 : i32
      %dma_wait3A_2209 = arith.constant 0 : i32
      %dma_wait3A_2210 = tpu.memref_slice %arg9[%dma_wait3A_2207, %dma_wait3A_2208, %dma_wait3A_2209] : memref<8x32x128xf32, #tpu.memory_space<vmem>> -> memref<1x32x128xf32, #tpu.memory_space<vmem>>
      %dma_wait3A_2211 = tpu.memref_squeeze %dma_wait3A_2210 : memref<1x32x128xf32, #tpu.memory_space<vmem>> -> memref<32x128xf32, #tpu.memory_space<vmem>>
      %dma_wait3A_2212 = arith.constant 0 : i32
      %dma_wait3A_2213 = arith.constant 0 : i32
      %dma_wait3A_2214 = tpu.memref_slice %arg4[%dma_wait3A_2212, %dma_wait3A_2213] : memref<32x1000000xf32, #tpu.memory_space<hbm>> -> memref<32x128xf32, #tpu.memory_space<hbm>>
      %dma_wait3A_2215 = arith.constant 0 : i32
      %dma_wait3A_2216 = arith.constant 0 : i32
      %dma_wait3A_2217 = tpu.memref_slice %arg9[%dma_wait3A_2207, %dma_wait3A_2215, %dma_wait3A_2216] : memref<8x32x128xf32, #tpu.memory_space<vmem>> -> memref<1x32x128xf32, #tpu.memory_space<vmem>>
      %dma_wait3A_2218 = tpu.memref_squeeze %dma_wait3A_2217 : memref<1x32x128xf32, #tpu.memory_space<vmem>> -> memref<32x128xf32, #tpu.memory_space<vmem>>
      %dma_wait3A_2219 = arith.constant 0 : i32
      %dma_wait3A_2220 = arith.constant 0 : i32
      %dma_wait3A_2221 = tpu.memref_slice %arg4[%dma_wait3A_2219, %dma_wait3A_2220] : memref<32x1000000xf32, #tpu.memory_space<hbm>> -> memref<32x128xf32, #tpu.memory_space<hbm>>
      tpu.wait_dma2 semaphore(%arg16 : memref<!tpu.dma_semaphore, #tpu.memory_space<semaphore_mem>>) src(%dma_wait3A_2221 : memref<32x128xf32, #tpu.memory_space<hbm>>) dst(%dma_wait3A_2218 : memref<32x128xf32, #tpu.memory_space<vmem>>)
      %dma_wait3A_2222 = arith.constant 3 : i32
      %dma_wait3A_2223 = arith.constant 0 : i32
      %dma_wait3A_2224 = arith.constant 0 : i32
      %dma_wait3A_2225 = tpu.memref_slice %arg9[%dma_wait3A_2222, %dma_wait3A_2223, %dma_wait3A_2224] : memref<8x32x128xf32, #tpu.memory_space<vmem>> -> memref<1x32x128xf32, #tpu.memory_space<vmem>>
      %dma_wait3A_2226 = tpu.memref_squeeze %dma_wait3A_2225 : memref<1x32x128xf32, #tpu.memory_space<vmem>> -> memref<32x128xf32, #tpu.memory_space<vmem>>
      %dma_wait3A_2227 = arith.constant 0 : i32
      %dma_wait3A_2228 = arith.constant 0 : i32
      %dma_wait3A_2229 = tpu.memref_slice %arg4[%dma_wait3A_2227, %dma_wait3A_2228] : memref<32x1000000xf32, #tpu.memory_space<hbm>> -> memref<32x128xf32, #tpu.memory_space<hbm>>
      %dma_wait3A_2230 = arith.constant 0 : i32
      %dma_wait3A_2231 = arith.constant 0 : i32
      %dma_wait3A_2232 = tpu.memref_slice %arg9[%dma_wait3A_2222, %dma_wait3A_2230, %dma_wait3A_2231] : memref<8x32x128xf32, #tpu.memory_space<vmem>> -> memref<1x32x128xf32, #tpu.memory_space<vmem>>
      %dma_wait3A_2233 = tpu.memref_squeeze %dma_wait3A_2232 : memref<1x32x128xf32, #tpu.memory_space<vmem>> -> memref<32x128xf32, #tpu.memory_space<vmem>>
      %dma_wait3A_2234 = arith.constant 0 : i32
      %dma_wait3A_2235 = arith.constant 0 : i32
      %dma_wait3A_2236 = tpu.memref_slice %arg4[%dma_wait3A_2234, %dma_wait3A_2235] : memref<32x1000000xf32, #tpu.memory_space<hbm>> -> memref<32x128xf32, #tpu.memory_space<hbm>>
      tpu.wait_dma2 semaphore(%arg16 : memref<!tpu.dma_semaphore, #tpu.memory_space<semaphore_mem>>) src(%dma_wait3A_2236 : memref<32x128xf32, #tpu.memory_space<hbm>>) dst(%dma_wait3A_2233 : memref<32x128xf32, #tpu.memory_space<vmem>>)
      %dma_wait3A_2237 = arith.constant 4 : i32
      %dma_wait3A_2238 = arith.constant 0 : i32
      %dma_wait3A_2239 = arith.constant 0 : i32
      %dma_wait3A_2240 = tpu.memref_slice %arg9[%dma_wait3A_2237, %dma_wait3A_2238, %dma_wait3A_2239] : memref<8x32x128xf32, #tpu.memory_space<vmem>> -> memref<1x32x128xf32, #tpu.memory_space<vmem>>
      %dma_wait3A_2241 = tpu.memref_squeeze %dma_wait3A_2240 : memref<1x32x128xf32, #tpu.memory_space<vmem>> -> memref<32x128xf32, #tpu.memory_space<vmem>>
      %dma_wait3A_2242 = arith.constant 0 : i32
      %dma_wait3A_2243 = arith.constant 0 : i32
      %dma_wait3A_2244 = tpu.memref_slice %arg4[%dma_wait3A_2242, %dma_wait3A_2243] : memref<32x1000000xf32, #tpu.memory_space<hbm>> -> memref<32x128xf32, #tpu.memory_space<hbm>>
      %dma_wait3A_2245 = arith.constant 0 : i32
      %dma_wait3A_2246 = arith.constant 0 : i32
      %dma_wait3A_2247 = tpu.memref_slice %arg9[%dma_wait3A_2237, %dma_wait3A_2245, %dma_wait3A_2246] : memref<8x32x128xf32, #tpu.memory_space<vmem>> -> memref<1x32x128xf32, #tpu.memory_space<vmem>>
      %dma_wait3A_2248 = tpu.memref_squeeze %dma_wait3A_2247 : memref<1x32x128xf32, #tpu.memory_space<vmem>> -> memref<32x128xf32, #tpu.memory_space<vmem>>
      %dma_wait3A_2249 = arith.constant 0 : i32
      %dma_wait3A_2250 = arith.constant 0 : i32
      %dma_wait3A_2251 = tpu.memref_slice %arg4[%dma_wait3A_2249, %dma_wait3A_2250] : memref<32x1000000xf32, #tpu.memory_space<hbm>> -> memref<32x128xf32, #tpu.memory_space<hbm>>
      tpu.wait_dma2 semaphore(%arg16 : memref<!tpu.dma_semaphore, #tpu.memory_space<semaphore_mem>>) src(%dma_wait3A_2251 : memref<32x128xf32, #tpu.memory_space<hbm>>) dst(%dma_wait3A_2248 : memref<32x128xf32, #tpu.memory_space<vmem>>)
      %dma_wait3A_2252 = arith.constant 5 : i32
      %dma_wait3A_2253 = arith.constant 0 : i32
      %dma_wait3A_2254 = arith.constant 0 : i32
      %dma_wait3A_2255 = tpu.memref_slice %arg9[%dma_wait3A_2252, %dma_wait3A_2253, %dma_wait3A_2254] : memref<8x32x128xf32, #tpu.memory_space<vmem>> -> memref<1x32x128xf32, #tpu.memory_space<vmem>>
      %dma_wait3A_2256 = tpu.memref_squeeze %dma_wait3A_2255 : memref<1x32x128xf32, #tpu.memory_space<vmem>> -> memref<32x128xf32, #tpu.memory_space<vmem>>
      %dma_wait3A_2257 = arith.constant 0 : i32
      %dma_wait3A_2258 = arith.constant 0 : i32
      %dma_wait3A_2259 = tpu.memref_slice %arg4[%dma_wait3A_2257, %dma_wait3A_2258] : memref<32x1000000xf32, #tpu.memory_space<hbm>> -> memref<32x128xf32, #tpu.memory_space<hbm>>
      %dma_wait3A_2260 = arith.constant 0 : i32
      %dma_wait3A_2261 = arith.constant 0 : i32
      %dma_wait3A_2262 = tpu.memref_slice %arg9[%dma_wait3A_2252, %dma_wait3A_2260, %dma_wait3A_2261] : memref<8x32x128xf32, #tpu.memory_space<vmem>> -> memref<1x32x128xf32, #tpu.memory_space<vmem>>
      %dma_wait3A_2263 = tpu.memref_squeeze %dma_wait3A_2262 : memref<1x32x128xf32, #tpu.memory_space<vmem>> -> memref<32x128xf32, #tpu.memory_space<vmem>>
      %dma_wait3A_2264 = arith.constant 0 : i32
      %dma_wait3A_2265 = arith.constant 0 : i32
      %dma_wait3A_2266 = tpu.memref_slice %arg4[%dma_wait3A_2264, %dma_wait3A_2265] : memref<32x1000000xf32, #tpu.memory_space<hbm>> -> memref<32x128xf32, #tpu.memory_space<hbm>>
      tpu.wait_dma2 semaphore(%arg16 : memref<!tpu.dma_semaphore, #tpu.memory_space<semaphore_mem>>) src(%dma_wait3A_2266 : memref<32x128xf32, #tpu.memory_space<hbm>>) dst(%dma_wait3A_2263 : memref<32x128xf32, #tpu.memory_space<vmem>>)
      %dma_wait3A_2267 = arith.constant 6 : i32
      %dma_wait3A_2268 = arith.constant 0 : i32
      %dma_wait3A_2269 = arith.constant 0 : i32
      %dma_wait3A_2270 = tpu.memref_slice %arg9[%dma_wait3A_2267, %dma_wait3A_2268, %dma_wait3A_2269] : memref<8x32x128xf32, #tpu.memory_space<vmem>> -> memref<1x32x128xf32, #tpu.memory_space<vmem>>
      %dma_wait3A_2271 = tpu.memref_squeeze %dma_wait3A_2270 : memref<1x32x128xf32, #tpu.memory_space<vmem>> -> memref<32x128xf32, #tpu.memory_space<vmem>>
      %dma_wait3A_2272 = arith.constant 0 : i32
      %dma_wait3A_2273 = arith.constant 0 : i32
      %dma_wait3A_2274 = tpu.memref_slice %arg4[%dma_wait3A_2272, %dma_wait3A_2273] : memref<32x1000000xf32, #tpu.memory_space<hbm>> -> memref<32x128xf32, #tpu.memory_space<hbm>>
      %dma_wait3A_2275 = arith.constant 0 : i32
      %dma_wait3A_2276 = arith.constant 0 : i32
      %dma_wait3A_2277 = tpu.memref_slice %arg9[%dma_wait3A_2267, %dma_wait3A_2275, %dma_wait3A_2276] : memref<8x32x128xf32, #tpu.memory_space<vmem>> -> memref<1x32x128xf32, #tpu.memory_space<vmem>>
      %dma_wait3A_2278 = tpu.memref_squeeze %dma_wait3A_2277 : memref<1x32x128xf32, #tpu.memory_space<vmem>> -> memref<32x128xf32, #tpu.memory_space<vmem>>
      %dma_wait3A_2279 = arith.constant 0 : i32
      %dma_wait3A_2280 = arith.constant 0 : i32
      %dma_wait3A_2281 = tpu.memref_slice %arg4[%dma_wait3A_2279, %dma_wait3A_2280] : memref<32x1000000xf32, #tpu.memory_space<hbm>> -> memref<32x128xf32, #tpu.memory_space<hbm>>
      tpu.wait_dma2 semaphore(%arg16 : memref<!tpu.dma_semaphore, #tpu.memory_space<semaphore_mem>>) src(%dma_wait3A_2281 : memref<32x128xf32, #tpu.memory_space<hbm>>) dst(%dma_wait3A_2278 : memref<32x128xf32, #tpu.memory_space<vmem>>)
      %dma_wait3A_2282 = arith.constant 7 : i32
      %dma_wait3A_2283 = arith.constant 0 : i32
      %dma_wait3A_2284 = arith.constant 0 : i32
      %dma_wait3A_2285 = tpu.memref_slice %arg9[%dma_wait3A_2282, %dma_wait3A_2283, %dma_wait3A_2284] : memref<8x32x128xf32, #tpu.memory_space<vmem>> -> memref<1x32x128xf32, #tpu.memory_space<vmem>>
      %dma_wait3A_2286 = tpu.memref_squeeze %dma_wait3A_2285 : memref<1x32x128xf32, #tpu.memory_space<vmem>> -> memref<32x128xf32, #tpu.memory_space<vmem>>
      %dma_wait3A_2287 = arith.constant 0 : i32
      %dma_wait3A_2288 = arith.constant 0 : i32
      %dma_wait3A_2289 = tpu.memref_slice %arg4[%dma_wait3A_2287, %dma_wait3A_2288] : memref<32x1000000xf32, #tpu.memory_space<hbm>> -> memref<32x128xf32, #tpu.memory_space<hbm>>
      %dma_wait3A_2290 = arith.constant 0 : i32
      %dma_wait3A_2291 = arith.constant 0 : i32
      %dma_wait3A_2292 = tpu.memref_slice %arg9[%dma_wait3A_2282, %dma_wait3A_2290, %dma_wait3A_2291] : memref<8x32x128xf32, #tpu.memory_space<vmem>> -> memref<1x32x128xf32, #tpu.memory_space<vmem>>
      %dma_wait3A_2293 = tpu.memref_squeeze %dma_wait3A_2292 : memref<1x32x128xf32, #tpu.memory_space<vmem>> -> memref<32x128xf32, #tpu.memory_space<vmem>>
      %dma_wait3A_2294 = arith.constant 0 : i32
      %dma_wait3A_2295 = arith.constant 0 : i32
      %dma_wait3A_2296 = tpu.memref_slice %arg4[%dma_wait3A_2294, %dma_wait3A_2295] : memref<32x1000000xf32, #tpu.memory_space<hbm>> -> memref<32x128xf32, #tpu.memory_space<hbm>>
      tpu.wait_dma2 semaphore(%arg16 : memref<!tpu.dma_semaphore, #tpu.memory_space<semaphore_mem>>) src(%dma_wait3A_2296 : memref<32x128xf32, #tpu.memory_space<hbm>>) dst(%dma_wait3A_2293 : memref<32x128xf32, #tpu.memory_space<vmem>>)
      %and3A_2297 = arith.constant 127 : i32
      %and3A_2298 = arith.andi %squeeze3A_1954, %and3A_2297 : i32
      %min3A_2299 = arith.constant 127 : i32
      %min3A_2300 = arith.minsi %and3A_2298, %min3A_2299 : i32
      %sub3A_2301 = arith.constant 999936 : i32
      %sub3A_2302 = arith.subi %squeeze3A_1954, %sub3A_2301 : i32
      %max3A_2303 = arith.constant 0 : i32
      %max3A_2304 = arith.maxsi %sub3A_2302, %max3A_2303 : i32
      %min3A_2305 = arith.constant 63 : i32
      %min3A_2306 = arith.minsi %max3A_2304, %min3A_2305 : i32
      %ge3A_2307 = arith.constant 999936 : i32
      %ge3A_2308 = arith.cmpi sge, %squeeze3A_1954, %ge3A_2307 : i32
      %broadcast_in_dim3A_2309 = vector.broadcast %ge3A_2308 : i1 to vector<16xi1>
      %broadcast_in_dim3A_2310 = vector.broadcast %min3A_2300 : i32 to vector<16xi32>
      %broadcast_in_dim3A_2311 = vector.broadcast %min3A_2306 : i32 to vector<16xi32>
      %gather3A_2312 = tpu.vector_load_idx %arg13[%iota3A, %broadcast_in_dim3A_2311] : memref<32x64xf32, #tpu.memory_space<vmem>>[vector<16xi32>, vector<16xi32>], vector<16xf32>,
      %gather3A_2313 = arith.constant 0 : i32
      %gather3A_2314 = arith.constant 0 : i32
      %gather3A_2315 = arith.constant 0 : i32
      %gather3A_2316 = tpu.memref_slice %arg9[%gather3A_2313, %gather3A_2314, %gather3A_2315] : memref<8x32x128xf32, #tpu.memory_space<vmem>> -> memref<1x32x128xf32, #tpu.memory_space<vmem>>
      %gather3A_2317 = tpu.memref_squeeze %gather3A_2316 : memref<1x32x128xf32, #tpu.memory_space<vmem>> -> memref<32x128xf32, #tpu.memory_space<vmem>>
      %gather3A_2318 = tpu.vector_load_idx %gather3A_2317[%iota3A, %broadcast_in_dim3A_2310] : memref<32x128xf32, #tpu.memory_space<vmem>>[vector<16xi32>, vector<16xi32>], vector<16xf32>,
      %select_n3A_2319 = arith.select %broadcast_in_dim3A_2309, %gather3A_2312, %gather3A_2318 : vector<16xi1>, vector<16xf32>
      %gather3A_2320 = tpu.vector_load_idx %arg13[%add3A_5, %broadcast_in_dim3A_2311] : memref<32x64xf32, #tpu.memory_space<vmem>>[vector<16xi32>, vector<16xi32>], vector<16xf32>,
      %gather3A_2321 = arith.constant 0 : i32
      %gather3A_2322 = arith.constant 0 : i32
      %gather3A_2323 = arith.constant 0 : i32
      %gather3A_2324 = tpu.memref_slice %arg9[%gather3A_2321, %gather3A_2322, %gather3A_2323] : memref<8x32x128xf32, #tpu.memory_space<vmem>> -> memref<1x32x128xf32, #tpu.memory_space<vmem>>
      %gather3A_2325 = tpu.memref_squeeze %gather3A_2324 : memref<1x32x128xf32, #tpu.memory_space<vmem>> -> memref<32x128xf32, #tpu.memory_space<vmem>>
      %gather3A_2326 = tpu.vector_load_idx %gather3A_2325[%add3A_5, %broadcast_in_dim3A_2310] : memref<32x128xf32, #tpu.memory_space<vmem>>[vector<16xi32>, vector<16xi32>], vector<16xf32>,
      %select_n3A_2327 = arith.select %broadcast_in_dim3A_2309, %gather3A_2320, %gather3A_2326 : vector<16xi1>, vector<16xf32>
      %and3A_2328 = arith.constant 127 : i32
      %and3A_2329 = arith.andi %squeeze3A_1956, %and3A_2328 : i32
      %min3A_2330 = arith.constant 127 : i32
      %min3A_2331 = arith.minsi %and3A_2329, %min3A_2330 : i32
      %sub3A_2332 = arith.constant 999936 : i32
      %sub3A_2333 = arith.subi %squeeze3A_1956, %sub3A_2332 : i32
      %max3A_2334 = arith.constant 0 : i32
      %max3A_2335 = arith.maxsi %sub3A_2333, %max3A_2334 : i32
      %min3A_2336 = arith.constant 63 : i32
      %min3A_2337 = arith.minsi %max3A_2335, %min3A_2336 : i32
      %ge3A_2338 = arith.constant 999936 : i32
      %ge3A_2339 = arith.cmpi sge, %squeeze3A_1956, %ge3A_2338 : i32
      %broadcast_in_dim3A_2340 = vector.broadcast %ge3A_2339 : i1 to vector<16xi1>
      %broadcast_in_dim3A_2341 = vector.broadcast %min3A_2331 : i32 to vector<16xi32>
      %broadcast_in_dim3A_2342 = vector.broadcast %min3A_2337 : i32 to vector<16xi32>
      %gather3A_2343 = tpu.vector_load_idx %arg13[%iota3A, %broadcast_in_dim3A_2342] : memref<32x64xf32, #tpu.memory_space<vmem>>[vector<16xi32>, vector<16xi32>], vector<16xf32>,
      %gather3A_2344 = arith.constant 1 : i32
      %gather3A_2345 = arith.constant 0 : i32
      %gather3A_2346 = arith.constant 0 : i32
      %gather3A_2347 = tpu.memref_slice %arg9[%gather3A_2344, %gather3A_2345, %gather3A_2346] : memref<8x32x128xf32, #tpu.memory_space<vmem>> -> memref<1x32x128xf32, #tpu.memory_space<vmem>>
      %gather3A_2348 = tpu.memref_squeeze %gather3A_2347 : memref<1x32x128xf32, #tpu.memory_space<vmem>> -> memref<32x128xf32, #tpu.memory_space<vmem>>
      %gather3A_2349 = tpu.vector_load_idx %gather3A_2348[%iota3A, %broadcast_in_dim3A_2341] : memref<32x128xf32, #tpu.memory_space<vmem>>[vector<16xi32>, vector<16xi32>], vector<16xf32>,
      %select_n3A_2350 = arith.select %broadcast_in_dim3A_2340, %gather3A_2343, %gather3A_2349 : vector<16xi1>, vector<16xf32>
      %gather3A_2351 = tpu.vector_load_idx %arg13[%add3A_5, %broadcast_in_dim3A_2342] : memref<32x64xf32, #tpu.memory_space<vmem>>[vector<16xi32>, vector<16xi32>], vector<16xf32>,
      %gather3A_2352 = arith.constant 1 : i32
      %gather3A_2353 = arith.constant 0 : i32
      %gather3A_2354 = arith.constant 0 : i32
      %gather3A_2355 = tpu.memref_slice %arg9[%gather3A_2352, %gather3A_2353, %gather3A_2354] : memref<8x32x128xf32, #tpu.memory_space<vmem>> -> memref<1x32x128xf32, #tpu.memory_space<vmem>>
      %gather3A_2356 = tpu.memref_squeeze %gather3A_2355 : memref<1x32x128xf32, #tpu.memory_space<vmem>> -> memref<32x128xf32, #tpu.memory_space<vmem>>
      %gather3A_2357 = tpu.vector_load_idx %gather3A_2356[%add3A_5, %broadcast_in_dim3A_2341] : memref<32x128xf32, #tpu.memory_space<vmem>>[vector<16xi32>, vector<16xi32>], vector<16xf32>,
      %select_n3A_2358 = arith.select %broadcast_in_dim3A_2340, %gather3A_2351, %gather3A_2357 : vector<16xi1>, vector<16xf32>
      %and3A_2359 = arith.constant 127 : i32
      %and3A_2360 = arith.andi %squeeze3A_1958, %and3A_2359 : i32
      %min3A_2361 = arith.constant 127 : i32
      %min3A_2362 = arith.minsi %and3A_2360, %min3A_2361 : i32
      %sub3A_2363 = arith.constant 999936 : i32
      %sub3A_2364 = arith.subi %squeeze3A_1958, %sub3A_2363 : i32
      %max3A_2365 = arith.constant 0 : i32
      %max3A_2366 = arith.maxsi %sub3A_2364, %max3A_2365 : i32
      %min3A_2367 = arith.constant 63 : i32
      %min3A_2368 = arith.minsi %max3A_2366, %min3A_2367 : i32
      %ge3A_2369 = arith.constant 999936 : i32
      %ge3A_2370 = arith.cmpi sge, %squeeze3A_1958, %ge3A_2369 : i32
      %broadcast_in_dim3A_2371 = vector.broadcast %ge3A_2370 : i1 to vector<16xi1>
      %broadcast_in_dim3A_2372 = vector.broadcast %min3A_2362 : i32 to vector<16xi32>
      %broadcast_in_dim3A_2373 = vector.broadcast %min3A_2368 : i32 to vector<16xi32>
      %gather3A_2374 = tpu.vector_load_idx %arg13[%iota3A, %broadcast_in_dim3A_2373] : memref<32x64xf32, #tpu.memory_space<vmem>>[vector<16xi32>, vector<16xi32>], vector<16xf32>,
      %gather3A_2375 = arith.constant 2 : i32
      %gather3A_2376 = arith.constant 0 : i32
      %gather3A_2377 = arith.constant 0 : i32
      %gather3A_2378 = tpu.memref_slice %arg9[%gather3A_2375, %gather3A_2376, %gather3A_2377] : memref<8x32x128xf32, #tpu.memory_space<vmem>> -> memref<1x32x128xf32, #tpu.memory_space<vmem>>
      %gather3A_2379 = tpu.memref_squeeze %gather3A_2378 : memref<1x32x128xf32, #tpu.memory_space<vmem>> -> memref<32x128xf32, #tpu.memory_space<vmem>>
      %gather3A_2380 = tpu.vector_load_idx %gather3A_2379[%iota3A, %broadcast_in_dim3A_2372] : memref<32x128xf32, #tpu.memory_space<vmem>>[vector<16xi32>, vector<16xi32>], vector<16xf32>,
      %select_n3A_2381 = arith.select %broadcast_in_dim3A_2371, %gather3A_2374, %gather3A_2380 : vector<16xi1>, vector<16xf32>
      %gather3A_2382 = tpu.vector_load_idx %arg13[%add3A_5, %broadcast_in_dim3A_2373] : memref<32x64xf32, #tpu.memory_space<vmem>>[vector<16xi32>, vector<16xi32>], vector<16xf32>,
      %gather3A_2383 = arith.constant 2 : i32
      %gather3A_2384 = arith.constant 0 : i32
      %gather3A_2385 = arith.constant 0 : i32
      %gather3A_2386 = tpu.memref_slice %arg9[%gather3A_2383, %gather3A_2384, %gather3A_2385] : memref<8x32x128xf32, #tpu.memory_space<vmem>> -> memref<1x32x128xf32, #tpu.memory_space<vmem>>
      %gather3A_2387 = tpu.memref_squeeze %gather3A_2386 : memref<1x32x128xf32, #tpu.memory_space<vmem>> -> memref<32x128xf32, #tpu.memory_space<vmem>>
      %gather3A_2388 = tpu.vector_load_idx %gather3A_2387[%add3A_5, %broadcast_in_dim3A_2372] : memref<32x128xf32, #tpu.memory_space<vmem>>[vector<16xi32>, vector<16xi32>], vector<16xf32>,
      %select_n3A_2389 = arith.select %broadcast_in_dim3A_2371, %gather3A_2382, %gather3A_2388 : vector<16xi1>, vector<16xf32>
      %and3A_2390 = arith.constant 127 : i32
      %and3A_2391 = arith.andi %squeeze3A_1960, %and3A_2390 : i32
      %min3A_2392 = arith.constant 127 : i32
      %min3A_2393 = arith.minsi %and3A_2391, %min3A_2392 : i32
      %sub3A_2394 = arith.constant 999936 : i32
      %sub3A_2395 = arith.subi %squeeze3A_1960, %sub3A_2394 : i32
      %max3A_2396 = arith.constant 0 : i32
      %max3A_2397 = arith.maxsi %sub3A_2395, %max3A_2396 : i32
      %min3A_2398 = arith.constant 63 : i32
      %min3A_2399 = arith.minsi %max3A_2397, %min3A_2398 : i32
      %ge3A_2400 = arith.constant 999936 : i32
      %ge3A_2401 = arith.cmpi sge, %squeeze3A_1960, %ge3A_2400 : i32
      %broadcast_in_dim3A_2402 = vector.broadcast %ge3A_2401 : i1 to vector<16xi1>
      %broadcast_in_dim3A_2403 = vector.broadcast %min3A_2393 : i32 to vector<16xi32>
      %broadcast_in_dim3A_2404 = vector.broadcast %min3A_2399 : i32 to vector<16xi32>
      %gather3A_2405 = tpu.vector_load_idx %arg13[%iota3A, %broadcast_in_dim3A_2404] : memref<32x64xf32, #tpu.memory_space<vmem>>[vector<16xi32>, vector<16xi32>], vector<16xf32>,
      %gather3A_2406 = arith.constant 3 : i32
      %gather3A_2407 = arith.constant 0 : i32
      %gather3A_2408 = arith.constant 0 : i32
      %gather3A_2409 = tpu.memref_slice %arg9[%gather3A_2406, %gather3A_2407, %gather3A_2408] : memref<8x32x128xf32, #tpu.memory_space<vmem>> -> memref<1x32x128xf32, #tpu.memory_space<vmem>>
      %gather3A_2410 = tpu.memref_squeeze %gather3A_2409 : memref<1x32x128xf32, #tpu.memory_space<vmem>> -> memref<32x128xf32, #tpu.memory_space<vmem>>
      %gather3A_2411 = tpu.vector_load_idx %gather3A_2410[%iota3A, %broadcast_in_dim3A_2403] : memref<32x128xf32, #tpu.memory_space<vmem>>[vector<16xi32>, vector<16xi32>], vector<16xf32>,
      %select_n3A_2412 = arith.select %broadcast_in_dim3A_2402, %gather3A_2405, %gather3A_2411 : vector<16xi1>, vector<16xf32>
      %gather3A_2413 = tpu.vector_load_idx %arg13[%add3A_5, %broadcast_in_dim3A_2404] : memref<32x64xf32, #tpu.memory_space<vmem>>[vector<16xi32>, vector<16xi32>], vector<16xf32>,
      %gather3A_2414 = arith.constant 3 : i32
      %gather3A_2415 = arith.constant 0 : i32
      %gather3A_2416 = arith.constant 0 : i32
      %gather3A_2417 = tpu.memref_slice %arg9[%gather3A_2414, %gather3A_2415, %gather3A_2416] : memref<8x32x128xf32, #tpu.memory_space<vmem>> -> memref<1x32x128xf32, #tpu.memory_space<vmem>>
      %gather3A_2418 = tpu.memref_squeeze %gather3A_2417 : memref<1x32x128xf32, #tpu.memory_space<vmem>> -> memref<32x128xf32, #tpu.memory_space<vmem>>
      %gather3A_2419 = tpu.vector_load_idx %gather3A_2418[%add3A_5, %broadcast_in_dim3A_2403] : memref<32x128xf32, #tpu.memory_space<vmem>>[vector<16xi32>, vector<16xi32>], vector<16xf32>,
      %select_n3A_2420 = arith.select %broadcast_in_dim3A_2402, %gather3A_2413, %gather3A_2419 : vector<16xi1>, vector<16xf32>
      %and3A_2421 = arith.constant 127 : i32
      %and3A_2422 = arith.andi %squeeze3A_1962, %and3A_2421 : i32
      %min3A_2423 = arith.constant 127 : i32
      %min3A_2424 = arith.minsi %and3A_2422, %min3A_2423 : i32
      %sub3A_2425 = arith.constant 999936 : i32
      %sub3A_2426 = arith.subi %squeeze3A_1962, %sub3A_2425 : i32
      %max3A_2427 = arith.constant 0 : i32
      %max3A_2428 = arith.maxsi %sub3A_2426, %max3A_2427 : i32
      %min3A_2429 = arith.constant 63 : i32
      %min3A_2430 = arith.minsi %max3A_2428, %min3A_2429 : i32
      %ge3A_2431 = arith.constant 999936 : i32
      %ge3A_2432 = arith.cmpi sge, %squeeze3A_1962, %ge3A_2431 : i32
      %broadcast_in_dim3A_2433 = vector.broadcast %ge3A_2432 : i1 to vector<16xi1>
      %broadcast_in_dim3A_2434 = vector.broadcast %min3A_2424 : i32 to vector<16xi32>
      %broadcast_in_dim3A_2435 = vector.broadcast %min3A_2430 : i32 to vector<16xi32>
      %gather3A_2436 = tpu.vector_load_idx %arg13[%iota3A, %broadcast_in_dim3A_2435] : memref<32x64xf32, #tpu.memory_space<vmem>>[vector<16xi32>, vector<16xi32>], vector<16xf32>,
      %gather3A_2437 = arith.constant 4 : i32
      %gather3A_2438 = arith.constant 0 : i32
      %gather3A_2439 = arith.constant 0 : i32
      %gather3A_2440 = tpu.memref_slice %arg9[%gather3A_2437, %gather3A_2438, %gather3A_2439] : memref<8x32x128xf32, #tpu.memory_space<vmem>> -> memref<1x32x128xf32, #tpu.memory_space<vmem>>
      %gather3A_2441 = tpu.memref_squeeze %gather3A_2440 : memref<1x32x128xf32, #tpu.memory_space<vmem>> -> memref<32x128xf32, #tpu.memory_space<vmem>>
      %gather3A_2442 = tpu.vector_load_idx %gather3A_2441[%iota3A, %broadcast_in_dim3A_2434] : memref<32x128xf32, #tpu.memory_space<vmem>>[vector<16xi32>, vector<16xi32>], vector<16xf32>,
      %select_n3A_2443 = arith.select %broadcast_in_dim3A_2433, %gather3A_2436, %gather3A_2442 : vector<16xi1>, vector<16xf32>
      %gather3A_2444 = tpu.vector_load_idx %arg13[%add3A_5, %broadcast_in_dim3A_2435] : memref<32x64xf32, #tpu.memory_space<vmem>>[vector<16xi32>, vector<16xi32>], vector<16xf32>,
      %gather3A_2445 = arith.constant 4 : i32
      %gather3A_2446 = arith.constant 0 : i32
      %gather3A_2447 = arith.constant 0 : i32
      %gather3A_2448 = tpu.memref_slice %arg9[%gather3A_2445, %gather3A_2446, %gather3A_2447] : memref<8x32x128xf32, #tpu.memory_space<vmem>> -> memref<1x32x128xf32, #tpu.memory_space<vmem>>
      %gather3A_2449 = tpu.memref_squeeze %gather3A_2448 : memref<1x32x128xf32, #tpu.memory_space<vmem>> -> memref<32x128xf32, #tpu.memory_space<vmem>>
      %gather3A_2450 = tpu.vector_load_idx %gather3A_2449[%add3A_5, %broadcast_in_dim3A_2434] : memref<32x128xf32, #tpu.memory_space<vmem>>[vector<16xi32>, vector<16xi32>], vector<16xf32>,
      %select_n3A_2451 = arith.select %broadcast_in_dim3A_2433, %gather3A_2444, %gather3A_2450 : vector<16xi1>, vector<16xf32>
      %and3A_2452 = arith.constant 127 : i32
      %and3A_2453 = arith.andi %squeeze3A_1964, %and3A_2452 : i32
      %min3A_2454 = arith.constant 127 : i32
      %min3A_2455 = arith.minsi %and3A_2453, %min3A_2454 : i32
      %sub3A_2456 = arith.constant 999936 : i32
      %sub3A_2457 = arith.subi %squeeze3A_1964, %sub3A_2456 : i32
      %max3A_2458 = arith.constant 0 : i32
      %max3A_2459 = arith.maxsi %sub3A_2457, %max3A_2458 : i32
      %min3A_2460 = arith.constant 63 : i32
      %min3A_2461 = arith.minsi %max3A_2459, %min3A_2460 : i32
      %ge3A_2462 = arith.constant 999936 : i32
      %ge3A_2463 = arith.cmpi sge, %squeeze3A_1964, %ge3A_2462 : i32
      %broadcast_in_dim3A_2464 = vector.broadcast %ge3A_2463 : i1 to vector<16xi1>
      %broadcast_in_dim3A_2465 = vector.broadcast %min3A_2455 : i32 to vector<16xi32>
      %broadcast_in_dim3A_2466 = vector.broadcast %min3A_2461 : i32 to vector<16xi32>
      %gather3A_2467 = tpu.vector_load_idx %arg13[%iota3A, %broadcast_in_dim3A_2466] : memref<32x64xf32, #tpu.memory_space<vmem>>[vector<16xi32>, vector<16xi32>], vector<16xf32>,
      %gather3A_2468 = arith.constant 5 : i32
      %gather3A_2469 = arith.constant 0 : i32
      %gather3A_2470 = arith.constant 0 : i32
      %gather3A_2471 = tpu.memref_slice %arg9[%gather3A_2468, %gather3A_2469, %gather3A_2470] : memref<8x32x128xf32, #tpu.memory_space<vmem>> -> memref<1x32x128xf32, #tpu.memory_space<vmem>>
      %gather3A_2472 = tpu.memref_squeeze %gather3A_2471 : memref<1x32x128xf32, #tpu.memory_space<vmem>> -> memref<32x128xf32, #tpu.memory_space<vmem>>
      %gather3A_2473 = tpu.vector_load_idx %gather3A_2472[%iota3A, %broadcast_in_dim3A_2465] : memref<32x128xf32, #tpu.memory_space<vmem>>[vector<16xi32>, vector<16xi32>], vector<16xf32>,
      %select_n3A_2474 = arith.select %broadcast_in_dim3A_2464, %gather3A_2467, %gather3A_2473 : vector<16xi1>, vector<16xf32>
      %gather3A_2475 = tpu.vector_load_idx %arg13[%add3A_5, %broadcast_in_dim3A_2466] : memref<32x64xf32, #tpu.memory_space<vmem>>[vector<16xi32>, vector<16xi32>], vector<16xf32>,
      %gather3A_2476 = arith.constant 5 : i32
      %gather3A_2477 = arith.constant 0 : i32
      %gather3A_2478 = arith.constant 0 : i32
      %gather3A_2479 = tpu.memref_slice %arg9[%gather3A_2476, %gather3A_2477, %gather3A_2478] : memref<8x32x128xf32, #tpu.memory_space<vmem>> -> memref<1x32x128xf32, #tpu.memory_space<vmem>>
      %gather3A_2480 = tpu.memref_squeeze %gather3A_2479 : memref<1x32x128xf32, #tpu.memory_space<vmem>> -> memref<32x128xf32, #tpu.memory_space<vmem>>
      %gather3A_2481 = tpu.vector_load_idx %gather3A_2480[%add3A_5, %broadcast_in_dim3A_2465] : memref<32x128xf32, #tpu.memory_space<vmem>>[vector<16xi32>, vector<16xi32>], vector<16xf32>,
      %select_n3A_2482 = arith.select %broadcast_in_dim3A_2464, %gather3A_2475, %gather3A_2481 : vector<16xi1>, vector<16xf32>
      %and3A_2483 = arith.constant 127 : i32
      %and3A_2484 = arith.andi %squeeze3A_1966, %and3A_2483 : i32
      %min3A_2485 = arith.constant 127 : i32
      %min3A_2486 = arith.minsi %and3A_2484, %min3A_2485 : i32
      %sub3A_2487 = arith.constant 999936 : i32
      %sub3A_2488 = arith.subi %squeeze3A_1966, %sub3A_2487 : i32
      %max3A_2489 = arith.constant 0 : i32
      %max3A_2490 = arith.maxsi %sub3A_2488, %max3A_2489 : i32
      %min3A_2491 = arith.constant 63 : i32
      %min3A_2492 = arith.minsi %max3A_2490, %min3A_2491 : i32
      %ge3A_2493 = arith.constant 999936 : i32
      %ge3A_2494 = arith.cmpi sge, %squeeze3A_1966, %ge3A_2493 : i32
      %broadcast_in_dim3A_2495 = vector.broadcast %ge3A_2494 : i1 to vector<16xi1>
      %broadcast_in_dim3A_2496 = vector.broadcast %min3A_2486 : i32 to vector<16xi32>
      %broadcast_in_dim3A_2497 = vector.broadcast %min3A_2492 : i32 to vector<16xi32>
      %gather3A_2498 = tpu.vector_load_idx %arg13[%iota3A, %broadcast_in_dim3A_2497] : memref<32x64xf32, #tpu.memory_space<vmem>>[vector<16xi32>, vector<16xi32>], vector<16xf32>,
      %gather3A_2499 = arith.constant 6 : i32
      %gather3A_2500 = arith.constant 0 : i32
      %gather3A_2501 = arith.constant 0 : i32
      %gather3A_2502 = tpu.memref_slice %arg9[%gather3A_2499, %gather3A_2500, %gather3A_2501] : memref<8x32x128xf32, #tpu.memory_space<vmem>> -> memref<1x32x128xf32, #tpu.memory_space<vmem>>
      %gather3A_2503 = tpu.memref_squeeze %gather3A_2502 : memref<1x32x128xf32, #tpu.memory_space<vmem>> -> memref<32x128xf32, #tpu.memory_space<vmem>>
      %gather3A_2504 = tpu.vector_load_idx %gather3A_2503[%iota3A, %broadcast_in_dim3A_2496] : memref<32x128xf32, #tpu.memory_space<vmem>>[vector<16xi32>, vector<16xi32>], vector<16xf32>,
      %select_n3A_2505 = arith.select %broadcast_in_dim3A_2495, %gather3A_2498, %gather3A_2504 : vector<16xi1>, vector<16xf32>
      %gather3A_2506 = tpu.vector_load_idx %arg13[%add3A_5, %broadcast_in_dim3A_2497] : memref<32x64xf32, #tpu.memory_space<vmem>>[vector<16xi32>, vector<16xi32>], vector<16xf32>,
      %gather3A_2507 = arith.constant 6 : i32
      %gather3A_2508 = arith.constant 0 : i32
      %gather3A_2509 = arith.constant 0 : i32
      %gather3A_2510 = tpu.memref_slice %arg9[%gather3A_2507, %gather3A_2508, %gather3A_2509] : memref<8x32x128xf32, #tpu.memory_space<vmem>> -> memref<1x32x128xf32, #tpu.memory_space<vmem>>
      %gather3A_2511 = tpu.memref_squeeze %gather3A_2510 : memref<1x32x128xf32, #tpu.memory_space<vmem>> -> memref<32x128xf32, #tpu.memory_space<vmem>>
      %gather3A_2512 = tpu.vector_load_idx %gather3A_2511[%add3A_5, %broadcast_in_dim3A_2496] : memref<32x128xf32, #tpu.memory_space<vmem>>[vector<16xi32>, vector<16xi32>], vector<16xf32>,
      %select_n3A_2513 = arith.select %broadcast_in_dim3A_2495, %gather3A_2506, %gather3A_2512 : vector<16xi1>, vector<16xf32>
      %and3A_2514 = arith.constant 127 : i32
      %and3A_2515 = arith.andi %squeeze3A_1968, %and3A_2514 : i32
      %min3A_2516 = arith.constant 127 : i32
      %min3A_2517 = arith.minsi %and3A_2515, %min3A_2516 : i32
      %sub3A_2518 = arith.constant 999936 : i32
      %sub3A_2519 = arith.subi %squeeze3A_1968, %sub3A_2518 : i32
      %max3A_2520 = arith.constant 0 : i32
      %max3A_2521 = arith.maxsi %sub3A_2519, %max3A_2520 : i32
      %min3A_2522 = arith.constant 63 : i32
      %min3A_2523 = arith.minsi %max3A_2521, %min3A_2522 : i32
      %ge3A_2524 = arith.constant 999936 : i32
      %ge3A_2525 = arith.cmpi sge, %squeeze3A_1968, %ge3A_2524 : i32
      %broadcast_in_dim3A_2526 = vector.broadcast %ge3A_2525 : i1 to vector<16xi1>
      %broadcast_in_dim3A_2527 = vector.broadcast %min3A_2517 : i32 to vector<16xi32>
      %broadcast_in_dim3A_2528 = vector.broadcast %min3A_2523 : i32 to vector<16xi32>
      %gather3A_2529 = tpu.vector_load_idx %arg13[%iota3A, %broadcast_in_dim3A_2528] : memref<32x64xf32, #tpu.memory_space<vmem>>[vector<16xi32>, vector<16xi32>], vector<16xf32>,
      %gather3A_2530 = arith.constant 7 : i32
      %gather3A_2531 = arith.constant 0 : i32
      %gather3A_2532 = arith.constant 0 : i32
      %gather3A_2533 = tpu.memref_slice %arg9[%gather3A_2530, %gather3A_2531, %gather3A_2532] : memref<8x32x128xf32, #tpu.memory_space<vmem>> -> memref<1x32x128xf32, #tpu.memory_space<vmem>>
      %gather3A_2534 = tpu.memref_squeeze %gather3A_2533 : memref<1x32x128xf32, #tpu.memory_space<vmem>> -> memref<32x128xf32, #tpu.memory_space<vmem>>
      %gather3A_2535 = tpu.vector_load_idx %gather3A_2534[%iota3A, %broadcast_in_dim3A_2527] : memref<32x128xf32, #tpu.memory_space<vmem>>[vector<16xi32>, vector<16xi32>], vector<16xf32>,
      %select_n3A_2536 = arith.select %broadcast_in_dim3A_2526, %gather3A_2529, %gather3A_2535 : vector<16xi1>, vector<16xf32>
      %gather3A_2537 = tpu.vector_load_idx %arg13[%add3A_5, %broadcast_in_dim3A_2528] : memref<32x64xf32, #tpu.memory_space<vmem>>[vector<16xi32>, vector<16xi32>], vector<16xf32>,
      %gather3A_2538 = arith.constant 7 : i32
      %gather3A_2539 = arith.constant 0 : i32
      %gather3A_2540 = arith.constant 0 : i32
      %gather3A_2541 = tpu.memref_slice %arg9[%gather3A_2538, %gather3A_2539, %gather3A_2540] : memref<8x32x128xf32, #tpu.memory_space<vmem>> -> memref<1x32x128xf32, #tpu.memory_space<vmem>>
      %gather3A_2542 = tpu.memref_squeeze %gather3A_2541 : memref<1x32x128xf32, #tpu.memory_space<vmem>> -> memref<32x128xf32, #tpu.memory_space<vmem>>
      %gather3A_2543 = tpu.vector_load_idx %gather3A_2542[%add3A_5, %broadcast_in_dim3A_2527] : memref<32x128xf32, #tpu.memory_space<vmem>>[vector<16xi32>, vector<16xi32>], vector<16xf32>,
      %select_n3A_2544 = arith.select %broadcast_in_dim3A_2526, %gather3A_2537, %gather3A_2543 : vector<16xi1>, vector<16xf32>
      %shift_right_logical3A_2545 = arith.constant 7 : i32
      %shift_right_logical3A_2546 = arith.shrui %squeeze3A_1986, %shift_right_logical3A_2545 : i32
      %mul3A_2547 = arith.constant 128 : i32
      %mul3A_2548 = arith.muli %shift_right_logical3A_2546, %mul3A_2547 : i32
      %min3A_2549 = arith.constant 999808 : i32
      %min3A_2550 = arith.minsi %mul3A_2548, %min3A_2549 : i32
      %multiple_of3A_2551 = tpu.assume_multiple %min3A_2550, 128 : i32
      %dma_start3A_2552 = arith.constant 0 : i32
      %dma_start3A_2553 = arith.constant 0 : i32
      %dma_start3A_2554 = arith.constant 0 : i32
      %dma_start3A_2555 = tpu.memref_slice %arg9[%dma_start3A_2552, %dma_start3A_2553, %dma_start3A_2554] : memref<8x32x128xf32, #tpu.memory_space<vmem>> -> memref<1x32x128xf32, #tpu.memory_space<vmem>>
      %dma_start3A_2556 = tpu.memref_squeeze %dma_start3A_2555 : memref<1x32x128xf32, #tpu.memory_space<vmem>> -> memref<32x128xf32, #tpu.memory_space<vmem>>
      %dma_start3A_2557 = arith.constant 0 : i32
      %dma_start3A_2558 = tpu.memref_slice %arg4[%dma_start3A_2557, %multiple_of3A_2551] : memref<32x1000000xf32, #tpu.memory_space<hbm>> -> memref<32x128xf32, #tpu.memory_space<hbm>>
      %dma_start3A_2559 = arith.constant 0 : i32
      %dma_start3A_2560 = arith.constant 0 : i32
      %dma_start3A_2561 = tpu.memref_slice %arg9[%dma_start3A_2552, %dma_start3A_2559, %dma_start3A_2560] : memref<8x32x128xf32, #tpu.memory_space<vmem>> -> memref<1x32x128xf32, #tpu.memory_space<vmem>>
      %dma_start3A_2562 = tpu.memref_squeeze %dma_start3A_2561 : memref<1x32x128xf32, #tpu.memory_space<vmem>> -> memref<32x128xf32, #tpu.memory_space<vmem>>
      %dma_start3A_2563 = arith.constant 0 : i32
      %dma_start3A_2564 = tpu.memref_slice %arg4[%dma_start3A_2563, %multiple_of3A_2551] : memref<32x1000000xf32, #tpu.memory_space<hbm>> -> memref<32x128xf32, #tpu.memory_space<hbm>>
      tpu.enqueue_dma source(%dma_start3A_2564 : memref<32x128xf32, #tpu.memory_space<hbm>>) target(%dma_start3A_2562 : memref<32x128xf32, #tpu.memory_space<vmem>>) target_semaphore(%arg16 : memref<!tpu.dma_semaphore, #tpu.memory_space<semaphore_mem>>)
      %shift_right_logical3A_2565 = arith.constant 7 : i32
      %shift_right_logical3A_2566 = arith.shrui %squeeze3A_1988, %shift_right_logical3A_2565 : i32
      %mul3A_2567 = arith.constant 128 : i32
      %mul3A_2568 = arith.muli %shift_right_logical3A_2566, %mul3A_2567 : i32
      %min3A_2569 = arith.constant 999808 : i32
      %min3A_2570 = arith.minsi %mul3A_2568, %min3A_2569 : i32
      %multiple_of3A_2571 = tpu.assume_multiple %min3A_2570, 128 : i32
      %dma_start3A_2572 = arith.constant 1 : i32
      %dma_start3A_2573 = arith.constant 0 : i32
      %dma_start3A_2574 = arith.constant 0 : i32
      %dma_start3A_2575 = tpu.memref_slice %arg9[%dma_start3A_2572, %dma_start3A_2573, %dma_start3A_2574] : memref<8x32x128xf32, #tpu.memory_space<vmem>> -> memref<1x32x128xf32, #tpu.memory_space<vmem>>
      %dma_start3A_2576 = tpu.memref_squeeze %dma_start3A_2575 : memref<1x32x128xf32, #tpu.memory_space<vmem>> -> memref<32x128xf32, #tpu.memory_space<vmem>>
      %dma_start3A_2577 = arith.constant 0 : i32
      %dma_start3A_2578 = tpu.memref_slice %arg4[%dma_start3A_2577, %multiple_of3A_2571] : memref<32x1000000xf32, #tpu.memory_space<hbm>> -> memref<32x128xf32, #tpu.memory_space<hbm>>
      %dma_start3A_2579 = arith.constant 0 : i32
      %dma_start3A_2580 = arith.constant 0 : i32
      %dma_start3A_2581 = tpu.memref_slice %arg9[%dma_start3A_2572, %dma_start3A_2579, %dma_start3A_2580] : memref<8x32x128xf32, #tpu.memory_space<vmem>> -> memref<1x32x128xf32, #tpu.memory_space<vmem>>
      %dma_start3A_2582 = tpu.memref_squeeze %dma_start3A_2581 : memref<1x32x128xf32, #tpu.memory_space<vmem>> -> memref<32x128xf32, #tpu.memory_space<vmem>>
      %dma_start3A_2583 = arith.constant 0 : i32
      %dma_start3A_2584 = tpu.memref_slice %arg4[%dma_start3A_2583, %multiple_of3A_2571] : memref<32x1000000xf32, #tpu.memory_space<hbm>> -> memref<32x128xf32, #tpu.memory_space<hbm>>
      tpu.enqueue_dma source(%dma_start3A_2584 : memref<32x128xf32, #tpu.memory_space<hbm>>) target(%dma_start3A_2582 : memref<32x128xf32, #tpu.memory_space<vmem>>) target_semaphore(%arg16 : memref<!tpu.dma_semaphore, #tpu.memory_space<semaphore_mem>>)
      %shift_right_logical3A_2585 = arith.constant 7 : i32
      %shift_right_logical3A_2586 = arith.shrui %squeeze3A_1990, %shift_right_logical3A_2585 : i32
      %mul3A_2587 = arith.constant 128 : i32
      %mul3A_2588 = arith.muli %shift_right_logical3A_2586, %mul3A_2587 : i32
      %min3A_2589 = arith.constant 999808 : i32
      %min3A_2590 = arith.minsi %mul3A_2588, %min3A_2589 : i32
      %multiple_of3A_2591 = tpu.assume_multiple %min3A_2590, 128 : i32
      %dma_start3A_2592 = arith.constant 2 : i32
      %dma_start3A_2593 = arith.constant 0 : i32
      %dma_start3A_2594 = arith.constant 0 : i32
      %dma_start3A_2595 = tpu.memref_slice %arg9[%dma_start3A_2592, %dma_start3A_2593, %dma_start3A_2594] : memref<8x32x128xf32, #tpu.memory_space<vmem>> -> memref<1x32x128xf32, #tpu.memory_space<vmem>>
      %dma_start3A_2596 = tpu.memref_squeeze %dma_start3A_2595 : memref<1x32x128xf32, #tpu.memory_space<vmem>> -> memref<32x128xf32, #tpu.memory_space<vmem>>
      %dma_start3A_2597 = arith.constant 0 : i32
      %dma_start3A_2598 = tpu.memref_slice %arg4[%dma_start3A_2597, %multiple_of3A_2591] : memref<32x1000000xf32, #tpu.memory_space<hbm>> -> memref<32x128xf32, #tpu.memory_space<hbm>>
      %dma_start3A_2599 = arith.constant 0 : i32
      %dma_start3A_2600 = arith.constant 0 : i32
      %dma_start3A_2601 = tpu.memref_slice %arg9[%dma_start3A_2592, %dma_start3A_2599, %dma_start3A_2600] : memref<8x32x128xf32, #tpu.memory_space<vmem>> -> memref<1x32x128xf32, #tpu.memory_space<vmem>>
      %dma_start3A_2602 = tpu.memref_squeeze %dma_start3A_2601 : memref<1x32x128xf32, #tpu.memory_space<vmem>> -> memref<32x128xf32, #tpu.memory_space<vmem>>
      %dma_start3A_2603 = arith.constant 0 : i32
      %dma_start3A_2604 = tpu.memref_slice %arg4[%dma_start3A_2603, %multiple_of3A_2591] : memref<32x1000000xf32, #tpu.memory_space<hbm>> -> memref<32x128xf32, #tpu.memory_space<hbm>>
      tpu.enqueue_dma source(%dma_start3A_2604 : memref<32x128xf32, #tpu.memory_space<hbm>>) target(%dma_start3A_2602 : memref<32x128xf32, #tpu.memory_space<vmem>>) target_semaphore(%arg16 : memref<!tpu.dma_semaphore, #tpu.memory_space<semaphore_mem>>)
      %shift_right_logical3A_2605 = arith.constant 7 : i32
      %shift_right_logical3A_2606 = arith.shrui %squeeze3A_1992, %shift_right_logical3A_2605 : i32
      %mul3A_2607 = arith.constant 128 : i32
      %mul3A_2608 = arith.muli %shift_right_logical3A_2606, %mul3A_2607 : i32
      %min3A_2609 = arith.constant 999808 : i32
      %min3A_2610 = arith.minsi %mul3A_2608, %min3A_2609 : i32
      %multiple_of3A_2611 = tpu.assume_multiple %min3A_2610, 128 : i32
      %dma_start3A_2612 = arith.constant 3 : i32
      %dma_start3A_2613 = arith.constant 0 : i32
      %dma_start3A_2614 = arith.constant 0 : i32
      %dma_start3A_2615 = tpu.memref_slice %arg9[%dma_start3A_2612, %dma_start3A_2613, %dma_start3A_2614] : memref<8x32x128xf32, #tpu.memory_space<vmem>> -> memref<1x32x128xf32, #tpu.memory_space<vmem>>
      %dma_start3A_2616 = tpu.memref_squeeze %dma_start3A_2615 : memref<1x32x128xf32, #tpu.memory_space<vmem>> -> memref<32x128xf32, #tpu.memory_space<vmem>>
      %dma_start3A_2617 = arith.constant 0 : i32
      %dma_start3A_2618 = tpu.memref_slice %arg4[%dma_start3A_2617, %multiple_of3A_2611] : memref<32x1000000xf32, #tpu.memory_space<hbm>> -> memref<32x128xf32, #tpu.memory_space<hbm>>
      %dma_start3A_2619 = arith.constant 0 : i32
      %dma_start3A_2620 = arith.constant 0 : i32
      %dma_start3A_2621 = tpu.memref_slice %arg9[%dma_start3A_2612, %dma_start3A_2619, %dma_start3A_2620] : memref<8x32x128xf32, #tpu.memory_space<vmem>> -> memref<1x32x128xf32, #tpu.memory_space<vmem>>
      %dma_start3A_2622 = tpu.memref_squeeze %dma_start3A_2621 : memref<1x32x128xf32, #tpu.memory_space<vmem>> -> memref<32x128xf32, #tpu.memory_space<vmem>>
      %dma_start3A_2623 = arith.constant 0 : i32
      %dma_start3A_2624 = tpu.memref_slice %arg4[%dma_start3A_2623, %multiple_of3A_2611] : memref<32x1000000xf32, #tpu.memory_space<hbm>> -> memref<32x128xf32, #tpu.memory_space<hbm>>
      tpu.enqueue_dma source(%dma_start3A_2624 : memref<32x128xf32, #tpu.memory_space<hbm>>) target(%dma_start3A_2622 : memref<32x128xf32, #tpu.memory_space<vmem>>) target_semaphore(%arg16 : memref<!tpu.dma_semaphore, #tpu.memory_space<semaphore_mem>>)
      %shift_right_logical3A_2625 = arith.constant 7 : i32
      %shift_right_logical3A_2626 = arith.shrui %squeeze3A_1994, %shift_right_logical3A_2625 : i32
      %mul3A_2627 = arith.constant 128 : i32
      %mul3A_2628 = arith.muli %shift_right_logical3A_2626, %mul3A_2627 : i32
      %min3A_2629 = arith.constant 999808 : i32
      %min3A_2630 = arith.minsi %mul3A_2628, %min3A_2629 : i32
      %multiple_of3A_2631 = tpu.assume_multiple %min3A_2630, 128 : i32
      %dma_start3A_2632 = arith.constant 4 : i32
      %dma_start3A_2633 = arith.constant 0 : i32
      %dma_start3A_2634 = arith.constant 0 : i32
      %dma_start3A_2635 = tpu.memref_slice %arg9[%dma_start3A_2632, %dma_start3A_2633, %dma_start3A_2634] : memref<8x32x128xf32, #tpu.memory_space<vmem>> -> memref<1x32x128xf32, #tpu.memory_space<vmem>>
      %dma_start3A_2636 = tpu.memref_squeeze %dma_start3A_2635 : memref<1x32x128xf32, #tpu.memory_space<vmem>> -> memref<32x128xf32, #tpu.memory_space<vmem>>
      %dma_start3A_2637 = arith.constant 0 : i32
      %dma_start3A_2638 = tpu.memref_slice %arg4[%dma_start3A_2637, %multiple_of3A_2631] : memref<32x1000000xf32, #tpu.memory_space<hbm>> -> memref<32x128xf32, #tpu.memory_space<hbm>>
      %dma_start3A_2639 = arith.constant 0 : i32
      %dma_start3A_2640 = arith.constant 0 : i32
      %dma_start3A_2641 = tpu.memref_slice %arg9[%dma_start3A_2632, %dma_start3A_2639, %dma_start3A_2640] : memref<8x32x128xf32, #tpu.memory_space<vmem>> -> memref<1x32x128xf32, #tpu.memory_space<vmem>>
      %dma_start3A_2642 = tpu.memref_squeeze %dma_start3A_2641 : memref<1x32x128xf32, #tpu.memory_space<vmem>> -> memref<32x128xf32, #tpu.memory_space<vmem>>
      %dma_start3A_2643 = arith.constant 0 : i32
      %dma_start3A_2644 = tpu.memref_slice %arg4[%dma_start3A_2643, %multiple_of3A_2631] : memref<32x1000000xf32, #tpu.memory_space<hbm>> -> memref<32x128xf32, #tpu.memory_space<hbm>>
      tpu.enqueue_dma source(%dma_start3A_2644 : memref<32x128xf32, #tpu.memory_space<hbm>>) target(%dma_start3A_2642 : memref<32x128xf32, #tpu.memory_space<vmem>>) target_semaphore(%arg16 : memref<!tpu.dma_semaphore, #tpu.memory_space<semaphore_mem>>)
      %shift_right_logical3A_2645 = arith.constant 7 : i32
      %shift_right_logical3A_2646 = arith.shrui %squeeze3A_1996, %shift_right_logical3A_2645 : i32
      %mul3A_2647 = arith.constant 128 : i32
      %mul3A_2648 = arith.muli %shift_right_logical3A_2646, %mul3A_2647 : i32
      %min3A_2649 = arith.constant 999808 : i32
      %min3A_2650 = arith.minsi %mul3A_2648, %min3A_2649 : i32
      %multiple_of3A_2651 = tpu.assume_multiple %min3A_2650, 128 : i32
      %dma_start3A_2652 = arith.constant 5 : i32
      %dma_start3A_2653 = arith.constant 0 : i32
      %dma_start3A_2654 = arith.constant 0 : i32
      %dma_start3A_2655 = tpu.memref_slice %arg9[%dma_start3A_2652, %dma_start3A_2653, %dma_start3A_2654] : memref<8x32x128xf32, #tpu.memory_space<vmem>> -> memref<1x32x128xf32, #tpu.memory_space<vmem>>
      %dma_start3A_2656 = tpu.memref_squeeze %dma_start3A_2655 : memref<1x32x128xf32, #tpu.memory_space<vmem>> -> memref<32x128xf32, #tpu.memory_space<vmem>>
      %dma_start3A_2657 = arith.constant 0 : i32
      %dma_start3A_2658 = tpu.memref_slice %arg4[%dma_start3A_2657, %multiple_of3A_2651] : memref<32x1000000xf32, #tpu.memory_space<hbm>> -> memref<32x128xf32, #tpu.memory_space<hbm>>
      %dma_start3A_2659 = arith.constant 0 : i32
      %dma_start3A_2660 = arith.constant 0 : i32
      %dma_start3A_2661 = tpu.memref_slice %arg9[%dma_start3A_2652, %dma_start3A_2659, %dma_start3A_2660] : memref<8x32x128xf32, #tpu.memory_space<vmem>> -> memref<1x32x128xf32, #tpu.memory_space<vmem>>
      %dma_start3A_2662 = tpu.memref_squeeze %dma_start3A_2661 : memref<1x32x128xf32, #tpu.memory_space<vmem>> -> memref<32x128xf32, #tpu.memory_space<vmem>>
      %dma_start3A_2663 = arith.constant 0 : i32
      %dma_start3A_2664 = tpu.memref_slice %arg4[%dma_start3A_2663, %multiple_of3A_2651] : memref<32x1000000xf32, #tpu.memory_space<hbm>> -> memref<32x128xf32, #tpu.memory_space<hbm>>
      tpu.enqueue_dma source(%dma_start3A_2664 : memref<32x128xf32, #tpu.memory_space<hbm>>) target(%dma_start3A_2662 : memref<32x128xf32, #tpu.memory_space<vmem>>) target_semaphore(%arg16 : memref<!tpu.dma_semaphore, #tpu.memory_space<semaphore_mem>>)
      %shift_right_logical3A_2665 = arith.constant 7 : i32
      %shift_right_logical3A_2666 = arith.shrui %squeeze3A_1998, %shift_right_logical3A_2665 : i32
      %mul3A_2667 = arith.constant 128 : i32
      %mul3A_2668 = arith.muli %shift_right_logical3A_2666, %mul3A_2667 : i32
      %min3A_2669 = arith.constant 999808 : i32
      %min3A_2670 = arith.minsi %mul3A_2668, %min3A_2669 : i32
      %multiple_of3A_2671 = tpu.assume_multiple %min3A_2670, 128 : i32
      %dma_start3A_2672 = arith.constant 6 : i32
      %dma_start3A_2673 = arith.constant 0 : i32
      %dma_start3A_2674 = arith.constant 0 : i32
      %dma_start3A_2675 = tpu.memref_slice %arg9[%dma_start3A_2672, %dma_start3A_2673, %dma_start3A_2674] : memref<8x32x128xf32, #tpu.memory_space<vmem>> -> memref<1x32x128xf32, #tpu.memory_space<vmem>>
      %dma_start3A_2676 = tpu.memref_squeeze %dma_start3A_2675 : memref<1x32x128xf32, #tpu.memory_space<vmem>> -> memref<32x128xf32, #tpu.memory_space<vmem>>
      %dma_start3A_2677 = arith.constant 0 : i32
      %dma_start3A_2678 = tpu.memref_slice %arg4[%dma_start3A_2677, %multiple_of3A_2671] : memref<32x1000000xf32, #tpu.memory_space<hbm>> -> memref<32x128xf32, #tpu.memory_space<hbm>>
      %dma_start3A_2679 = arith.constant 0 : i32
      %dma_start3A_2680 = arith.constant 0 : i32
      %dma_start3A_2681 = tpu.memref_slice %arg9[%dma_start3A_2672, %dma_start3A_2679, %dma_start3A_2680] : memref<8x32x128xf32, #tpu.memory_space<vmem>> -> memref<1x32x128xf32, #tpu.memory_space<vmem>>
      %dma_start3A_2682 = tpu.memref_squeeze %dma_start3A_2681 : memref<1x32x128xf32, #tpu.memory_space<vmem>> -> memref<32x128xf32, #tpu.memory_space<vmem>>
      %dma_start3A_2683 = arith.constant 0 : i32
      %dma_start3A_2684 = tpu.memref_slice %arg4[%dma_start3A_2683, %multiple_of3A_2671] : memref<32x1000000xf32, #tpu.memory_space<hbm>> -> memref<32x128xf32, #tpu.memory_space<hbm>>
      tpu.enqueue_dma source(%dma_start3A_2684 : memref<32x128xf32, #tpu.memory_space<hbm>>) target(%dma_start3A_2682 : memref<32x128xf32, #tpu.memory_space<vmem>>) target_semaphore(%arg16 : memref<!tpu.dma_semaphore, #tpu.memory_space<semaphore_mem>>)
      %shift_right_logical3A_2685 = arith.constant 7 : i32
      %shift_right_logical3A_2686 = arith.shrui %squeeze3A_2000, %shift_right_logical3A_2685 : i32
      %mul3A_2687 = arith.constant 128 : i32
      %mul3A_2688 = arith.muli %shift_right_logical3A_2686, %mul3A_2687 : i32
      %min3A_2689 = arith.constant 999808 : i32
      %min3A_2690 = arith.minsi %mul3A_2688, %min3A_2689 : i32
      %multiple_of3A_2691 = tpu.assume_multiple %min3A_2690, 128 : i32
      %dma_start3A_2692 = arith.constant 7 : i32
      %dma_start3A_2693 = arith.constant 0 : i32
      %dma_start3A_2694 = arith.constant 0 : i32
      %dma_start3A_2695 = tpu.memref_slice %arg9[%dma_start3A_2692, %dma_start3A_2693, %dma_start3A_2694] : memref<8x32x128xf32, #tpu.memory_space<vmem>> -> memref<1x32x128xf32, #tpu.memory_space<vmem>>
      %dma_start3A_2696 = tpu.memref_squeeze %dma_start3A_2695 : memref<1x32x128xf32, #tpu.memory_space<vmem>> -> memref<32x128xf32, #tpu.memory_space<vmem>>
      %dma_start3A_2697 = arith.constant 0 : i32
      %dma_start3A_2698 = tpu.memref_slice %arg4[%dma_start3A_2697, %multiple_of3A_2691] : memref<32x1000000xf32, #tpu.memory_space<hbm>> -> memref<32x128xf32, #tpu.memory_space<hbm>>
      %dma_start3A_2699 = arith.constant 0 : i32
      %dma_start3A_2700 = arith.constant 0 : i32
      %dma_start3A_2701 = tpu.memref_slice %arg9[%dma_start3A_2692, %dma_start3A_2699, %dma_start3A_2700] : memref<8x32x128xf32, #tpu.memory_space<vmem>> -> memref<1x32x128xf32, #tpu.memory_space<vmem>>
      %dma_start3A_2702 = tpu.memref_squeeze %dma_start3A_2701 : memref<1x32x128xf32, #tpu.memory_space<vmem>> -> memref<32x128xf32, #tpu.memory_space<vmem>>
      %dma_start3A_2703 = arith.constant 0 : i32
      %dma_start3A_2704 = tpu.memref_slice %arg4[%dma_start3A_2703, %multiple_of3A_2691] : memref<32x1000000xf32, #tpu.memory_space<hbm>> -> memref<32x128xf32, #tpu.memory_space<hbm>>
      tpu.enqueue_dma source(%dma_start3A_2704 : memref<32x128xf32, #tpu.memory_space<hbm>>) target(%dma_start3A_2702 : memref<32x128xf32, #tpu.memory_space<vmem>>) target_semaphore(%arg16 : memref<!tpu.dma_semaphore, #tpu.memory_space<semaphore_mem>>)
      %dma_wait3A_2705 = arith.constant 0 : i32
      %dma_wait3A_2706 = arith.constant 0 : i32
      %dma_wait3A_2707 = arith.constant 0 : i32
      %dma_wait3A_2708 = tpu.memref_slice %arg11[%dma_wait3A_2705, %dma_wait3A_2706, %dma_wait3A_2707] : memref<8x32x128xf32, #tpu.memory_space<vmem>> -> memref<1x32x128xf32, #tpu.memory_space<vmem>>
      %dma_wait3A_2709 = tpu.memref_squeeze %dma_wait3A_2708 : memref<1x32x128xf32, #tpu.memory_space<vmem>> -> memref<32x128xf32, #tpu.memory_space<vmem>>
      %dma_wait3A_2710 = arith.constant 0 : i32
      %dma_wait3A_2711 = arith.constant 0 : i32
      %dma_wait3A_2712 = tpu.memref_slice %arg4[%dma_wait3A_2710, %dma_wait3A_2711] : memref<32x1000000xf32, #tpu.memory_space<hbm>> -> memref<32x128xf32, #tpu.memory_space<hbm>>
      %dma_wait3A_2713 = arith.constant 0 : i32
      %dma_wait3A_2714 = arith.constant 0 : i32
      %dma_wait3A_2715 = tpu.memref_slice %arg11[%dma_wait3A_2705, %dma_wait3A_2713, %dma_wait3A_2714] : memref<8x32x128xf32, #tpu.memory_space<vmem>> -> memref<1x32x128xf32, #tpu.memory_space<vmem>>
      %dma_wait3A_2716 = tpu.memref_squeeze %dma_wait3A_2715 : memref<1x32x128xf32, #tpu.memory_space<vmem>> -> memref<32x128xf32, #tpu.memory_space<vmem>>
      %dma_wait3A_2717 = arith.constant 0 : i32
      %dma_wait3A_2718 = arith.constant 0 : i32
      %dma_wait3A_2719 = tpu.memref_slice %arg4[%dma_wait3A_2717, %dma_wait3A_2718] : memref<32x1000000xf32, #tpu.memory_space<hbm>> -> memref<32x128xf32, #tpu.memory_space<hbm>>
      tpu.wait_dma2 semaphore(%arg18 : memref<!tpu.dma_semaphore, #tpu.memory_space<semaphore_mem>>) src(%dma_wait3A_2719 : memref<32x128xf32, #tpu.memory_space<hbm>>) dst(%dma_wait3A_2716 : memref<32x128xf32, #tpu.memory_space<vmem>>)
      %dma_wait3A_2720 = arith.constant 1 : i32
      %dma_wait3A_2721 = arith.constant 0 : i32
      %dma_wait3A_2722 = arith.constant 0 : i32
      %dma_wait3A_2723 = tpu.memref_slice %arg11[%dma_wait3A_2720, %dma_wait3A_2721, %dma_wait3A_2722] : memref<8x32x128xf32, #tpu.memory_space<vmem>> -> memref<1x32x128xf32, #tpu.memory_space<vmem>>
      %dma_wait3A_2724 = tpu.memref_squeeze %dma_wait3A_2723 : memref<1x32x128xf32, #tpu.memory_space<vmem>> -> memref<32x128xf32, #tpu.memory_space<vmem>>
      %dma_wait3A_2725 = arith.constant 0 : i32
      %dma_wait3A_2726 = arith.constant 0 : i32
      %dma_wait3A_2727 = tpu.memref_slice %arg4[%dma_wait3A_2725, %dma_wait3A_2726] : memref<32x1000000xf32, #tpu.memory_space<hbm>> -> memref<32x128xf32, #tpu.memory_space<hbm>>
      %dma_wait3A_2728 = arith.constant 0 : i32
      %dma_wait3A_2729 = arith.constant 0 : i32
      %dma_wait3A_2730 = tpu.memref_slice %arg11[%dma_wait3A_2720, %dma_wait3A_2728, %dma_wait3A_2729] : memref<8x32x128xf32, #tpu.memory_space<vmem>> -> memref<1x32x128xf32, #tpu.memory_space<vmem>>
      %dma_wait3A_2731 = tpu.memref_squeeze %dma_wait3A_2730 : memref<1x32x128xf32, #tpu.memory_space<vmem>> -> memref<32x128xf32, #tpu.memory_space<vmem>>
      %dma_wait3A_2732 = arith.constant 0 : i32
      %dma_wait3A_2733 = arith.constant 0 : i32
      %dma_wait3A_2734 = tpu.memref_slice %arg4[%dma_wait3A_2732, %dma_wait3A_2733] : memref<32x1000000xf32, #tpu.memory_space<hbm>> -> memref<32x128xf32, #tpu.memory_space<hbm>>
      tpu.wait_dma2 semaphore(%arg18 : memref<!tpu.dma_semaphore, #tpu.memory_space<semaphore_mem>>) src(%dma_wait3A_2734 : memref<32x128xf32, #tpu.memory_space<hbm>>) dst(%dma_wait3A_2731 : memref<32x128xf32, #tpu.memory_space<vmem>>)
      %dma_wait3A_2735 = arith.constant 2 : i32
      %dma_wait3A_2736 = arith.constant 0 : i32
      %dma_wait3A_2737 = arith.constant 0 : i32
      %dma_wait3A_2738 = tpu.memref_slice %arg11[%dma_wait3A_2735, %dma_wait3A_2736, %dma_wait3A_2737] : memref<8x32x128xf32, #tpu.memory_space<vmem>> -> memref<1x32x128xf32, #tpu.memory_space<vmem>>
      %dma_wait3A_2739 = tpu.memref_squeeze %dma_wait3A_2738 : memref<1x32x128xf32, #tpu.memory_space<vmem>> -> memref<32x128xf32, #tpu.memory_space<vmem>>
      %dma_wait3A_2740 = arith.constant 0 : i32
      %dma_wait3A_2741 = arith.constant 0 : i32
      %dma_wait3A_2742 = tpu.memref_slice %arg4[%dma_wait3A_2740, %dma_wait3A_2741] : memref<32x1000000xf32, #tpu.memory_space<hbm>> -> memref<32x128xf32, #tpu.memory_space<hbm>>
      %dma_wait3A_2743 = arith.constant 0 : i32
      %dma_wait3A_2744 = arith.constant 0 : i32
      %dma_wait3A_2745 = tpu.memref_slice %arg11[%dma_wait3A_2735, %dma_wait3A_2743, %dma_wait3A_2744] : memref<8x32x128xf32, #tpu.memory_space<vmem>> -> memref<1x32x128xf32, #tpu.memory_space<vmem>>
      %dma_wait3A_2746 = tpu.memref_squeeze %dma_wait3A_2745 : memref<1x32x128xf32, #tpu.memory_space<vmem>> -> memref<32x128xf32, #tpu.memory_space<vmem>>
      %dma_wait3A_2747 = arith.constant 0 : i32
      %dma_wait3A_2748 = arith.constant 0 : i32
      %dma_wait3A_2749 = tpu.memref_slice %arg4[%dma_wait3A_2747, %dma_wait3A_2748] : memref<32x1000000xf32, #tpu.memory_space<hbm>> -> memref<32x128xf32, #tpu.memory_space<hbm>>
      tpu.wait_dma2 semaphore(%arg18 : memref<!tpu.dma_semaphore, #tpu.memory_space<semaphore_mem>>) src(%dma_wait3A_2749 : memref<32x128xf32, #tpu.memory_space<hbm>>) dst(%dma_wait3A_2746 : memref<32x128xf32, #tpu.memory_space<vmem>>)
      %dma_wait3A_2750 = arith.constant 3 : i32
      %dma_wait3A_2751 = arith.constant 0 : i32
      %dma_wait3A_2752 = arith.constant 0 : i32
      %dma_wait3A_2753 = tpu.memref_slice %arg11[%dma_wait3A_2750, %dma_wait3A_2751, %dma_wait3A_2752] : memref<8x32x128xf32, #tpu.memory_space<vmem>> -> memref<1x32x128xf32, #tpu.memory_space<vmem>>
      %dma_wait3A_2754 = tpu.memref_squeeze %dma_wait3A_2753 : memref<1x32x128xf32, #tpu.memory_space<vmem>> -> memref<32x128xf32, #tpu.memory_space<vmem>>
      %dma_wait3A_2755 = arith.constant 0 : i32
      %dma_wait3A_2756 = arith.constant 0 : i32
      %dma_wait3A_2757 = tpu.memref_slice %arg4[%dma_wait3A_2755, %dma_wait3A_2756] : memref<32x1000000xf32, #tpu.memory_space<hbm>> -> memref<32x128xf32, #tpu.memory_space<hbm>>
      %dma_wait3A_2758 = arith.constant 0 : i32
      %dma_wait3A_2759 = arith.constant 0 : i32
      %dma_wait3A_2760 = tpu.memref_slice %arg11[%dma_wait3A_2750, %dma_wait3A_2758, %dma_wait3A_2759] : memref<8x32x128xf32, #tpu.memory_space<vmem>> -> memref<1x32x128xf32, #tpu.memory_space<vmem>>
      %dma_wait3A_2761 = tpu.memref_squeeze %dma_wait3A_2760 : memref<1x32x128xf32, #tpu.memory_space<vmem>> -> memref<32x128xf32, #tpu.memory_space<vmem>>
      %dma_wait3A_2762 = arith.constant 0 : i32
      %dma_wait3A_2763 = arith.constant 0 : i32
      %dma_wait3A_2764 = tpu.memref_slice %arg4[%dma_wait3A_2762, %dma_wait3A_2763] : memref<32x1000000xf32, #tpu.memory_space<hbm>> -> memref<32x128xf32, #tpu.memory_space<hbm>>
      tpu.wait_dma2 semaphore(%arg18 : memref<!tpu.dma_semaphore, #tpu.memory_space<semaphore_mem>>) src(%dma_wait3A_2764 : memref<32x128xf32, #tpu.memory_space<hbm>>) dst(%dma_wait3A_2761 : memref<32x128xf32, #tpu.memory_space<vmem>>)
      %dma_wait3A_2765 = arith.constant 4 : i32
      %dma_wait3A_2766 = arith.constant 0 : i32
      %dma_wait3A_2767 = arith.constant 0 : i32
      %dma_wait3A_2768 = tpu.memref_slice %arg11[%dma_wait3A_2765, %dma_wait3A_2766, %dma_wait3A_2767] : memref<8x32x128xf32, #tpu.memory_space<vmem>> -> memref<1x32x128xf32, #tpu.memory_space<vmem>>
      %dma_wait3A_2769 = tpu.memref_squeeze %dma_wait3A_2768 : memref<1x32x128xf32, #tpu.memory_space<vmem>> -> memref<32x128xf32, #tpu.memory_space<vmem>>
      %dma_wait3A_2770 = arith.constant 0 : i32
      %dma_wait3A_2771 = arith.constant 0 : i32
      %dma_wait3A_2772 = tpu.memref_slice %arg4[%dma_wait3A_2770, %dma_wait3A_2771] : memref<32x1000000xf32, #tpu.memory_space<hbm>> -> memref<32x128xf32, #tpu.memory_space<hbm>>
      %dma_wait3A_2773 = arith.constant 0 : i32
      %dma_wait3A_2774 = arith.constant 0 : i32
      %dma_wait3A_2775 = tpu.memref_slice %arg11[%dma_wait3A_2765, %dma_wait3A_2773, %dma_wait3A_2774] : memref<8x32x128xf32, #tpu.memory_space<vmem>> -> memref<1x32x128xf32, #tpu.memory_space<vmem>>
      %dma_wait3A_2776 = tpu.memref_squeeze %dma_wait3A_2775 : memref<1x32x128xf32, #tpu.memory_space<vmem>> -> memref<32x128xf32, #tpu.memory_space<vmem>>
      %dma_wait3A_2777 = arith.constant 0 : i32
      %dma_wait3A_2778 = arith.constant 0 : i32
      %dma_wait3A_2779 = tpu.memref_slice %arg4[%dma_wait3A_2777, %dma_wait3A_2778] : memref<32x1000000xf32, #tpu.memory_space<hbm>> -> memref<32x128xf32, #tpu.memory_space<hbm>>
      tpu.wait_dma2 semaphore(%arg18 : memref<!tpu.dma_semaphore, #tpu.memory_space<semaphore_mem>>) src(%dma_wait3A_2779 : memref<32x128xf32, #tpu.memory_space<hbm>>) dst(%dma_wait3A_2776 : memref<32x128xf32, #tpu.memory_space<vmem>>)
      %dma_wait3A_2780 = arith.constant 5 : i32
      %dma_wait3A_2781 = arith.constant 0 : i32
      %dma_wait3A_2782 = arith.constant 0 : i32
      %dma_wait3A_2783 = tpu.memref_slice %arg11[%dma_wait3A_2780, %dma_wait3A_2781, %dma_wait3A_2782] : memref<8x32x128xf32, #tpu.memory_space<vmem>> -> memref<1x32x128xf32, #tpu.memory_space<vmem>>
      %dma_wait3A_2784 = tpu.memref_squeeze %dma_wait3A_2783 : memref<1x32x128xf32, #tpu.memory_space<vmem>> -> memref<32x128xf32, #tpu.memory_space<vmem>>
      %dma_wait3A_2785 = arith.constant 0 : i32
      %dma_wait3A_2786 = arith.constant 0 : i32
      %dma_wait3A_2787 = tpu.memref_slice %arg4[%dma_wait3A_2785, %dma_wait3A_2786] : memref<32x1000000xf32, #tpu.memory_space<hbm>> -> memref<32x128xf32, #tpu.memory_space<hbm>>
      %dma_wait3A_2788 = arith.constant 0 : i32
      %dma_wait3A_2789 = arith.constant 0 : i32
      %dma_wait3A_2790 = tpu.memref_slice %arg11[%dma_wait3A_2780, %dma_wait3A_2788, %dma_wait3A_2789] : memref<8x32x128xf32, #tpu.memory_space<vmem>> -> memref<1x32x128xf32, #tpu.memory_space<vmem>>
      %dma_wait3A_2791 = tpu.memref_squeeze %dma_wait3A_2790 : memref<1x32x128xf32, #tpu.memory_space<vmem>> -> memref<32x128xf32, #tpu.memory_space<vmem>>
      %dma_wait3A_2792 = arith.constant 0 : i32
      %dma_wait3A_2793 = arith.constant 0 : i32
      %dma_wait3A_2794 = tpu.memref_slice %arg4[%dma_wait3A_2792, %dma_wait3A_2793] : memref<32x1000000xf32, #tpu.memory_space<hbm>> -> memref<32x128xf32, #tpu.memory_space<hbm>>
      tpu.wait_dma2 semaphore(%arg18 : memref<!tpu.dma_semaphore, #tpu.memory_space<semaphore_mem>>) src(%dma_wait3A_2794 : memref<32x128xf32, #tpu.memory_space<hbm>>) dst(%dma_wait3A_2791 : memref<32x128xf32, #tpu.memory_space<vmem>>)
      %dma_wait3A_2795 = arith.constant 6 : i32
      %dma_wait3A_2796 = arith.constant 0 : i32
      %dma_wait3A_2797 = arith.constant 0 : i32
      %dma_wait3A_2798 = tpu.memref_slice %arg11[%dma_wait3A_2795, %dma_wait3A_2796, %dma_wait3A_2797] : memref<8x32x128xf32, #tpu.memory_space<vmem>> -> memref<1x32x128xf32, #tpu.memory_space<vmem>>
      %dma_wait3A_2799 = tpu.memref_squeeze %dma_wait3A_2798 : memref<1x32x128xf32, #tpu.memory_space<vmem>> -> memref<32x128xf32, #tpu.memory_space<vmem>>
      %dma_wait3A_2800 = arith.constant 0 : i32
      %dma_wait3A_2801 = arith.constant 0 : i32
      %dma_wait3A_2802 = tpu.memref_slice %arg4[%dma_wait3A_2800, %dma_wait3A_2801] : memref<32x1000000xf32, #tpu.memory_space<hbm>> -> memref<32x128xf32, #tpu.memory_space<hbm>>
      %dma_wait3A_2803 = arith.constant 0 : i32
      %dma_wait3A_2804 = arith.constant 0 : i32
      %dma_wait3A_2805 = tpu.memref_slice %arg11[%dma_wait3A_2795, %dma_wait3A_2803, %dma_wait3A_2804] : memref<8x32x128xf32, #tpu.memory_space<vmem>> -> memref<1x32x128xf32, #tpu.memory_space<vmem>>
      %dma_wait3A_2806 = tpu.memref_squeeze %dma_wait3A_2805 : memref<1x32x128xf32, #tpu.memory_space<vmem>> -> memref<32x128xf32, #tpu.memory_space<vmem>>
      %dma_wait3A_2807 = arith.constant 0 : i32
      %dma_wait3A_2808 = arith.constant 0 : i32
      %dma_wait3A_2809 = tpu.memref_slice %arg4[%dma_wait3A_2807, %dma_wait3A_2808] : memref<32x1000000xf32, #tpu.memory_space<hbm>> -> memref<32x128xf32, #tpu.memory_space<hbm>>
      tpu.wait_dma2 semaphore(%arg18 : memref<!tpu.dma_semaphore, #tpu.memory_space<semaphore_mem>>) src(%dma_wait3A_2809 : memref<32x128xf32, #tpu.memory_space<hbm>>) dst(%dma_wait3A_2806 : memref<32x128xf32, #tpu.memory_space<vmem>>)
      %dma_wait3A_2810 = arith.constant 7 : i32
      %dma_wait3A_2811 = arith.constant 0 : i32
      %dma_wait3A_2812 = arith.constant 0 : i32
      %dma_wait3A_2813 = tpu.memref_slice %arg11[%dma_wait3A_2810, %dma_wait3A_2811, %dma_wait3A_2812] : memref<8x32x128xf32, #tpu.memory_space<vmem>> -> memref<1x32x128xf32, #tpu.memory_space<vmem>>
      %dma_wait3A_2814 = tpu.memref_squeeze %dma_wait3A_2813 : memref<1x32x128xf32, #tpu.memory_space<vmem>> -> memref<32x128xf32, #tpu.memory_space<vmem>>
      %dma_wait3A_2815 = arith.constant 0 : i32
      %dma_wait3A_2816 = arith.constant 0 : i32
      %dma_wait3A_2817 = tpu.memref_slice %arg4[%dma_wait3A_2815, %dma_wait3A_2816] : memref<32x1000000xf32, #tpu.memory_space<hbm>> -> memref<32x128xf32, #tpu.memory_space<hbm>>
      %dma_wait3A_2818 = arith.constant 0 : i32
      %dma_wait3A_2819 = arith.constant 0 : i32
      %dma_wait3A_2820 = tpu.memref_slice %arg11[%dma_wait3A_2810, %dma_wait3A_2818, %dma_wait3A_2819] : memref<8x32x128xf32, #tpu.memory_space<vmem>> -> memref<1x32x128xf32, #tpu.memory_space<vmem>>
      %dma_wait3A_2821 = tpu.memref_squeeze %dma_wait3A_2820 : memref<1x32x128xf32, #tpu.memory_space<vmem>> -> memref<32x128xf32, #tpu.memory_space<vmem>>
      %dma_wait3A_2822 = arith.constant 0 : i32
      %dma_wait3A_2823 = arith.constant 0 : i32
      %dma_wait3A_2824 = tpu.memref_slice %arg4[%dma_wait3A_2822, %dma_wait3A_2823] : memref<32x1000000xf32, #tpu.memory_space<hbm>> -> memref<32x128xf32, #tpu.memory_space<hbm>>
      tpu.wait_dma2 semaphore(%arg18 : memref<!tpu.dma_semaphore, #tpu.memory_space<semaphore_mem>>) src(%dma_wait3A_2824 : memref<32x128xf32, #tpu.memory_space<hbm>>) dst(%dma_wait3A_2821 : memref<32x128xf32, #tpu.memory_space<vmem>>)
      %and3A_2825 = arith.constant 127 : i32
      %and3A_2826 = arith.andi %squeeze3A_1970, %and3A_2825 : i32
      %min3A_2827 = arith.constant 127 : i32
      %min3A_2828 = arith.minsi %and3A_2826, %min3A_2827 : i32
      %sub3A_2829 = arith.constant 999936 : i32
      %sub3A_2830 = arith.subi %squeeze3A_1970, %sub3A_2829 : i32
      %max3A_2831 = arith.constant 0 : i32
      %max3A_2832 = arith.maxsi %sub3A_2830, %max3A_2831 : i32
      %min3A_2833 = arith.constant 63 : i32
      %min3A_2834 = arith.minsi %max3A_2832, %min3A_2833 : i32
      %ge3A_2835 = arith.constant 999936 : i32
      %ge3A_2836 = arith.cmpi sge, %squeeze3A_1970, %ge3A_2835 : i32
      %broadcast_in_dim3A_2837 = vector.broadcast %ge3A_2836 : i1 to vector<16xi1>
      %broadcast_in_dim3A_2838 = vector.broadcast %min3A_2828 : i32 to vector<16xi32>
      %broadcast_in_dim3A_2839 = vector.broadcast %min3A_2834 : i32 to vector<16xi32>
      %gather3A_2840 = tpu.vector_load_idx %arg14[%iota3A, %broadcast_in_dim3A_2839] : memref<32x64xf32, #tpu.memory_space<vmem>>[vector<16xi32>, vector<16xi32>], vector<16xf32>,
      %gather3A_2841 = arith.constant 0 : i32
      %gather3A_2842 = arith.constant 0 : i32
      %gather3A_2843 = arith.constant 0 : i32
      %gather3A_2844 = tpu.memref_slice %arg11[%gather3A_2841, %gather3A_2842, %gather3A_2843] : memref<8x32x128xf32, #tpu.memory_space<vmem>> -> memref<1x32x128xf32, #tpu.memory_space<vmem>>
      %gather3A_2845 = tpu.memref_squeeze %gather3A_2844 : memref<1x32x128xf32, #tpu.memory_space<vmem>> -> memref<32x128xf32, #tpu.memory_space<vmem>>
      %gather3A_2846 = tpu.vector_load_idx %gather3A_2845[%iota3A, %broadcast_in_dim3A_2838] : memref<32x128xf32, #tpu.memory_space<vmem>>[vector<16xi32>, vector<16xi32>], vector<16xf32>,
      %select_n3A_2847 = arith.select %broadcast_in_dim3A_2837, %gather3A_2840, %gather3A_2846 : vector<16xi1>, vector<16xf32>
      %gather3A_2848 = tpu.vector_load_idx %arg14[%add3A_5, %broadcast_in_dim3A_2839] : memref<32x64xf32, #tpu.memory_space<vmem>>[vector<16xi32>, vector<16xi32>], vector<16xf32>,
      %gather3A_2849 = arith.constant 0 : i32
      %gather3A_2850 = arith.constant 0 : i32
      %gather3A_2851 = arith.constant 0 : i32
      %gather3A_2852 = tpu.memref_slice %arg11[%gather3A_2849, %gather3A_2850, %gather3A_2851] : memref<8x32x128xf32, #tpu.memory_space<vmem>> -> memref<1x32x128xf32, #tpu.memory_space<vmem>>
      %gather3A_2853 = tpu.memref_squeeze %gather3A_2852 : memref<1x32x128xf32, #tpu.memory_space<vmem>> -> memref<32x128xf32, #tpu.memory_space<vmem>>
      %gather3A_2854 = tpu.vector_load_idx %gather3A_2853[%add3A_5, %broadcast_in_dim3A_2838] : memref<32x128xf32, #tpu.memory_space<vmem>>[vector<16xi32>, vector<16xi32>], vector<16xf32>,
      %select_n3A_2855 = arith.select %broadcast_in_dim3A_2837, %gather3A_2848, %gather3A_2854 : vector<16xi1>, vector<16xf32>
      %mul3A_2856 = arith.mulf %select_n3A_2319, %select_n3A_2847 : vector<16xf32>
      %mul3A_2857 = arith.mulf %select_n3A_2327, %select_n3A_2855 : vector<16xf32>
      %add3A_2858 = arith.addf %mul3A_2856, %mul3A_2857 : vector<16xf32>
      %swap3A_2859 = arith.constant 8 : i32
      %swap3A_2860 = arith.index_cast %swap3A_2859 : i32 to index
      %swap3A_2861 = arith.constant 0 : index
      %swap3A_2862 = tpu.vector_load %arg12[%swap3A_2860, %swap3A_2861] {strides = array<i32>} : memref<16x16xf32, #tpu.memory_space<vmem>>, vector<16xf32>,
      tpu.vector_store %arg12[%swap3A_2860, %swap3A_2861], %add3A_2858 {strides = array<i32>} : memref<16x16xf32, #tpu.memory_space<vmem>>, vector<16xf32>,
      %and3A_2863 = arith.constant 127 : i32
      %and3A_2864 = arith.andi %squeeze3A_1972, %and3A_2863 : i32
      %min3A_2865 = arith.constant 127 : i32
      %min3A_2866 = arith.minsi %and3A_2864, %min3A_2865 : i32
      %sub3A_2867 = arith.constant 999936 : i32
      %sub3A_2868 = arith.subi %squeeze3A_1972, %sub3A_2867 : i32
      %max3A_2869 = arith.constant 0 : i32
      %max3A_2870 = arith.maxsi %sub3A_2868, %max3A_2869 : i32
      %min3A_2871 = arith.constant 63 : i32
      %min3A_2872 = arith.minsi %max3A_2870, %min3A_2871 : i32
      %ge3A_2873 = arith.constant 999936 : i32
      %ge3A_2874 = arith.cmpi sge, %squeeze3A_1972, %ge3A_2873 : i32
      %broadcast_in_dim3A_2875 = vector.broadcast %ge3A_2874 : i1 to vector<16xi1>
      %broadcast_in_dim3A_2876 = vector.broadcast %min3A_2866 : i32 to vector<16xi32>
      %broadcast_in_dim3A_2877 = vector.broadcast %min3A_2872 : i32 to vector<16xi32>
      %gather3A_2878 = tpu.vector_load_idx %arg14[%iota3A, %broadcast_in_dim3A_2877] : memref<32x64xf32, #tpu.memory_space<vmem>>[vector<16xi32>, vector<16xi32>], vector<16xf32>,
      %gather3A_2879 = arith.constant 1 : i32
      %gather3A_2880 = arith.constant 0 : i32
      %gather3A_2881 = arith.constant 0 : i32
      %gather3A_2882 = tpu.memref_slice %arg11[%gather3A_2879, %gather3A_2880, %gather3A_2881] : memref<8x32x128xf32, #tpu.memory_space<vmem>> -> memref<1x32x128xf32, #tpu.memory_space<vmem>>
      %gather3A_2883 = tpu.memref_squeeze %gather3A_2882 : memref<1x32x128xf32, #tpu.memory_space<vmem>> -> memref<32x128xf32, #tpu.memory_space<vmem>>
      %gather3A_2884 = tpu.vector_load_idx %gather3A_2883[%iota3A, %broadcast_in_dim3A_2876] : memref<32x128xf32, #tpu.memory_space<vmem>>[vector<16xi32>, vector<16xi32>], vector<16xf32>,
      %select_n3A_2885 = arith.select %broadcast_in_dim3A_2875, %gather3A_2878, %gather3A_2884 : vector<16xi1>, vector<16xf32>
      %gather3A_2886 = tpu.vector_load_idx %arg14[%add3A_5, %broadcast_in_dim3A_2877] : memref<32x64xf32, #tpu.memory_space<vmem>>[vector<16xi32>, vector<16xi32>], vector<16xf32>,
      %gather3A_2887 = arith.constant 1 : i32
      %gather3A_2888 = arith.constant 0 : i32
      %gather3A_2889 = arith.constant 0 : i32
      %gather3A_2890 = tpu.memref_slice %arg11[%gather3A_2887, %gather3A_2888, %gather3A_2889] : memref<8x32x128xf32, #tpu.memory_space<vmem>> -> memref<1x32x128xf32, #tpu.memory_space<vmem>>
      %gather3A_2891 = tpu.memref_squeeze %gather3A_2890 : memref<1x32x128xf32, #tpu.memory_space<vmem>> -> memref<32x128xf32, #tpu.memory_space<vmem>>
      %gather3A_2892 = tpu.vector_load_idx %gather3A_2891[%add3A_5, %broadcast_in_dim3A_2876] : memref<32x128xf32, #tpu.memory_space<vmem>>[vector<16xi32>, vector<16xi32>], vector<16xf32>,
      %select_n3A_2893 = arith.select %broadcast_in_dim3A_2875, %gather3A_2886, %gather3A_2892 : vector<16xi1>, vector<16xf32>
      %mul3A_2894 = arith.mulf %select_n3A_2350, %select_n3A_2885 : vector<16xf32>
      %mul3A_2895 = arith.mulf %select_n3A_2358, %select_n3A_2893 : vector<16xf32>
      %add3A_2896 = arith.addf %mul3A_2894, %mul3A_2895 : vector<16xf32>
      %swap3A_2897 = arith.constant 9 : i32
      %swap3A_2898 = arith.index_cast %swap3A_2897 : i32 to index
      %swap3A_2899 = arith.constant 0 : index
      %swap3A_2900 = tpu.vector_load %arg12[%swap3A_2898, %swap3A_2899] {strides = array<i32>} : memref<16x16xf32, #tpu.memory_space<vmem>>, vector<16xf32>,
      tpu.vector_store %arg12[%swap3A_2898, %swap3A_2899], %add3A_2896 {strides = array<i32>} : memref<16x16xf32, #tpu.memory_space<vmem>>, vector<16xf32>,
      %and3A_2901 = arith.constant 127 : i32
      %and3A_2902 = arith.andi %squeeze3A_1974, %and3A_2901 : i32
      %min3A_2903 = arith.constant 127 : i32
      %min3A_2904 = arith.minsi %and3A_2902, %min3A_2903 : i32
      %sub3A_2905 = arith.constant 999936 : i32
      %sub3A_2906 = arith.subi %squeeze3A_1974, %sub3A_2905 : i32
      %max3A_2907 = arith.constant 0 : i32
      %max3A_2908 = arith.maxsi %sub3A_2906, %max3A_2907 : i32
      %min3A_2909 = arith.constant 63 : i32
      %min3A_2910 = arith.minsi %max3A_2908, %min3A_2909 : i32
      %ge3A_2911 = arith.constant 999936 : i32
      %ge3A_2912 = arith.cmpi sge, %squeeze3A_1974, %ge3A_2911 : i32
      %broadcast_in_dim3A_2913 = vector.broadcast %ge3A_2912 : i1 to vector<16xi1>
      %broadcast_in_dim3A_2914 = vector.broadcast %min3A_2904 : i32 to vector<16xi32>
      %broadcast_in_dim3A_2915 = vector.broadcast %min3A_2910 : i32 to vector<16xi32>
      %gather3A_2916 = tpu.vector_load_idx %arg14[%iota3A, %broadcast_in_dim3A_2915] : memref<32x64xf32, #tpu.memory_space<vmem>>[vector<16xi32>, vector<16xi32>], vector<16xf32>,
      %gather3A_2917 = arith.constant 2 : i32
      %gather3A_2918 = arith.constant 0 : i32
      %gather3A_2919 = arith.constant 0 : i32
      %gather3A_2920 = tpu.memref_slice %arg11[%gather3A_2917, %gather3A_2918, %gather3A_2919] : memref<8x32x128xf32, #tpu.memory_space<vmem>> -> memref<1x32x128xf32, #tpu.memory_space<vmem>>
      %gather3A_2921 = tpu.memref_squeeze %gather3A_2920 : memref<1x32x128xf32, #tpu.memory_space<vmem>> -> memref<32x128xf32, #tpu.memory_space<vmem>>
      %gather3A_2922 = tpu.vector_load_idx %gather3A_2921[%iota3A, %broadcast_in_dim3A_2914] : memref<32x128xf32, #tpu.memory_space<vmem>>[vector<16xi32>, vector<16xi32>], vector<16xf32>,
      %select_n3A_2923 = arith.select %broadcast_in_dim3A_2913, %gather3A_2916, %gather3A_2922 : vector<16xi1>, vector<16xf32>
      %gather3A_2924 = tpu.vector_load_idx %arg14[%add3A_5, %broadcast_in_dim3A_2915] : memref<32x64xf32, #tpu.memory_space<vmem>>[vector<16xi32>, vector<16xi32>], vector<16xf32>,
      %gather3A_2925 = arith.constant 2 : i32
      %gather3A_2926 = arith.constant 0 : i32
      %gather3A_2927 = arith.constant 0 : i32
      %gather3A_2928 = tpu.memref_slice %arg11[%gather3A_2925, %gather3A_2926, %gather3A_2927] : memref<8x32x128xf32, #tpu.memory_space<vmem>> -> memref<1x32x128xf32, #tpu.memory_space<vmem>>
      %gather3A_2929 = tpu.memref_squeeze %gather3A_2928 : memref<1x32x128xf32, #tpu.memory_space<vmem>> -> memref<32x128xf32, #tpu.memory_space<vmem>>
      %gather3A_2930 = tpu.vector_load_idx %gather3A_2929[%add3A_5, %broadcast_in_dim3A_2914] : memref<32x128xf32, #tpu.memory_space<vmem>>[vector<16xi32>, vector<16xi32>], vector<16xf32>,
      %select_n3A_2931 = arith.select %broadcast_in_dim3A_2913, %gather3A_2924, %gather3A_2930 : vector<16xi1>, vector<16xf32>
      %mul3A_2932 = arith.mulf %select_n3A_2381, %select_n3A_2923 : vector<16xf32>
      %mul3A_2933 = arith.mulf %select_n3A_2389, %select_n3A_2931 : vector<16xf32>
      %add3A_2934 = arith.addf %mul3A_2932, %mul3A_2933 : vector<16xf32>
      %swap3A_2935 = arith.constant 10 : i32
      %swap3A_2936 = arith.index_cast %swap3A_2935 : i32 to index
      %swap3A_2937 = arith.constant 0 : index
      %swap3A_2938 = tpu.vector_load %arg12[%swap3A_2936, %swap3A_2937] {strides = array<i32>} : memref<16x16xf32, #tpu.memory_space<vmem>>, vector<16xf32>,
      tpu.vector_store %arg12[%swap3A_2936, %swap3A_2937], %add3A_2934 {strides = array<i32>} : memref<16x16xf32, #tpu.memory_space<vmem>>, vector<16xf32>,
      %and3A_2939 = arith.constant 127 : i32
      %and3A_2940 = arith.andi %squeeze3A_1976, %and3A_2939 : i32
      %min3A_2941 = arith.constant 127 : i32
      %min3A_2942 = arith.minsi %and3A_2940, %min3A_2941 : i32
      %sub3A_2943 = arith.constant 999936 : i32
      %sub3A_2944 = arith.subi %squeeze3A_1976, %sub3A_2943 : i32
      %max3A_2945 = arith.constant 0 : i32
      %max3A_2946 = arith.maxsi %sub3A_2944, %max3A_2945 : i32
      %min3A_2947 = arith.constant 63 : i32
      %min3A_2948 = arith.minsi %max3A_2946, %min3A_2947 : i32
      %ge3A_2949 = arith.constant 999936 : i32
      %ge3A_2950 = arith.cmpi sge, %squeeze3A_1976, %ge3A_2949 : i32
      %broadcast_in_dim3A_2951 = vector.broadcast %ge3A_2950 : i1 to vector<16xi1>
      %broadcast_in_dim3A_2952 = vector.broadcast %min3A_2942 : i32 to vector<16xi32>
      %broadcast_in_dim3A_2953 = vector.broadcast %min3A_2948 : i32 to vector<16xi32>
      %gather3A_2954 = tpu.vector_load_idx %arg14[%iota3A, %broadcast_in_dim3A_2953] : memref<32x64xf32, #tpu.memory_space<vmem>>[vector<16xi32>, vector<16xi32>], vector<16xf32>,
      %gather3A_2955 = arith.constant 3 : i32
      %gather3A_2956 = arith.constant 0 : i32
      %gather3A_2957 = arith.constant 0 : i32
      %gather3A_2958 = tpu.memref_slice %arg11[%gather3A_2955, %gather3A_2956, %gather3A_2957] : memref<8x32x128xf32, #tpu.memory_space<vmem>> -> memref<1x32x128xf32, #tpu.memory_space<vmem>>
      %gather3A_2959 = tpu.memref_squeeze %gather3A_2958 : memref<1x32x128xf32, #tpu.memory_space<vmem>> -> memref<32x128xf32, #tpu.memory_space<vmem>>
      %gather3A_2960 = tpu.vector_load_idx %gather3A_2959[%iota3A, %broadcast_in_dim3A_2952] : memref<32x128xf32, #tpu.memory_space<vmem>>[vector<16xi32>, vector<16xi32>], vector<16xf32>,
      %select_n3A_2961 = arith.select %broadcast_in_dim3A_2951, %gather3A_2954, %gather3A_2960 : vector<16xi1>, vector<16xf32>
      %gather3A_2962 = tpu.vector_load_idx %arg14[%add3A_5, %broadcast_in_dim3A_2953] : memref<32x64xf32, #tpu.memory_space<vmem>>[vector<16xi32>, vector<16xi32>], vector<16xf32>,
      %gather3A_2963 = arith.constant 3 : i32
      %gather3A_2964 = arith.constant 0 : i32
      %gather3A_2965 = arith.constant 0 : i32
      %gather3A_2966 = tpu.memref_slice %arg11[%gather3A_2963, %gather3A_2964, %gather3A_2965] : memref<8x32x128xf32, #tpu.memory_space<vmem>> -> memref<1x32x128xf32, #tpu.memory_space<vmem>>
      %gather3A_2967 = tpu.memref_squeeze %gather3A_2966 : memref<1x32x128xf32, #tpu.memory_space<vmem>> -> memref<32x128xf32, #tpu.memory_space<vmem>>
      %gather3A_2968 = tpu.vector_load_idx %gather3A_2967[%add3A_5, %broadcast_in_dim3A_2952] : memref<32x128xf32, #tpu.memory_space<vmem>>[vector<16xi32>, vector<16xi32>], vector<16xf32>,
      %select_n3A_2969 = arith.select %broadcast_in_dim3A_2951, %gather3A_2962, %gather3A_2968 : vector<16xi1>, vector<16xf32>
      %mul3A_2970 = arith.mulf %select_n3A_2412, %select_n3A_2961 : vector<16xf32>
      %mul3A_2971 = arith.mulf %select_n3A_2420, %select_n3A_2969 : vector<16xf32>
      %add3A_2972 = arith.addf %mul3A_2970, %mul3A_2971 : vector<16xf32>
      %swap3A_2973 = arith.constant 11 : i32
      %swap3A_2974 = arith.index_cast %swap3A_2973 : i32 to index
      %swap3A_2975 = arith.constant 0 : index
      %swap3A_2976 = tpu.vector_load %arg12[%swap3A_2974, %swap3A_2975] {strides = array<i32>} : memref<16x16xf32, #tpu.memory_space<vmem>>, vector<16xf32>,
      tpu.vector_store %arg12[%swap3A_2974, %swap3A_2975], %add3A_2972 {strides = array<i32>} : memref<16x16xf32, #tpu.memory_space<vmem>>, vector<16xf32>,
      %and3A_2977 = arith.constant 127 : i32
      %and3A_2978 = arith.andi %squeeze3A_1978, %and3A_2977 : i32
      %min3A_2979 = arith.constant 127 : i32
      %min3A_2980 = arith.minsi %and3A_2978, %min3A_2979 : i32
      %sub3A_2981 = arith.constant 999936 : i32
      %sub3A_2982 = arith.subi %squeeze3A_1978, %sub3A_2981 : i32
      %max3A_2983 = arith.constant 0 : i32
      %max3A_2984 = arith.maxsi %sub3A_2982, %max3A_2983 : i32
      %min3A_2985 = arith.constant 63 : i32
      %min3A_2986 = arith.minsi %max3A_2984, %min3A_2985 : i32
      %ge3A_2987 = arith.constant 999936 : i32
      %ge3A_2988 = arith.cmpi sge, %squeeze3A_1978, %ge3A_2987 : i32
      %broadcast_in_dim3A_2989 = vector.broadcast %ge3A_2988 : i1 to vector<16xi1>
      %broadcast_in_dim3A_2990 = vector.broadcast %min3A_2980 : i32 to vector<16xi32>
      %broadcast_in_dim3A_2991 = vector.broadcast %min3A_2986 : i32 to vector<16xi32>
      %gather3A_2992 = tpu.vector_load_idx %arg14[%iota3A, %broadcast_in_dim3A_2991] : memref<32x64xf32, #tpu.memory_space<vmem>>[vector<16xi32>, vector<16xi32>], vector<16xf32>,
      %gather3A_2993 = arith.constant 4 : i32
      %gather3A_2994 = arith.constant 0 : i32
      %gather3A_2995 = arith.constant 0 : i32
      %gather3A_2996 = tpu.memref_slice %arg11[%gather3A_2993, %gather3A_2994, %gather3A_2995] : memref<8x32x128xf32, #tpu.memory_space<vmem>> -> memref<1x32x128xf32, #tpu.memory_space<vmem>>
      %gather3A_2997 = tpu.memref_squeeze %gather3A_2996 : memref<1x32x128xf32, #tpu.memory_space<vmem>> -> memref<32x128xf32, #tpu.memory_space<vmem>>
      %gather3A_2998 = tpu.vector_load_idx %gather3A_2997[%iota3A, %broadcast_in_dim3A_2990] : memref<32x128xf32, #tpu.memory_space<vmem>>[vector<16xi32>, vector<16xi32>], vector<16xf32>,
      %select_n3A_2999 = arith.select %broadcast_in_dim3A_2989, %gather3A_2992, %gather3A_2998 : vector<16xi1>, vector<16xf32>
      %gather3A_3000 = tpu.vector_load_idx %arg14[%add3A_5, %broadcast_in_dim3A_2991] : memref<32x64xf32, #tpu.memory_space<vmem>>[vector<16xi32>, vector<16xi32>], vector<16xf32>,
      %gather3A_3001 = arith.constant 4 : i32
      %gather3A_3002 = arith.constant 0 : i32
      %gather3A_3003 = arith.constant 0 : i32
      %gather3A_3004 = tpu.memref_slice %arg11[%gather3A_3001, %gather3A_3002, %gather3A_3003] : memref<8x32x128xf32, #tpu.memory_space<vmem>> -> memref<1x32x128xf32, #tpu.memory_space<vmem>>
      %gather3A_3005 = tpu.memref_squeeze %gather3A_3004 : memref<1x32x128xf32, #tpu.memory_space<vmem>> -> memref<32x128xf32, #tpu.memory_space<vmem>>
      %gather3A_3006 = tpu.vector_load_idx %gather3A_3005[%add3A_5, %broadcast_in_dim3A_2990] : memref<32x128xf32, #tpu.memory_space<vmem>>[vector<16xi32>, vector<16xi32>], vector<16xf32>,
      %select_n3A_3007 = arith.select %broadcast_in_dim3A_2989, %gather3A_3000, %gather3A_3006 : vector<16xi1>, vector<16xf32>
      %mul3A_3008 = arith.mulf %select_n3A_2443, %select_n3A_2999 : vector<16xf32>
      %mul3A_3009 = arith.mulf %select_n3A_2451, %select_n3A_3007 : vector<16xf32>
      %add3A_3010 = arith.addf %mul3A_3008, %mul3A_3009 : vector<16xf32>
      %swap3A_3011 = arith.constant 12 : i32
      %swap3A_3012 = arith.index_cast %swap3A_3011 : i32 to index
      %swap3A_3013 = arith.constant 0 : index
      %swap3A_3014 = tpu.vector_load %arg12[%swap3A_3012, %swap3A_3013] {strides = array<i32>} : memref<16x16xf32, #tpu.memory_space<vmem>>, vector<16xf32>,
      tpu.vector_store %arg12[%swap3A_3012, %swap3A_3013], %add3A_3010 {strides = array<i32>} : memref<16x16xf32, #tpu.memory_space<vmem>>, vector<16xf32>,
      %and3A_3015 = arith.constant 127 : i32
      %and3A_3016 = arith.andi %squeeze3A_1980, %and3A_3015 : i32
      %min3A_3017 = arith.constant 127 : i32
      %min3A_3018 = arith.minsi %and3A_3016, %min3A_3017 : i32
      %sub3A_3019 = arith.constant 999936 : i32
      %sub3A_3020 = arith.subi %squeeze3A_1980, %sub3A_3019 : i32
      %max3A_3021 = arith.constant 0 : i32
      %max3A_3022 = arith.maxsi %sub3A_3020, %max3A_3021 : i32
      %min3A_3023 = arith.constant 63 : i32
      %min3A_3024 = arith.minsi %max3A_3022, %min3A_3023 : i32
      %ge3A_3025 = arith.constant 999936 : i32
      %ge3A_3026 = arith.cmpi sge, %squeeze3A_1980, %ge3A_3025 : i32
      %broadcast_in_dim3A_3027 = vector.broadcast %ge3A_3026 : i1 to vector<16xi1>
      %broadcast_in_dim3A_3028 = vector.broadcast %min3A_3018 : i32 to vector<16xi32>
      %broadcast_in_dim3A_3029 = vector.broadcast %min3A_3024 : i32 to vector<16xi32>
      %gather3A_3030 = tpu.vector_load_idx %arg14[%iota3A, %broadcast_in_dim3A_3029] : memref<32x64xf32, #tpu.memory_space<vmem>>[vector<16xi32>, vector<16xi32>], vector<16xf32>,
      %gather3A_3031 = arith.constant 5 : i32
      %gather3A_3032 = arith.constant 0 : i32
      %gather3A_3033 = arith.constant 0 : i32
      %gather3A_3034 = tpu.memref_slice %arg11[%gather3A_3031, %gather3A_3032, %gather3A_3033] : memref<8x32x128xf32, #tpu.memory_space<vmem>> -> memref<1x32x128xf32, #tpu.memory_space<vmem>>
      %gather3A_3035 = tpu.memref_squeeze %gather3A_3034 : memref<1x32x128xf32, #tpu.memory_space<vmem>> -> memref<32x128xf32, #tpu.memory_space<vmem>>
      %gather3A_3036 = tpu.vector_load_idx %gather3A_3035[%iota3A, %broadcast_in_dim3A_3028] : memref<32x128xf32, #tpu.memory_space<vmem>>[vector<16xi32>, vector<16xi32>], vector<16xf32>,
      %select_n3A_3037 = arith.select %broadcast_in_dim3A_3027, %gather3A_3030, %gather3A_3036 : vector<16xi1>, vector<16xf32>
      %gather3A_3038 = tpu.vector_load_idx %arg14[%add3A_5, %broadcast_in_dim3A_3029] : memref<32x64xf32, #tpu.memory_space<vmem>>[vector<16xi32>, vector<16xi32>], vector<16xf32>,
      %gather3A_3039 = arith.constant 5 : i32
      %gather3A_3040 = arith.constant 0 : i32
      %gather3A_3041 = arith.constant 0 : i32
      %gather3A_3042 = tpu.memref_slice %arg11[%gather3A_3039, %gather3A_3040, %gather3A_3041] : memref<8x32x128xf32, #tpu.memory_space<vmem>> -> memref<1x32x128xf32, #tpu.memory_space<vmem>>
      %gather3A_3043 = tpu.memref_squeeze %gather3A_3042 : memref<1x32x128xf32, #tpu.memory_space<vmem>> -> memref<32x128xf32, #tpu.memory_space<vmem>>
      %gather3A_3044 = tpu.vector_load_idx %gather3A_3043[%add3A_5, %broadcast_in_dim3A_3028] : memref<32x128xf32, #tpu.memory_space<vmem>>[vector<16xi32>, vector<16xi32>], vector<16xf32>,
      %select_n3A_3045 = arith.select %broadcast_in_dim3A_3027, %gather3A_3038, %gather3A_3044 : vector<16xi1>, vector<16xf32>
      %mul3A_3046 = arith.mulf %select_n3A_2474, %select_n3A_3037 : vector<16xf32>
      %mul3A_3047 = arith.mulf %select_n3A_2482, %select_n3A_3045 : vector<16xf32>
      %add3A_3048 = arith.addf %mul3A_3046, %mul3A_3047 : vector<16xf32>
      %swap3A_3049 = arith.constant 13 : i32
      %swap3A_3050 = arith.index_cast %swap3A_3049 : i32 to index
      %swap3A_3051 = arith.constant 0 : index
      %swap3A_3052 = tpu.vector_load %arg12[%swap3A_3050, %swap3A_3051] {strides = array<i32>} : memref<16x16xf32, #tpu.memory_space<vmem>>, vector<16xf32>,
      tpu.vector_store %arg12[%swap3A_3050, %swap3A_3051], %add3A_3048 {strides = array<i32>} : memref<16x16xf32, #tpu.memory_space<vmem>>, vector<16xf32>,
      %and3A_3053 = arith.constant 127 : i32
      %and3A_3054 = arith.andi %squeeze3A_1982, %and3A_3053 : i32
      %min3A_3055 = arith.constant 127 : i32
      %min3A_3056 = arith.minsi %and3A_3054, %min3A_3055 : i32
      %sub3A_3057 = arith.constant 999936 : i32
      %sub3A_3058 = arith.subi %squeeze3A_1982, %sub3A_3057 : i32
      %max3A_3059 = arith.constant 0 : i32
      %max3A_3060 = arith.maxsi %sub3A_3058, %max3A_3059 : i32
      %min3A_3061 = arith.constant 63 : i32
      %min3A_3062 = arith.minsi %max3A_3060, %min3A_3061 : i32
      %ge3A_3063 = arith.constant 999936 : i32
      %ge3A_3064 = arith.cmpi sge, %squeeze3A_1982, %ge3A_3063 : i32
      %broadcast_in_dim3A_3065 = vector.broadcast %ge3A_3064 : i1 to vector<16xi1>
      %broadcast_in_dim3A_3066 = vector.broadcast %min3A_3056 : i32 to vector<16xi32>
      %broadcast_in_dim3A_3067 = vector.broadcast %min3A_3062 : i32 to vector<16xi32>
      %gather3A_3068 = tpu.vector_load_idx %arg14[%iota3A, %broadcast_in_dim3A_3067] : memref<32x64xf32, #tpu.memory_space<vmem>>[vector<16xi32>, vector<16xi32>], vector<16xf32>,
      %gather3A_3069 = arith.constant 6 : i32
      %gather3A_3070 = arith.constant 0 : i32
      %gather3A_3071 = arith.constant 0 : i32
      %gather3A_3072 = tpu.memref_slice %arg11[%gather3A_3069, %gather3A_3070, %gather3A_3071] : memref<8x32x128xf32, #tpu.memory_space<vmem>> -> memref<1x32x128xf32, #tpu.memory_space<vmem>>
      %gather3A_3073 = tpu.memref_squeeze %gather3A_3072 : memref<1x32x128xf32, #tpu.memory_space<vmem>> -> memref<32x128xf32, #tpu.memory_space<vmem>>
      %gather3A_3074 = tpu.vector_load_idx %gather3A_3073[%iota3A, %broadcast_in_dim3A_3066] : memref<32x128xf32, #tpu.memory_space<vmem>>[vector<16xi32>, vector<16xi32>], vector<16xf32>,
      %select_n3A_3075 = arith.select %broadcast_in_dim3A_3065, %gather3A_3068, %gather3A_3074 : vector<16xi1>, vector<16xf32>
      %gather3A_3076 = tpu.vector_load_idx %arg14[%add3A_5, %broadcast_in_dim3A_3067] : memref<32x64xf32, #tpu.memory_space<vmem>>[vector<16xi32>, vector<16xi32>], vector<16xf32>,
      %gather3A_3077 = arith.constant 6 : i32
      %gather3A_3078 = arith.constant 0 : i32
      %gather3A_3079 = arith.constant 0 : i32
      %gather3A_3080 = tpu.memref_slice %arg11[%gather3A_3077, %gather3A_3078, %gather3A_3079] : memref<8x32x128xf32, #tpu.memory_space<vmem>> -> memref<1x32x128xf32, #tpu.memory_space<vmem>>
      %gather3A_3081 = tpu.memref_squeeze %gather3A_3080 : memref<1x32x128xf32, #tpu.memory_space<vmem>> -> memref<32x128xf32, #tpu.memory_space<vmem>>
      %gather3A_3082 = tpu.vector_load_idx %gather3A_3081[%add3A_5, %broadcast_in_dim3A_3066] : memref<32x128xf32, #tpu.memory_space<vmem>>[vector<16xi32>, vector<16xi32>], vector<16xf32>,
      %select_n3A_3083 = arith.select %broadcast_in_dim3A_3065, %gather3A_3076, %gather3A_3082 : vector<16xi1>, vector<16xf32>
      %mul3A_3084 = arith.mulf %select_n3A_2505, %select_n3A_3075 : vector<16xf32>
      %mul3A_3085 = arith.mulf %select_n3A_2513, %select_n3A_3083 : vector<16xf32>
      %add3A_3086 = arith.addf %mul3A_3084, %mul3A_3085 : vector<16xf32>
      %swap3A_3087 = arith.constant 14 : i32
      %swap3A_3088 = arith.index_cast %swap3A_3087 : i32 to index
      %swap3A_3089 = arith.constant 0 : index
      %swap3A_3090 = tpu.vector_load %arg12[%swap3A_3088, %swap3A_3089] {strides = array<i32>} : memref<16x16xf32, #tpu.memory_space<vmem>>, vector<16xf32>,
      tpu.vector_store %arg12[%swap3A_3088, %swap3A_3089], %add3A_3086 {strides = array<i32>} : memref<16x16xf32, #tpu.memory_space<vmem>>, vector<16xf32>,
      %and3A_3091 = arith.constant 127 : i32
      %and3A_3092 = arith.andi %squeeze3A_1984, %and3A_3091 : i32
      %min3A_3093 = arith.constant 127 : i32
      %min3A_3094 = arith.minsi %and3A_3092, %min3A_3093 : i32
      %sub3A_3095 = arith.constant 999936 : i32
      %sub3A_3096 = arith.subi %squeeze3A_1984, %sub3A_3095 : i32
      %max3A_3097 = arith.constant 0 : i32
      %max3A_3098 = arith.maxsi %sub3A_3096, %max3A_3097 : i32
      %min3A_3099 = arith.constant 63 : i32
      %min3A_3100 = arith.minsi %max3A_3098, %min3A_3099 : i32
      %ge3A_3101 = arith.constant 999936 : i32
      %ge3A_3102 = arith.cmpi sge, %squeeze3A_1984, %ge3A_3101 : i32
      %broadcast_in_dim3A_3103 = vector.broadcast %ge3A_3102 : i1 to vector<16xi1>
      %broadcast_in_dim3A_3104 = vector.broadcast %min3A_3094 : i32 to vector<16xi32>
      %broadcast_in_dim3A_3105 = vector.broadcast %min3A_3100 : i32 to vector<16xi32>
      %gather3A_3106 = tpu.vector_load_idx %arg14[%iota3A, %broadcast_in_dim3A_3105] : memref<32x64xf32, #tpu.memory_space<vmem>>[vector<16xi32>, vector<16xi32>], vector<16xf32>,
      %gather3A_3107 = arith.constant 7 : i32
      %gather3A_3108 = arith.constant 0 : i32
      %gather3A_3109 = arith.constant 0 : i32
      %gather3A_3110 = tpu.memref_slice %arg11[%gather3A_3107, %gather3A_3108, %gather3A_3109] : memref<8x32x128xf32, #tpu.memory_space<vmem>> -> memref<1x32x128xf32, #tpu.memory_space<vmem>>
      %gather3A_3111 = tpu.memref_squeeze %gather3A_3110 : memref<1x32x128xf32, #tpu.memory_space<vmem>> -> memref<32x128xf32, #tpu.memory_space<vmem>>
      %gather3A_3112 = tpu.vector_load_idx %gather3A_3111[%iota3A, %broadcast_in_dim3A_3104] : memref<32x128xf32, #tpu.memory_space<vmem>>[vector<16xi32>, vector<16xi32>], vector<16xf32>,
      %select_n3A_3113 = arith.select %broadcast_in_dim3A_3103, %gather3A_3106, %gather3A_3112 : vector<16xi1>, vector<16xf32>
      %gather3A_3114 = tpu.vector_load_idx %arg14[%add3A_5, %broadcast_in_dim3A_3105] : memref<32x64xf32, #tpu.memory_space<vmem>>[vector<16xi32>, vector<16xi32>], vector<16xf32>,
      %gather3A_3115 = arith.constant 7 : i32
      %gather3A_3116 = arith.constant 0 : i32
      %gather3A_3117 = arith.constant 0 : i32
      %gather3A_3118 = tpu.memref_slice %arg11[%gather3A_3115, %gather3A_3116, %gather3A_3117] : memref<8x32x128xf32, #tpu.memory_space<vmem>> -> memref<1x32x128xf32, #tpu.memory_space<vmem>>
      %gather3A_3119 = tpu.memref_squeeze %gather3A_3118 : memref<1x32x128xf32, #tpu.memory_space<vmem>> -> memref<32x128xf32, #tpu.memory_space<vmem>>
      %gather3A_3120 = tpu.vector_load_idx %gather3A_3119[%add3A_5, %broadcast_in_dim3A_3104] : memref<32x128xf32, #tpu.memory_space<vmem>>[vector<16xi32>, vector<16xi32>], vector<16xf32>,
      %select_n3A_3121 = arith.select %broadcast_in_dim3A_3103, %gather3A_3114, %gather3A_3120 : vector<16xi1>, vector<16xf32>
      %mul3A_3122 = arith.mulf %select_n3A_2536, %select_n3A_3113 : vector<16xf32>
      %mul3A_3123 = arith.mulf %select_n3A_2544, %select_n3A_3121 : vector<16xf32>
      %add3A_3124 = arith.addf %mul3A_3122, %mul3A_3123 : vector<16xf32>
      %swap3A_3125 = arith.constant 15 : i32
      %swap3A_3126 = arith.index_cast %swap3A_3125 : i32 to index
      %swap3A_3127 = arith.constant 0 : index
      %swap3A_3128 = tpu.vector_load %arg12[%swap3A_3126, %swap3A_3127] {strides = array<i32>} : memref<16x16xf32, #tpu.memory_space<vmem>>, vector<16xf32>,
      tpu.vector_store %arg12[%swap3A_3126, %swap3A_3127], %add3A_3124 {strides = array<i32>} : memref<16x16xf32, #tpu.memory_space<vmem>>, vector<16xf32>,
      %iota3A_3129 = tpu.iota {dimensions = array<i32: 0>} : vector<16xi32>
      %broadcast_in_dim3A_3130 = arith.constant 0.000000e+00 : f32
      %broadcast_in_dim3A_3131 = vector.broadcast %broadcast_in_dim3A_3130 : f32 to vector<16xf32>
      %broadcast_in_dim3A_3132 = arith.constant 0.000000e+00 : f32
      %broadcast_in_dim3A_3133 = vector.broadcast %broadcast_in_dim3A_3132 : f32 to vector<16xf32>
      %broadcast_in_dim3A_3134 = arith.constant 0 : i32
      %broadcast_in_dim3A_3135 = vector.broadcast %broadcast_in_dim3A_3134 : i32 to vector<16xi32>
      %gather3A_3136 = tpu.vector_load_idx %arg12[%iota3A_3129, %broadcast_in_dim3A_3135] : memref<16x16xf32, #tpu.memory_space<vmem>>[vector<16xi32>, vector<16xi32>], vector<16xf32>,
      %add3A_3137 = arith.addf %broadcast_in_dim3A_3131, %gather3A_3136 : vector<16xf32>
      %broadcast_in_dim3A_3138 = arith.constant 1 : i32
      %broadcast_in_dim3A_3139 = vector.broadcast %broadcast_in_dim3A_3138 : i32 to vector<16xi32>
      %gather3A_3140 = tpu.vector_load_idx %arg12[%iota3A_3129, %broadcast_in_dim3A_3139] : memref<16x16xf32, #tpu.memory_space<vmem>>[vector<16xi32>, vector<16xi32>], vector<16xf32>,
      %add3A_3141 = arith.addf %broadcast_in_dim3A_3133, %gather3A_3140 : vector<16xf32>
      %broadcast_in_dim3A_3142 = arith.constant 2 : i32
      %broadcast_in_dim3A_3143 = vector.broadcast %broadcast_in_dim3A_3142 : i32 to vector<16xi32>
      %gather3A_3144 = tpu.vector_load_idx %arg12[%iota3A_3129, %broadcast_in_dim3A_3143] : memref<16x16xf32, #tpu.memory_space<vmem>>[vector<16xi32>, vector<16xi32>], vector<16xf32>,
      %add3A_3145 = arith.addf %add3A_3137, %gather3A_3144 : vector<16xf32>
      %broadcast_in_dim3A_3146 = arith.constant 3 : i32
      %broadcast_in_dim3A_3147 = vector.broadcast %broadcast_in_dim3A_3146 : i32 to vector<16xi32>
      %gather3A_3148 = tpu.vector_load_idx %arg12[%iota3A_3129, %broadcast_in_dim3A_3147] : memref<16x16xf32, #tpu.memory_space<vmem>>[vector<16xi32>, vector<16xi32>], vector<16xf32>,
      %add3A_3149 = arith.addf %add3A_3141, %gather3A_3148 : vector<16xf32>
      %broadcast_in_dim3A_3150 = arith.constant 4 : i32
      %broadcast_in_dim3A_3151 = vector.broadcast %broadcast_in_dim3A_3150 : i32 to vector<16xi32>
      %gather3A_3152 = tpu.vector_load_idx %arg12[%iota3A_3129, %broadcast_in_dim3A_3151] : memref<16x16xf32, #tpu.memory_space<vmem>>[vector<16xi32>, vector<16xi32>], vector<16xf32>,
      %add3A_3153 = arith.addf %add3A_3145, %gather3A_3152 : vector<16xf32>
      %broadcast_in_dim3A_3154 = arith.constant 5 : i32
      %broadcast_in_dim3A_3155 = vector.broadcast %broadcast_in_dim3A_3154 : i32 to vector<16xi32>
      %gather3A_3156 = tpu.vector_load_idx %arg12[%iota3A_3129, %broadcast_in_dim3A_3155] : memref<16x16xf32, #tpu.memory_space<vmem>>[vector<16xi32>, vector<16xi32>], vector<16xf32>,
      %add3A_3157 = arith.addf %add3A_3149, %gather3A_3156 : vector<16xf32>
      %broadcast_in_dim3A_3158 = arith.constant 6 : i32
      %broadcast_in_dim3A_3159 = vector.broadcast %broadcast_in_dim3A_3158 : i32 to vector<16xi32>
      %gather3A_3160 = tpu.vector_load_idx %arg12[%iota3A_3129, %broadcast_in_dim3A_3159] : memref<16x16xf32, #tpu.memory_space<vmem>>[vector<16xi32>, vector<16xi32>], vector<16xf32>,
      %add3A_3161 = arith.addf %add3A_3153, %gather3A_3160 : vector<16xf32>
      %broadcast_in_dim3A_3162 = arith.constant 7 : i32
      %broadcast_in_dim3A_3163 = vector.broadcast %broadcast_in_dim3A_3162 : i32 to vector<16xi32>
      %gather3A_3164 = tpu.vector_load_idx %arg12[%iota3A_3129, %broadcast_in_dim3A_3163] : memref<16x16xf32, #tpu.memory_space<vmem>>[vector<16xi32>, vector<16xi32>], vector<16xf32>,
      %add3A_3165 = arith.addf %add3A_3157, %gather3A_3164 : vector<16xf32>
      %broadcast_in_dim3A_3166 = arith.constant 8 : i32
      %broadcast_in_dim3A_3167 = vector.broadcast %broadcast_in_dim3A_3166 : i32 to vector<16xi32>
      %gather3A_3168 = tpu.vector_load_idx %arg12[%iota3A_3129, %broadcast_in_dim3A_3167] : memref<16x16xf32, #tpu.memory_space<vmem>>[vector<16xi32>, vector<16xi32>], vector<16xf32>,
      %add3A_3169 = arith.addf %add3A_3161, %gather3A_3168 : vector<16xf32>
      %broadcast_in_dim3A_3170 = arith.constant 9 : i32
      %broadcast_in_dim3A_3171 = vector.broadcast %broadcast_in_dim3A_3170 : i32 to vector<16xi32>
      %gather3A_3172 = tpu.vector_load_idx %arg12[%iota3A_3129, %broadcast_in_dim3A_3171] : memref<16x16xf32, #tpu.memory_space<vmem>>[vector<16xi32>, vector<16xi32>], vector<16xf32>,
      %add3A_3173 = arith.addf %add3A_3165, %gather3A_3172 : vector<16xf32>
      %broadcast_in_dim3A_3174 = arith.constant 10 : i32
      %broadcast_in_dim3A_3175 = vector.broadcast %broadcast_in_dim3A_3174 : i32 to vector<16xi32>
      %gather3A_3176 = tpu.vector_load_idx %arg12[%iota3A_3129, %broadcast_in_dim3A_3175] : memref<16x16xf32, #tpu.memory_space<vmem>>[vector<16xi32>, vector<16xi32>], vector<16xf32>,
      %add3A_3177 = arith.addf %add3A_3169, %gather3A_3176 : vector<16xf32>
      %broadcast_in_dim3A_3178 = arith.constant 11 : i32
      %broadcast_in_dim3A_3179 = vector.broadcast %broadcast_in_dim3A_3178 : i32 to vector<16xi32>
      %gather3A_3180 = tpu.vector_load_idx %arg12[%iota3A_3129, %broadcast_in_dim3A_3179] : memref<16x16xf32, #tpu.memory_space<vmem>>[vector<16xi32>, vector<16xi32>], vector<16xf32>,
      %add3A_3181 = arith.addf %add3A_3173, %gather3A_3180 : vector<16xf32>
      %broadcast_in_dim3A_3182 = arith.constant 12 : i32
      %broadcast_in_dim3A_3183 = vector.broadcast %broadcast_in_dim3A_3182 : i32 to vector<16xi32>
      %gather3A_3184 = tpu.vector_load_idx %arg12[%iota3A_3129, %broadcast_in_dim3A_3183] : memref<16x16xf32, #tpu.memory_space<vmem>>[vector<16xi32>, vector<16xi32>], vector<16xf32>,
      %add3A_3185 = arith.addf %add3A_3177, %gather3A_3184 : vector<16xf32>
      %broadcast_in_dim3A_3186 = arith.constant 13 : i32
      %broadcast_in_dim3A_3187 = vector.broadcast %broadcast_in_dim3A_3186 : i32 to vector<16xi32>
      %gather3A_3188 = tpu.vector_load_idx %arg12[%iota3A_3129, %broadcast_in_dim3A_3187] : memref<16x16xf32, #tpu.memory_space<vmem>>[vector<16xi32>, vector<16xi32>], vector<16xf32>,
      %add3A_3189 = arith.addf %add3A_3181, %gather3A_3188 : vector<16xf32>
      %broadcast_in_dim3A_3190 = arith.constant 14 : i32
      %broadcast_in_dim3A_3191 = vector.broadcast %broadcast_in_dim3A_3190 : i32 to vector<16xi32>
      %gather3A_3192 = tpu.vector_load_idx %arg12[%iota3A_3129, %broadcast_in_dim3A_3191] : memref<16x16xf32, #tpu.memory_space<vmem>>[vector<16xi32>, vector<16xi32>], vector<16xf32>,
      %add3A_3193 = arith.addf %add3A_3185, %gather3A_3192 : vector<16xf32>
      %broadcast_in_dim3A_3194 = arith.constant 15 : i32
      %broadcast_in_dim3A_3195 = vector.broadcast %broadcast_in_dim3A_3194 : i32 to vector<16xi32>
      %gather3A_3196 = tpu.vector_load_idx %arg12[%iota3A_3129, %broadcast_in_dim3A_3195] : memref<16x16xf32, #tpu.memory_space<vmem>>[vector<16xi32>, vector<16xi32>], vector<16xf32>,
      %add3A_3197 = arith.addf %add3A_3189, %gather3A_3196 : vector<16xf32>
      %add3A_3198 = arith.addf %add3A_3193, %add3A_3197 : vector<16xf32>
      %mul3A_3199 = arith.constant 16 : i32
      %mul3A_3200 = arith.muli %scan3A_606, %mul3A_3199 : i32
      %swap3A_3201 = arith.index_cast %mul3A_3200 : i32 to index
      %swap3A_3202 = tpu.vector_load %arg15[%swap3A_3201] {strides = array<i32>} : memref<512xf32, #tpu.memory_space<vmem>>, vector<16xf32>,
      tpu.vector_store %arg15[%swap3A_3201], %add3A_3198 {strides = array<i32>} : memref<512xf32, #tpu.memory_space<vmem>>, vector<16xf32>,
      %scan3A_3203 = arith.constant 0 : i32
      scf.yield %scan3A_3203 : i32
    }
    %scan3A_364 = arith.constant 32 : i32
    %dma_wait3A = arith.constant 0 : i32
    %dma_wait3A_365 = arith.constant 0 : i32
    %dma_wait3A_366 = arith.constant 0 : i32
    %dma_wait3A_367 = tpu.memref_slice %arg9[%dma_wait3A, %dma_wait3A_365, %dma_wait3A_366] : memref<8x32x128xf32, #tpu.memory_space<vmem>> -> memref<1x32x128xf32, #tpu.memory_space<vmem>>
    %dma_wait3A_368 = tpu.memref_squeeze %dma_wait3A_367 : memref<1x32x128xf32, #tpu.memory_space<vmem>> -> memref<32x128xf32, #tpu.memory_space<vmem>>
    %dma_wait3A_369 = arith.constant 0 : i32
    %dma_wait3A_370 = arith.constant 0 : i32
    %dma_wait3A_371 = tpu.memref_slice %arg4[%dma_wait3A_369, %dma_wait3A_370] : memref<32x1000000xf32, #tpu.memory_space<hbm>> -> memref<32x128xf32, #tpu.memory_space<hbm>>
    %dma_wait3A_372 = arith.constant 0 : i32
    %dma_wait3A_373 = arith.constant 0 : i32
    %dma_wait3A_374 = tpu.memref_slice %arg9[%dma_wait3A, %dma_wait3A_372, %dma_wait3A_373] : memref<8x32x128xf32, #tpu.memory_space<vmem>> -> memref<1x32x128xf32, #tpu.memory_space<vmem>>
    %dma_wait3A_375 = tpu.memref_squeeze %dma_wait3A_374 : memref<1x32x128xf32, #tpu.memory_space<vmem>> -> memref<32x128xf32, #tpu.memory_space<vmem>>
    %dma_wait3A_376 = arith.constant 0 : i32
    %dma_wait3A_377 = arith.constant 0 : i32
    %dma_wait3A_378 = tpu.memref_slice %arg4[%dma_wait3A_376, %dma_wait3A_377] : memref<32x1000000xf32, #tpu.memory_space<hbm>> -> memref<32x128xf32, #tpu.memory_space<hbm>>
    tpu.wait_dma2 semaphore(%arg16 : memref<!tpu.dma_semaphore, #tpu.memory_space<semaphore_mem>>) src(%dma_wait3A_378 : memref<32x128xf32, #tpu.memory_space<hbm>>) dst(%dma_wait3A_375 : memref<32x128xf32, #tpu.memory_space<vmem>>)
    %dma_wait3A_379 = arith.constant 1 : i32
    %dma_wait3A_380 = arith.constant 0 : i32
    %dma_wait3A_381 = arith.constant 0 : i32
    %dma_wait3A_382 = tpu.memref_slice %arg9[%dma_wait3A_379, %dma_wait3A_380, %dma_wait3A_381] : memref<8x32x128xf32, #tpu.memory_space<vmem>> -> memref<1x32x128xf32, #tpu.memory_space<vmem>>
    %dma_wait3A_383 = tpu.memref_squeeze %dma_wait3A_382 : memref<1x32x128xf32, #tpu.memory_space<vmem>> -> memref<32x128xf32, #tpu.memory_space<vmem>>
    %dma_wait3A_384 = arith.constant 0 : i32
    %dma_wait3A_385 = arith.constant 0 : i32
    %dma_wait3A_386 = tpu.memref_slice %arg4[%dma_wait3A_384, %dma_wait3A_385] : memref<32x1000000xf32, #tpu.memory_space<hbm>> -> memref<32x128xf32, #tpu.memory_space<hbm>>
    %dma_wait3A_387 = arith.constant 0 : i32
    %dma_wait3A_388 = arith.constant 0 : i32
    %dma_wait3A_389 = tpu.memref_slice %arg9[%dma_wait3A_379, %dma_wait3A_387, %dma_wait3A_388] : memref<8x32x128xf32, #tpu.memory_space<vmem>> -> memref<1x32x128xf32, #tpu.memory_space<vmem>>
    %dma_wait3A_390 = tpu.memref_squeeze %dma_wait3A_389 : memref<1x32x128xf32, #tpu.memory_space<vmem>> -> memref<32x128xf32, #tpu.memory_space<vmem>>
    %dma_wait3A_391 = arith.constant 0 : i32
    %dma_wait3A_392 = arith.constant 0 : i32
    %dma_wait3A_393 = tpu.memref_slice %arg4[%dma_wait3A_391, %dma_wait3A_392] : memref<32x1000000xf32, #tpu.memory_space<hbm>> -> memref<32x128xf32, #tpu.memory_space<hbm>>
    tpu.wait_dma2 semaphore(%arg16 : memref<!tpu.dma_semaphore, #tpu.memory_space<semaphore_mem>>) src(%dma_wait3A_393 : memref<32x128xf32, #tpu.memory_space<hbm>>) dst(%dma_wait3A_390 : memref<32x128xf32, #tpu.memory_space<vmem>>)
    %dma_wait3A_394 = arith.constant 2 : i32
    %dma_wait3A_395 = arith.constant 0 : i32
    %dma_wait3A_396 = arith.constant 0 : i32
    %dma_wait3A_397 = tpu.memref_slice %arg9[%dma_wait3A_394, %dma_wait3A_395, %dma_wait3A_396] : memref<8x32x128xf32, #tpu.memory_space<vmem>> -> memref<1x32x128xf32, #tpu.memory_space<vmem>>
    %dma_wait3A_398 = tpu.memref_squeeze %dma_wait3A_397 : memref<1x32x128xf32, #tpu.memory_space<vmem>> -> memref<32x128xf32, #tpu.memory_space<vmem>>
    %dma_wait3A_399 = arith.constant 0 : i32
    %dma_wait3A_400 = arith.constant 0 : i32
    %dma_wait3A_401 = tpu.memref_slice %arg4[%dma_wait3A_399, %dma_wait3A_400] : memref<32x1000000xf32, #tpu.memory_space<hbm>> -> memref<32x128xf32, #tpu.memory_space<hbm>>
    %dma_wait3A_402 = arith.constant 0 : i32
    %dma_wait3A_403 = arith.constant 0 : i32
    %dma_wait3A_404 = tpu.memref_slice %arg9[%dma_wait3A_394, %dma_wait3A_402, %dma_wait3A_403] : memref<8x32x128xf32, #tpu.memory_space<vmem>> -> memref<1x32x128xf32, #tpu.memory_space<vmem>>
    %dma_wait3A_405 = tpu.memref_squeeze %dma_wait3A_404 : memref<1x32x128xf32, #tpu.memory_space<vmem>> -> memref<32x128xf32, #tpu.memory_space<vmem>>
    %dma_wait3A_406 = arith.constant 0 : i32
    %dma_wait3A_407 = arith.constant 0 : i32
    %dma_wait3A_408 = tpu.memref_slice %arg4[%dma_wait3A_406, %dma_wait3A_407] : memref<32x1000000xf32, #tpu.memory_space<hbm>> -> memref<32x128xf32, #tpu.memory_space<hbm>>
    tpu.wait_dma2 semaphore(%arg16 : memref<!tpu.dma_semaphore, #tpu.memory_space<semaphore_mem>>) src(%dma_wait3A_408 : memref<32x128xf32, #tpu.memory_space<hbm>>) dst(%dma_wait3A_405 : memref<32x128xf32, #tpu.memory_space<vmem>>)
    %dma_wait3A_409 = arith.constant 3 : i32
    %dma_wait3A_410 = arith.constant 0 : i32
    %dma_wait3A_411 = arith.constant 0 : i32
    %dma_wait3A_412 = tpu.memref_slice %arg9[%dma_wait3A_409, %dma_wait3A_410, %dma_wait3A_411] : memref<8x32x128xf32, #tpu.memory_space<vmem>> -> memref<1x32x128xf32, #tpu.memory_space<vmem>>
    %dma_wait3A_413 = tpu.memref_squeeze %dma_wait3A_412 : memref<1x32x128xf32, #tpu.memory_space<vmem>> -> memref<32x128xf32, #tpu.memory_space<vmem>>
    %dma_wait3A_414 = arith.constant 0 : i32
    %dma_wait3A_415 = arith.constant 0 : i32
    %dma_wait3A_416 = tpu.memref_slice %arg4[%dma_wait3A_414, %dma_wait3A_415] : memref<32x1000000xf32, #tpu.memory_space<hbm>> -> memref<32x128xf32, #tpu.memory_space<hbm>>
    %dma_wait3A_417 = arith.constant 0 : i32
    %dma_wait3A_418 = arith.constant 0 : i32
    %dma_wait3A_419 = tpu.memref_slice %arg9[%dma_wait3A_409, %dma_wait3A_417, %dma_wait3A_418] : memref<8x32x128xf32, #tpu.memory_space<vmem>> -> memref<1x32x128xf32, #tpu.memory_space<vmem>>
    %dma_wait3A_420 = tpu.memref_squeeze %dma_wait3A_419 : memref<1x32x128xf32, #tpu.memory_space<vmem>> -> memref<32x128xf32, #tpu.memory_space<vmem>>
    %dma_wait3A_421 = arith.constant 0 : i32
    %dma_wait3A_422 = arith.constant 0 : i32
    %dma_wait3A_423 = tpu.memref_slice %arg4[%dma_wait3A_421, %dma_wait3A_422] : memref<32x1000000xf32, #tpu.memory_space<hbm>> -> memref<32x128xf32, #tpu.memory_space<hbm>>
    tpu.wait_dma2 semaphore(%arg16 : memref<!tpu.dma_semaphore, #tpu.memory_space<semaphore_mem>>) src(%dma_wait3A_423 : memref<32x128xf32, #tpu.memory_space<hbm>>) dst(%dma_wait3A_420 : memref<32x128xf32, #tpu.memory_space<vmem>>)
    %dma_wait3A_424 = arith.constant 4 : i32
    %dma_wait3A_425 = arith.constant 0 : i32
    %dma_wait3A_426 = arith.constant 0 : i32
    %dma_wait3A_427 = tpu.memref_slice %arg9[%dma_wait3A_424, %dma_wait3A_425, %dma_wait3A_426] : memref<8x32x128xf32, #tpu.memory_space<vmem>> -> memref<1x32x128xf32, #tpu.memory_space<vmem>>
    %dma_wait3A_428 = tpu.memref_squeeze %dma_wait3A_427 : memref<1x32x128xf32, #tpu.memory_space<vmem>> -> memref<32x128xf32, #tpu.memory_space<vmem>>
    %dma_wait3A_429 = arith.constant 0 : i32
    %dma_wait3A_430 = arith.constant 0 : i32
    %dma_wait3A_431 = tpu.memref_slice %arg4[%dma_wait3A_429, %dma_wait3A_430] : memref<32x1000000xf32, #tpu.memory_space<hbm>> -> memref<32x128xf32, #tpu.memory_space<hbm>>
    %dma_wait3A_432 = arith.constant 0 : i32
    %dma_wait3A_433 = arith.constant 0 : i32
    %dma_wait3A_434 = tpu.memref_slice %arg9[%dma_wait3A_424, %dma_wait3A_432, %dma_wait3A_433] : memref<8x32x128xf32, #tpu.memory_space<vmem>> -> memref<1x32x128xf32, #tpu.memory_space<vmem>>
    %dma_wait3A_435 = tpu.memref_squeeze %dma_wait3A_434 : memref<1x32x128xf32, #tpu.memory_space<vmem>> -> memref<32x128xf32, #tpu.memory_space<vmem>>
    %dma_wait3A_436 = arith.constant 0 : i32
    %dma_wait3A_437 = arith.constant 0 : i32
    %dma_wait3A_438 = tpu.memref_slice %arg4[%dma_wait3A_436, %dma_wait3A_437] : memref<32x1000000xf32, #tpu.memory_space<hbm>> -> memref<32x128xf32, #tpu.memory_space<hbm>>
    tpu.wait_dma2 semaphore(%arg16 : memref<!tpu.dma_semaphore, #tpu.memory_space<semaphore_mem>>) src(%dma_wait3A_438 : memref<32x128xf32, #tpu.memory_space<hbm>>) dst(%dma_wait3A_435 : memref<32x128xf32, #tpu.memory_space<vmem>>)
    %dma_wait3A_439 = arith.constant 5 : i32
    %dma_wait3A_440 = arith.constant 0 : i32
    %dma_wait3A_441 = arith.constant 0 : i32
    %dma_wait3A_442 = tpu.memref_slice %arg9[%dma_wait3A_439, %dma_wait3A_440, %dma_wait3A_441] : memref<8x32x128xf32, #tpu.memory_space<vmem>> -> memref<1x32x128xf32, #tpu.memory_space<vmem>>
    %dma_wait3A_443 = tpu.memref_squeeze %dma_wait3A_442 : memref<1x32x128xf32, #tpu.memory_space<vmem>> -> memref<32x128xf32, #tpu.memory_space<vmem>>
    %dma_wait3A_444 = arith.constant 0 : i32
    %dma_wait3A_445 = arith.constant 0 : i32
    %dma_wait3A_446 = tpu.memref_slice %arg4[%dma_wait3A_444, %dma_wait3A_445] : memref<32x1000000xf32, #tpu.memory_space<hbm>> -> memref<32x128xf32, #tpu.memory_space<hbm>>
    %dma_wait3A_447 = arith.constant 0 : i32
    %dma_wait3A_448 = arith.constant 0 : i32
    %dma_wait3A_449 = tpu.memref_slice %arg9[%dma_wait3A_439, %dma_wait3A_447, %dma_wait3A_448] : memref<8x32x128xf32, #tpu.memory_space<vmem>> -> memref<1x32x128xf32, #tpu.memory_space<vmem>>
    %dma_wait3A_450 = tpu.memref_squeeze %dma_wait3A_449 : memref<1x32x128xf32, #tpu.memory_space<vmem>> -> memref<32x128xf32, #tpu.memory_space<vmem>>
    %dma_wait3A_451 = arith.constant 0 : i32
    %dma_wait3A_452 = arith.constant 0 : i32
    %dma_wait3A_453 = tpu.memref_slice %arg4[%dma_wait3A_451, %dma_wait3A_452] : memref<32x1000000xf32, #tpu.memory_space<hbm>> -> memref<32x128xf32, #tpu.memory_space<hbm>>
    tpu.wait_dma2 semaphore(%arg16 : memref<!tpu.dma_semaphore, #tpu.memory_space<semaphore_mem>>) src(%dma_wait3A_453 : memref<32x128xf32, #tpu.memory_space<hbm>>) dst(%dma_wait3A_450 : memref<32x128xf32, #tpu.memory_space<vmem>>)
    %dma_wait3A_454 = arith.constant 6 : i32
    %dma_wait3A_455 = arith.constant 0 : i32
    %dma_wait3A_456 = arith.constant 0 : i32
    %dma_wait3A_457 = tpu.memref_slice %arg9[%dma_wait3A_454, %dma_wait3A_455, %dma_wait3A_456] : memref<8x32x128xf32, #tpu.memory_space<vmem>> -> memref<1x32x128xf32, #tpu.memory_space<vmem>>
    %dma_wait3A_458 = tpu.memref_squeeze %dma_wait3A_457 : memref<1x32x128xf32, #tpu.memory_space<vmem>> -> memref<32x128xf32, #tpu.memory_space<vmem>>
    %dma_wait3A_459 = arith.constant 0 : i32
    %dma_wait3A_460 = arith.constant 0 : i32
    %dma_wait3A_461 = tpu.memref_slice %arg4[%dma_wait3A_459, %dma_wait3A_460] : memref<32x1000000xf32, #tpu.memory_space<hbm>> -> memref<32x128xf32, #tpu.memory_space<hbm>>
    %dma_wait3A_462 = arith.constant 0 : i32
    %dma_wait3A_463 = arith.constant 0 : i32
    %dma_wait3A_464 = tpu.memref_slice %arg9[%dma_wait3A_454, %dma_wait3A_462, %dma_wait3A_463] : memref<8x32x128xf32, #tpu.memory_space<vmem>> -> memref<1x32x128xf32, #tpu.memory_space<vmem>>
    %dma_wait3A_465 = tpu.memref_squeeze %dma_wait3A_464 : memref<1x32x128xf32, #tpu.memory_space<vmem>> -> memref<32x128xf32, #tpu.memory_space<vmem>>
    %dma_wait3A_466 = arith.constant 0 : i32
    %dma_wait3A_467 = arith.constant 0 : i32
    %dma_wait3A_468 = tpu.memref_slice %arg4[%dma_wait3A_466, %dma_wait3A_467] : memref<32x1000000xf32, #tpu.memory_space<hbm>> -> memref<32x128xf32, #tpu.memory_space<hbm>>
    tpu.wait_dma2 semaphore(%arg16 : memref<!tpu.dma_semaphore, #tpu.memory_space<semaphore_mem>>) src(%dma_wait3A_468 : memref<32x128xf32, #tpu.memory_space<hbm>>) dst(%dma_wait3A_465 : memref<32x128xf32, #tpu.memory_space<vmem>>)
    %dma_wait3A_469 = arith.constant 7 : i32
    %dma_wait3A_470 = arith.constant 0 : i32
    %dma_wait3A_471 = arith.constant 0 : i32
    %dma_wait3A_472 = tpu.memref_slice %arg9[%dma_wait3A_469, %dma_wait3A_470, %dma_wait3A_471] : memref<8x32x128xf32, #tpu.memory_space<vmem>> -> memref<1x32x128xf32, #tpu.memory_space<vmem>>
    %dma_wait3A_473 = tpu.memref_squeeze %dma_wait3A_472 : memref<1x32x128xf32, #tpu.memory_space<vmem>> -> memref<32x128xf32, #tpu.memory_space<vmem>>
    %dma_wait3A_474 = arith.constant 0 : i32
    %dma_wait3A_475 = arith.constant 0 : i32
    %dma_wait3A_476 = tpu.memref_slice %arg4[%dma_wait3A_474, %dma_wait3A_475] : memref<32x1000000xf32, #tpu.memory_space<hbm>> -> memref<32x128xf32, #tpu.memory_space<hbm>>
    %dma_wait3A_477 = arith.constant 0 : i32
    %dma_wait3A_478 = arith.constant 0 : i32
    %dma_wait3A_479 = tpu.memref_slice %arg9[%dma_wait3A_469, %dma_wait3A_477, %dma_wait3A_478] : memref<8x32x128xf32, #tpu.memory_space<vmem>> -> memref<1x32x128xf32, #tpu.memory_space<vmem>>
    %dma_wait3A_480 = tpu.memref_squeeze %dma_wait3A_479 : memref<1x32x128xf32, #tpu.memory_space<vmem>> -> memref<32x128xf32, #tpu.memory_space<vmem>>
    %dma_wait3A_481 = arith.constant 0 : i32
    %dma_wait3A_482 = arith.constant 0 : i32
    %dma_wait3A_483 = tpu.memref_slice %arg4[%dma_wait3A_481, %dma_wait3A_482] : memref<32x1000000xf32, #tpu.memory_space<hbm>> -> memref<32x128xf32, #tpu.memory_space<hbm>>
    tpu.wait_dma2 semaphore(%arg16 : memref<!tpu.dma_semaphore, #tpu.memory_space<semaphore_mem>>) src(%dma_wait3A_483 : memref<32x128xf32, #tpu.memory_space<hbm>>) dst(%dma_wait3A_480 : memref<32x128xf32, #tpu.memory_space<vmem>>)
    %dma_wait3A_484 = arith.constant 0 : i32
    %dma_wait3A_485 = arith.constant 0 : i32
    %dma_wait3A_486 = arith.constant 0 : i32
    %dma_wait3A_487 = tpu.memref_slice %arg10[%dma_wait3A_484, %dma_wait3A_485, %dma_wait3A_486] : memref<8x32x128xf32, #tpu.memory_space<vmem>> -> memref<1x32x128xf32, #tpu.memory_space<vmem>>
    %dma_wait3A_488 = tpu.memref_squeeze %dma_wait3A_487 : memref<1x32x128xf32, #tpu.memory_space<vmem>> -> memref<32x128xf32, #tpu.memory_space<vmem>>
    %dma_wait3A_489 = arith.constant 0 : i32
    %dma_wait3A_490 = arith.constant 0 : i32
    %dma_wait3A_491 = tpu.memref_slice %arg4[%dma_wait3A_489, %dma_wait3A_490] : memref<32x1000000xf32, #tpu.memory_space<hbm>> -> memref<32x128xf32, #tpu.memory_space<hbm>>
    %dma_wait3A_492 = arith.constant 0 : i32
    %dma_wait3A_493 = arith.constant 0 : i32
    %dma_wait3A_494 = tpu.memref_slice %arg10[%dma_wait3A_484, %dma_wait3A_492, %dma_wait3A_493] : memref<8x32x128xf32, #tpu.memory_space<vmem>> -> memref<1x32x128xf32, #tpu.memory_space<vmem>>
    %dma_wait3A_495 = tpu.memref_squeeze %dma_wait3A_494 : memref<1x32x128xf32, #tpu.memory_space<vmem>> -> memref<32x128xf32, #tpu.memory_space<vmem>>
    %dma_wait3A_496 = arith.constant 0 : i32
    %dma_wait3A_497 = arith.constant 0 : i32
    %dma_wait3A_498 = tpu.memref_slice %arg4[%dma_wait3A_496, %dma_wait3A_497] : memref<32x1000000xf32, #tpu.memory_space<hbm>> -> memref<32x128xf32, #tpu.memory_space<hbm>>
    tpu.wait_dma2 semaphore(%arg17 : memref<!tpu.dma_semaphore, #tpu.memory_space<semaphore_mem>>) src(%dma_wait3A_498 : memref<32x128xf32, #tpu.memory_space<hbm>>) dst(%dma_wait3A_495 : memref<32x128xf32, #tpu.memory_space<vmem>>)
    %dma_wait3A_499 = arith.constant 1 : i32
    %dma_wait3A_500 = arith.constant 0 : i32
    %dma_wait3A_501 = arith.constant 0 : i32
    %dma_wait3A_502 = tpu.memref_slice %arg10[%dma_wait3A_499, %dma_wait3A_500, %dma_wait3A_501] : memref<8x32x128xf32, #tpu.memory_space<vmem>> -> memref<1x32x128xf32, #tpu.memory_space<vmem>>
    %dma_wait3A_503 = tpu.memref_squeeze %dma_wait3A_502 : memref<1x32x128xf32, #tpu.memory_space<vmem>> -> memref<32x128xf32, #tpu.memory_space<vmem>>
    %dma_wait3A_504 = arith.constant 0 : i32
    %dma_wait3A_505 = arith.constant 0 : i32
    %dma_wait3A_506 = tpu.memref_slice %arg4[%dma_wait3A_504, %dma_wait3A_505] : memref<32x1000000xf32, #tpu.memory_space<hbm>> -> memref<32x128xf32, #tpu.memory_space<hbm>>
    %dma_wait3A_507 = arith.constant 0 : i32
    %dma_wait3A_508 = arith.constant 0 : i32
    %dma_wait3A_509 = tpu.memref_slice %arg10[%dma_wait3A_499, %dma_wait3A_507, %dma_wait3A_508] : memref<8x32x128xf32, #tpu.memory_space<vmem>> -> memref<1x32x128xf32, #tpu.memory_space<vmem>>
    %dma_wait3A_510 = tpu.memref_squeeze %dma_wait3A_509 : memref<1x32x128xf32, #tpu.memory_space<vmem>> -> memref<32x128xf32, #tpu.memory_space<vmem>>
    %dma_wait3A_511 = arith.constant 0 : i32
    %dma_wait3A_512 = arith.constant 0 : i32
    %dma_wait3A_513 = tpu.memref_slice %arg4[%dma_wait3A_511, %dma_wait3A_512] : memref<32x1000000xf32, #tpu.memory_space<hbm>> -> memref<32x128xf32, #tpu.memory_space<hbm>>
    tpu.wait_dma2 semaphore(%arg17 : memref<!tpu.dma_semaphore, #tpu.memory_space<semaphore_mem>>) src(%dma_wait3A_513 : memref<32x128xf32, #tpu.memory_space<hbm>>) dst(%dma_wait3A_510 : memref<32x128xf32, #tpu.memory_space<vmem>>)
    %dma_wait3A_514 = arith.constant 2 : i32
    %dma_wait3A_515 = arith.constant 0 : i32
    %dma_wait3A_516 = arith.constant 0 : i32
    %dma_wait3A_517 = tpu.memref_slice %arg10[%dma_wait3A_514, %dma_wait3A_515, %dma_wait3A_516] : memref<8x32x128xf32, #tpu.memory_space<vmem>> -> memref<1x32x128xf32, #tpu.memory_space<vmem>>
    %dma_wait3A_518 = tpu.memref_squeeze %dma_wait3A_517 : memref<1x32x128xf32, #tpu.memory_space<vmem>> -> memref<32x128xf32, #tpu.memory_space<vmem>>
    %dma_wait3A_519 = arith.constant 0 : i32
    %dma_wait3A_520 = arith.constant 0 : i32
    %dma_wait3A_521 = tpu.memref_slice %arg4[%dma_wait3A_519, %dma_wait3A_520] : memref<32x1000000xf32, #tpu.memory_space<hbm>> -> memref<32x128xf32, #tpu.memory_space<hbm>>
    %dma_wait3A_522 = arith.constant 0 : i32
    %dma_wait3A_523 = arith.constant 0 : i32
    %dma_wait3A_524 = tpu.memref_slice %arg10[%dma_wait3A_514, %dma_wait3A_522, %dma_wait3A_523] : memref<8x32x128xf32, #tpu.memory_space<vmem>> -> memref<1x32x128xf32, #tpu.memory_space<vmem>>
    %dma_wait3A_525 = tpu.memref_squeeze %dma_wait3A_524 : memref<1x32x128xf32, #tpu.memory_space<vmem>> -> memref<32x128xf32, #tpu.memory_space<vmem>>
    %dma_wait3A_526 = arith.constant 0 : i32
    %dma_wait3A_527 = arith.constant 0 : i32
    %dma_wait3A_528 = tpu.memref_slice %arg4[%dma_wait3A_526, %dma_wait3A_527] : memref<32x1000000xf32, #tpu.memory_space<hbm>> -> memref<32x128xf32, #tpu.memory_space<hbm>>
    tpu.wait_dma2 semaphore(%arg17 : memref<!tpu.dma_semaphore, #tpu.memory_space<semaphore_mem>>) src(%dma_wait3A_528 : memref<32x128xf32, #tpu.memory_space<hbm>>) dst(%dma_wait3A_525 : memref<32x128xf32, #tpu.memory_space<vmem>>)
    %dma_wait3A_529 = arith.constant 3 : i32
    %dma_wait3A_530 = arith.constant 0 : i32
    %dma_wait3A_531 = arith.constant 0 : i32
    %dma_wait3A_532 = tpu.memref_slice %arg10[%dma_wait3A_529, %dma_wait3A_530, %dma_wait3A_531] : memref<8x32x128xf32, #tpu.memory_space<vmem>> -> memref<1x32x128xf32, #tpu.memory_space<vmem>>
    %dma_wait3A_533 = tpu.memref_squeeze %dma_wait3A_532 : memref<1x32x128xf32, #tpu.memory_space<vmem>> -> memref<32x128xf32, #tpu.memory_space<vmem>>
    %dma_wait3A_534 = arith.constant 0 : i32
    %dma_wait3A_535 = arith.constant 0 : i32
    %dma_wait3A_536 = tpu.memref_slice %arg4[%dma_wait3A_534, %dma_wait3A_535] : memref<32x1000000xf32, #tpu.memory_space<hbm>> -> memref<32x128xf32, #tpu.memory_space<hbm>>
    %dma_wait3A_537 = arith.constant 0 : i32
    %dma_wait3A_538 = arith.constant 0 : i32
    %dma_wait3A_539 = tpu.memref_slice %arg10[%dma_wait3A_529, %dma_wait3A_537, %dma_wait3A_538] : memref<8x32x128xf32, #tpu.memory_space<vmem>> -> memref<1x32x128xf32, #tpu.memory_space<vmem>>
    %dma_wait3A_540 = tpu.memref_squeeze %dma_wait3A_539 : memref<1x32x128xf32, #tpu.memory_space<vmem>> -> memref<32x128xf32, #tpu.memory_space<vmem>>
    %dma_wait3A_541 = arith.constant 0 : i32
    %dma_wait3A_542 = arith.constant 0 : i32
    %dma_wait3A_543 = tpu.memref_slice %arg4[%dma_wait3A_541, %dma_wait3A_542] : memref<32x1000000xf32, #tpu.memory_space<hbm>> -> memref<32x128xf32, #tpu.memory_space<hbm>>
    tpu.wait_dma2 semaphore(%arg17 : memref<!tpu.dma_semaphore, #tpu.memory_space<semaphore_mem>>) src(%dma_wait3A_543 : memref<32x128xf32, #tpu.memory_space<hbm>>) dst(%dma_wait3A_540 : memref<32x128xf32, #tpu.memory_space<vmem>>)
    %dma_wait3A_544 = arith.constant 4 : i32
    %dma_wait3A_545 = arith.constant 0 : i32
    %dma_wait3A_546 = arith.constant 0 : i32
    %dma_wait3A_547 = tpu.memref_slice %arg10[%dma_wait3A_544, %dma_wait3A_545, %dma_wait3A_546] : memref<8x32x128xf32, #tpu.memory_space<vmem>> -> memref<1x32x128xf32, #tpu.memory_space<vmem>>
    %dma_wait3A_548 = tpu.memref_squeeze %dma_wait3A_547 : memref<1x32x128xf32, #tpu.memory_space<vmem>> -> memref<32x128xf32, #tpu.memory_space<vmem>>
    %dma_wait3A_549 = arith.constant 0 : i32
    %dma_wait3A_550 = arith.constant 0 : i32
    %dma_wait3A_551 = tpu.memref_slice %arg4[%dma_wait3A_549, %dma_wait3A_550] : memref<32x1000000xf32, #tpu.memory_space<hbm>> -> memref<32x128xf32, #tpu.memory_space<hbm>>
    %dma_wait3A_552 = arith.constant 0 : i32
    %dma_wait3A_553 = arith.constant 0 : i32
    %dma_wait3A_554 = tpu.memref_slice %arg10[%dma_wait3A_544, %dma_wait3A_552, %dma_wait3A_553] : memref<8x32x128xf32, #tpu.memory_space<vmem>> -> memref<1x32x128xf32, #tpu.memory_space<vmem>>
    %dma_wait3A_555 = tpu.memref_squeeze %dma_wait3A_554 : memref<1x32x128xf32, #tpu.memory_space<vmem>> -> memref<32x128xf32, #tpu.memory_space<vmem>>
    %dma_wait3A_556 = arith.constant 0 : i32
    %dma_wait3A_557 = arith.constant 0 : i32
    %dma_wait3A_558 = tpu.memref_slice %arg4[%dma_wait3A_556, %dma_wait3A_557] : memref<32x1000000xf32, #tpu.memory_space<hbm>> -> memref<32x128xf32, #tpu.memory_space<hbm>>
    tpu.wait_dma2 semaphore(%arg17 : memref<!tpu.dma_semaphore, #tpu.memory_space<semaphore_mem>>) src(%dma_wait3A_558 : memref<32x128xf32, #tpu.memory_space<hbm>>) dst(%dma_wait3A_555 : memref<32x128xf32, #tpu.memory_space<vmem>>)
    %dma_wait3A_559 = arith.constant 5 : i32
    %dma_wait3A_560 = arith.constant 0 : i32
    %dma_wait3A_561 = arith.constant 0 : i32
    %dma_wait3A_562 = tpu.memref_slice %arg10[%dma_wait3A_559, %dma_wait3A_560, %dma_wait3A_561] : memref<8x32x128xf32, #tpu.memory_space<vmem>> -> memref<1x32x128xf32, #tpu.memory_space<vmem>>
    %dma_wait3A_563 = tpu.memref_squeeze %dma_wait3A_562 : memref<1x32x128xf32, #tpu.memory_space<vmem>> -> memref<32x128xf32, #tpu.memory_space<vmem>>
    %dma_wait3A_564 = arith.constant 0 : i32
    %dma_wait3A_565 = arith.constant 0 : i32
    %dma_wait3A_566 = tpu.memref_slice %arg4[%dma_wait3A_564, %dma_wait3A_565] : memref<32x1000000xf32, #tpu.memory_space<hbm>> -> memref<32x128xf32, #tpu.memory_space<hbm>>
    %dma_wait3A_567 = arith.constant 0 : i32
    %dma_wait3A_568 = arith.constant 0 : i32
    %dma_wait3A_569 = tpu.memref_slice %arg10[%dma_wait3A_559, %dma_wait3A_567, %dma_wait3A_568] : memref<8x32x128xf32, #tpu.memory_space<vmem>> -> memref<1x32x128xf32, #tpu.memory_space<vmem>>
    %dma_wait3A_570 = tpu.memref_squeeze %dma_wait3A_569 : memref<1x32x128xf32, #tpu.memory_space<vmem>> -> memref<32x128xf32, #tpu.memory_space<vmem>>
    %dma_wait3A_571 = arith.constant 0 : i32
    %dma_wait3A_572 = arith.constant 0 : i32
    %dma_wait3A_573 = tpu.memref_slice %arg4[%dma_wait3A_571, %dma_wait3A_572] : memref<32x1000000xf32, #tpu.memory_space<hbm>> -> memref<32x128xf32, #tpu.memory_space<hbm>>
    tpu.wait_dma2 semaphore(%arg17 : memref<!tpu.dma_semaphore, #tpu.memory_space<semaphore_mem>>) src(%dma_wait3A_573 : memref<32x128xf32, #tpu.memory_space<hbm>>) dst(%dma_wait3A_570 : memref<32x128xf32, #tpu.memory_space<vmem>>)
    %dma_wait3A_574 = arith.constant 6 : i32
    %dma_wait3A_575 = arith.constant 0 : i32
    %dma_wait3A_576 = arith.constant 0 : i32
    %dma_wait3A_577 = tpu.memref_slice %arg10[%dma_wait3A_574, %dma_wait3A_575, %dma_wait3A_576] : memref<8x32x128xf32, #tpu.memory_space<vmem>> -> memref<1x32x128xf32, #tpu.memory_space<vmem>>
    %dma_wait3A_578 = tpu.memref_squeeze %dma_wait3A_577 : memref<1x32x128xf32, #tpu.memory_space<vmem>> -> memref<32x128xf32, #tpu.memory_space<vmem>>
    %dma_wait3A_579 = arith.constant 0 : i32
    %dma_wait3A_580 = arith.constant 0 : i32
    %dma_wait3A_581 = tpu.memref_slice %arg4[%dma_wait3A_579, %dma_wait3A_580] : memref<32x1000000xf32, #tpu.memory_space<hbm>> -> memref<32x128xf32, #tpu.memory_space<hbm>>
    %dma_wait3A_582 = arith.constant 0 : i32
    %dma_wait3A_583 = arith.constant 0 : i32
    %dma_wait3A_584 = tpu.memref_slice %arg10[%dma_wait3A_574, %dma_wait3A_582, %dma_wait3A_583] : memref<8x32x128xf32, #tpu.memory_space<vmem>> -> memref<1x32x128xf32, #tpu.memory_space<vmem>>
    %dma_wait3A_585 = tpu.memref_squeeze %dma_wait3A_584 : memref<1x32x128xf32, #tpu.memory_space<vmem>> -> memref<32x128xf32, #tpu.memory_space<vmem>>
    %dma_wait3A_586 = arith.constant 0 : i32
    %dma_wait3A_587 = arith.constant 0 : i32
    %dma_wait3A_588 = tpu.memref_slice %arg4[%dma_wait3A_586, %dma_wait3A_587] : memref<32x1000000xf32, #tpu.memory_space<hbm>> -> memref<32x128xf32, #tpu.memory_space<hbm>>
    tpu.wait_dma2 semaphore(%arg17 : memref<!tpu.dma_semaphore, #tpu.memory_space<semaphore_mem>>) src(%dma_wait3A_588 : memref<32x128xf32, #tpu.memory_space<hbm>>) dst(%dma_wait3A_585 : memref<32x128xf32, #tpu.memory_space<vmem>>)
    %dma_wait3A_589 = arith.constant 7 : i32
    %dma_wait3A_590 = arith.constant 0 : i32
    %dma_wait3A_591 = arith.constant 0 : i32
    %dma_wait3A_592 = tpu.memref_slice %arg10[%dma_wait3A_589, %dma_wait3A_590, %dma_wait3A_591] : memref<8x32x128xf32, #tpu.memory_space<vmem>> -> memref<1x32x128xf32, #tpu.memory_space<vmem>>
    %dma_wait3A_593 = tpu.memref_squeeze %dma_wait3A_592 : memref<1x32x128xf32, #tpu.memory_space<vmem>> -> memref<32x128xf32, #tpu.memory_space<vmem>>
    %dma_wait3A_594 = arith.constant 0 : i32
    %dma_wait3A_595 = arith.constant 0 : i32
    %dma_wait3A_596 = tpu.memref_slice %arg4[%dma_wait3A_594, %dma_wait3A_595] : memref<32x1000000xf32, #tpu.memory_space<hbm>> -> memref<32x128xf32, #tpu.memory_space<hbm>>
    %dma_wait3A_597 = arith.constant 0 : i32
    %dma_wait3A_598 = arith.constant 0 : i32
    %dma_wait3A_599 = tpu.memref_slice %arg10[%dma_wait3A_589, %dma_wait3A_597, %dma_wait3A_598] : memref<8x32x128xf32, #tpu.memory_space<vmem>> -> memref<1x32x128xf32, #tpu.memory_space<vmem>>
    %dma_wait3A_600 = tpu.memref_squeeze %dma_wait3A_599 : memref<1x32x128xf32, #tpu.memory_space<vmem>> -> memref<32x128xf32, #tpu.memory_space<vmem>>
    %dma_wait3A_601 = arith.constant 0 : i32
    %dma_wait3A_602 = arith.constant 0 : i32
    %dma_wait3A_603 = tpu.memref_slice %arg4[%dma_wait3A_601, %dma_wait3A_602] : memref<32x1000000xf32, #tpu.memory_space<hbm>> -> memref<32x128xf32, #tpu.memory_space<hbm>>
    tpu.wait_dma2 semaphore(%arg17 : memref<!tpu.dma_semaphore, #tpu.memory_space<semaphore_mem>>) src(%dma_wait3A_603 : memref<32x128xf32, #tpu.memory_space<hbm>>) dst(%dma_wait3A_600 : memref<32x128xf32, #tpu.memory_space<vmem>>)
    %mul3A_604 = arith.constant 512 : i32
    %mul3A_605 = arith.muli %add3A, %mul3A_604 : i32
    "tpu.region"() ({
      %run_scoped3A = tpu.sem_alloc : memref<!tpu.dma_semaphore, #tpu.memory_space<semaphore_mem>>
      %dma_start3A_606 = tpu.memref_slice %arg6[%mul3A_605] : memref<16384xf32, #tpu.memory_space<hbm>> -> memref<512xf32, #tpu.memory_space<hbm>>
      %dma_start3A_607 = tpu.memref_slice %arg6[%mul3A_605] : memref<16384xf32, #tpu.memory_space<hbm>> -> memref<512xf32, #tpu.memory_space<hbm>>
      tpu.enqueue_dma source(%arg15 : memref<512xf32, #tpu.memory_space<vmem>>) target(%dma_start3A_607 : memref<512xf32, #tpu.memory_space<hbm>>) target_semaphore(%run_scoped3A : memref<!tpu.dma_semaphore, #tpu.memory_space<semaphore_mem>>)
      %dma_wait3A_608 = tpu.memref_slice %arg6[%mul3A_605] : memref<16384xf32, #tpu.memory_space<hbm>> -> memref<512xf32, #tpu.memory_space<hbm>>
      %dma_wait3A_609 = tpu.memref_slice %arg6[%mul3A_605] : memref<16384xf32, #tpu.memory_space<hbm>> -> memref<512xf32, #tpu.memory_space<hbm>>
      tpu.wait_dma2 semaphore(%run_scoped3A : memref<!tpu.dma_semaphore, #tpu.memory_space<semaphore_mem>>) src(%arg15 : memref<512xf32, #tpu.memory_space<vmem>>) dst(%dma_wait3A_609 : memref<512xf32, #tpu.memory_space<hbm>>)
      tpu.yield
    }) : () -> ()
    return
  }
}

</mosaic_0001>

<sc_bundles>
// kernel: _run.3.cloned.1.call-start
scs
__scs_entry_jumppad:
0x0: {  	(pc) =	sbr.rel $0x88, $3  }
0x1: {  	(tag) =	ssettag $0x0;
	lr =	simm.s32 $0x1  }
0x2: {  	[smem:$0x3F9D] =	sst lr;
	_ =	strace $0xD0000000  }
0x3: {  	_ = 	snop  }
0x4: {  	_ = 	snop  }
0x5: {  	_ = 	snop  }
0x6: {  	_ = 	snop  }
0x7: {  	_ = 	snop  }
__scs_overlays_trampoline_lowered:
0x8: {  	[smem:$0x3FAC] =	sst s0  }
0x9: {  	[smem:$0x3FAD] =	sst s1  }
0xa: {  	[smem:$0x3FAE] =	sst s2  }
0xb: {  	[smem:$0x3FAF] =	sst s3  }
0xc: {  	[smem:$0x3FB0] =	sst s4  }
0xd: {  	[smem:$0x3FB1] =	sst s5  }
0xe: {  	[smem:$0x3FB2] =	sst s6  }
0xf: {  	[smem:$0x3FB3] =	sst s7  }
0x10: {  	[smem:$0x3FB4] =	sst s8  }
0x11: {  	[smem:$0x3FB5] =	sst s9;
	s0 =	simm.s32 @!p0 $0x0  }
0x12: {  	s1 =	sld [smem:$0x3F9B];
	s0 =	simm.s32 @p0 $0x1  }
0x13: {  	[smem:$0x3FB6] =	sst s0;
	s0 =	simm.s32 @!p1 $0x0  }
0x14: {  	s2 =	sld [smem:$0x3F9A];
	s0 =	simm.s32 @p1 $0x1  }
0x15: {  	[smem:$0x3FB7] =	sst s0;
	s0 =	simm.s32 @!p2 $0x0  }
0x16: {  	s3 =	sld [smem:$0x3FDB];
	s0 =	simm.s32 @p2 $0x1  }
0x17: {  	s4 =	simm.s32 $0x1BF5;
	[smem:$0x3FB9] =	sst s0  }
0x18: {  	s0 =	sld [smem:$0x3F9C];
	_ =	swait.ge [sflag:s4], $0x0  }
0x19: {  	s7 =	sld [smem:$0x3F9D]  }
0x1a: {  	s8 =	sadd.s32 $0xFFFFE003, lr  }
0x1b: {  	s9 =	sadd.s32 $0xFFFFFEF7, lr;
	s5 =	simm.s32 $0xFFFFFFFF;
	p2 =	slt.u32 s8, $0xFFFFF086  }
0x1c: {  	p1 =	slt.u32 s9, $0xF7A;
	s5 =	simm.s32 @!p2 $0x0  }
0x1d: {  	s5 =	simm.s32 @p1 $0x1;
	p0 =	seq.s32 s7, s2  }
0x1e: {  	s7 =	smul.u32 @!p0 $0xF7A, s2;
	p2 =	seq.s32 @!p0 s5, $0x0  }
0x1f: {  	s9 =	smul.u32 $0xF7A, s1;
	s8 =	simm.s32 @!p0 $0x1BF5;
	p2 =	por !p2, p0  }
0x20: {  	[sflag:s8] =	ssyncset.s32 @!p0 $0xFFFFF086;
	s6 =	sadd.s32 @!p0 s3, s7;
	s7 =	simm.s32 @!p0 $0x108  }
0x21: {  	s3 =	sadd.s32 s3, s9;
	s6 =	sadd.s32 @!p0 $0x88, s6;
	s7 =	simm.s32 @p2 $0x1082  }
0x22: {  	[simem:s7], [sflag:s8] =	dma.local @!p0 [hbm:s6], $0xF7A  }
0x23: {  	s9 =	sor.u32 $0xD0000000, s2;
	s6 =	simm.s32 $0x108;
	_ =	swait.ge @!p0 [sflag:s8], $0x0  }
0x24: {  	s3 =	sadd.s32 $0x88, s3;
	s6 =	simm.s32 @!p1 $0x1082;
	[sflag:s4] =	ssyncset.s32 $0xFFFFF086  }
0x25: {  	[simem:s6], [sflag:s4] =	dma.local [hbm:s3], $0xF7A  }
0x26: {  	[smem:$0x3F9D] =	sst s1;
	(tag) =	ssettag s2;
	_ =	strace s9  }
0x27: {  	s1 =	sld [smem:$0x3FAD]  }
0x28: {  	s2 =	sld [smem:$0x3FAE]  }
0x29: {  	s4 =	sld [smem:$0x3FB0]  }
0x2a: {  	p0 =	seq.s32 s5, $0x0;
	s5 =	sld [smem:$0x3FB1]  }
0x2b: {  	s6 =	sld [smem:$0x3FB2]  }
0x2c: {  	s7 =	sld [smem:$0x3FB3]  }
0x2d: {  	s3 =	simm.s32 $0x108;
	s8 =	sld [smem:$0x3FB4]  }
0x2e: {  	s3 =	simm.s32 @!p0 $0x1082;
	s9 =	sld [smem:$0x3FB5]  }
0x2f: {  	lr =	sadd.s32 s0, s3;
	s0 =	sld [smem:$0x3FAC]  }
0x30: {  	s3 =	sld [smem:$0x3FAF]  }
0x31: {  	[smem:$0x3FB8] =	sst s10  }
0x32: {  	s10 =	sld [smem:$0x3FB6];
	_ =	sdelay $0x3  }
0x33: {  	p0 =	seq.s32 s10, $0x1;
	s10 =	sld [smem:$0x3FB8];
	_ =	sdelay $0x3  }
0x34: {  	[smem:$0x3FB8] =	sst s10  }
0x35: {  	s10 =	sld [smem:$0x3FB7];
	_ =	sdelay $0x3  }
0x36: {  	p1 =	seq.s32 s10, $0x1;
	s10 =	sld [smem:$0x3FB8];
	_ =	sdelay $0x3  }
0x37: {  	[smem:$0x3FB8] =	sst s10  }
0x38: {  	s10 =	sld [smem:$0x3FB9]  }
0x39: {  	_ = 	snop;
	(pc) =	sbr.ind lr, $3  }
0x3a: {  	_ = 	snop  }
0x3b: {  	_ = 	snop  }
0x3c: {  	p2 =	seq.s32 s10, $0x1;
	s10 =	sld [smem:$0x3FB8]  }
0x3d: {  	_ =	shalt  }
0x3e: {  	_ =	shalt  }
0x3f: {  	_ =	shalt  }
0x40: {  	_ =	shalt  }
0x41: {  	_ =	shalt  }
0x42: {  	_ =	shalt  }
0x43: {  	_ =	shalt  }
0x44: {  	_ =	shalt  }
0x45: {  	_ =	shalt  }
0x46: {  	_ =	shalt  }
0x47: {  	_ =	shalt  }
0x48: {  	_ =	shalt  }
0x49: {  	_ =	shalt  }
0x4a: {  	_ =	shalt  }
0x4b: {  	_ =	shalt  }
0x4c: {  	_ =	shalt  }
0x4d: {  	_ =	shalt  }
0x4e: {  	_ =	shalt  }
0x4f: {  	_ =	shalt  }
0x50: {  	_ =	shalt  }
0x51: {  	_ =	shalt  }
0x52: {  	_ =	shalt  }
0x53: {  	_ =	shalt  }
0x54: {  	_ =	shalt  }
0x55: {  	_ =	shalt  }
0x56: {  	_ =	shalt  }
0x57: {  	_ =	shalt  }
0x58: {  	_ =	shalt  }
0x59: {  	_ =	shalt  }
0x5a: {  	_ =	shalt  }
0x5b: {  	_ =	shalt  }
0x5c: {  	_ =	shalt  }
0x5d: {  	_ =	shalt  }
0x5e: {  	_ =	shalt  }
0x5f: {  	_ =	shalt  }
0x60: {  	_ =	shalt  }
0x61: {  	_ =	shalt  }
0x62: {  	_ =	shalt  }
0x63: {  	_ =	shalt  }
0x64: {  	_ =	shalt  }
0x65: {  	_ =	shalt  }
0x66: {  	_ =	shalt  }
0x67: {  	_ =	shalt  }
0x68: {  	_ =	shalt  }
0x69: {  	_ =	shalt  }
0x6a: {  	_ =	shalt  }
0x6b: {  	_ =	shalt  }
0x6c: {  	_ =	shalt  }
0x6d: {  	_ =	shalt  }
0x6e: {  	_ =	shalt  }
0x6f: {  	_ =	shalt  }
0x70: {  	_ =	shalt  }
0x71: {  	_ =	shalt  }
0x72: {  	_ =	shalt  }
0x73: {  	_ =	shalt  }
0x74: {  	_ =	shalt  }
0x75: {  	_ =	shalt  }
0x76: {  	_ =	shalt  }
0x77: {  	_ =	shalt  }
0x78: {  	_ =	shalt  }
0x79: {  	_ =	shalt  }
0x7a: {  	_ =	shalt  }
0x7b: {  	_ =	shalt  }
0x7c: {  	_ =	shalt  }
0x7d: {  	_ =	shalt  }
0x7e: {  	_ =	shalt  }
0x7f: {  	_ =	shalt  }
0x80: {  	_ =	shalt  }
0x81: {  	_ =	shalt  }
0x82: {  	_ =	shalt  }
0x83: {  	_ =	shalt  }
0x84: {  	_ =	shalt  }
0x85: {  	_ =	shalt  }
0x86: {  	_ =	shalt  }
0x87: {  	_ =	shalt  }
.Lfunc_end0:
.L_simem_size_0:
called_computation_lowered:
.L_overlay_start_0:
0x88: {  	s2 =	sld [smem:$0x3FD9]  }
0x89: {  	s3 =	sld [smem:$0x3FFE];
	_ =	sdelay $0x1  }
0x8a: {  	s1 =	srdreg.scid  }
0x8b: {  	s0 =	sand.u32 $0x1, s1  }
0x8c: {  	s18 =	sshll.u32 s0, $0xA;
	s2 =	sadd.s32 s3, s2  }
0x8d: {  	s2 =	sadd.s32 s2, s18  }
0x8e: {  	[smem:$0x3FC4] =	sst s2  }
0x8f: {  	_ = 	snop  }
0x90: {  	s2 =	sld [smem:$0x3FC9]  }
0x91: {  	s19 =	sld [smem:$0x3FC8]  }
0x92: {  	s4 =	sld [smem:$0x3FC7]  }
0x93: {  	s5 =	sld [smem:$0x3FC6]  }
0x94: {  	s6 =	sld [smem:$0x3FD0];
	(tm) =	ssettm $0x1  }
0x95: {  	s7 =	sld [smem:$0x3FFB];
	_ =	sdelay $0x3  }
0x96: {  	_ =	strace s7  }
0x97: {  	s7 =	sld [smem:$0x3FFC];
	_ =	sdelay $0x3  }
0x98: {  	_ =	strace s7  }
0x99: {  	s7 =	sld [smem:$0x3FFD];
	_ =	sdelay $0x3  }
0x9a: {  	_ =	strace s7  }
0x9b: {  	_ =	strace $0x8FFFFFFF  }
0x9c: {  	s20 =	sld [smem:$0x3FDB];
	_ =	sdelay $0x1  }
0x9d: {  	s8 =	simm.s32 $_scs_section_size  }
0x9e: {  	s9 =	simm.s32 $_size__tile_overlayer_lowered;
	s10 =	simm.s32 $_tile_overlayer_lowered  }
0x9f: {  	s23 =	simm.s32 $0x1BFF;
	s22 =	sshll.u32 s10, $0x1;
	s7 =	sadd.s32 s8, s20  }
0xa0: {  	s11 =	simm.s32 $0x0;
	s21 =	sshll.u32 s9, $0x1;
	s9 =	sadd.s32 s22, s7  }
0xa1: {  	[timem:s11], [sflag:s23] =	dma.local [hbm:s9], s21  }
0xa2: {  	_ =	swait.ge [sflag:s23], s21  }
0xa3: {  	s8 =	ssub.s32 $0x0, s21;
	[sflag:s23] =	ssyncset.done $0x0  }
0xa4: {  	[sflag:s23] =	ssyncadd.s32 s8;
	_ =	sdelay $0x1  }
0xa5: {  	s24 =	simm.s32 $0x1B8B  }
0xa6: {  	_ =	swait.ge [sflag:s24], $0x1  }
0xa7: {  	[sflag:s24] =	ssyncset.done $0x0  }
0xa8: {  	s25 =	simm.s32 $0x1B8E;
	[sflag:s24] =	ssyncadd.s32 $0xFFFFFFFF  }
0xa9: {  	s26 =	simm.s32 $execute0_lowered;
	[smem:$0x3FD2] =	sst s25  }
0xaa: {  	s8 =	sshll.u32 s26, $0x1;
	_ =	strace $0x80000046;
	[dreg:$0x1] =	wrdreg $0xFFFFFFFF  }
0xab: {  	s28 =	simm.s32 $_size_execute0_lowered;
	s7 =	sadd.s32 s7, s8;
	[dreg:$0x0] =	wrdreg $0x0  }
0xac: {  	s8 =	sshll.u32 s28, $0x1;
	[dreg:$0x2] =	wrdreg s7  }
0xad: {  	[dreg:$0x3] =	wrdreg s8  }
0xae: {  	[dreg:$0x4] =	wrdreg $0xC0  }
0xaf: {  	_ =	task [dreg:s11], $0x5FFFF  }
0xb0: {  	[dreg:$0x1] =	wrdreg $0xFFFFFFFF  }
0xb1: {  	[dreg:$0x0] =	wrdreg $0x60  }
0xb2: {  	[dreg:$0x2] =	wrdreg s2  }
0xb3: {  	[dreg:$0x3] =	wrdreg s19  }
0xb4: {  	[dreg:$0x4] =	wrdreg s4  }
0xb5: {  	[dreg:$0x5] =	wrdreg s5  }
0xb6: {  	[dreg:$0x6] =	wrdreg s6  }
0xb7: {  	[dreg:$0x7] =	wrdreg $0x9  }
0xb8: {  	_ =	task.clear_ibuf [dreg:s11], $0x8FFFF;
	_ =	strace $0x90000046  }
0xb9: {  	s29 =	simm.s32 $0x9;
	_ =	strace $0x80000048  }
0xba: {  	_ =	swait.ge [sflag:s29], $0x1  }
0xbb: {  	[sflag:s29] =	ssyncadd.s32 $0xFFFFFFFF  }
0xbc: {  	_ =	strace $0x90000048  }
0xbd: {  	_ =	sfence  }
0xbe: {  	s30 =	sld [smem:$0x0];
	_ =	sdelay $0x2  }
0xbf: {  	s31 =	sshll.u32 s1, $0xD;
	s1 =	sshrl.u32 s1, $0x2  }
0xc0: {  	s3 =	sand.u32 $0x4000, s31;
	s1 =	sadd.s32 s1, s30  }
0xc1: {  	s0 =	sor.u32 s3, s0;
	s1 =	sshll.u32 s1, $0x11  }
0xc2: {  	s0 =	sor.u32 s1, s0  }
0xc3: {  	s0 =	sadd.s32 $0x8F2B, s0  }
0xc4: {  	[sflag:s0] =	ssyncadd.remote.s32 $0x1  }
0xc5: {  	_ =	sfence.sel $0xFFFF  }
0xc6: {  	[dreg:$0x0] =	wrdreg $0xFFFFFFFF;
	(pc) =	sbr.abs _section_cstart, $3  }
0xc7: {  	[dreg:$0x1] =	wrdreg $0xFFFFFFFF  }
0xc8: {  	_ =	task.clear_ibuf [dreg:s11], $0x2FFFF;
	_ =	strace $0x9FFFFFFF  }
0xc9: {  	(tm) =	ssettm $0x7FFFFFFF  }
tec
execute0_lowered:
.L_overlay_start_1:
0x0: {  	(tag) =	ssettag $0x1  }
0x1: {  	s0 =	rddreg [dreg:$0x0]  }
0x2: {  	s1 =	rddreg [dreg:$0x1]  }
0x3: {  	s21 =	rddreg [dreg:$0x2]  }
0x4: {  	s18 =	rddreg [dreg:$0x3]  }
0x5: {  	s2 =	rddreg [dreg:$0x4];
	s11 =	simm.s32 $0x0;
	s3 =	srdreg.scid  }
0x6: {  	s5 =	stileid.u32;
	s12 =	simm.s32 $0x400;
	s23 =	simm.s32 $0x7A1400  }
0x7: {  	s8 =	simm.s32 $0x1400;
	s10 =	simm.s32 $0x2400;
	s16 =	simm.s32 $0x3400  }
0x8: {  	s17 =	simm.s32 $0x4400;
	s28 =	simm.s32 $0x5400;
	s20 =	simm.s32 $0x6400  }
0x9: {  	s24 =	simm.s32 $0x8400;
	s14 =	simm.s32 $0xA400;
	s13 =	simm.s32 $0x19C00  }
0xa: {  	s15 =	simm.s32 $0x18C00;
	[smem:$0x7FF] =	sst s11;
	s3 =	sand.u32 $0x1, s3  }
0xb: {  	v0 =	vlaneseq.u32;
	s5 =	sshll.u32 s5, $0x7;
	s26 =	sadd.s32 $0xF4200, s21;
	s29 =	sadd.s32 $0xF4200, s18  }
0xc: {  	v0 =	vmul.u32 $0x80, v0;
	s4 =	ssub.s32 $0x2, s3;
	_ =	strace $0x80000047;
	[dreg:$0x8] =	wrdreg s26  }
0xd: {  	s3 =	sshll.u32 s3, $0x6;
	[dreg:$0x9] =	wrdreg s29;
	s26 =	simm.s32 $0x7400  }
0xe: {  	s6 =	sshrl.u32 s4, $0x1;
	s7 =	sor.u32 s3, s5;
	s30 =	sadd.s32 s2, s3;
	v1 =	vor.u32 $0x800, v0  }
0xf: {  	s3 =	simm.s32 $0x18C00;
	v2 =	vor.u32 $0x1, v0;
	v3 =	vor.u32 $0x2, v0;
	v4 =	vor.u32 $0x3, v0;
	s2 =	simm.s32 $0x0;
	s0 =	sadd.s32 s0, s7  }
0x10: {  	v5 =	vor.u32 $0x4, v0;
	v6 =	vor.u32 $0x5, v0;
	v7 =	vor.u32 $0x6, v0;
	s4 =	ssub.s32 s4, s6;
	s25 =	sadd.s32 s1, s7;
	[dreg:$0x6] =	wrdreg s0  }
0x11: {  	v8 =	vor.u32 $0x7, v0;
	v9 =	vor.u32 $0x8, v0;
	v10 =	vor.u32 $0x9, v0;
	s1 =	simm.s32 $0x4;
	[dreg:$0x7] =	wrdreg s25;
	s0 =	sadd.s32 s5, s30  }
0x12: {  	v11 =	vor.u32 $0xA, v0;
	v12 =	vor.u32 $0xB, v0;
	v13 =	vor.u32 $0xC, v0;
	s31 =	smax.u32 s4, $0x1;
	s5 =	simm.s32 $0x19C00;
	[dreg:$0xa] =	wrdreg s0  }
0x13: {  	v14 =	vor.u32 $0xD, v0;
	v15 =	vor.u32 $0xE, v0;
	v16 =	vor.u32 $0xF, v0;
	s25 =	simm.s32 $0x9400;
	s4 =	simm.s32 $0x1;
	[dreg:$0xb] =	wrdreg s31  }
.LBB2_1:
0x14: {  	[dreg:$0xc] =	wrdreg s2  }
0x15: {  	s0 =	rddreg [dreg:$0x6]  }
0x16: {  	[tilespmem:s11], [sflag:$0x4] =	stream.linear.gather [hbm4b:s0+s11], $0x200, $0x38;
	[tilespmem:$0x1AE00] =	vst v63  }
0x17: {  	_ =	swait.ge [sflag:s1], $0x200  }
0x18: {  	[sflag:s1] =	ssyncset.done $0x0  }
0x19: {  	s6 =	simm.s32 $0x200;
	s7 =	rddreg [dreg:$0x7];
	[sflag:s1] =	ssyncadd.s32 $0xFFFFFE00  }
0x1a: {  	[tilespmem:s6], [sflag:$0x4] =	stream.linear.gather [hbm4b:s7+s11], $0x200, $0x38;
	[tilespmem:$0x1AE00] =	vst v63  }
0x1b: {  	_ =	swait.ge [sflag:s1], $0x200  }
0x1c: {  	[sflag:s1] =	ssyncset.done $0x0  }
0x1d: {  	s9 =	rddreg [dreg:$0x8];
	[sflag:s1] =	ssyncadd.s32 $0xFFFFFE00  }
0x1e: {  	[tilespmem:s3], [sflag:$0x4] =	stream.strided.gather [hbm4b:s9+s12], $0x1000, s23, s12, $0x38;
	[tilespmem:$0x1AE00] =	vst v63  }
0x1f: {  	_ =	swait.ge [sflag:s1], $0x1000  }
0x20: {  	[sflag:s1] =	ssyncset.done $0x0  }
0x21: {  	s11 =	rddreg [dreg:$0x9];
	[sflag:s1] =	ssyncadd.s32 $0xFFFFF000  }
0x22: {  	[tilespmem:s5], [sflag:$0x4] =	stream.strided.gather [hbm4b:s11+s12], $0x1000, s23, s12, $0x38;
	[tilespmem:$0x1AE00] =	vst v63  }
0x23: {  	_ =	swait.ge [sflag:s1], $0x1000  }
0x24: {  	[sflag:s1] =	ssyncset.done $0x0  }
0x25: {  	[sflag:s1] =	ssyncadd.s32 $0xFFFFF000  }
0x26: {  	v17 =	vld [tilespmem:$0x0];
	_ =	sdelay $0x4  }
0x27: {  	(v2sf) =	vpush v17, $0x2  }
0x28: {  	(v2sf) =	vpush v17, $0x3  }
0x29: {  	(v2sf) =	vpush v17, $0x4  }
0x2a: {  	(v2sf) =	vpush v17, $0x5  }
0x2b: {  	(v2sf) =	vpush v17, $0x6  }
0x2c: {  	(v2sf) =	vpush v17, $0x7  }
0x2d: {  	(v2sf) =	vpush v17, $0x0;
	_ =	sdelay $0x3  }
0x2e: {  	(v2sf) =	vpush v17, $0x1;
	_ =	sdelay $0x4  }
0x2f: {  	s19 =	spop (v2sf)  }
0x30: {  	s29 =	spop (v2sf)  }
0x31: {  	s30 =	spop (v2sf)  }
0x32: {  	s31 =	spop (v2sf)  }
0x33: {  	s6 =	spop (v2sf)  }
0x34: {  	s9 =	spop (v2sf)  }
0x35: {  	s7 =	spop (v2sf)  }
0x36: {  	s7 =	sand.u32 $0xFFFFFF80, s7  }
0x37: {  	p0 =	slt.s32 s7, $0xF4180  }
0x38: {  	s7 =	simm.s32 @!p0 $0xF4180  }
0x39: {  	s5 =	spop (v2sf);
	s7 =	sadd.s32 s21, s7  }
0x3a: {  	v17 =	vld [tilespmem:$0x200];
	[tilespmem:s12], [sflag:$0x1] =	stream.strided.gather [hbm4b:s7+s12], $0x1000, s23, s12, $0x38  }
0x3b: {  	s7 =	sand.u32 $0xFFFFFF80, s5  }
0x3c: {  	s0 =	sand.u32 $0xFFFFFF80, s19;
	p0 =	slt.s32 s7, $0xF4180  }
0x3d: {  	s7 =	simm.s32 @!p0 $0xF4180;
	p0 =	slt.s32 s0, $0xF4180  }
0x3e: {  	s7 =	sadd.s32 s21, s7;
	s0 =	simm.s32 @!p0 $0xF4180  }
0x3f: {  	(v2sf) =	vpush v17, $0x2;
	[tilespmem:s8], [sflag:$0x1] =	stream.strided.gather [hbm4b:s7+s12], $0x1000, s23, s12, $0x38;
	[tilespmem:$0x1AE00] =	vst v63  }
0x40: {  	(v2sf) =	vpush v17, $0x3;
	s0 =	sadd.s32 s21, s0  }
0x41: {  	[tilespmem:s10], [sflag:$0x1] =	stream.strided.gather [hbm4b:s0+s12], $0x1000, s23, s12, $0x38;
	[tilespmem:$0x1AE00] =	vst v63  }
0x42: {  	(v2sf) =	vpush v17, $0x4;
	s0 =	sand.u32 $0xFFFFFF80, s29  }
0x43: {  	(v2sf) =	vpush v17, $0x5;
	p0 =	slt.s32 s0, $0xF4180  }
0x44: {  	(v2sf) =	vpush v17, $0x6;
	s0 =	simm.s32 @!p0 $0xF4180  }
0x45: {  	(v2sf) =	vpush v17, $0x7;
	s0 =	sadd.s32 s21, s0  }
0x46: {  	[tilespmem:s16], [sflag:$0x1] =	stream.strided.gather [hbm4b:s0+s12], $0x1000, s23, s12, $0x38;
	[tilespmem:$0x1AE00] =	vst v63  }
0x47: {  	(v2sf) =	vpush v17, $0x0;
	s0 =	sand.u32 $0xFFFFFF80, s30  }
0x48: {  	p0 =	slt.s32 s0, $0xF4180  }
0x49: {  	s0 =	simm.s32 @!p0 $0xF4180  }
0x4a: {  	s0 =	sadd.s32 s21, s0  }
0x4b: {  	[tilespmem:s17], [sflag:$0x1] =	stream.strided.gather [hbm4b:s0+s12], $0x1000, s23, s12, $0x38;
	[tilespmem:$0x1AE00] =	vst v63  }
0x4c: {  	s0 =	sand.u32 $0xFFFFFF80, s31  }
0x4d: {  	p0 =	slt.s32 s0, $0xF4180  }
0x4e: {  	(v2sf) =	vpush v17, $0x1;
	s8 =	spop (v2sf);
	s0 =	simm.s32 @!p0 $0xF4180  }
0x4f: {  	s10 =	spop (v2sf);
	s0 =	sadd.s32 s21, s0  }
0x50: {  	[tilespmem:s28], [sflag:$0x1] =	stream.strided.gather [hbm4b:s0+s12], $0x1000, s23, s12, $0x38;
	[tilespmem:$0x1AE00] =	vst v63  }
0x51: {  	s11 =	spop (v2sf);
	s0 =	sand.u32 $0xFFFFFF80, s6  }
0x52: {  	s3 =	sand.u32 $0xFFFFFF80, s9;
	s16 =	spop (v2sf);
	p0 =	slt.s32 s0, $0xF4180  }
0x53: {  	s17 =	spop (v2sf);
	s0 =	simm.s32 @!p0 $0xF4180;
	p0 =	slt.s32 s3, $0xF4180  }
0x54: {  	s19 =	spop (v2sf);
	s0 =	sadd.s32 s21, s0;
	s3 =	simm.s32 @!p0 $0xF4180  }
0x55: {  	[tilespmem:s20], [sflag:$0x1] =	stream.strided.gather [hbm4b:s0+s12], $0x1000, s23, s12, $0x38;
	[tilespmem:$0x1AE00] =	vst v63  }
0x56: {  	s3 =	sadd.s32 s21, s3;
	s20 =	spop (v2sf)  }
0x57: {  	[tilespmem:s26], [sflag:$0x1] =	stream.strided.gather [hbm4b:s3+s12], $0x1000, s23, s12, $0x38;
	[tilespmem:$0x1AE00] =	vst v63  }
0x58: {  	s3 =	sand.u32 $0xFFFFFF80, s20  }
0x59: {  	p0 =	slt.s32 s3, $0xF4180  }
0x5a: {  	s3 =	simm.s32 @!p0 $0xF4180  }
0x5b: {  	s3 =	sadd.s32 s18, s3  }
0x5c: {  	[tilespmem:s24], [sflag:$0x2] =	stream.strided.gather [hbm4b:s3+s12], $0x1000, s23, s12, $0x38;
	[tilespmem:$0x1AE00] =	vst v63  }
0x5d: {  	s24 =	spop (v2sf)  }
0x5e: {  	s3 =	sand.u32 $0xFFFFFF80, s24  }
0x5f: {  	s1 =	sand.u32 $0xFFFFFF80, s8;
	p0 =	slt.s32 s3, $0xF4180  }
0x60: {  	s3 =	simm.s32 @!p0 $0xF4180;
	p0 =	slt.s32 s1, $0xF4180  }
0x61: {  	s3 =	sadd.s32 s18, s3;
	s1 =	simm.s32 @!p0 $0xF4180  }
0x62: {  	[tilespmem:s25], [sflag:$0x2] =	stream.strided.gather [hbm4b:s3+s12], $0x1000, s23, s12, $0x38;
	[tilespmem:$0x1AE00] =	vst v63  }
0x63: {  	s1 =	sadd.s32 s18, s1  }
0x64: {  	[tilespmem:s14], [sflag:$0x2] =	stream.strided.gather [hbm4b:s1+s12], $0x1000, s23, s12, $0x38;
	[tilespmem:$0x1AE00] =	vst v63  }
0x65: {  	s1 =	sand.u32 $0xFFFFFF80, s10  }
0x66: {  	s0 =	sand.u32 $0xFFFFFF80, s11;
	p0 =	slt.s32 s1, $0xF4180  }
0x67: {  	s1 =	simm.s32 @!p0 $0xF4180;
	p0 =	slt.s32 s0, $0xF4180  }
0x68: {  	s26 =	simm.s32 $0xB400;
	s1 =	sadd.s32 s18, s1;
	s0 =	simm.s32 @!p0 $0xF4180  }
0x69: {  	[tilespmem:s26], [sflag:$0x2] =	stream.strided.gather [hbm4b:s1+s12], $0x1000, s23, s12, $0x38;
	[tilespmem:$0x1AE00] =	vst v63  }
0x6a: {  	s28 =	simm.s32 $0xC400;
	s0 =	sadd.s32 s18, s0  }
0x6b: {  	[tilespmem:s28], [sflag:$0x2] =	stream.strided.gather [hbm4b:s0+s12], $0x1000, s23, s12, $0x38;
	[tilespmem:$0x1AE00] =	vst v63  }
0x6c: {  	s0 =	sand.u32 $0xFFFFFF80, s16  }
0x6d: {  	p0 =	slt.s32 s0, $0xF4180  }
0x6e: {  	s0 =	simm.s32 @!p0 $0xF4180  }
0x6f: {  	s29 =	simm.s32 $0xD400;
	s0 =	sadd.s32 s18, s0  }
0x70: {  	[tilespmem:s29], [sflag:$0x2] =	stream.strided.gather [hbm4b:s0+s12], $0x1000, s23, s12, $0x38;
	[tilespmem:$0x1AE00] =	vst v63  }
0x71: {  	s0 =	sand.u32 $0xFFFFFF80, s17  }
0x72: {  	p0 =	slt.s32 s0, $0xF4180  }
0x73: {  	s0 =	simm.s32 @!p0 $0xF4180  }
0x74: {  	s30 =	simm.s32 $0xE400;
	s0 =	sadd.s32 s18, s0  }
0x75: {  	[tilespmem:s30], [sflag:$0x2] =	stream.strided.gather [hbm4b:s0+s12], $0x1000, s23, s12, $0x38;
	[tilespmem:$0x1AE00] =	vst v63  }
0x76: {  	s0 =	sand.u32 $0xFFFFFF80, s19  }
0x77: {  	p0 =	slt.s32 s0, $0xF4180  }
0x78: {  	s22 =	simm.s32 $0x200;
	s5 =	simm.s32 $0x11400;
	s0 =	simm.s32 @!p0 $0xF4180  }
0x79: {  	s31 =	simm.s32 $0xF400;
	s20 =	simm.s32 $0x10400;
	s0 =	sadd.s32 s18, s0  }
0x7a: {  	[tilespmem:s31], [sflag:$0x2] =	stream.strided.gather [hbm4b:s0+s12], $0x1000, s23, s12, $0x38;
	[tilespmem:$0x1AE00] =	vst v63  }
0x7b: {  	s1 =	simm.s32 $0x1AC00;
	s17 =	simm.s32 $0x1;
	s0 =	simm.s32 $0x0  }
.LBB2_2:
0x7c: {  	v17 =	vld [tilespmem:s0+$0x0];
	_ =	sdelay $0x4  }
0x7d: {  	(v2sf) =	vpush v17, $0x0  }
0x7e: {  	(v2sf) =	vpush v17, $0x1  }
0x7f: {  	(v2sf) =	vpush v17, $0x2  }
0x80: {  	v19 =	vld [tilespmem:s22+$0x0];
	(v2sf) =	vpush v17, $0x3  }
0x81: {  	(v2sf) =	vpush v17, $0x4  }
0x82: {  	(v2sf) =	vpush v17, $0x5  }
0x83: {  	(v2sf) =	vpush v17, $0x6  }
0x84: {  	(v2sf) =	vpush v17, $0x7  }
0x85: {  	(v2sf) =	vpush v19, $0x0  }
0x86: {  	(v2sf) =	vpush v19, $0x1  }
0x87: {  	(v2sf) =	vpush v19, $0x2  }
0x88: {  	(v2sf) =	vpush v19, $0x3  }
0x89: {  	(v2sf) =	vpush v19, $0x4  }
0x8a: {  	(v2sf) =	vpush v19, $0x5  }
0x8b: {  	(v2sf) =	vpush v19, $0x6  }
0x8c: {  	s16 =	spop (v2sf);
	(v2sf) =	vpush v19, $0x7  }
0x8d: {  	s28 =	spop (v2sf);
	(v2sf) =	vpush v17, $0x8  }
0x8e: {  	s30 =	spop (v2sf);
	(v2sf) =	vpush v17, $0x9  }
0x8f: {  	[dreg:$0xd] =	wrdreg s0;
	s0 =	spop (v2sf);
	(v2sf) =	vpush v17, $0xA  }
0x90: {  	[dreg:$0xf] =	wrdreg s1;
	s1 =	spop (v2sf);
	(v2sf) =	vpush v17, $0xB  }
0x91: {  	s7 =	spop (v2sf);
	(v2sf) =	vpush v17, $0xC  }
0x92: {  	s2 =	spop (v2sf);
	(v2sf) =	vpush v17, $0xD  }
0x93: {  	s10 =	spop (v2sf);
	(v2sf) =	vpush v17, $0xE  }
0x94: {  	[smem:$0x7F6] =	sst s2;
	s2 =	spop (v2sf);
	(v2sf) =	vpush v17, $0xF  }
0x95: {  	[dreg:$0x10] =	wrdreg s22;
	s22 =	spop (v2sf);
	(v2sf) =	vpush v19, $0x8  }
0x96: {  	s29 =	spop (v2sf)  }
0x97: {  	s31 =	spop (v2sf)  }
0x98: {  	s3 =	spop (v2sf)  }
0x99: {  	s11 =	spop (v2sf)  }
0x9a: {  	s14 =	spop (v2sf)  }
0x9b: {  	(v2sf) =	vpush v19, $0x9;
	s19 =	spop (v2sf)  }
0x9c: {  	s9 =	spop (v2sf)  }
0x9d: {  	s8 =	spop (v2sf)  }
0x9e: {  	[dreg:$0x1a] =	wrdreg s14;
	s14 =	spop (v2sf)  }
0x9f: {  	[dreg:$0x1d] =	wrdreg s11;
	s11 =	spop (v2sf)  }
0xa0: {  	s6 =	spop (v2sf)  }
0xa1: {  	[smem:$0x7F2] =	sst s3;
	s3 =	spop (v2sf);
	(v2sf) =	vpush v19, $0xA  }
0xa2: {  	[smem:$0x7F1] =	sst s10;
	s10 =	spop (v2sf)  }
0xa3: {  	s26 =	spop (v2sf)  }
0xa4: {  	[dreg:$0xe] =	wrdreg s17;
	s25 =	spop (v2sf)  }
0xa5: {  	[dreg:$0x19] =	wrdreg s19;
	s19 =	smin.u32 s17, $0x1F;
	(v2sf) =	vpush v19, $0xB;
	s17 =	sand.u32 $0xFFFFFF80, s25  }
0xa6: {  	p0 =	slt.s32 s17, $0xF4180  }
0xa7: {  	s19 =	sshll.u32 s19, $0x4;
	s17 =	simm.s32 @!p0 $0xF4180  }
0xa8: {  	v18 =	vld [tilespmem:s19+$0x0];
	s17 =	sadd.s32 s18, s17  }
0xa9: {  	v17 =	vld [tilespmem:s19+$0x200];
	[tilespmem:s20], [sflag:$0x3] =	stream.strided.gather [hbm4b:s17+s12], $0x1000, s23, s12, $0x38  }
0xaa: {  	(v2sf) =	vpush v19, $0xC;
	s24 =	spop (v2sf)  }
0xab: {  	s17 =	sand.u32 $0xFFFFFF80, s24  }
0xac: {  	p0 =	slt.s32 s17, $0xF4180  }
0xad: {  	s17 =	simm.s32 @!p0 $0xF4180  }
0xae: {  	s17 =	sadd.s32 s18, s17  }
0xaf: {  	(v2sf) =	vpush v19, $0xD;
	[tilespmem:s5], [sflag:$0x3] =	stream.strided.gather [hbm4b:s17+s12], $0x1000, s23, s12, $0x38;
	[tilespmem:$0x1AE00] =	vst v63  }
0xb0: {  	[dreg:$0x18] =	wrdreg s25;
	s25 =	spop (v2sf)  }
0xb1: {  	s17 =	sand.u32 $0xFFFFFF80, s25  }
0xb2: {  	p0 =	slt.s32 s17, $0xF4180  }
0xb3: {  	s17 =	simm.s32 @!p0 $0xF4180  }
0xb4: {  	(v2sf) =	vpush v19, $0xE;
	s5 =	simm.s32 $0x12400;
	s20 =	spop (v2sf);
	s17 =	sadd.s32 s18, s17  }
0xb5: {  	[tilespmem:s5], [sflag:$0x3] =	stream.strided.gather [hbm4b:s17+s12], $0x1000, s23, s12, $0x38;
	[tilespmem:$0x1AE00] =	vst v63  }
0xb6: {  	s17 =	sand.u32 $0xFFFFFF80, s20  }
0xb7: {  	p0 =	slt.s32 s17, $0xF4180  }
0xb8: {  	[dreg:$0x17] =	wrdreg s24;
	s24 =	simm.s32 $0x13400;
	s17 =	simm.s32 @!p0 $0xF4180  }
0xb9: {  	(v2sf) =	vpush v19, $0xF;
	[dreg:$0x16] =	wrdreg s25;
	s25 =	spop (v2sf);
	s17 =	sadd.s32 s18, s17  }
0xba: {  	[tilespmem:s24], [sflag:$0x3] =	stream.strided.gather [hbm4b:s17+s12], $0x1000, s23, s12, $0x38;
	[tilespmem:$0x1AE00] =	vst v63  }
0xbb: {  	s17 =	sand.u32 $0xFFFFFF80, s25  }
0xbc: {  	[smem:$0x7F7] =	sst s9;
	p0 =	slt.s32 s17, $0xF4180  }
0xbd: {  	[dreg:$0x15] =	wrdreg s20;
	s17 =	simm.s32 @!p0 $0xF4180  }
0xbe: {  	s5 =	simm.s32 $0x14400;
	s20 =	spop (v2sf);
	s17 =	sadd.s32 s18, s17  }
0xbf: {  	[tilespmem:s5], [sflag:$0x3] =	stream.strided.gather [hbm4b:s17+s12], $0x1000, s23, s12, $0x38;
	[tilespmem:$0x1AE00] =	vst v63  }
0xc0: {  	[smem:$0x7F8] =	sst s8;
	s17 =	sand.u32 $0xFFFFFF80, s20  }
0xc1: {  	[smem:$0x7F9] =	sst s14;
	p0 =	slt.s32 s17, $0xF4180  }
0xc2: {  	[dreg:$0x14] =	wrdreg s25;
	s17 =	simm.s32 @!p0 $0xF4180  }
0xc3: {  	s24 =	simm.s32 $0x15400;
	s25 =	spop (v2sf);
	s17 =	sadd.s32 s18, s17  }
0xc4: {  	[tilespmem:s24], [sflag:$0x3] =	stream.strided.gather [hbm4b:s17+s12], $0x1000, s23, s12, $0x38;
	[tilespmem:$0x1AE00] =	vst v63  }
0xc5: {  	[dreg:$0x1f] =	wrdreg s11;
	s17 =	sand.u32 $0xFFFFFF80, s25  }
0xc6: {  	[dreg:$0x1e] =	wrdreg s6;
	p0 =	slt.s32 s17, $0xF4180  }
0xc7: {  	[dreg:$0x1c] =	wrdreg s3;
	s17 =	simm.s32 @!p0 $0xF4180  }
0xc8: {  	s19 =	spop (v2sf);
	s5 =	simm.s32 $0x16400;
	s17 =	sadd.s32 s18, s17  }
0xc9: {  	[tilespmem:s5], [sflag:$0x3] =	stream.strided.gather [hbm4b:s17+s12], $0x1000, s23, s12, $0x38;
	[tilespmem:$0x1AE00] =	vst v63  }
0xca: {  	[dreg:$0x1b] =	wrdreg s26;
	s17 =	sand.u32 $0xFFFFFF80, s19  }
0xcb: {  	[dreg:$0x13] =	wrdreg s20;
	p0 =	slt.s32 s17, $0xF4180  }
0xcc: {  	[dreg:$0x12] =	wrdreg s25;
	s17 =	simm.s32 @!p0 $0xF4180  }
0xcd: {  	[dreg:$0x11] =	wrdreg s19;
	s20 =	simm.s32 $0x17400;
	s17 =	sadd.s32 s18, s17  }
0xce: {  	[tilespmem:s20], [sflag:$0x3] =	stream.strided.gather [hbm4b:s17+s12], $0x1000, s23, s12, $0x38;
	[tilespmem:$0x1AE00] =	vst v63  }
0xcf: {  	_ =	swait.ge [sflag:s4], $0x1000  }
0xd0: {  	[sflag:s4] =	ssyncset.done $0x0  }
0xd1: {  	[sflag:s4] =	ssyncadd.s32 $0xFFFFF000  }
0xd2: {  	_ =	swait.ge [sflag:s4], $0x1000  }
0xd3: {  	[sflag:s4] =	ssyncset.done $0x0  }
0xd4: {  	[sflag:s4] =	ssyncadd.s32 $0xFFFFF000  }
0xd5: {  	_ =	swait.ge [sflag:s4], $0x1000  }
0xd6: {  	[sflag:s4] =	ssyncset.done $0x0  }
0xd7: {  	[sflag:s4] =	ssyncadd.s32 $0xFFFFF000  }
0xd8: {  	_ =	swait.ge [sflag:s4], $0x1000  }
0xd9: {  	[sflag:s4] =	ssyncset.done $0x0  }
0xda: {  	[sflag:s4] =	ssyncadd.s32 $0xFFFFF000  }
0xdb: {  	_ =	swait.ge [sflag:s4], $0x1000  }
0xdc: {  	[sflag:s4] =	ssyncset.done $0x0  }
0xdd: {  	[sflag:s4] =	ssyncadd.s32 $0xFFFFF000  }
0xde: {  	s17 =	sadd.s32 $0xFFF0BE00, s16;
	_ =	swait.ge [sflag:s4], $0x1000  }
0xdf: {  	p0 =	sgt.s32 s17, $0x0;
	[sflag:s4] =	ssyncset.done $0x0  }
0xe0: {  	s17 =	simm.s32 @!p0 $0x0;
	[sflag:s4] =	ssyncadd.s32 $0xFFFFF000  }
0xe1: {  	s17 =	smin.u32 s17, $0x3F;
	_ =	swait.ge [sflag:s4], $0x1000  }
0xe2: {  	s24 =	sadd.s32 $0xFFF0BE00, s28;
	s23 =	sand.u32 $0x7F, s16;
	v19 =	vor.u32 s17, v0;
	[sflag:s4] =	ssyncset.done $0x0  }
0xe3: {  	v20 =	vor.u32 s23, v0;
	p0 =	sgt.s32 s24, $0x0;
	[sflag:s4] =	ssyncadd.s32 $0xFFFFF000  }
0xe4: {  	s24 =	simm.s32 @!p0 $0x0;
	v21 =	vor.u32 s17, v1;
	_ =	swait.ge [sflag:s4], $0x1000  }
0xe5: {  	v22 =	vor.u32 s23, v1;
	s25 =	smin.u32 s24, $0x3F;
	s24 =	sadd.s32 $0xFFF0BE00, s30;
	[sflag:s4] =	ssyncset.done $0x0  }
0xe6: {  	v23 =	vor.u32 s25, v0;
	p0 =	sgt.s32 s24, $0x0;
	[sflag:s4] =	ssyncadd.s32 $0xFFFFF000  }
0xe7: {  	s5 =	sand.u32 $0x7F, s28;
	v24 =	vor.u32 s25, v1;
	s24 =	simm.s32 @!p0 $0x0;
	v47 =	vld.idx.msk [tilespmem:v19+s15+$0x0], $0xffff  }
0xe8: {  	v33 =	vor.u32 s5, v1;
	s19 =	smin.u32 s24, $0x3F;
	s24 =	sadd.s32 $0xFFF0BE00, s0;
	v48 =	vld.idx.msk [tilespmem:v20+s12+$0x0], $0xffff  }
0xe9: {  	p0 =	sgt.s32 s24, $0x0;
	v19 =	vor.u32 s5, v0;
	v49 =	vld.idx.msk [tilespmem:v21+s15+$0x0], $0xffff  }
0xea: {  	v34 =	vor.u32 s19, v0;
	s24 =	simm.s32 @!p0 $0x0;
	v50 =	vld.idx.msk [tilespmem:v22+s12+$0x0], $0xffff  }
0xeb: {  	v51 =	vor.u32 s19, v1;
	s19 =	simm.s32 $0x1400;
	s25 =	smin.u32 s24, $0x3F;
	v43 =	vld.idx.msk [tilespmem:v23+s15+$0x0], $0xffff  }
0xec: {  	s24 =	sadd.s32 $0xFFF0BE00, s1;
	v54 =	vor.u32 s25, v1;
	[smem:$0x7F4] =	sst s1;
	s1 =	sand.u32 $0x7F, s1;
	v45 =	vld.idx.msk [tilespmem:v24+s15+$0x0], $0xffff  }
0xed: {  	s23 =	sand.u32 $0x7F, s30;
	v56 =	vor.u32 s1, v0;
	v46 =	vld.idx.msk [tilespmem:v33+s19+$0x0], $0xffff  }
0xee: {  	p0 =	sgt.s32 s24, $0x0;
	v44 =	vld.idx.msk [tilespmem:v19+s19+$0x0], $0xffff;
	v19 =	vor.u32 s23, v1  }
0xef: {  	s24 =	simm.s32 @!p0 $0x0;
	[smem:$0x7F3] =	sst s0;
	v58 =	vor.u32 s1, v1;
	s5 =	sand.u32 $0x7F, s0;
	v39 =	vld.idx.msk [tilespmem:v34+s15+$0x0], $0xffff  }
0xf0: {  	v35 =	vor.u32 s23, v0;
	v41 =	vld.idx.msk [tilespmem:v51+s15+$0x0], $0xffff;
	s0 =	smin.u32 s24, $0x3F;
	s24 =	sadd.s32 $0xFFF0BE00, s7;
	v53 =	vor.u32 s5, v0;
	v55 =	vor.u32 s5, v1;
	s5 =	smov.u32 s7  }
0xf1: {  	v52 =	vor.u32 s25, v0;
	v37 =	vld.idx.msk [tilespmem:v54+s15+$0x0], $0xffff;
	p0 =	sgt.s32 s24, $0x0;
	s1 =	sand.u32 $0x7F, s5;
	s5 =	simm.s32 $0x4400  }
0xf2: {  	v57 =	vor.u32 s0, v1;
	s24 =	simm.s32 @!p0 $0x0;
	v32 =	vld.idx.msk [tilespmem:v56+s5+$0x0], $0xffff;
	s23 =	simm.s32 $0x2400  }
0xf3: {  	s20 =	smov.u32 s18;
	s18 =	smin.u32 s24, $0x3F;
	v42 =	vld.idx.msk [tilespmem:v19+s23+$0x0], $0xffff;
	v19 =	vor.u32 s0, v0  }
0xf4: {  	v59 =	vor.u32 s18, v0;
	v34 =	vld.idx.msk [tilespmem:v58+s5+$0x0], $0xffff;
	s0 =	sld [smem:$0x7F6]  }
0xf5: {  	v60 =	vor.u32 s18, v1;
	v40 =	vld.idx.msk [tilespmem:v35+s23+$0x0], $0xffff  }
0xf6: {  	v35 =	vld.idx.msk [tilespmem:v52+s15+$0x0], $0xffff  }
0xf7: {  	v33 =	vld.idx.msk [tilespmem:v57+s15+$0x0], $0xffff;
	s24 =	sadd.s32 $0xFFF0BE00, s0;
	s18 =	sand.u32 $0x7F, s0;
	s0 =	sld [smem:$0x7F1]  }
0xf8: {  	p0 =	sgt.s32 s24, $0x0;
	v31 =	vld.idx.msk [tilespmem:v19+s15+$0x0], $0xffff;
	v19 =	vor.u32 s1, v0  }
0xf9: {  	v61 =	vor.u32 s1, v1;
	v27 =	vld.idx.msk [tilespmem:v59+s15+$0x0], $0xffff;
	s24 =	simm.s32 @!p0 $0x0  }
0xfa: {  	v29 =	vld.idx.msk [tilespmem:v60+s15+$0x0], $0xffff;
	s23 =	simm.s32 $0x3400;
	v63 =	vor.u32 s18, v0;
	s1 =	smin.u32 s24, $0x3F;
	s24 =	sadd.s32 $0xFFF0BE00, s0  }
0xfb: {  	v36 =	vld.idx.msk [tilespmem:v53+s23+$0x0], $0xffff;
	v62 =	vor.u32 s1, v0;
	p0 =	sgt.s32 s24, $0x0  }
0xfc: {  	v38 =	vld.idx.msk [tilespmem:v55+s23+$0x0], $0xffff;
	v25 =	vor.u32 s1, v1;
	s1 =	simm.s32 $0x5400;
	s24 =	simm.s32 @!p0 $0x0  }
0xfd: {  	s17 =	smin.u32 s24, $0x3F;
	v28 =	vld.idx.msk [tilespmem:v19+s1+$0x0], $0xffff;
	v19 =	vor.u32 s18, v1  }
0xfe: {  	v30 =	vld.idx.msk [tilespmem:v61+s1+$0x0], $0xffff;
	s24 =	smov.u32 s0;
	v54 =	vor.u32 s17, v0;
	s18 =	sand.u32 $0x7F, s0;
	s0 =	simm.s32 $0x6400  }
0xff: {  	v51 =	vor.u32 s17, v1;
	v24 =	vld.idx.msk [tilespmem:v63+s0+$0x0], $0xffff  }
0x100: {  	v55 =	vor.u32 s18, v0;
	v23 =	vld.idx.msk [tilespmem:v62+s15+$0x0], $0xffff  }
0x101: {  	v56 =	vor.u32 s18, v1;
	v25 =	vld.idx.msk [tilespmem:v25+s15+$0x0], $0xffff  }
0x102: {  	s17 =	sand.u32 $0xFFFFFF80, s9;
	v26 =	vld.idx.msk [tilespmem:v19+s0+$0x0], $0xffff  }
0x103: {  	p0 =	slt.s32 s17, $0xF4180;
	v19 =	vld.idx.msk [tilespmem:v54+s15+$0x0], $0xffff  }
0x104: {  	s17 =	simm.s32 @!p0 $0xF4180;
	s0 =	simm.s32 $0x7400;
	v21 =	vld.idx.msk [tilespmem:v51+s15+$0x0], $0xffff  }
0x105: {  	[smem:$0x7F5] =	sst s7;
	s7 =	simm.s32 $0x7A1400;
	s17 =	sadd.s32 s21, s17;
	v20 =	vld.idx.msk [tilespmem:v55+s0+$0x0], $0xffff  }
0x106: {  	v22 =	vld.idx.msk [tilespmem:v56+s0+$0x0], $0xffff;
	[tilespmem:s12], [sflag:$0x1] =	stream.strided.gather [hbm4b:s17+s12], $0x1000, s7, s12, $0x38  }
0x107: {  	s17 =	sand.u32 $0xFFFFFF80, s8  }
0x108: {  	p0 =	slt.s32 s17, $0xF4180  }
0x109: {  	s17 =	simm.s32 @!p0 $0xF4180  }
0x10a: {  	s17 =	sadd.s32 s21, s17  }
0x10b: {  	[tilespmem:s19], [sflag:$0x1] =	stream.strided.gather [hbm4b:s17+s12], $0x1000, s7, s12, $0x38;
	[tilespmem:$0x1AE00] =	vst v63  }
0x10c: {  	s17 =	sand.u32 $0xFFFFFF80, s14  }
0x10d: {  	p0 =	slt.s32 s17, $0xF4180  }
0x10e: {  	s17 =	simm.s32 @!p0 $0xF4180  }
0x10f: {  	s25 =	simm.s32 $0x2400;
	s17 =	sadd.s32 s21, s17  }
0x110: {  	[tilespmem:s25], [sflag:$0x1] =	stream.strided.gather [hbm4b:s17+s12], $0x1000, s7, s12, $0x38;
	[tilespmem:$0x1AE00] =	vst v63  }
0x111: {  	s17 =	sand.u32 $0xFFFFFF80, s11  }
0x112: {  	p0 =	slt.s32 s17, $0xF4180  }
0x113: {  	s17 =	simm.s32 @!p0 $0xF4180  }
0x114: {  	s17 =	sadd.s32 s21, s17  }
0x115: {  	[tilespmem:s23], [sflag:$0x1] =	stream.strided.gather [hbm4b:s17+s12], $0x1000, s7, s12, $0x38;
	[tilespmem:$0x1AE00] =	vst v63  }
0x116: {  	s17 =	sand.u32 $0xFFFFFF80, s6  }
0x117: {  	p0 =	slt.s32 s17, $0xF4180  }
0x118: {  	s17 =	simm.s32 @!p0 $0xF4180  }
0x119: {  	s17 =	sadd.s32 s21, s17  }
0x11a: {  	[tilespmem:s5], [sflag:$0x1] =	stream.strided.gather [hbm4b:s17+s12], $0x1000, s7, s12, $0x38;
	[tilespmem:$0x1AE00] =	vst v63  }
0x11b: {  	s17 =	sand.u32 $0xFFFFFF80, s3  }
0x11c: {  	p0 =	slt.s32 s17, $0xF4180  }
0x11d: {  	s17 =	simm.s32 @!p0 $0xF4180  }
0x11e: {  	s17 =	sadd.s32 s21, s17  }
0x11f: {  	[tilespmem:s1], [sflag:$0x1] =	stream.strided.gather [hbm4b:s17+s12], $0x1000, s7, s12, $0x38;
	[tilespmem:$0x1AE00] =	vst v63  }
0x120: {  	s17 =	sand.u32 $0xFFFFFF80, s10  }
0x121: {  	p0 =	slt.s32 s17, $0xF4180  }
0x122: {  	s17 =	simm.s32 @!p0 $0xF4180  }
0x123: {  	s18 =	simm.s32 $0x6400;
	s17 =	sadd.s32 s21, s17  }
0x124: {  	[tilespmem:s18], [sflag:$0x1] =	stream.strided.gather [hbm4b:s17+s12], $0x1000, s7, s12, $0x38;
	[tilespmem:$0x1AE00] =	vst v63  }
0x125: {  	s17 =	sand.u32 $0xFFFFFF80, s26  }
0x126: {  	p0 =	slt.s32 s17, $0xF4180  }
0x127: {  	s17 =	simm.s32 @!p0 $0xF4180  }
0x128: {  	s0 =	simm.s32 $0x7400;
	s11 =	simm.s32 $0x2;
	s17 =	sadd.s32 s21, s17  }
0x129: {  	[tilespmem:s0], [sflag:$0x1] =	stream.strided.gather [hbm4b:s17+s12], $0x1000, s7, s12, $0x38;
	[tilespmem:$0x1AE00] =	vst v63  }
0x12a: {  	_ =	swait.ge [sflag:s11], $0x1000  }
0x12b: {  	[sflag:s11] =	ssyncset.done $0x0  }
0x12c: {  	[sflag:s11] =	ssyncadd.s32 $0xFFFFF000  }
0x12d: {  	_ =	swait.ge [sflag:s11], $0x1000  }
0x12e: {  	[sflag:s11] =	ssyncset.done $0x0  }
0x12f: {  	[sflag:s11] =	ssyncadd.s32 $0xFFFFF000  }
0x130: {  	_ =	swait.ge [sflag:s11], $0x1000  }
0x131: {  	[sflag:s11] =	ssyncset.done $0x0  }
0x132: {  	[sflag:s11] =	ssyncadd.s32 $0xFFFFF000  }
0x133: {  	_ =	swait.ge [sflag:s11], $0x1000  }
0x134: {  	[sflag:s11] =	ssyncset.done $0x0  }
0x135: {  	[sflag:s11] =	ssyncadd.s32 $0xFFFFF000  }
0x136: {  	_ =	swait.ge [sflag:s11], $0x1000  }
0x137: {  	[sflag:s11] =	ssyncset.done $0x0  }
0x138: {  	[sflag:s11] =	ssyncadd.s32 $0xFFFFF000  }
0x139: {  	s17 =	sadd.s32 $0xFFF0BE00, s2;
	_ =	swait.ge [sflag:s11], $0x1000  }
0x13a: {  	p0 =	sgt.s32 s17, $0x0;
	[sflag:s11] =	ssyncset.done $0x0  }
0x13b: {  	s17 =	simm.s32 @!p0 $0x0;
	[sflag:s11] =	ssyncadd.s32 $0xFFFFF000  }
0x13c: {  	s17 =	smin.u32 s17, $0x3F;
	_ =	swait.ge [sflag:s11], $0x1000  }
0x13d: {  	s19 =	sand.u32 $0x7F, s2;
	v57 =	vor.u32 s17, v0;
	[sflag:s11] =	ssyncset.done $0x0  }
0x13e: {  	v52 =	vor.u32 s19, v0;
	[sflag:s11] =	ssyncadd.s32 $0xFFFFF000  }
0x13f: {  	v53 =	vor.u32 s17, v1;
	_ =	swait.ge [sflag:s11], $0x1000  }
0x140: {  	v54 =	vor.u32 s19, v1;
	[sflag:s11] =	ssyncset.done $0x0  }
0x141: {  	[sflag:s11] =	ssyncadd.s32 $0xFFFFF000  }
0x142: {  	s23 =	simm.s32 $0x8400;
	v51 =	vld.idx.msk [tilespmem:v57+s13+$0x0], $0xffff  }
0x143: {  	v52 =	vld.idx.msk [tilespmem:v52+s23+$0x0], $0xffff  }
0x144: {  	v53 =	vld.idx.msk [tilespmem:v53+s13+$0x0], $0xffff  }
0x145: {  	v54 =	vld.idx.msk [tilespmem:v54+s23+$0x0], $0xffff;
	_ =	sdelay $0x1  }
0x146: {  	s17 =	sadd.s32 $0xFFF0BE00, s22  }
0x147: {  	p4 =	sgt.s32 s16, $0xF41FF;
	p1 =	sgt.s32 s17, $0x0  }
0x148: {  	p2 =	sgt.s32 s2, $0xF41FF;
	v47 =	vpsel p4, v47, v48;
	s17 =	simm.s32 @!p1 $0x0  }
0x149: {  	v58 =	vpsel p4, v49, v50;
	s25 =	smin.u32 s17, $0x3F;
	v59 =	vpsel p2, v51, v52;
	v60 =	vpsel p2, v53, v54  }
0x14a: {  	s26 =	sand.u32 $0x7F, s22;
	v61 =	vor.u32 s25, v0;
	v47 =	vmul.f32 v59, v47;
	v48 =	vmul.f32 v60, v58  }
0x14b: {  	v62 =	vor.u32 s26, v0  }
0x14c: {  	v63 =	vor.u32 s25, v1;
	v47 =	vadd.f32 v48, v47  }
0x14d: {  	v53 =	vor.u32 s26, v1  }
0x14e: {  	[tilespmem:$0x18400] =	vst v47  }
0x14f: {  	s19 =	simm.s32 $0x9400;
	v47 =	vld.idx.msk [tilespmem:v61+s13+$0x0], $0xffff  }
0x150: {  	v54 =	vld.idx.msk [tilespmem:v62+s19+$0x0], $0xffff  }
0x151: {  	v55 =	vld.idx.msk [tilespmem:v63+s13+$0x0], $0xffff  }
0x152: {  	v48 =	vld.idx.msk [tilespmem:v53+s19+$0x0], $0xffff;
	_ =	sdelay $0x1  }
0x153: {  	s0 =	sadd.s32 $0xFFF0BE00, s29  }
0x154: {  	p5 =	sgt.s32 s28, $0xF41FF;
	p1 =	sgt.s32 s0, $0x0  }
0x155: {  	p6 =	sgt.s32 s22, $0xF41FF;
	v43 =	vpsel p5, v43, v44;
	s0 =	simm.s32 @!p1 $0x0  }
0x156: {  	v56 =	vpsel p5, v45, v46;
	s0 =	smin.u32 s0, $0x3F;
	v57 =	vpsel p6, v47, v54;
	v58 =	vpsel p6, v55, v48  }
0x157: {  	s1 =	sand.u32 $0x7F, s29;
	v59 =	vor.u32 s0, v0;
	v43 =	vmul.f32 v57, v43;
	v44 =	vmul.f32 v58, v56  }
0x158: {  	v60 =	vor.u32 s1, v0  }
0x159: {  	v61 =	vor.u32 s0, v1;
	v43 =	vadd.f32 v44, v43  }
0x15a: {  	v62 =	vor.u32 s1, v1  }
0x15b: {  	[tilespmem:$0x18480] =	vst v43  }
0x15c: {  	s26 =	simm.s32 $0xA400;
	v43 =	vld.idx.msk [tilespmem:v59+s13+$0x0], $0xffff  }
0x15d: {  	v63 =	vld.idx.msk [tilespmem:v60+s26+$0x0], $0xffff  }
0x15e: {  	v48 =	vld.idx.msk [tilespmem:v61+s13+$0x0], $0xffff  }
0x15f: {  	v44 =	vld.idx.msk [tilespmem:v62+s26+$0x0], $0xffff;
	_ =	sdelay $0x1  }
0x160: {  	s0 =	sadd.s32 $0xFFF0BE00, s31  }
0x161: {  	p3 =	sgt.s32 s30, $0xF41FF;
	p1 =	sgt.s32 s0, $0x0  }
0x162: {  	p4 =	sgt.s32 s29, $0xF41FF;
	v39 =	vpsel p3, v39, v40;
	s0 =	simm.s32 @!p1 $0x0  }
0x163: {  	v49 =	vpsel p3, v41, v42;
	s0 =	smin.u32 s0, $0x3F;
	v50 =	vpsel p4, v43, v63;
	v51 =	vpsel p4, v48, v44  }
0x164: {  	s3 =	sand.u32 $0x7F, s31;
	v52 =	vor.u32 s0, v0;
	v39 =	vmul.f32 v50, v39;
	v40 =	vmul.f32 v51, v49  }
0x165: {  	v53 =	vor.u32 s3, v0  }
0x166: {  	v54 =	vor.u32 s0, v1;
	v39 =	vadd.f32 v40, v39  }
0x167: {  	v55 =	vor.u32 s3, v1  }
0x168: {  	[tilespmem:$0x18500] =	vst v39  }
0x169: {  	s8 =	simm.s32 $0xB400;
	v39 =	vld.idx.msk [tilespmem:v52+s13+$0x0], $0xffff  }
0x16a: {  	v56 =	vld.idx.msk [tilespmem:v53+s8+$0x0], $0xffff  }
0x16b: {  	s9 =	simm.s32 $0xB400;
	s5 =	smov.u32 s10;
	s10 =	sld [smem:$0x7F2];
	v57 =	vld.idx.msk [tilespmem:v54+s13+$0x0], $0xffff  }
0x16c: {  	s14 =	sld [smem:$0x7F3];
	v40 =	vld.idx.msk [tilespmem:v55+s9+$0x0], $0xffff;
	_ =	sdelay $0x1  }
0x16d: {  	s0 =	sadd.s32 $0xFFF0BE00, s10  }
0x16e: {  	p5 =	sgt.s32 s14, $0xF41FF;
	p1 =	sgt.s32 s0, $0x0  }
0x16f: {  	v35 =	vpsel p5, v35, v36;
	p6 =	sgt.s32 s31, $0xF41FF;
	s0 =	simm.s32 @!p1 $0x0  }
0x170: {  	v58 =	vpsel p5, v37, v38;
	s0 =	smin.u32 s0, $0x3F;
	v59 =	vpsel p6, v39, v56;
	v60 =	vpsel p6, v57, v40  }
0x171: {  	s16 =	sand.u32 $0x7F, s10;
	v61 =	vor.u32 s0, v0;
	v35 =	vmul.f32 v59, v35;
	v36 =	vmul.f32 v60, v58  }
0x172: {  	v62 =	vor.u32 s16, v0  }
0x173: {  	v63 =	vor.u32 s0, v1;
	v35 =	vadd.f32 v36, v35  }
0x174: {  	v42 =	vor.u32 s16, v1  }
0x175: {  	[tilespmem:$0x18580] =	vst v35  }
0x176: {  	s25 =	simm.s32 $0xC400;
	v35 =	vld.idx.msk [tilespmem:v61+s13+$0x0], $0xffff  }
0x177: {  	v43 =	vld.idx.msk [tilespmem:v62+s25+$0x0], $0xffff  }
0x178: {  	v36 =	vld.idx.msk [tilespmem:v63+s13+$0x0], $0xffff  }
0x179: {  	s18 =	sld [smem:$0x7F4];
	v44 =	vld.idx.msk [tilespmem:v42+s25+$0x0], $0xffff  }
0x17a: {  	s17 =	rddreg [dreg:$0x1d]  }
0x17b: {  	s0 =	sadd.s32 $0xFFF0BE00, s17  }
0x17c: {  	p3 =	sgt.s32 s18, $0xF41FF;
	p1 =	sgt.s32 s0, $0x0  }
0x17d: {  	v31 =	vpsel p3, v31, v32;
	p4 =	sgt.s32 s10, $0xF41FF;
	s0 =	simm.s32 @!p1 $0x0  }
0x17e: {  	v45 =	vpsel p3, v33, v34;
	s0 =	smin.u32 s0, $0x3F;
	v46 =	vpsel p4, v35, v43;
	v47 =	vpsel p4, v36, v44  }
0x17f: {  	s22 =	sand.u32 $0x7F, s17;
	v48 =	vor.u32 s0, v0;
	v31 =	vmul.f32 v46, v31;
	v32 =	vmul.f32 v47, v45  }
0x180: {  	v49 =	vor.u32 s22, v0  }
0x181: {  	v50 =	vor.u32 s0, v1;
	v31 =	vadd.f32 v32, v31  }
0x182: {  	v51 =	vor.u32 s22, v1  }
0x183: {  	[tilespmem:$0x18600] =	vst v31  }
0x184: {  	s30 =	simm.s32 $0xD400;
	v31 =	vld.idx.msk [tilespmem:v48+s13+$0x0], $0xffff  }
0x185: {  	v52 =	vld.idx.msk [tilespmem:v49+s30+$0x0], $0xffff  }
0x186: {  	v32 =	vld.idx.msk [tilespmem:v50+s13+$0x0], $0xffff  }
0x187: {  	s31 =	sld [smem:$0x7F5];
	v53 =	vld.idx.msk [tilespmem:v51+s30+$0x0], $0xffff  }
0x188: {  	s28 =	rddreg [dreg:$0x1a]  }
0x189: {  	(v2sf) =	vpush v18, $0x0;
	s0 =	sadd.s32 $0xFFF0BE00, s28  }
0x18a: {  	(v2sf) =	vpush v18, $0x1;
	s23 =	smov.u32 s17;
	p5 =	sgt.s32 s31, $0xF41FF;
	p2 =	sgt.s32 s0, $0x0  }
0x18b: {  	(v2sf) =	vpush v18, $0x2;
	v27 =	vpsel p5, v27, v28;
	s0 =	simm.s32 @!p2 $0x0;
	p6 =	sgt.s32 s23, $0xF41FF  }
0x18c: {  	v54 =	vpsel p5, v29, v30;
	s0 =	smin.u32 s0, $0x3F;
	v55 =	vpsel p6, v31, v52;
	v56 =	vpsel p6, v32, v53  }
0x18d: {  	s3 =	sand.u32 $0x7F, s28;
	v57 =	vor.u32 s0, v0;
	v27 =	vmul.f32 v55, v27;
	v28 =	vmul.f32 v56, v54  }
0x18e: {  	(v2sf) =	vpush v18, $0x3;
	v58 =	vor.u32 s3, v0  }
0x18f: {  	(v2sf) =	vpush v18, $0x4;
	v59 =	vor.u32 s0, v1;
	v27 =	vadd.f32 v28, v27  }
0x190: {  	(v2sf) =	vpush v18, $0x5;
	v60 =	vor.u32 s3, v1  }
0x191: {  	(v2sf) =	vpush v18, $0x6;
	[tilespmem:$0x18680] =	vst v27  }
0x192: {  	s29 =	simm.s32 $0xE400;
	(v2sf) =	vpush v18, $0x7;
	v27 =	vld.idx.msk [tilespmem:v57+s13+$0x0], $0xffff  }
0x193: {  	(v2sf) =	vpush v17, $0x2;
	v61 =	vld.idx.msk [tilespmem:v58+s29+$0x0], $0xffff  }
0x194: {  	(v2sf) =	vpush v17, $0x3;
	v18 =	vld.idx.msk [tilespmem:v59+s13+$0x0], $0xffff  }
0x195: {  	(v2sf) =	vpush v17, $0x4;
	s9 =	sld [smem:$0x7F6];
	v62 =	vld.idx.msk [tilespmem:v60+s29+$0x0], $0xffff  }
0x196: {  	s2 =	rddreg [dreg:$0x19];
	(v2sf) =	vpush v17, $0x5  }
0x197: {  	(v2sf) =	vpush v17, $0x6;
	s0 =	sadd.s32 $0xFFF0BE00, s2  }
0x198: {  	(v2sf) =	vpush v17, $0x7;
	s8 =	smov.u32 s28;
	p2 =	sgt.s32 s9, $0xF41FF;
	p1 =	sgt.s32 s0, $0x0  }
0x199: {  	(v2sf) =	vpush v17, $0x0;
	p3 =	sgt.s32 s8, $0xF41FF;
	v23 =	vpsel p2, v23, v24;
	s0 =	simm.s32 @!p1 $0x0  }
0x19a: {  	s0 =	smin.u32 s0, $0x3F;
	v63 =	vpsel p2, v25, v26;
	v29 =	vpsel p3, v27, v61;
	v18 =	vpsel p3, v18, v62  }
0x19b: {  	s10 =	sand.u32 $0x7F, s2;
	s8 =	spop (v2sf);
	v30 =	vor.u32 s0, v0;
	v23 =	vmul.f32 v29, v23;
	v18 =	vmul.f32 v18, v63  }
0x19c: {  	s14 =	spop (v2sf);
	v31 =	vor.u32 s10, v0  }
0x19d: {  	s9 =	spop (v2sf);
	v32 =	vor.u32 s0, v1;
	v18 =	vadd.f32 v18, v23  }
0x19e: {  	v33 =	vor.u32 s10, v1;
	(v2sf) =	vpush v17, $0x1;
	s23 =	spop (v2sf)  }
0x19f: {  	s16 =	spop (v2sf);
	[tilespmem:$0x18700] =	vst v18  }
0x1a0: {  	s28 =	simm.s32 $0xF400;
	s17 =	spop (v2sf);
	v18 =	vld.idx.msk [tilespmem:v30+s13+$0x0], $0xffff  }
0x1a1: {  	s18 =	spop (v2sf);
	v17 =	vld.idx.msk [tilespmem:v31+s28+$0x0], $0xffff  }
0x1a2: {  	s22 =	spop (v2sf);
	v23 =	vld.idx.msk [tilespmem:v32+s13+$0x0], $0xffff  }
0x1a3: {  	s10 =	spop (v2sf);
	v34 =	vld.idx.msk [tilespmem:v33+s28+$0x0], $0xffff  }
0x1a4: {  	[smem:$0x7FA] =	sst s16;
	s16 =	spop (v2sf)  }
0x1a5: {  	[smem:$0x7FB] =	sst s17;
	s17 =	spop (v2sf)  }
0x1a6: {  	[smem:$0x7FC] =	sst s18;
	p4 =	sgt.s32 s24, $0xF41FF;
	s18 =	spop (v2sf)  }
0x1a7: {  	p5 =	sgt.s32 s2, $0xF41FF;
	v19 =	vpsel p4, v19, v20;
	s3 =	spop (v2sf)  }
0x1a8: {  	[smem:$0x7FD] =	sst s22;
	v35 =	vpsel p4, v21, v22;
	s22 =	spop (v2sf);
	v17 =	vpsel p5, v18, v17;
	v18 =	vpsel p5, v23, v34  }
0x1a9: {  	s0 =	spop (v2sf);
	v17 =	vmul.f32 v17, v19;
	v18 =	vmul.f32 v18, v35  }
0x1aa: {  	s24 =	sand.u32 $0xFFFFFF80, s0  }
0x1ab: {  	p0 =	slt.s32 s24, $0xF4180;
	v17 =	vadd.f32 v18, v17  }
0x1ac: {  	s24 =	simm.s32 @!p0 $0xF4180  }
0x1ad: {  	s1 =	simm.s32 $0x8400;
	s2 =	spop (v2sf);
	s24 =	sadd.s32 s20, s24;
	[tilespmem:$0x18780] =	vst v17  }
0x1ae: {  	[tilespmem:s1], [sflag:$0x2] =	stream.strided.gather [hbm4b:s24+s12], $0x1000, s7, s12, $0x38;
	[tilespmem:$0x1AE00] =	vst v63  }
0x1af: {  	s24 =	sand.u32 $0xFFFFFF80, s2  }
0x1b0: {  	s10 =	sand.u32 $0xFFFFFF80, s10;
	p0 =	slt.s32 s24, $0xF4180  }
0x1b1: {  	s24 =	simm.s32 @!p0 $0xF4180;
	p0 =	slt.s32 s10, $0xF4180  }
0x1b2: {  	s24 =	sadd.s32 s20, s24;
	s10 =	simm.s32 @!p0 $0xF4180  }
0x1b3: {  	[tilespmem:s19], [sflag:$0x2] =	stream.strided.gather [hbm4b:s24+s12], $0x1000, s7, s12, $0x38;
	[tilespmem:$0x1AE00] =	vst v63  }
0x1b4: {  	s10 =	sadd.s32 s20, s10  }
0x1b5: {  	[tilespmem:s26], [sflag:$0x2] =	stream.strided.gather [hbm4b:s10+s12], $0x1000, s7, s12, $0x38;
	[tilespmem:$0x1AE00] =	vst v63  }
0x1b6: {  	s10 =	sand.u32 $0xFFFFFF80, s16  }
0x1b7: {  	p0 =	slt.s32 s10, $0xF4180  }
0x1b8: {  	s10 =	simm.s32 @!p0 $0xF4180  }
0x1b9: {  	s31 =	simm.s32 $0xB400;
	s10 =	sadd.s32 s20, s10  }
0x1ba: {  	[tilespmem:s31], [sflag:$0x2] =	stream.strided.gather [hbm4b:s10+s12], $0x1000, s7, s12, $0x38;
	[tilespmem:$0x1AE00] =	vst v63  }
0x1bb: {  	s10 =	sand.u32 $0xFFFFFF80, s17  }
0x1bc: {  	p0 =	slt.s32 s10, $0xF4180  }
0x1bd: {  	s10 =	simm.s32 @!p0 $0xF4180  }
0x1be: {  	s10 =	sadd.s32 s20, s10  }
0x1bf: {  	[tilespmem:s25], [sflag:$0x2] =	stream.strided.gather [hbm4b:s10+s12], $0x1000, s7, s12, $0x38;
	[tilespmem:$0x1AE00] =	vst v63  }
0x1c0: {  	s10 =	sand.u32 $0xFFFFFF80, s18  }
0x1c1: {  	s3 =	sand.u32 $0xFFFFFF80, s3;
	p0 =	slt.s32 s10, $0xF4180  }
0x1c2: {  	s18 =	smov.u32 s20;
	s10 =	simm.s32 @!p0 $0xF4180;
	p0 =	slt.s32 s3, $0xF4180  }
0x1c3: {  	s10 =	sadd.s32 s18, s10;
	s3 =	simm.s32 @!p0 $0xF4180  }
0x1c4: {  	[tilespmem:s30], [sflag:$0x2] =	stream.strided.gather [hbm4b:s10+s12], $0x1000, s7, s12, $0x38;
	[tilespmem:$0x1AE00] =	vst v63  }
0x1c5: {  	s3 =	sadd.s32 s18, s3  }
0x1c6: {  	[tilespmem:s29], [sflag:$0x2] =	stream.strided.gather [hbm4b:s3+s12], $0x1000, s7, s12, $0x38;
	[tilespmem:$0x1AE00] =	vst v63  }
0x1c7: {  	s3 =	sand.u32 $0xFFFFFF80, s22  }
0x1c8: {  	p0 =	slt.s32 s3, $0xF4180  }
0x1c9: {  	s3 =	simm.s32 @!p0 $0xF4180  }
0x1ca: {  	s3 =	sadd.s32 s18, s3  }
0x1cb: {  	[tilespmem:s28], [sflag:$0x2] =	stream.strided.gather [hbm4b:s3+s12], $0x1000, s7, s12, $0x38;
	[tilespmem:$0x1AE00] =	vst v63  }
0x1cc: {  	s17 =	rddreg [dreg:$0xe];
	_ =	swait.ge [sflag:s4], $0x1000  }
0x1cd: {  	[sflag:s4] =	ssyncset.done $0x0  }
0x1ce: {  	[sflag:s4] =	ssyncadd.s32 $0xFFFFF000  }
0x1cf: {  	_ =	swait.ge [sflag:s4], $0x1000  }
0x1d0: {  	[sflag:s4] =	ssyncset.done $0x0  }
0x1d1: {  	[sflag:s4] =	ssyncadd.s32 $0xFFFFF000  }
0x1d2: {  	_ =	swait.ge [sflag:s4], $0x1000  }
0x1d3: {  	[sflag:s4] =	ssyncset.done $0x0  }
0x1d4: {  	[sflag:s4] =	ssyncadd.s32 $0xFFFFF000  }
0x1d5: {  	_ =	swait.ge [sflag:s4], $0x1000  }
0x1d6: {  	[sflag:s4] =	ssyncset.done $0x0  }
0x1d7: {  	[sflag:s4] =	ssyncadd.s32 $0xFFFFF000  }
0x1d8: {  	_ =	swait.ge [sflag:s4], $0x1000  }
0x1d9: {  	[sflag:s4] =	ssyncset.done $0x0  }
0x1da: {  	[sflag:s4] =	ssyncadd.s32 $0xFFFFF000  }
0x1db: {  	_ =	swait.ge [sflag:s4], $0x1000  }
0x1dc: {  	s29 =	sld [smem:$0x7F7];
	[sflag:s4] =	ssyncset.done $0x0  }
0x1dd: {  	[sflag:s4] =	ssyncadd.s32 $0xFFFFF000  }
0x1de: {  	_ =	swait.ge [sflag:s4], $0x1000  }
0x1df: {  	s3 =	sadd.s32 $0xFFF0BE00, s29;
	s28 =	sand.u32 $0x7F, s29;
	s30 =	sld [smem:$0x7F8]  }
0x1e0: {  	[sflag:s4] =	ssyncset.done $0x0;
	p0 =	sgt.s32 s3, $0x0;
	v18 =	vor.u32 s28, v0  }
0x1e1: {  	[sflag:s4] =	ssyncadd.s32 $0xFFFFF000;
	s3 =	simm.s32 @!p0 $0x0  }
0x1e2: {  	v36 =	vor.u32 s28, v1;
	_ =	swait.ge [sflag:s4], $0x1000;
	s3 =	smin.u32 s3, $0x3F;
	s16 =	sadd.s32 $0xFFF0BE00, s30  }
0x1e3: {  	[sflag:s4] =	ssyncset.done $0x0;
	s19 =	sld [smem:$0x7F9];
	v17 =	vor.u32 s3, v0;
	p0 =	sgt.s32 s16, $0x0  }
0x1e4: {  	s0 =	sand.u32 $0x7F, s30;
	v19 =	vor.u32 s3, v1;
	[sflag:s4] =	ssyncadd.s32 $0xFFFFF000;
	s16 =	simm.s32 @!p0 $0x0  }
0x1e5: {  	s31 =	smin.u32 s16, $0x3F;
	v47 =	vld.idx.msk [tilespmem:v18+s12+$0x0], $0xffff;
	v18 =	vor.u32 s0, v1  }
0x1e6: {  	s16 =	sadd.s32 $0xFFF0BE00, s19;
	v37 =	vor.u32 s31, v0  }
0x1e7: {  	v48 =	vld.idx.msk [tilespmem:v36+s12+$0x0], $0xffff;
	p0 =	sgt.s32 s16, $0x0;
	v38 =	vor.u32 s31, v1  }
0x1e8: {  	s2 =	sand.u32 $0x7F, s19;
	s16 =	simm.s32 @!p0 $0x0;
	v45 =	vld.idx.msk [tilespmem:v17+s15+$0x0], $0xffff;
	v17 =	vor.u32 s0, v0  }
0x1e9: {  	s3 =	simm.s32 $0x1400;
	s31 =	rddreg [dreg:$0x1f];
	v49 =	vor.u32 s2, v0;
	v46 =	vld.idx.msk [tilespmem:v19+s15+$0x0], $0xffff;
	s1 =	smin.u32 s16, $0x3F  }
0x1ea: {  	s16 =	sadd.s32 $0xFFF0BE00, s31;
	v19 =	vor.u32 s1, v0;
	v44 =	vld.idx.msk [tilespmem:v18+s3+$0x0], $0xffff  }
0x1eb: {  	s22 =	sand.u32 $0x7F, s31;
	p0 =	sgt.s32 s16, $0x0;
	v50 =	vor.u32 s1, v1;
	v41 =	vld.idx.msk [tilespmem:v37+s15+$0x0], $0xffff  }
0x1ec: {  	s28 =	rddreg [dreg:$0x1e];
	v52 =	vor.u32 s22, v1;
	s16 =	simm.s32 @!p0 $0x0;
	v42 =	vld.idx.msk [tilespmem:v38+s15+$0x0], $0xffff  }
0x1ed: {  	s24 =	simm.s32 $0x2400;
	s10 =	smin.u32 s16, $0x3F;
	s16 =	sadd.s32 $0xFFF0BE00, s28;
	v43 =	vld.idx.msk [tilespmem:v17+s3+$0x0], $0xffff;
	v17 =	vor.u32 s2, v1  }
0x1ee: {  	v39 =	vld.idx.msk [tilespmem:v49+s24+$0x0], $0xffff;
	v18 =	vor.u32 s10, v0;
	p0 =	sgt.s32 s16, $0x0  }
0x1ef: {  	s16 =	simm.s32 @!p0 $0x0;
	v37 =	vld.idx.msk [tilespmem:v19+s15+$0x0], $0xffff;
	v19 =	vor.u32 s22, v0  }
0x1f0: {  	s26 =	rddreg [dreg:$0x1c];
	v51 =	vor.u32 s10, v1;
	s3 =	simm.s32 $0x3400;
	v38 =	vld.idx.msk [tilespmem:v50+s15+$0x0], $0xffff;
	s25 =	smin.u32 s16, $0x3F  }
0x1f1: {  	s16 =	sadd.s32 $0xFFF0BE00, s26;
	v36 =	vld.idx.msk [tilespmem:v52+s3+$0x0], $0xffff;
	v53 =	vor.u32 s25, v1  }
0x1f2: {  	s0 =	sand.u32 $0x7F, s28;
	p0 =	sgt.s32 s16, $0x0;
	v40 =	vld.idx.msk [tilespmem:v17+s24+$0x0], $0xffff;
	v17 =	vor.u32 s25, v0  }
0x1f3: {  	s16 =	simm.s32 @!p0 $0x0;
	v33 =	vld.idx.msk [tilespmem:v18+s15+$0x0], $0xffff;
	v18 =	vor.u32 s0, v0  }
0x1f4: {  	s10 =	smin.u32 s16, $0x3F;
	v35 =	vld.idx.msk [tilespmem:v19+s3+$0x0], $0xffff;
	v19 =	vor.u32 s0, v1  }
0x1f5: {  	v34 =	vld.idx.msk [tilespmem:v51+s15+$0x0], $0xffff;
	s16 =	sadd.s32 $0xFFF0BE00, s5;
	v54 =	vor.u32 s10, v0  }
0x1f6: {  	s24 =	sand.u32 $0x7F, s26;
	p0 =	sgt.s32 s16, $0x0;
	v55 =	vor.u32 s10, v1;
	v30 =	vld.idx.msk [tilespmem:v53+s15+$0x0], $0xffff  }
0x1f7: {  	s3 =	simm.s32 $0x4400;
	s16 =	simm.s32 @!p0 $0x0;
	v29 =	vld.idx.msk [tilespmem:v17+s15+$0x0], $0xffff;
	v17 =	vor.u32 s24, v0  }
0x1f8: {  	s22 =	rddreg [dreg:$0x1b];
	s10 =	smin.u32 s16, $0x3F;
	v31 =	vld.idx.msk [tilespmem:v18+s3+$0x0], $0xffff;
	v18 =	vor.u32 s24, v1  }
0x1f9: {  	s25 =	smov.u32 s5;
	s16 =	sadd.s32 $0xFFF0BE00, s22;
	v32 =	vld.idx.msk [tilespmem:v19+s3+$0x0], $0xffff;
	v19 =	vor.u32 s10, v0  }
0x1fa: {  	p0 =	sgt.s32 s16, $0x0;
	v57 =	vor.u32 s10, v1;
	s24 =	sand.u32 $0x7F, s25;
	v25 =	vld.idx.msk [tilespmem:v54+s15+$0x0], $0xffff  }
0x1fb: {  	s16 =	simm.s32 @!p0 $0x0;
	v26 =	vld.idx.msk [tilespmem:v55+s15+$0x0], $0xffff;
	v56 =	vor.u32 s24, v0;
	s3 =	simm.s32 $0x5400  }
0x1fc: {  	s16 =	smin.u32 s16, $0x3F;
	v27 =	vld.idx.msk [tilespmem:v17+s3+$0x0], $0xffff;
	v17 =	vor.u32 s24, v1  }
0x1fd: {  	s10 =	sand.u32 $0x7F, s22;
	v28 =	vld.idx.msk [tilespmem:v18+s3+$0x0], $0xffff;
	v18 =	vor.u32 s16, v0  }
0x1fe: {  	v21 =	vld.idx.msk [tilespmem:v19+s15+$0x0], $0xffff;
	v19 =	vor.u32 s10, v0  }
0x1ff: {  	v58 =	vor.u32 s16, v1;
	v22 =	vld.idx.msk [tilespmem:v57+s15+$0x0], $0xffff;
	s16 =	simm.s32 $0x6400  }
0x200: {  	v59 =	vor.u32 s10, v1;
	v23 =	vld.idx.msk [tilespmem:v56+s16+$0x0], $0xffff  }
0x201: {  	s3 =	sand.u32 $0xFFFFFF80, s8;
	v24 =	vld.idx.msk [tilespmem:v17+s16+$0x0], $0xffff  }
0x202: {  	p0 =	slt.s32 s3, $0xF4180;
	v17 =	vld.idx.msk [tilespmem:v18+s15+$0x0], $0xffff;
	s16 =	simm.s32 $0x7400  }
0x203: {  	s3 =	simm.s32 @!p0 $0xF4180;
	v18 =	vld.idx.msk [tilespmem:v19+s16+$0x0], $0xffff  }
0x204: {  	s3 =	sadd.s32 s21, s3;
	v19 =	vld.idx.msk [tilespmem:v58+s15+$0x0], $0xffff  }
0x205: {  	v20 =	vld.idx.msk [tilespmem:v59+s16+$0x0], $0xffff;
	[tilespmem:s12], [sflag:$0x1] =	stream.strided.gather [hbm4b:s3+s12], $0x1000, s7, s12, $0x38  }
0x206: {  	s3 =	sand.u32 $0xFFFFFF80, s14  }
0x207: {  	p0 =	slt.s32 s3, $0xF4180  }
0x208: {  	s3 =	simm.s32 @!p0 $0xF4180  }
0x209: {  	s2 =	simm.s32 $0x1400;
	s3 =	sadd.s32 s21, s3  }
0x20a: {  	[tilespmem:s2], [sflag:$0x1] =	stream.strided.gather [hbm4b:s3+s12], $0x1000, s7, s12, $0x38;
	[tilespmem:$0x1AE00] =	vst v63  }
0x20b: {  	s3 =	sand.u32 $0xFFFFFF80, s9  }
0x20c: {  	p0 =	slt.s32 s3, $0xF4180  }
0x20d: {  	s3 =	simm.s32 @!p0 $0xF4180  }
0x20e: {  	s1 =	simm.s32 $0x2400;
	s3 =	sadd.s32 s21, s3  }
0x20f: {  	[tilespmem:s1], [sflag:$0x1] =	stream.strided.gather [hbm4b:s3+s12], $0x1000, s7, s12, $0x38;
	[tilespmem:$0x1AE00] =	vst v63  }
0x210: {  	s3 =	sand.u32 $0xFFFFFF80, s23  }
0x211: {  	p0 =	slt.s32 s3, $0xF4180  }
0x212: {  	s3 =	simm.s32 @!p0 $0xF4180  }
0x213: {  	s0 =	simm.s32 $0x3400;
	s23 =	simm.s32 $0x7A1400;
	s3 =	sadd.s32 s21, s3  }
0x214: {  	[tilespmem:s0], [sflag:$0x1] =	stream.strided.gather [hbm4b:s3+s12], $0x1000, s23, s12, $0x38;
	[tilespmem:$0x1AE00] =	vst v63  }
0x215: {  	s3 =	sld [smem:$0x7FA]  }
0x216: {  	s7 =	sld [smem:$0x7FB]  }
0x217: {  	s9 =	sld [smem:$0x7FC]  }
0x218: {  	s3 =	sand.u32 $0xFFFFFF80, s3  }
0x219: {  	s5 =	simm.s32 $0x4400;
	s2 =	sand.u32 $0xFFFFFF80, s7;
	p0 =	slt.s32 s3, $0xF4180  }
0x21a: {  	s1 =	sand.u32 $0xFFFFFF80, s9;
	s3 =	simm.s32 @!p0 $0xF4180;
	p0 =	slt.s32 s2, $0xF4180  }
0x21b: {  	s3 =	sadd.s32 s21, s3;
	s2 =	simm.s32 @!p0 $0xF4180;
	p0 =	slt.s32 s1, $0xF4180  }
0x21c: {  	[tilespmem:s5], [sflag:$0x1] =	stream.strided.gather [hbm4b:s3+s12], $0x1000, s23, s12, $0x38;
	[tilespmem:$0x1AE00] =	vst v63  }
0x21d: {  	s24 =	simm.s32 $0x5400;
	s2 =	sadd.s32 s21, s2;
	s1 =	simm.s32 @!p0 $0xF4180  }
0x21e: {  	[tilespmem:s24], [sflag:$0x1] =	stream.strided.gather [hbm4b:s2+s12], $0x1000, s23, s12, $0x38;
	[tilespmem:$0x1AE00] =	vst v63  }
0x21f: {  	s10 =	simm.s32 $0x6400;
	s1 =	sadd.s32 s21, s1  }
0x220: {  	[tilespmem:s10], [sflag:$0x1] =	stream.strided.gather [hbm4b:s1+s12], $0x1000, s23, s12, $0x38;
	[tilespmem:$0x1AE00] =	vst v63  }
0x221: {  	s10 =	sld [smem:$0x7FD];
	_ =	sdelay $0x2  }
0x222: {  	s0 =	sand.u32 $0xFFFFFF80, s10  }
0x223: {  	p0 =	slt.s32 s0, $0xF4180  }
0x224: {  	s0 =	simm.s32 @!p0 $0xF4180  }
0x225: {  	s6 =	simm.s32 $0x3;
	s16 =	simm.s32 $0x7400;
	s0 =	sadd.s32 s21, s0  }
0x226: {  	[tilespmem:s16], [sflag:$0x1] =	stream.strided.gather [hbm4b:s0+s12], $0x1000, s23, s12, $0x38;
	[tilespmem:$0x1AE00] =	vst v63  }
0x227: {  	_ =	swait.ge [sflag:s6], $0x1000  }
0x228: {  	[sflag:s6] =	ssyncset.done $0x0  }
0x229: {  	[sflag:s6] =	ssyncadd.s32 $0xFFFFF000  }
0x22a: {  	_ =	swait.ge [sflag:s6], $0x1000  }
0x22b: {  	[sflag:s6] =	ssyncset.done $0x0  }
0x22c: {  	[sflag:s6] =	ssyncadd.s32 $0xFFFFF000  }
0x22d: {  	_ =	swait.ge [sflag:s6], $0x1000  }
0x22e: {  	[sflag:s6] =	ssyncset.done $0x0  }
0x22f: {  	[sflag:s6] =	ssyncadd.s32 $0xFFFFF000  }
0x230: {  	_ =	swait.ge [sflag:s6], $0x1000  }
0x231: {  	[sflag:s6] =	ssyncset.done $0x0  }
0x232: {  	[sflag:s6] =	ssyncadd.s32 $0xFFFFF000  }
0x233: {  	_ =	swait.ge [sflag:s6], $0x1000  }
0x234: {  	[sflag:s6] =	ssyncset.done $0x0  }
0x235: {  	[sflag:s6] =	ssyncadd.s32 $0xFFFFF000  }
0x236: {  	_ =	swait.ge [sflag:s6], $0x1000  }
0x237: {  	s14 =	rddreg [dreg:$0x18];
	[sflag:s6] =	ssyncset.done $0x0  }
0x238: {  	s0 =	sadd.s32 $0xFFF0BE00, s14;
	[sflag:s6] =	ssyncadd.s32 $0xFFFFF000  }
0x239: {  	s16 =	sand.u32 $0x7F, s14;
	p0 =	sgt.s32 s0, $0x0;
	_ =	swait.ge [sflag:s6], $0x1000  }
0x23a: {  	v61 =	vor.u32 s16, v0;
	s0 =	simm.s32 @!p0 $0x0;
	[sflag:s6] =	ssyncset.done $0x0  }
0x23b: {  	v63 =	vor.u32 s16, v1;
	s0 =	smin.u32 s0, $0x3F;
	[sflag:s6] =	ssyncadd.s32 $0xFFFFF000  }
0x23c: {  	v60 =	vor.u32 s0, v0;
	_ =	swait.ge [sflag:s6], $0x1000  }
0x23d: {  	v62 =	vor.u32 s0, v1;
	[sflag:s6] =	ssyncset.done $0x0  }
0x23e: {  	s20 =	simm.s32 $0x10400;
	[sflag:s6] =	ssyncadd.s32 $0xFFFFF000  }
0x23f: {  	v50 =	vld.idx.msk [tilespmem:v61+s20+$0x0], $0xffff  }
0x240: {  	v52 =	vld.idx.msk [tilespmem:v63+s20+$0x0], $0xffff  }
0x241: {  	v49 =	vld.idx.msk [tilespmem:v60+s13+$0x0], $0xffff  }
0x242: {  	v51 =	vld.idx.msk [tilespmem:v62+s13+$0x0], $0xffff  }
0x243: {  	s1 =	rddreg [dreg:$0x17]  }
0x244: {  	s0 =	sadd.s32 $0xFFF0BE00, s1  }
0x245: {  	p6 =	sgt.s32 s29, $0xF41FF;
	s24 =	smov.u32 s14;
	p1 =	sgt.s32 s0, $0x0  }
0x246: {  	v45 =	vpsel p6, v45, v47;
	p2 =	sgt.s32 s24, $0xF41FF;
	s0 =	simm.s32 @!p1 $0x0  }
0x247: {  	v46 =	vpsel p6, v46, v48;
	s0 =	smin.u32 s0, $0x3F;
	v56 =	vpsel p2, v49, v50;
	v57 =	vpsel p2, v51, v52  }
0x248: {  	s3 =	sand.u32 $0x7F, s1;
	v58 =	vor.u32 s0, v0;
	v45 =	vmul.f32 v56, v45;
	v46 =	vmul.f32 v57, v46  }
0x249: {  	v59 =	vor.u32 s3, v0  }
0x24a: {  	v60 =	vor.u32 s0, v1;
	v45 =	vadd.f32 v46, v45  }
0x24b: {  	v61 =	vor.u32 s3, v1  }
0x24c: {  	[tilespmem:$0x18800] =	vst v45  }
0x24d: {  	s5 =	simm.s32 $0x11400;
	v45 =	vld.idx.msk [tilespmem:v58+s13+$0x0], $0xffff  }
0x24e: {  	v62 =	vld.idx.msk [tilespmem:v59+s5+$0x0], $0xffff  }
0x24f: {  	v63 =	vld.idx.msk [tilespmem:v60+s13+$0x0], $0xffff  }
0x250: {  	v46 =	vld.idx.msk [tilespmem:v61+s5+$0x0], $0xffff  }
0x251: {  	s7 =	rddreg [dreg:$0x16]  }
0x252: {  	s0 =	sadd.s32 $0xFFF0BE00, s7  }
0x253: {  	p3 =	sgt.s32 s30, $0xF41FF;
	s6 =	smov.u32 s1;
	p1 =	sgt.s32 s0, $0x0  }
0x254: {  	v42 =	vpsel p3, v42, v44;
	p4 =	sgt.s32 s6, $0xF41FF;
	s0 =	simm.s32 @!p1 $0x0  }
0x255: {  	v41 =	vpsel p3, v41, v43;
	s0 =	smin.u32 s0, $0x3F;
	v52 =	vpsel p4, v45, v62;
	v53 =	vpsel p4, v63, v46  }
0x256: {  	s8 =	sand.u32 $0x7F, s7;
	v54 =	vor.u32 s0, v0;
	v41 =	vmul.f32 v52, v41;
	v42 =	vmul.f32 v53, v42  }
0x257: {  	v55 =	vor.u32 s8, v0  }
0x258: {  	v56 =	vor.u32 s0, v1;
	v41 =	vadd.f32 v42, v41  }
0x259: {  	v57 =	vor.u32 s8, v1  }
0x25a: {  	[tilespmem:$0x18880] =	vst v41  }
0x25b: {  	s10 =	simm.s32 $0x12400;
	v41 =	vld.idx.msk [tilespmem:v54+s13+$0x0], $0xffff  }
0x25c: {  	v58 =	vld.idx.msk [tilespmem:v55+s10+$0x0], $0xffff  }
0x25d: {  	v59 =	vld.idx.msk [tilespmem:v56+s13+$0x0], $0xffff  }
0x25e: {  	v42 =	vld.idx.msk [tilespmem:v57+s10+$0x0], $0xffff  }
0x25f: {  	s14 =	rddreg [dreg:$0x15]  }
0x260: {  	s0 =	sadd.s32 $0xFFF0BE00, s14  }
0x261: {  	p5 =	sgt.s32 s19, $0xF41FF;
	s9 =	smov.u32 s7;
	p1 =	sgt.s32 s0, $0x0  }
0x262: {  	v37 =	vpsel p5, v37, v39;
	p6 =	sgt.s32 s9, $0xF41FF;
	s0 =	simm.s32 @!p1 $0x0  }
0x263: {  	v38 =	vpsel p5, v38, v40;
	s0 =	smin.u32 s0, $0x3F;
	v60 =	vpsel p6, v41, v58;
	v61 =	vpsel p6, v59, v42  }
0x264: {  	s16 =	sand.u32 $0x7F, s14;
	v62 =	vor.u32 s0, v0;
	v37 =	vmul.f32 v60, v37;
	v38 =	vmul.f32 v61, v38  }
0x265: {  	v63 =	vor.u32 s16, v0  }
0x266: {  	v44 =	vor.u32 s0, v1;
	v37 =	vadd.f32 v38, v37  }
0x267: {  	v45 =	vor.u32 s16, v1  }
0x268: {  	[tilespmem:$0x18900] =	vst v37  }
0x269: {  	s24 =	simm.s32 $0x13400;
	v37 =	vld.idx.msk [tilespmem:v62+s13+$0x0], $0xffff  }
0x26a: {  	v46 =	vld.idx.msk [tilespmem:v63+s24+$0x0], $0xffff  }
0x26b: {  	v47 =	vld.idx.msk [tilespmem:v44+s13+$0x0], $0xffff  }
0x26c: {  	v38 =	vld.idx.msk [tilespmem:v45+s24+$0x0], $0xffff  }
0x26d: {  	s29 =	rddreg [dreg:$0x14]  }
0x26e: {  	s0 =	sadd.s32 $0xFFF0BE00, s29  }
0x26f: {  	s19 =	smov.u32 s14;
	p2 =	sgt.s32 s31, $0xF41FF;
	p1 =	sgt.s32 s0, $0x0  }
0x270: {  	p3 =	sgt.s32 s19, $0xF41FF;
	v33 =	vpsel p2, v33, v35;
	s0 =	simm.s32 @!p1 $0x0  }
0x271: {  	v34 =	vpsel p2, v34, v36;
	s0 =	smin.u32 s0, $0x3F;
	v48 =	vpsel p3, v37, v46;
	v49 =	vpsel p3, v47, v38  }
0x272: {  	s30 =	sand.u32 $0x7F, s29;
	v50 =	vor.u32 s0, v0;
	v33 =	vmul.f32 v48, v33;
	v34 =	vmul.f32 v49, v34  }
0x273: {  	v51 =	vor.u32 s30, v0  }
0x274: {  	v52 =	vor.u32 s0, v1;
	v33 =	vadd.f32 v34, v33  }
0x275: {  	v53 =	vor.u32 s30, v1  }
0x276: {  	[tilespmem:$0x18980] =	vst v33  }
0x277: {  	s2 =	simm.s32 $0x14400;
	v33 =	vld.idx.msk [tilespmem:v50+s13+$0x0], $0xffff  }
0x278: {  	v54 =	vld.idx.msk [tilespmem:v51+s2+$0x0], $0xffff  }
0x279: {  	v55 =	vld.idx.msk [tilespmem:v52+s13+$0x0], $0xffff  }
0x27a: {  	v34 =	vld.idx.msk [tilespmem:v53+s2+$0x0], $0xffff  }
0x27b: {  	s6 =	rddreg [dreg:$0x13]  }
0x27c: {  	s0 =	sadd.s32 $0xFFF0BE00, s6  }
0x27d: {  	s31 =	smov.u32 s29;
	p4 =	sgt.s32 s28, $0xF41FF;
	p1 =	sgt.s32 s0, $0x0  }
0x27e: {  	p5 =	sgt.s32 s31, $0xF41FF;
	v29 =	vpsel p4, v29, v31;
	s0 =	simm.s32 @!p1 $0x0  }
0x27f: {  	v30 =	vpsel p4, v30, v32;
	s0 =	smin.u32 s0, $0x3F;
	v56 =	vpsel p5, v33, v54;
	v57 =	vpsel p5, v55, v34  }
0x280: {  	s7 =	sand.u32 $0x7F, s6;
	v58 =	vor.u32 s0, v0;
	v29 =	vmul.f32 v56, v29;
	v30 =	vmul.f32 v57, v30  }
0x281: {  	v59 =	vor.u32 s7, v0  }
0x282: {  	v60 =	vor.u32 s0, v1;
	v29 =	vadd.f32 v30, v29  }
0x283: {  	v61 =	vor.u32 s7, v1  }
0x284: {  	[tilespmem:$0x18A00] =	vst v29  }
0x285: {  	s9 =	simm.s32 $0x15400;
	v29 =	vld.idx.msk [tilespmem:v58+s13+$0x0], $0xffff  }
0x286: {  	v62 =	vld.idx.msk [tilespmem:v59+s9+$0x0], $0xffff  }
0x287: {  	v63 =	vld.idx.msk [tilespmem:v60+s13+$0x0], $0xffff  }
0x288: {  	v30 =	vld.idx.msk [tilespmem:v61+s9+$0x0], $0xffff  }
0x289: {  	s10 =	rddreg [dreg:$0x12]  }
0x28a: {  	s0 =	sadd.s32 $0xFFF0BE00, s10  }
0x28b: {  	s8 =	smov.u32 s6;
	p6 =	sgt.s32 s26, $0xF41FF;
	p1 =	sgt.s32 s0, $0x0  }
0x28c: {  	p2 =	sgt.s32 s8, $0xF41FF;
	v25 =	vpsel p6, v25, v27;
	s0 =	simm.s32 @!p1 $0x0  }
0x28d: {  	v26 =	vpsel p6, v26, v28;
	s0 =	smin.u32 s0, $0x3F;
	v36 =	vpsel p2, v29, v62;
	v37 =	vpsel p2, v63, v30  }
0x28e: {  	s14 =	sand.u32 $0x7F, s10;
	v38 =	vor.u32 s0, v0;
	v25 =	vmul.f32 v36, v25;
	v26 =	vmul.f32 v37, v26  }
0x28f: {  	v39 =	vor.u32 s14, v0  }
0x290: {  	v40 =	vor.u32 s0, v1;
	v25 =	vadd.f32 v26, v25  }
0x291: {  	v41 =	vor.u32 s14, v1  }
0x292: {  	[tilespmem:$0x18A80] =	vst v25  }
0x293: {  	s19 =	simm.s32 $0x16400;
	v25 =	vld.idx.msk [tilespmem:v38+s13+$0x0], $0xffff  }
0x294: {  	v42 =	vld.idx.msk [tilespmem:v39+s19+$0x0], $0xffff  }
0x295: {  	v43 =	vld.idx.msk [tilespmem:v40+s13+$0x0], $0xffff  }
0x296: {  	v26 =	vld.idx.msk [tilespmem:v41+s19+$0x0], $0xffff  }
0x297: {  	s24 =	rddreg [dreg:$0x11]  }
0x298: {  	s0 =	sadd.s32 $0xFFF0BE00, s24  }
0x299: {  	s16 =	smov.u32 s10;
	p3 =	sgt.s32 s25, $0xF41FF;
	p1 =	sgt.s32 s0, $0x0  }
0x29a: {  	p4 =	sgt.s32 s16, $0xF41FF;
	v21 =	vpsel p3, v21, v23;
	s0 =	simm.s32 @!p1 $0x0  }
0x29b: {  	v22 =	vpsel p3, v22, v24;
	s0 =	smin.u32 s0, $0x3F;
	v44 =	vpsel p4, v25, v42;
	v45 =	vpsel p4, v43, v26  }
0x29c: {  	s25 =	sand.u32 $0x7F, s24;
	v46 =	vor.u32 s0, v0;
	v21 =	vmul.f32 v44, v21;
	v22 =	vmul.f32 v45, v22  }
0x29d: {  	v47 =	vor.u32 s25, v0  }
0x29e: {  	v48 =	vor.u32 s0, v1;
	v21 =	vadd.f32 v22, v21  }
0x29f: {  	v49 =	vor.u32 s25, v1  }
0x2a0: {  	[tilespmem:$0x18B00] =	vst v21  }
0x2a1: {  	s29 =	simm.s32 $0x17400;
	v21 =	vld.idx.msk [tilespmem:v46+s13+$0x0], $0xffff  }
0x2a2: {  	v50 =	vld.idx.msk [tilespmem:v47+s29+$0x0], $0xffff  }
0x2a3: {  	v51 =	vld.idx.msk [tilespmem:v48+s13+$0x0], $0xffff  }
0x2a4: {  	v22 =	vld.idx.msk [tilespmem:v49+s29+$0x0], $0xffff;
	_ =	sdelay $0x2  }
0x2a5: {  	p5 =	sgt.s32 s22, $0xF41FF  }
0x2a6: {  	p6 =	sgt.s32 s24, $0xF41FF;
	v17 =	vpsel p5, v17, v18  }
0x2a7: {  	v18 =	vpsel p5, v19, v20;
	v19 =	vpsel p6, v21, v50;
	v52 =	vpsel p6, v51, v22  }
0x2a8: {  	v17 =	vmul.f32 v19, v17;
	v18 =	vmul.f32 v52, v18;
	_ =	sdelay $0x1  }
0x2a9: {  	v17 =	vadd.f32 v18, v17;
	_ =	sdelay $0x1  }
0x2aa: {  	s30 =	simm.s32 $0x18400;
	[tilespmem:$0x18B80] =	vst v17  }
0x2ab: {  	v17 =	vld.idx.msk [tilespmem:v0+s30+$0x0], $0xffff  }
0x2ac: {  	v18 =	vld.idx.msk [tilespmem:v2+s30+$0x0], $0xffff  }
0x2ad: {  	v19 =	vld.idx.msk [tilespmem:v3+s30+$0x0], $0xffff  }
0x2ae: {  	v53 =	vld.idx.msk [tilespmem:v4+s30+$0x0], $0xffff  }
0x2af: {  	v54 =	vld.idx.msk [tilespmem:v5+s30+$0x0], $0xffff  }
0x2b0: {  	v55 =	vld.idx.msk [tilespmem:v6+s30+$0x0], $0xffff  }
0x2b1: {  	v56 =	vld.idx.msk [tilespmem:v7+s30+$0x0], $0xffff;
	v17 =	vadd.f32 $0.0e+00, v17;
	v18 =	vadd.f32 $0.0e+00, v18  }
0x2b2: {  	v57 =	vld.idx.msk [tilespmem:v8+s30+$0x0], $0xffff  }
0x2b3: {  	v58 =	vld.idx.msk [tilespmem:v10+s30+$0x0], $0xffff;
	v17 =	vadd.f32 v19, v17;
	v18 =	vadd.f32 v53, v18  }
0x2b4: {  	v19 =	vld.idx.msk [tilespmem:v9+s30+$0x0], $0xffff  }
0x2b5: {  	v59 =	vld.idx.msk [tilespmem:v11+s30+$0x0], $0xffff;
	v17 =	vadd.f32 v54, v17;
	v18 =	vadd.f32 v55, v18  }
0x2b6: {  	v60 =	vld.idx.msk [tilespmem:v12+s30+$0x0], $0xffff  }
0x2b7: {  	v61 =	vld.idx.msk [tilespmem:v13+s30+$0x0], $0xffff;
	v17 =	vadd.f32 v56, v17;
	v18 =	vadd.f32 v57, v18  }
0x2b8: {  	v62 =	vld.idx.msk [tilespmem:v14+s30+$0x0], $0xffff  }
0x2b9: {  	v63 =	vld.idx.msk [tilespmem:v16+s30+$0x0], $0xffff;
	v17 =	vadd.f32 v19, v17;
	v18 =	vadd.f32 v58, v18  }
0x2ba: {  	v19 =	vld.idx.msk [tilespmem:v15+s30+$0x0], $0xffff  }
0x2bb: {  	v17 =	vadd.f32 v59, v17;
	v18 =	vadd.f32 v60, v18;
	_ =	sdelay $0x1  }
0x2bc: {  	v17 =	vadd.f32 v61, v17;
	v18 =	vadd.f32 v62, v18  }
0x2bd: {  	p0 =	sne.s32 s17, $0x20  }
.Ltmp0:
0x2be: {  	v17 =	vadd.f32 v19, v17;
	v18 =	vadd.f32 v63, v18;
	(pc) =	sbr.rel @p0 .LBB2_2-.Ltmp0, $4  }
0x2bf: {  	s31 =	rddreg [dreg:$0x10]  }
0x2c0: {  	s28 =	rddreg [dreg:$0xf];
	v17 =	vadd.f32 v18, v17  }
0x2c1: {  	s17 =	sadd.s32 $0x1, s17;
	s26 =	rddreg [dreg:$0xd]  }
0x2c2: {  	s1 =	sadd.s32 $0x10, s28;
	s0 =	sadd.s32 $0x10, s26;
	s22 =	sadd.s32 $0x10, s31;
	[tilespmem:s28+$0x0] =	vst v17  }
0x2c3: {  	_ =	swait.ge [sflag:s4], $0x1000  }
0x2c4: {  	[sflag:s4] =	ssyncset.done $0x0  }
0x2c5: {  	[sflag:s4] =	ssyncadd.s32 $0xFFFFF000  }
0x2c6: {  	_ =	swait.ge [sflag:s4], $0x1000  }
0x2c7: {  	[sflag:s4] =	ssyncset.done $0x0  }
0x2c8: {  	[sflag:s4] =	ssyncadd.s32 $0xFFFFF000  }
0x2c9: {  	_ =	swait.ge [sflag:s4], $0x1000  }
0x2ca: {  	[sflag:s4] =	ssyncset.done $0x0  }
0x2cb: {  	[sflag:s4] =	ssyncadd.s32 $0xFFFFF000  }
0x2cc: {  	_ =	swait.ge [sflag:s4], $0x1000  }
0x2cd: {  	[sflag:s4] =	ssyncset.done $0x0  }
0x2ce: {  	[sflag:s4] =	ssyncadd.s32 $0xFFFFF000  }
0x2cf: {  	_ =	swait.ge [sflag:s4], $0x1000  }
0x2d0: {  	[sflag:s4] =	ssyncset.done $0x0  }
0x2d1: {  	[sflag:s4] =	ssyncadd.s32 $0xFFFFF000  }
0x2d2: {  	_ =	swait.ge [sflag:s4], $0x1000  }
0x2d3: {  	[sflag:s4] =	ssyncset.done $0x0  }
0x2d4: {  	[sflag:s4] =	ssyncadd.s32 $0xFFFFF000  }
0x2d5: {  	_ =	swait.ge [sflag:s4], $0x1000  }
0x2d6: {  	[sflag:s4] =	ssyncset.done $0x0  }
0x2d7: {  	[sflag:s4] =	ssyncadd.s32 $0xFFFFF000  }
0x2d8: {  	_ =	swait.ge [sflag:s4], $0x1000  }
0x2d9: {  	[sflag:s4] =	ssyncset.done $0x0  }
0x2da: {  	[sflag:s4] =	ssyncadd.s32 $0xFFFFF000  }
0x2db: {  	_ =	swait.ge [sflag:s11], $0x1000  }
0x2dc: {  	[sflag:s11] =	ssyncset.done $0x0  }
0x2dd: {  	[sflag:s11] =	ssyncadd.s32 $0xFFFFF000  }
0x2de: {  	_ =	swait.ge [sflag:s11], $0x1000  }
0x2df: {  	[sflag:s11] =	ssyncset.done $0x0  }
0x2e0: {  	[sflag:s11] =	ssyncadd.s32 $0xFFFFF000  }
0x2e1: {  	_ =	swait.ge [sflag:s11], $0x1000  }
0x2e2: {  	[sflag:s11] =	ssyncset.done $0x0  }
0x2e3: {  	[sflag:s11] =	ssyncadd.s32 $0xFFFFF000  }
0x2e4: {  	_ =	swait.ge [sflag:s11], $0x1000  }
0x2e5: {  	[sflag:s11] =	ssyncset.done $0x0  }
0x2e6: {  	[sflag:s11] =	ssyncadd.s32 $0xFFFFF000  }
0x2e7: {  	_ =	swait.ge [sflag:s11], $0x1000  }
0x2e8: {  	[sflag:s11] =	ssyncset.done $0x0  }
0x2e9: {  	[sflag:s11] =	ssyncadd.s32 $0xFFFFF000  }
0x2ea: {  	_ =	swait.ge [sflag:s11], $0x1000  }
0x2eb: {  	[sflag:s11] =	ssyncset.done $0x0  }
0x2ec: {  	[sflag:s11] =	ssyncadd.s32 $0xFFFFF000  }
0x2ed: {  	_ =	swait.ge [sflag:s11], $0x1000  }
0x2ee: {  	[sflag:s11] =	ssyncset.done $0x0  }
0x2ef: {  	[sflag:s11] =	ssyncadd.s32 $0xFFFFF000  }
0x2f0: {  	_ =	swait.ge [sflag:s11], $0x1000  }
0x2f1: {  	s1 =	simm.s32 $0x1AC00;
	[sflag:s11] =	ssyncset.done $0x0  }
0x2f2: {  	s0 =	rddreg [dreg:$0xa];
	[sflag:s11] =	ssyncadd.s32 $0xFFFFF000;
	s11 =	simm.s32 $0x0  }
0x2f3: {  	[hbm4b:s0+s11] =	stream.linear.scatter [tilespmem:s1], [sflag:$0x4], $0x200, $0x38;
	[tilespmem:$0x1AE00] =	vst v63  }
0x2f4: {  	s1 =	simm.s32 $0x4  }
0x2f5: {  	_ =	swait.ge [sflag:s1], $0x200  }
0x2f6: {  	s2 =	rddreg [dreg:$0xc]  }
0x2f7: {  	s31 =	rddreg [dreg:$0xb];
	s2 =	sadd.s32 $0x1, s2  }
0x2f8: {  	p0 =	sne.s32 s2, s31  }
.Ltmp1:
0x2f9: {  	s8 =	simm.s32 $0x1400;
	s10 =	simm.s32 $0x2400;
	(pc) =	sbr.rel @p0 .LBB2_1-.Ltmp1, $4  }
0x2fa: {  	s16 =	simm.s32 $0x3400;
	s17 =	simm.s32 $0x4400;
	s28 =	simm.s32 $0x5400  }
0x2fb: {  	s20 =	simm.s32 $0x6400;
	s26 =	simm.s32 $0x7400;
	s24 =	simm.s32 $0x8400  }
0x2fc: {  	s25 =	simm.s32 $0x9400;
	s14 =	simm.s32 $0xA400;
	[sflag:s1] =	ssyncset.done $0x0  }
0x2fd: {  	s3 =	simm.s32 $0x18C00;
	s5 =	simm.s32 $0x19C00;
	[sflag:s1] =	ssyncadd.s32 $0xFFFFFE00  }
0x2fe: {  	_ =	sfence.sel $0x180000  }
0x2ff: {  	[bflag:$0x0] =	sbarrier.arrive $0xFFFF  }
0x300: {  	_ =	strace $0x90000047  }
0x301: {  	s0 =	stileid.u32;
	[bflag:$0x2] =	sbarrier.arrive $0xFFFF  }
0x302: {  	p0 =	sne.s32 s0, $0x0;
	s0 =	rddreg [dreg:$0x5]  }
0x303: {  	s0 =	sadd.s32 @!p0 $0x100000, s0  }
0x304: {  	[sflag:s0] =	ssyncadd.tile.s32 @!p0 $0x1;
	_ =	shalt  }
.Lfunc_end2:
_tile_overlayer_lowered:
.L_overlay_start_2:
0x305: {  	(tag) =	ssettag $0x2  }
0x306: {  	s0 =	rddreg [dreg:$0x0];
	s2 =	stileid.u32  }
0x307: {  	s1 =	rddreg [dreg:$0x1];
	p0 =	sne.s32 s2, $0x0  }
0x308: {  	s3 =	rddreg [dreg:$0x2];
	[bflag:$0x3] =	sbarrier.arrive $0xFFFF;
	s2 =	simm.s32 @!p0 $0x1C04  }
0x309: {  	[timem:s3], [sflag:s2] =	dma.local @!p0 [hbm:s0], s1  }
0x30a: {  	s0 =	simm.s32 @!p0 $0x4  }
0x30b: {  	_ =	swait.ge @!p0 [sflag:s0], s1  }
0x30c: {  	s1 =	ssub.s32 @!p0 $0x0, s1;
	[sflag:s0] =	ssyncset.done @!p0 $0x0  }
0x30d: {  	[sflag:s0] =	ssyncadd.s32 @!p0 s1  }
0x30e: {  	[bflag:$0x3] =	sbarrier.arrive $0xFFFF  }
0x30f: {  	_ =	shalt  }

</sc_bundles>
